<compile_context>
chip_gen: v7x
topology: tpu7x:2x2x1
jax: 0.10.2.dev20260603
libtpu: 0.0.44.dev20260713+nightly
codegen_flags: <defaults>
</compile_context>

<pallas_src>
import functools

import jax
import jax.numpy as jnp
from jax import lax
from jax.experimental import pallas as pl
from jax.experimental.pallas import tpu as pltpu
from jax.experimental.pallas import tpu_sc as plsc

N = 10000
E = 320000
L = 320000
H = 128
EA = 16

NC = 2
NS = 16
NW = NC * NS
N_PAD = 10112
RPT = N_PAD // NS
CH = 128
NBUF = 8
E_PAD = 327680
DCH = 80
SCH = 160
HH = H // 2
QW = H // 4
LPW = L // NW
DEGW = 16

_NEG_SLOPE = 0.01


def _leaky(x):
    return jnp.where(x >= 0, x, x * _NEG_SLOPE)



_ROWS = 1000
_GRID = N // _ROWS


def _dis_from_deg(deg_ref):
    deg = deg_ref[0, :, 0:1] + deg_ref[1, :, 0:1] + 1.0
    return lax.rsqrt(deg)


def _emit_g(g_ref, hnew, cw_ref, dis):
    gm = jnp.dot(hnew, cw_ref[...],
                 preferred_element_type=jnp.float32) * dis
    for q in range(4):
        g_ref[q] = gm[:, q * QW:(q + 1) * QW]


def _mlp_g_body(x_ref, w1t_ref, b1_ref, w2t_ref, b2_ref, cw_ref, deg_ref,
                h_ref, g_ref):
    h = _leaky(jnp.dot(x_ref[...], w1t_ref[...],
                       preferred_element_type=jnp.float32) + b1_ref[...])
    h2 = _leaky(jnp.dot(h, w2t_ref[...],
                        preferred_element_type=jnp.float32) + b2_ref[...])
    h_ref[...] = h2
    _emit_g(g_ref, h2, cw_ref, _dis_from_deg(deg_ref))


def _mlp_g(x, w1t, b1, w2t, b2, cw, deg2):
    return pl.pallas_call(
        _mlp_g_body,
        grid=(_GRID,),
        in_specs=[
            pl.BlockSpec((_ROWS, H), lambda i: (i, 0)),
            pl.BlockSpec((H, H), lambda i: (0, 0)),
            pl.BlockSpec((1, H), lambda i: (0, 0)),
            pl.BlockSpec((H, H), lambda i: (0, 0)),
            pl.BlockSpec((1, H), lambda i: (0, 0)),
            pl.BlockSpec((H, H), lambda i: (0, 0)),
            pl.BlockSpec((2, _ROWS, DEGW), lambda i: (0, i, 0)),
        ],
        out_specs=[
            pl.BlockSpec((_ROWS, H), lambda i: (i, 0)),
            pl.BlockSpec((4, _ROWS, QW), lambda i: (0, i, 0)),
        ],
        out_shape=[
            jax.ShapeDtypeStruct((N, H), jnp.float32),
            jax.ShapeDtypeStruct((4, N, QW), jnp.float32),
        ],
    )(x, w1t, b1, w2t, b2, cw, deg2)


def _gru_new_h(acc_ref, g_ref, deg_ref, cb_ref, prev_ref, wiht_ref, whht_ref,
               bih_ref, bhh_ref, dis):
    full = jnp.concatenate([acc_ref[q] + g_ref[q] for q in range(4)],
                           axis=1)
    conv = dis * full + cb_ref[...]
    a = _leaky(conv)
    prev = prev_ref[...]
    gi = jnp.dot(a, wiht_ref[...], preferred_element_type=jnp.float32) + bih_ref[...]
    gh = jnp.dot(prev, whht_ref[...], preferred_element_type=jnp.float32) + bhh_ref[...]
    i_r, i_z, i_n = gi[:, :H], gi[:, H:2 * H], gi[:, 2 * H:]
    h_r, h_z, h_n = gh[:, :H], gh[:, H:2 * H], gh[:, 2 * H:]
    r = jax.nn.sigmoid(i_r + h_r)
    z = jax.nn.sigmoid(i_z + h_z)
    n = jnp.tanh(i_n + r * h_n)
    return (1.0 - z) * n + z * prev


_GRU_SPECS = [
    pl.BlockSpec((4, _ROWS, QW), lambda i: (0, i, 0)),
    pl.BlockSpec((4, _ROWS, QW), lambda i: (0, i, 0)),
    pl.BlockSpec((2, _ROWS, DEGW), lambda i: (0, i, 0)),
    pl.BlockSpec((1, H), lambda i: (0, 0)),
    pl.BlockSpec((_ROWS, H), lambda i: (i, 0)),
    pl.BlockSpec((H, 3 * H), lambda i: (0, 0)),
    pl.BlockSpec((H, 3 * H), lambda i: (0, 0)),
    pl.BlockSpec((1, 3 * H), lambda i: (0, 0)),
    pl.BlockSpec((1, 3 * H), lambda i: (0, 0)),
]


def _gru_g_body(acc_ref, g_ref, deg_ref, cb_ref, prev_ref, wiht_ref, whht_ref,
                bih_ref, bhh_ref, cw_ref, h_ref, gn_ref):
    dis = _dis_from_deg(deg_ref)
    hnew = _gru_new_h(acc_ref, g_ref, deg_ref, cb_ref, prev_ref, wiht_ref,
                      whht_ref, bih_ref, bhh_ref, dis)
    h_ref[...] = hnew
    _emit_g(gn_ref, hnew, cw_ref, dis)


def _gru_g(acc2, g, deg2, cb, prev, wiht, whht, bih, bhh, cw_next):
    return pl.pallas_call(
        _gru_g_body,
        grid=(_GRID,),
        in_specs=_GRU_SPECS + [pl.BlockSpec((H, H), lambda i: (0, 0))],
        out_specs=[
            pl.BlockSpec((_ROWS, H), lambda i: (i, 0)),
            pl.BlockSpec((4, _ROWS, QW), lambda i: (0, i, 0)),
        ],
        out_shape=[
            jax.ShapeDtypeStruct((N, H), jnp.float32),
            jax.ShapeDtypeStruct((4, N, QW), jnp.float32),
        ],
    )(acc2, g, deg2, cb, prev, wiht, whht, bih, bhh, cw_next)


def _gru_proj_body(acc_ref, g_ref, deg_ref, cb_ref, prev_ref, wiht_ref,
                   whht_ref, bih_ref, bhh_ref, wsd_ref, h_ref, p_ref):
    dis = _dis_from_deg(deg_ref)
    hnew = _gru_new_h(acc_ref, g_ref, deg_ref, cb_ref, prev_ref, wiht_ref,
                      whht_ref, bih_ref, bhh_ref, dis)
    h_ref[...] = hnew
    p_ref[...] = jnp.dot(hnew, wsd_ref[...],
                         preferred_element_type=jnp.float32)


def _gru_proj(acc2, g, deg2, cb, prev, wiht, whht, bih, bhh, wsd):
    return pl.pallas_call(
        _gru_proj_body,
        grid=(_GRID,),
        in_specs=_GRU_SPECS + [pl.BlockSpec((H, 8), lambda i: (0, 0))],
        out_specs=[
            pl.BlockSpec((_ROWS, H), lambda i: (i, 0)),
            pl.BlockSpec((_ROWS, 8), lambda i: (i, 0)),
        ],
        out_shape=[
            jax.ShapeDtypeStruct((N, H), jnp.float32),
            jax.ShapeDtypeStruct((N, 8), jnp.float32),
        ],
    )(acc2, g, deg2, cb, prev, wiht, whht, bih, bhh, wsd)


_EROWS = 8000


def _eap_body(ea_ref, w_ref, bp_ref, o_ref):
    o_ref[...] = jnp.dot(ea_ref[...], w_ref[...],
                         preferred_element_type=jnp.float32) + bp_ref[...]


def _eap(edge_attr, wpe, bp):
    return pl.pallas_call(
        _eap_body,
        grid=(L // _EROWS,),
        in_specs=[
            pl.BlockSpec((_EROWS, EA), lambda i: (i, 0)),
            pl.BlockSpec((EA, 8), lambda i: (0, 0)),
            pl.BlockSpec((1, 8), lambda i: (0, 0)),
        ],
        out_specs=pl.BlockSpec((_EROWS, 8), lambda i: (i, 0)),
        out_shape=jax.ShapeDtypeStruct((L, 8), jnp.float32),
    )(edge_attr, wpe, bp)



_MESH = functools.partial(plsc.VectorSubcoreMesh,
                          core_axis_name="c", subcore_axis_name="s",
                          num_cores=NC, num_subcores=NS)


def _zero_rows(buf, nrows, width):
    def body(i, _):
        for k in range(width // 16):
            buf[i, pl.ds(k * 16, 16)] = jnp.zeros((16,), jnp.float32)
        return 0
    lax.fori_loop(0, nrows, body, 0, unroll=2)


def _fill_tile_rows(accum, src2d, base):
    for off in (0, 128, 256, 384):
        pltpu.sync_copy(src2d, accum.at[pl.ds(base + off, 128)])
    pltpu.sync_copy(src2d.at[pl.ds(0, 120)], accum.at[pl.ds(base + 512, 120)])


def _deg_body(dst_hbm, out_hbm, dst_v, ones_v, zbuf, accum, sem):
    cid = lax.axis_index("c")
    sid = lax.axis_index("s")
    wid = cid * NS + sid
    base = sid * RPT

    _zero_rows(zbuf, CH, DEGW)
    def ones_body(i, _):
        ones_v[i, pl.ds(0, DEGW)] = jnp.ones((DEGW,), jnp.float32)
        return 0
    lax.fori_loop(0, CH, ones_body, 0, unroll=2)
    _fill_tile_rows(accum, zbuf, base)
    pltpu.sync_copy(dst_hbm.at[wid], dst_v)
    plsc.subcore_barrier()

    def body(j, _):
        pltpu.sync_copy(ones_v, accum.at[dst_v.at[j]], add=True)
        return 0
    lax.fori_loop(0, DCH, body, 0)
    plsc.subcore_barrier()
    pltpu.sync_copy(accum.at[pl.ds(base, RPT)],
                    out_hbm.at[cid, pl.ds(base, RPT)])


def _deg(dst_rs):
    k = pl.kernel(
        _deg_body,
        out_type=jax.ShapeDtypeStruct((NC, N_PAD, DEGW), jnp.float32),
        mesh=_MESH(),
        compiler_params=pltpu.CompilerParams(use_tc_tiling_on_sc=False),
        scratch_types=[
            pltpu.VMEM((DCH, CH), jnp.int32),
            pltpu.VMEM((CH, DEGW), jnp.float32),
            pltpu.VMEM((CH, DEGW), jnp.float32),
            pltpu.VMEM_SHARED((N_PAD, DEGW), jnp.float32),
            pltpu.SemaphoreType.DMA,
        ],
    )
    return k(dst_rs)


def _scat_body(g_hbm, src_hbm, dst_hbm, out_hbm, src_v, dst_v, rowbuf, zbuf,
               accum, gstage, *sems):
    cid = lax.axis_index("c")
    sid = lax.axis_index("s")
    base = sid * RPT
    gsems, ssems = sems[:NBUF], sems[NBUF:]
    rpt_n = N // NS

    _zero_rows(zbuf, CH, QW)
    pltpu.sync_copy(src_hbm.at[sid], src_v)
    pltpu.sync_copy(dst_hbm.at[sid], dst_v)

    for qi in range(2):
        q = cid * 2 + qi
        pltpu.sync_copy(g_hbm.at[q, pl.ds(sid * rpt_n, rpt_n)],
                        gstage.at[pl.ds(sid * rpt_n, rpt_n)])
        _fill_tile_rows(accum, zbuf, base)
        plsc.subcore_barrier()

        def body(jo, _):
            j = jo * NBUF
            gs, ss = [], []
            for b in range(NBUF):
                gs.append(pltpu.async_copy(gstage.at[src_v.at[j + b]],
                                           rowbuf.at[b], gsems[b]))
            for b in range(NBUF):
                gs[b].wait()
                ss.append(pltpu.async_copy(rowbuf.at[b],
                                           accum.at[dst_v.at[j + b]],
                                           ssems[b], add=True))
            for b in range(NBUF):
                ss[b].wait()
            return 0
        lax.fori_loop(0, SCH // NBUF, body, 0)
        plsc.subcore_barrier()
        pltpu.sync_copy(accum.at[pl.ds(base, RPT)],
                        out_hbm.at[q, pl.ds(base, RPT)])
        plsc.subcore_barrier()


def _scat(g4, src_rs, dst_rs):
    k = pl.kernel(
        _scat_body,
        out_type=jax.ShapeDtypeStruct((4, N_PAD, QW), jnp.float32),
        mesh=_MESH(),
        compiler_params=pltpu.CompilerParams(use_tc_tiling_on_sc=False),
        scratch_types=[
            pltpu.VMEM((SCH, CH), jnp.int32),
            pltpu.VMEM((SCH, CH), jnp.int32),
            pltpu.VMEM((NBUF, CH, QW), jnp.float32),
            pltpu.VMEM((CH, QW), jnp.float32),
            pltpu.VMEM_SHARED((N_PAD, QW), jnp.float32),
            pltpu.VMEM_SHARED((N, QW), jnp.float32),
        ] + [pltpu.SemaphoreType.DMA] * (2 * NBUF),
    )
    return k(g4, src_rs, dst_rs)


def _final_body(ps_hbm, pd_hbm, sl_hbm, dl_hbm, ea_hbm, out_hbm,
                ps_v, pd_v, sl_v, dl_v, ea_v, out_v, sem):
    cid = lax.axis_index("c")
    sid = lax.axis_index("s")
    wid = cid * NS + sid

    pltpu.sync_copy(ps_hbm, ps_v)
    pltpu.sync_copy(pd_hbm, pd_v)
    pltpu.sync_copy(sl_hbm.at[wid], sl_v)
    pltpu.sync_copy(dl_hbm.at[wid], dl_v)
    pltpu.sync_copy(ea_hbm.at[wid], ea_v)

    def body(j, _):
        i16 = j * 16
        s_idx = sl_v[pl.ds(i16, 16)]
        d_idx = dl_v[pl.ds(i16, 16)]
        a = plsc.load_gather(ps_v, [s_idx])
        b = plsc.load_gather(pd_v, [d_idx])
        out_v[pl.ds(i16, 16)] = a + b + ea_v[pl.ds(i16, 16)]
        return 0
    lax.fori_loop(0, LPW // 16, body, 0, unroll=4)
    pltpu.sync_copy(out_v, out_hbm.at[wid])


def _final(ps, pd, sl_rs, dl_rs, ea_rs):
    k = pl.kernel(
        _final_body,
        out_type=jax.ShapeDtypeStruct((NW, LPW), jnp.float32),
        mesh=_MESH(),
        compiler_params=pltpu.CompilerParams(needs_layout_passes=False),
        scratch_types=[
            pltpu.VMEM((N,), jnp.float32),
            pltpu.VMEM((N,), jnp.float32),
            pltpu.VMEM((LPW,), jnp.int32),
            pltpu.VMEM((LPW,), jnp.int32),
            pltpu.VMEM((LPW,), jnp.float32),
            pltpu.VMEM((LPW,), jnp.float32),
            pltpu.SemaphoreType.DMA,
        ],
    )
    return k(ps, pd, sl_rs, dl_rs, ea_rs)



def kernel(x, edge_index, edge_label_index, edge_attr, W1, b1, W2, b2,
           convW0, convb0, Wih0, Whh0, bih0, bhh0, prev0,
           convW1, convb1, Wih1, Whh1, bih1, bhh1, prev1, Wp, bp):
    f32 = jnp.float32

    src = edge_index[0]
    dst = edge_index[1]
    pad = E_PAD - E
    src_p = jnp.concatenate([src, jnp.zeros((pad,), jnp.int32)])
    dst_p = jnp.concatenate([dst, jnp.full((pad,), N, jnp.int32)])
    src_rs = src_p.reshape(NS, SCH, CH)
    dst_rs = dst_p.reshape(NS, SCH, CH)
    dst_rs32 = dst_p.reshape(NW, DCH, CH)
    sl_rs = edge_label_index[0].reshape(NW, LPW)
    dl_rs = edge_label_index[1].reshape(NW, LPW)

    b1r = b1.reshape(1, H)
    b2r = b2.reshape(1, H)
    wsd = jnp.concatenate(
        [Wp[0, :H].reshape(H, 1), Wp[0, H:2 * H].reshape(H, 1),
         jnp.zeros((H, 6), f32)], axis=1)
    wpe = jnp.concatenate([Wp[0, 2 * H:].reshape(EA, 1),
                           jnp.zeros((EA, 7), f32)], axis=1)
    bp8 = jnp.concatenate([bp.reshape(1, 1), jnp.zeros((1, 7), f32)], axis=1)

    deg2 = _deg(dst_rs32)
    _, g0 = _mlp_g(x, W1.T, b1r, W2.T, b2r, convW0, deg2)
    acc0 = _scat(g0, src_rs, dst_rs)
    h1, g1 = _gru_g(acc0, g0, deg2, convb0.reshape(1, H), prev0,
                    Wih0.T, Whh0.T, bih0.reshape(1, 3 * H),
                    bhh0.reshape(1, 3 * H), convW1)
    acc1 = _scat(g1, src_rs, dst_rs)
    h2, p2 = _gru_proj(acc1, g1, deg2, convb1.reshape(1, H), prev1,
                       Wih1.T, Whh1.T, bih1.reshape(1, 3 * H),
                       bhh1.reshape(1, 3 * H), wsd)
    eap = _eap(edge_attr, wpe, bp8)
    out = _final(p2[:, 0], p2[:, 1], sl_rs, dl_rs,
                 eap[:, 0].reshape(NW, LPW)).reshape(L)
    return (out, h1, h2)

# --- scband reference (transcript-rebuilt; emitter-appended) ---
"""Pipeline reference for scband-edge-roland-gnn-1614907703851 (READ-ONLY COPY).

The authoritative reference and input builder live on the scoring server;
editing this copy changes nothing except your own understanding.
"""

import jax, jax.numpy as jnp
import numpy as np

N = 10000
E = 320000
L = 320000
D_IN = 128
H = 128
EA = 16


def leaky(x):
    return jax.nn.leaky_relu(x, negative_slope=0.01)


def gcn_conv(h, W, b, src, dst, n):
    loop = jnp.arange(n, dtype=src.dtype)
    s = jnp.concatenate([src, loop])
    d = jnp.concatenate([dst, loop])
    hW = h @ W
    deg = jnp.zeros((n,), h.dtype).at[d].add(1.0)
    dis = jnp.where(deg > 0, deg ** -0.5, 0.0)
    norm = dis[s] * dis[d]
    msg = hW[s] * norm[:, None]
    out = jnp.zeros_like(hW).at[d].add(msg)
    return out + b


def gru_cell(x, h, Wih, Whh, bih, bhh):
    gi = x @ Wih.T + bih
    gh = h @ Whh.T + bhh
    i_r, i_z, i_n = jnp.split(gi, 3, axis=1)
    h_r, h_z, h_n = jnp.split(gh, 3, axis=1)
    r = jax.nn.sigmoid(i_r + h_r)
    z = jax.nn.sigmoid(i_z + h_z)
    n = jnp.tanh(i_n + r * h_n)
    return (1.0 - z) * n + z * h


def setup_inputs(seed: int = 0):
    key = jax.random.key(seed)
    ks = jax.random.split(key, 32)
    s = 0.05
    inp = {}
    inp['x'] = jax.random.normal(ks[0], (N, D_IN), jnp.float32)
    inp['edge_index'] = jax.random.randint(ks[1], (2, E), 0, N, jnp.int32)
    inp['edge_label_index'] = jax.random.randint(ks[2], (2, L), 0, N, jnp.int32)
    inp['edge_attr'] = jax.random.normal(ks[3], (L, EA), jnp.float32)
    inp['W1'] = jax.random.normal(ks[4], (128, D_IN), jnp.float32) * s
    inp['b1'] = jnp.zeros((128,), jnp.float32)
    inp['W2'] = jax.random.normal(ks[5], (H, 128), jnp.float32) * s
    inp['b2'] = jnp.zeros((H,), jnp.float32)
    for i in range(2):
        inp['convW%d' % i] = jax.random.normal(ks[6 + 5 * i], (H, H), jnp.float32) * s
        inp['convb%d' % i] = jnp.zeros((H,), jnp.float32)
        inp['Wih%d' % i] = jax.random.normal(ks[7 + 5 * i], (3 * H, H), jnp.float32) * s
        inp['Whh%d' % i] = jax.random.normal(ks[8 + 5 * i], (3 * H, H), jnp.float32) * s
        inp['bih%d' % i] = jnp.zeros((3 * H,), jnp.float32)
        inp['bhh%d' % i] = jnp.zeros((3 * H,), jnp.float32)
        inp['prev%d' % i] = jax.random.normal(ks[9 + 5 * i], (N, H), jnp.float32) * s
    inp['Wp'] = jax.random.normal(ks[20], (1, 2 * H + EA), jnp.float32) * s
    inp['bp'] = jnp.zeros((1,), jnp.float32)
    return inp


def reference(x, edge_index, edge_label_index, edge_attr, W1, b1, W2, b2, convW0, convb0, Wih0, Whh0, bih0, bhh0, prev0, convW1, convb1, Wih1, Whh1, bih1, bhh1, prev1, Wp, bp):
    h = leaky(x @ W1.T + b1)
    h = leaky(h @ W2.T + b2)
    src = edge_index[0]
    dst = edge_index[1]
    layers = [(convW0, convb0, Wih0, Whh0, bih0, bhh0, prev0),
              (convW1, convb1, Wih1, Whh1, bih1, bhh1, prev1)]
    embs = []
    for cW, cb, Wih, Whh, bih, bhh, prev in layers:
        h = gcn_conv(h, cW, cb, src, dst, N)
        h = leaky(h)
        h = gru_cell(h, prev, Wih, Whh, bih, bhh)
        embs.append(h)
    hs = h[edge_label_index[0]]
    hd = h[edge_label_index[1]]
    comb = jnp.concatenate([hs, hd, edge_attr], axis=1)
    out = (comb @ Wp.T + bp).reshape(-1)
    return (out, embs[0], embs[1])

if __name__ == "__main__":
    import jax
    _d = setup_inputs()
    print(jax.jit(kernel)(*tuple(_d.values())))

</pallas_src>

<mosaic_0001>
#map = affine_map<(d0, d1) -> (0)>
#map1 = affine_map<(d0, d1) -> (0, 0)>
module attributes {stable_mosaic.version = 14 : i64} {
  func.func @_final_body(%arg0: i32, %arg1: i32, %arg2: memref<10000xf32, #tpu.memory_space<hbm>>, %arg3: memref<10000xf32, #tpu.memory_space<hbm>>, %arg4: memref<32x10000xi32, #tpu.memory_space<hbm>>, %arg5: memref<32x10000xi32, #tpu.memory_space<hbm>>, %arg6: memref<32x10000xf32, #tpu.memory_space<hbm>>, %arg7: memref<32x10000xf32, #tpu.memory_space<hbm>>, %arg8: memref<10000xf32, #tpu.memory_space<vmem>>, %arg9: memref<10000xf32, #tpu.memory_space<vmem>>, %arg10: memref<10000xi32, #tpu.memory_space<vmem>>, %arg11: memref<10000xi32, #tpu.memory_space<vmem>>, %arg12: memref<10000xf32, #tpu.memory_space<vmem>>, %arg13: memref<10000xf32, #tpu.memory_space<vmem>>, %arg14: memref<!tpu.dma_semaphore, #tpu.memory_space<semaphore_mem>>) attributes {dimension_semantics = [#tpu.dimension_semantics<core_parallel>, #tpu.dimension_semantics<subcore_parallel>], iteration_bounds = array<i64: 2, 16>, scalar_prefetch = 0 : i64, scratch_operands = 7 : i64, tpu.core_type = #tpu.core_type<sc_vector_subcore>, window_params = [{transform_indices = #map}, {transform_indices = #map}, {transform_indices = #map1}, {transform_indices = #map1}, {transform_indices = #map1}, {transform_indices = #map1}]} {
    %mul3A = arith.constant 16 : i32
    %mul3A_0 = arith.muli %arg0, %mul3A : i32
    %add3A = arith.addi %mul3A_0, %arg1 : i32
    "tpu.region"() ({
      %run_scoped3A = tpu.sem_alloc : memref<!tpu.dma_semaphore, #tpu.memory_space<semaphore_mem>>
      tpu.enqueue_dma source(%arg2 : memref<10000xf32, #tpu.memory_space<hbm>>) target(%arg8 : memref<10000xf32, #tpu.memory_space<vmem>>) target_semaphore(%run_scoped3A : memref<!tpu.dma_semaphore, #tpu.memory_space<semaphore_mem>>)
      tpu.wait_dma2 semaphore(%run_scoped3A : memref<!tpu.dma_semaphore, #tpu.memory_space<semaphore_mem>>) src(%arg2 : memref<10000xf32, #tpu.memory_space<hbm>>) dst(%arg8 : memref<10000xf32, #tpu.memory_space<vmem>>)
      tpu.yield
    }) : () -> ()
    "tpu.region"() ({
      %run_scoped3A = tpu.sem_alloc : memref<!tpu.dma_semaphore, #tpu.memory_space<semaphore_mem>>
      tpu.enqueue_dma source(%arg3 : memref<10000xf32, #tpu.memory_space<hbm>>) target(%arg9 : memref<10000xf32, #tpu.memory_space<vmem>>) target_semaphore(%run_scoped3A : memref<!tpu.dma_semaphore, #tpu.memory_space<semaphore_mem>>)
      tpu.wait_dma2 semaphore(%run_scoped3A : memref<!tpu.dma_semaphore, #tpu.memory_space<semaphore_mem>>) src(%arg3 : memref<10000xf32, #tpu.memory_space<hbm>>) dst(%arg9 : memref<10000xf32, #tpu.memory_space<vmem>>)
      tpu.yield
    }) : () -> ()
    "tpu.region"() ({
      %run_scoped3A = tpu.sem_alloc : memref<!tpu.dma_semaphore, #tpu.memory_space<semaphore_mem>>
      %dma_start3A = arith.constant 0 : i32
      %dma_start3A_21 = tpu.memref_slice %arg4[%add3A, %dma_start3A] : memref<32x10000xi32, #tpu.memory_space<hbm>> -> memref<1x10000xi32, #tpu.memory_space<hbm>>
      %dma_start3A_22 = tpu.memref_squeeze %dma_start3A_21 : memref<1x10000xi32, #tpu.memory_space<hbm>> -> memref<10000xi32, #tpu.memory_space<hbm>>
      %dma_start3A_23 = arith.constant 0 : i32
      %dma_start3A_24 = tpu.memref_slice %arg4[%add3A, %dma_start3A_23] : memref<32x10000xi32, #tpu.memory_space<hbm>> -> memref<1x10000xi32, #tpu.memory_space<hbm>>
      %dma_start3A_25 = tpu.memref_squeeze %dma_start3A_24 : memref<1x10000xi32, #tpu.memory_space<hbm>> -> memref<10000xi32, #tpu.memory_space<hbm>>
      tpu.enqueue_dma source(%dma_start3A_25 : memref<10000xi32, #tpu.memory_space<hbm>>) target(%arg10 : memref<10000xi32, #tpu.memory_space<vmem>>) target_semaphore(%run_scoped3A : memref<!tpu.dma_semaphore, #tpu.memory_space<semaphore_mem>>)
      %dma_wait3A = arith.constant 0 : i32
      %dma_wait3A_26 = tpu.memref_slice %arg4[%add3A, %dma_wait3A] : memref<32x10000xi32, #tpu.memory_space<hbm>> -> memref<1x10000xi32, #tpu.memory_space<hbm>>
      %dma_wait3A_27 = tpu.memref_squeeze %dma_wait3A_26 : memref<1x10000xi32, #tpu.memory_space<hbm>> -> memref<10000xi32, #tpu.memory_space<hbm>>
      %dma_wait3A_28 = arith.constant 0 : i32
      %dma_wait3A_29 = tpu.memref_slice %arg4[%add3A, %dma_wait3A_28] : memref<32x10000xi32, #tpu.memory_space<hbm>> -> memref<1x10000xi32, #tpu.memory_space<hbm>>
      %dma_wait3A_30 = tpu.memref_squeeze %dma_wait3A_29 : memref<1x10000xi32, #tpu.memory_space<hbm>> -> memref<10000xi32, #tpu.memory_space<hbm>>
      tpu.wait_dma2 semaphore(%run_scoped3A : memref<!tpu.dma_semaphore, #tpu.memory_space<semaphore_mem>>) src(%dma_wait3A_30 : memref<10000xi32, #tpu.memory_space<hbm>>) dst(%arg10 : memref<10000xi32, #tpu.memory_space<vmem>>)
      tpu.yield
    }) : () -> ()
    "tpu.region"() ({
      %run_scoped3A = tpu.sem_alloc : memref<!tpu.dma_semaphore, #tpu.memory_space<semaphore_mem>>
      %dma_start3A = arith.constant 0 : i32
      %dma_start3A_21 = tpu.memref_slice %arg5[%add3A, %dma_start3A] : memref<32x10000xi32, #tpu.memory_space<hbm>> -> memref<1x10000xi32, #tpu.memory_space<hbm>>
      %dma_start3A_22 = tpu.memref_squeeze %dma_start3A_21 : memref<1x10000xi32, #tpu.memory_space<hbm>> -> memref<10000xi32, #tpu.memory_space<hbm>>
      %dma_start3A_23 = arith.constant 0 : i32
      %dma_start3A_24 = tpu.memref_slice %arg5[%add3A, %dma_start3A_23] : memref<32x10000xi32, #tpu.memory_space<hbm>> -> memref<1x10000xi32, #tpu.memory_space<hbm>>
      %dma_start3A_25 = tpu.memref_squeeze %dma_start3A_24 : memref<1x10000xi32, #tpu.memory_space<hbm>> -> memref<10000xi32, #tpu.memory_space<hbm>>
      tpu.enqueue_dma source(%dma_start3A_25 : memref<10000xi32, #tpu.memory_space<hbm>>) target(%arg11 : memref<10000xi32, #tpu.memory_space<vmem>>) target_semaphore(%run_scoped3A : memref<!tpu.dma_semaphore, #tpu.memory_space<semaphore_mem>>)
      %dma_wait3A = arith.constant 0 : i32
      %dma_wait3A_26 = tpu.memref_slice %arg5[%add3A, %dma_wait3A] : memref<32x10000xi32, #tpu.memory_space<hbm>> -> memref<1x10000xi32, #tpu.memory_space<hbm>>
      %dma_wait3A_27 = tpu.memref_squeeze %dma_wait3A_26 : memref<1x10000xi32, #tpu.memory_space<hbm>> -> memref<10000xi32, #tpu.memory_space<hbm>>
      %dma_wait3A_28 = arith.constant 0 : i32
      %dma_wait3A_29 = tpu.memref_slice %arg5[%add3A, %dma_wait3A_28] : memref<32x10000xi32, #tpu.memory_space<hbm>> -> memref<1x10000xi32, #tpu.memory_space<hbm>>
      %dma_wait3A_30 = tpu.memref_squeeze %dma_wait3A_29 : memref<1x10000xi32, #tpu.memory_space<hbm>> -> memref<10000xi32, #tpu.memory_space<hbm>>
      tpu.wait_dma2 semaphore(%run_scoped3A : memref<!tpu.dma_semaphore, #tpu.memory_space<semaphore_mem>>) src(%dma_wait3A_30 : memref<10000xi32, #tpu.memory_space<hbm>>) dst(%arg11 : memref<10000xi32, #tpu.memory_space<vmem>>)
      tpu.yield
    }) : () -> ()
    "tpu.region"() ({
      %run_scoped3A = tpu.sem_alloc : memref<!tpu.dma_semaphore, #tpu.memory_space<semaphore_mem>>
      %dma_start3A = arith.constant 0 : i32
      %dma_start3A_21 = tpu.memref_slice %arg6[%add3A, %dma_start3A] : memref<32x10000xf32, #tpu.memory_space<hbm>> -> memref<1x10000xf32, #tpu.memory_space<hbm>>
      %dma_start3A_22 = tpu.memref_squeeze %dma_start3A_21 : memref<1x10000xf32, #tpu.memory_space<hbm>> -> memref<10000xf32, #tpu.memory_space<hbm>>
      %dma_start3A_23 = arith.constant 0 : i32
      %dma_start3A_24 = tpu.memref_slice %arg6[%add3A, %dma_start3A_23] : memref<32x10000xf32, #tpu.memory_space<hbm>> -> memref<1x10000xf32, #tpu.memory_space<hbm>>
      %dma_start3A_25 = tpu.memref_squeeze %dma_start3A_24 : memref<1x10000xf32, #tpu.memory_space<hbm>> -> memref<10000xf32, #tpu.memory_space<hbm>>
      tpu.enqueue_dma source(%dma_start3A_25 : memref<10000xf32, #tpu.memory_space<hbm>>) target(%arg12 : memref<10000xf32, #tpu.memory_space<vmem>>) target_semaphore(%run_scoped3A : memref<!tpu.dma_semaphore, #tpu.memory_space<semaphore_mem>>)
      %dma_wait3A = arith.constant 0 : i32
      %dma_wait3A_26 = tpu.memref_slice %arg6[%add3A, %dma_wait3A] : memref<32x10000xf32, #tpu.memory_space<hbm>> -> memref<1x10000xf32, #tpu.memory_space<hbm>>
      %dma_wait3A_27 = tpu.memref_squeeze %dma_wait3A_26 : memref<1x10000xf32, #tpu.memory_space<hbm>> -> memref<10000xf32, #tpu.memory_space<hbm>>
      %dma_wait3A_28 = arith.constant 0 : i32
      %dma_wait3A_29 = tpu.memref_slice %arg6[%add3A, %dma_wait3A_28] : memref<32x10000xf32, #tpu.memory_space<hbm>> -> memref<1x10000xf32, #tpu.memory_space<hbm>>
      %dma_wait3A_30 = tpu.memref_squeeze %dma_wait3A_29 : memref<1x10000xf32, #tpu.memory_space<hbm>> -> memref<10000xf32, #tpu.memory_space<hbm>>
      tpu.wait_dma2 semaphore(%run_scoped3A : memref<!tpu.dma_semaphore, #tpu.memory_space<semaphore_mem>>) src(%dma_wait3A_30 : memref<10000xf32, #tpu.memory_space<hbm>>) dst(%arg12 : memref<10000xf32, #tpu.memory_space<vmem>>)
      tpu.yield
    }) : () -> ()
    %scan3A = arith.constant 0 : i32
    %scan3A_1 = arith.constant 0 : i32
    %scan3A_2 = arith.constant 624 : i32
    %scan3A_3 = arith.addi %scan3A_1, %scan3A_2 : i32
    %scan3A_4 = arith.constant 4 : i32
    %scan3A_5 = scf.for %scan3A_21 = %scan3A_1 to %scan3A_3 step %scan3A_4 iter_args(%scan3A_22 = %scan3A) -> (i32)  : i32 {
      %mul3A_23 = arith.constant 16 : i32
      %mul3A_24 = arith.muli %scan3A_21, %mul3A_23 : i32
      %get3A_25 = arith.index_cast %mul3A_24 : i32 to index
      %get3A_26 = tpu.vector_load %arg10[%get3A_25] {strides = array<i32>} : memref<10000xi32, #tpu.memory_space<vmem>>, vector<16xi32>,
      %get3A_27 = arith.index_cast %mul3A_24 : i32 to index
      %get3A_28 = tpu.vector_load %arg11[%get3A_27] {strides = array<i32>} : memref<10000xi32, #tpu.memory_space<vmem>>, vector<16xi32>,
      %gather3A_29 = tpu.vector_load_idx %arg8[%get3A_26] : memref<10000xf32, #tpu.memory_space<vmem>>[vector<16xi32>], vector<16xf32>,
      %gather3A_30 = tpu.vector_load_idx %arg9[%get3A_28] : memref<10000xf32, #tpu.memory_space<vmem>>[vector<16xi32>], vector<16xf32>,
      %add3A_31 = arith.addf %gather3A_29, %gather3A_30 : vector<16xf32>
      %get3A_32 = arith.index_cast %mul3A_24 : i32 to index
      %get3A_33 = tpu.vector_load %arg12[%get3A_32] {strides = array<i32>} : memref<10000xf32, #tpu.memory_space<vmem>>, vector<16xf32>,
      %add3A_34 = arith.addf %add3A_31, %get3A_33 : vector<16xf32>
      %swap3A_35 = arith.index_cast %mul3A_24 : i32 to index
      %swap3A_36 = tpu.vector_load %arg13[%swap3A_35] {strides = array<i32>} : memref<10000xf32, #tpu.memory_space<vmem>>, vector<16xf32>,
      tpu.vector_store %arg13[%swap3A_35], %add3A_34 {strides = array<i32>} : memref<10000xf32, #tpu.memory_space<vmem>>, vector<16xf32>,
      %scan3A_37 = arith.constant 0 : i32
      %scan3A_38 = arith.constant 1 : i32
      %scan3A_39 = arith.addi %scan3A_21, %scan3A_38 : i32
      %mul3A_40 = arith.constant 16 : i32
      %mul3A_41 = arith.muli %scan3A_39, %mul3A_40 : i32
      %get3A_42 = arith.index_cast %mul3A_41 : i32 to index
      %get3A_43 = tpu.vector_load %arg10[%get3A_42] {strides = array<i32>} : memref<10000xi32, #tpu.memory_space<vmem>>, vector<16xi32>,
      %get3A_44 = arith.index_cast %mul3A_41 : i32 to index
      %get3A_45 = tpu.vector_load %arg11[%get3A_44] {strides = array<i32>} : memref<10000xi32, #tpu.memory_space<vmem>>, vector<16xi32>,
      %gather3A_46 = tpu.vector_load_idx %arg8[%get3A_43] : memref<10000xf32, #tpu.memory_space<vmem>>[vector<16xi32>], vector<16xf32>,
      %gather3A_47 = tpu.vector_load_idx %arg9[%get3A_45] : memref<10000xf32, #tpu.memory_space<vmem>>[vector<16xi32>], vector<16xf32>,
      %add3A_48 = arith.addf %gather3A_46, %gather3A_47 : vector<16xf32>
      %get3A_49 = arith.index_cast %mul3A_41 : i32 to index
      %get3A_50 = tpu.vector_load %arg12[%get3A_49] {strides = array<i32>} : memref<10000xf32, #tpu.memory_space<vmem>>, vector<16xf32>,
      %add3A_51 = arith.addf %add3A_48, %get3A_50 : vector<16xf32>
      %swap3A_52 = arith.index_cast %mul3A_41 : i32 to index
      %swap3A_53 = tpu.vector_load %arg13[%swap3A_52] {strides = array<i32>} : memref<10000xf32, #tpu.memory_space<vmem>>, vector<16xf32>,
      tpu.vector_store %arg13[%swap3A_52], %add3A_51 {strides = array<i32>} : memref<10000xf32, #tpu.memory_space<vmem>>, vector<16xf32>,
      %scan3A_54 = arith.constant 0 : i32
      %scan3A_55 = arith.constant 2 : i32
      %scan3A_56 = arith.addi %scan3A_21, %scan3A_55 : i32
      %mul3A_57 = arith.constant 16 : i32
      %mul3A_58 = arith.muli %scan3A_56, %mul3A_57 : i32
      %get3A_59 = arith.index_cast %mul3A_58 : i32 to index
      %get3A_60 = tpu.vector_load %arg10[%get3A_59] {strides = array<i32>} : memref<10000xi32, #tpu.memory_space<vmem>>, vector<16xi32>,
      %get3A_61 = arith.index_cast %mul3A_58 : i32 to index
      %get3A_62 = tpu.vector_load %arg11[%get3A_61] {strides = array<i32>} : memref<10000xi32, #tpu.memory_space<vmem>>, vector<16xi32>,
      %gather3A_63 = tpu.vector_load_idx %arg8[%get3A_60] : memref<10000xf32, #tpu.memory_space<vmem>>[vector<16xi32>], vector<16xf32>,
      %gather3A_64 = tpu.vector_load_idx %arg9[%get3A_62] : memref<10000xf32, #tpu.memory_space<vmem>>[vector<16xi32>], vector<16xf32>,
      %add3A_65 = arith.addf %gather3A_63, %gather3A_64 : vector<16xf32>
      %get3A_66 = arith.index_cast %mul3A_58 : i32 to index
      %get3A_67 = tpu.vector_load %arg12[%get3A_66] {strides = array<i32>} : memref<10000xf32, #tpu.memory_space<vmem>>, vector<16xf32>,
      %add3A_68 = arith.addf %add3A_65, %get3A_67 : vector<16xf32>
      %swap3A_69 = arith.index_cast %mul3A_58 : i32 to index
      %swap3A_70 = tpu.vector_load %arg13[%swap3A_69] {strides = array<i32>} : memref<10000xf32, #tpu.memory_space<vmem>>, vector<16xf32>,
      tpu.vector_store %arg13[%swap3A_69], %add3A_68 {strides = array<i32>} : memref<10000xf32, #tpu.memory_space<vmem>>, vector<16xf32>,
      %scan3A_71 = arith.constant 0 : i32
      %scan3A_72 = arith.constant 3 : i32
      %scan3A_73 = arith.addi %scan3A_21, %scan3A_72 : i32
      %mul3A_74 = arith.constant 16 : i32
      %mul3A_75 = arith.muli %scan3A_73, %mul3A_74 : i32
      %get3A_76 = arith.index_cast %mul3A_75 : i32 to index
      %get3A_77 = tpu.vector_load %arg10[%get3A_76] {strides = array<i32>} : memref<10000xi32, #tpu.memory_space<vmem>>, vector<16xi32>,
      %get3A_78 = arith.index_cast %mul3A_75 : i32 to index
      %get3A_79 = tpu.vector_load %arg11[%get3A_78] {strides = array<i32>} : memref<10000xi32, #tpu.memory_space<vmem>>, vector<16xi32>,
      %gather3A_80 = tpu.vector_load_idx %arg8[%get3A_77] : memref<10000xf32, #tpu.memory_space<vmem>>[vector<16xi32>], vector<16xf32>,
      %gather3A_81 = tpu.vector_load_idx %arg9[%get3A_79] : memref<10000xf32, #tpu.memory_space<vmem>>[vector<16xi32>], vector<16xf32>,
      %add3A_82 = arith.addf %gather3A_80, %gather3A_81 : vector<16xf32>
      %get3A_83 = arith.index_cast %mul3A_75 : i32 to index
      %get3A_84 = tpu.vector_load %arg12[%get3A_83] {strides = array<i32>} : memref<10000xf32, #tpu.memory_space<vmem>>, vector<16xf32>,
      %add3A_85 = arith.addf %add3A_82, %get3A_84 : vector<16xf32>
      %swap3A_86 = arith.index_cast %mul3A_75 : i32 to index
      %swap3A_87 = tpu.vector_load %arg13[%swap3A_86] {strides = array<i32>} : memref<10000xf32, #tpu.memory_space<vmem>>, vector<16xf32>,
      tpu.vector_store %arg13[%swap3A_86], %add3A_85 {strides = array<i32>} : memref<10000xf32, #tpu.memory_space<vmem>>, vector<16xf32>,
      %scan3A_88 = arith.constant 0 : i32
      scf.yield %scan3A_88 : i32
    }
    %scan3A_6 = arith.constant 624 : i32
    %scan3A_7 = arith.addi %scan3A_1, %scan3A_6 : i32
    %mul3A_8 = arith.constant 16 : i32
    %mul3A_9 = arith.muli %scan3A_7, %mul3A_8 : i32
    %get3A = arith.index_cast %mul3A_9 : i32 to index
    %get3A_10 = tpu.vector_load %arg10[%get3A] {strides = array<i32>} : memref<10000xi32, #tpu.memory_space<vmem>>, vector<16xi32>,
    %get3A_11 = arith.index_cast %mul3A_9 : i32 to index
    %get3A_12 = tpu.vector_load %arg11[%get3A_11] {strides = array<i32>} : memref<10000xi32, #tpu.memory_space<vmem>>, vector<16xi32>,
    %gather3A = tpu.vector_load_idx %arg8[%get3A_10] : memref<10000xf32, #tpu.memory_space<vmem>>[vector<16xi32>], vector<16xf32>,
    %gather3A_13 = tpu.vector_load_idx %arg9[%get3A_12] : memref<10000xf32, #tpu.memory_space<vmem>>[vector<16xi32>], vector<16xf32>,
    %add3A_14 = arith.addf %gather3A, %gather3A_13 : vector<16xf32>
    %get3A_15 = arith.index_cast %mul3A_9 : i32 to index
    %get3A_16 = tpu.vector_load %arg12[%get3A_15] {strides = array<i32>} : memref<10000xf32, #tpu.memory_space<vmem>>, vector<16xf32>,
    %add3A_17 = arith.addf %add3A_14, %get3A_16 : vector<16xf32>
    %swap3A = arith.index_cast %mul3A_9 : i32 to index
    %swap3A_18 = tpu.vector_load %arg13[%swap3A] {strides = array<i32>} : memref<10000xf32, #tpu.memory_space<vmem>>, vector<16xf32>,
    tpu.vector_store %arg13[%swap3A], %add3A_17 {strides = array<i32>} : memref<10000xf32, #tpu.memory_space<vmem>>, vector<16xf32>,
    %scan3A_19 = arith.constant 0 : i32
    %scan3A_20 = arith.constant 625 : i32
    "tpu.region"() ({
      %run_scoped3A = tpu.sem_alloc : memref<!tpu.dma_semaphore, #tpu.memory_space<semaphore_mem>>
      %dma_start3A = arith.constant 0 : i32
      %dma_start3A_21 = tpu.memref_slice %arg7[%add3A, %dma_start3A] : memref<32x10000xf32, #tpu.memory_space<hbm>> -> memref<1x10000xf32, #tpu.memory_space<hbm>>
      %dma_start3A_22 = tpu.memref_squeeze %dma_start3A_21 : memref<1x10000xf32, #tpu.memory_space<hbm>> -> memref<10000xf32, #tpu.memory_space<hbm>>
      %dma_start3A_23 = arith.constant 0 : i32
      %dma_start3A_24 = tpu.memref_slice %arg7[%add3A, %dma_start3A_23] : memref<32x10000xf32, #tpu.memory_space<hbm>> -> memref<1x10000xf32, #tpu.memory_space<hbm>>
      %dma_start3A_25 = tpu.memref_squeeze %dma_start3A_24 : memref<1x10000xf32, #tpu.memory_space<hbm>> -> memref<10000xf32, #tpu.memory_space<hbm>>
      tpu.enqueue_dma source(%arg13 : memref<10000xf32, #tpu.memory_space<vmem>>) target(%dma_start3A_25 : memref<10000xf32, #tpu.memory_space<hbm>>) target_semaphore(%run_scoped3A : memref<!tpu.dma_semaphore, #tpu.memory_space<semaphore_mem>>)
      %dma_wait3A = arith.constant 0 : i32
      %dma_wait3A_26 = tpu.memref_slice %arg7[%add3A, %dma_wait3A] : memref<32x10000xf32, #tpu.memory_space<hbm>> -> memref<1x10000xf32, #tpu.memory_space<hbm>>
      %dma_wait3A_27 = tpu.memref_squeeze %dma_wait3A_26 : memref<1x10000xf32, #tpu.memory_space<hbm>> -> memref<10000xf32, #tpu.memory_space<hbm>>
      %dma_wait3A_28 = arith.constant 0 : i32
      %dma_wait3A_29 = tpu.memref_slice %arg7[%add3A, %dma_wait3A_28] : memref<32x10000xf32, #tpu.memory_space<hbm>> -> memref<1x10000xf32, #tpu.memory_space<hbm>>
      %dma_wait3A_30 = tpu.memref_squeeze %dma_wait3A_29 : memref<1x10000xf32, #tpu.memory_space<hbm>> -> memref<10000xf32, #tpu.memory_space<hbm>>
      tpu.wait_dma2 semaphore(%run_scoped3A : memref<!tpu.dma_semaphore, #tpu.memory_space<semaphore_mem>>) src(%arg13 : memref<10000xf32, #tpu.memory_space<vmem>>) dst(%dma_wait3A_30 : memref<10000xf32, #tpu.memory_space<hbm>>)
      tpu.yield
    }) : () -> ()
    return
  }
}

#map = affine_map<(d0, d1) -> (0, 0, 0)>
module attributes {stable_mosaic.version = 14 : i64} {
  func.func @_scat_body(%arg0: i32, %arg1: i32, %arg2: memref<4x10000x32xf32, #tpu.memory_space<hbm>>, %arg3: memref<16x160x128xi32, #tpu.memory_space<hbm>>, %arg4: memref<16x160x128xi32, #tpu.memory_space<hbm>>, %arg5: memref<4x10112x32xf32, #tpu.memory_space<hbm>>, %arg6: memref<160x128xi32, #tpu.memory_space<vmem>>, %arg7: memref<160x128xi32, #tpu.memory_space<vmem>>, %arg8: memref<8x128x32xf32, #tpu.memory_space<vmem>>, %arg9: memref<128x32xf32, #tpu.memory_space<vmem>>, %arg10: memref<10112x32xf32, #tpu.memory_space<vmem_shared>>, %arg11: memref<10000x32xf32, #tpu.memory_space<vmem_shared>>, %arg12: memref<!tpu.dma_semaphore, #tpu.memory_space<semaphore_mem>>, %arg13: memref<!tpu.dma_semaphore, #tpu.memory_space<semaphore_mem>>, %arg14: memref<!tpu.dma_semaphore, #tpu.memory_space<semaphore_mem>>, %arg15: memref<!tpu.dma_semaphore, #tpu.memory_space<semaphore_mem>>, %arg16: memref<!tpu.dma_semaphore, #tpu.memory_space<semaphore_mem>>, %arg17: memref<!tpu.dma_semaphore, #tpu.memory_space<semaphore_mem>>, %arg18: memref<!tpu.dma_semaphore, #tpu.memory_space<semaphore_mem>>, %arg19: memref<!tpu.dma_semaphore, #tpu.memory_space<semaphore_mem>>, %arg20: memref<!tpu.dma_semaphore, #tpu.memory_space<semaphore_mem>>, %arg21: memref<!tpu.dma_semaphore, #tpu.memory_space<semaphore_mem>>, %arg22: memref<!tpu.dma_semaphore, #tpu.memory_space<semaphore_mem>>, %arg23: memref<!tpu.dma_semaphore, #tpu.memory_space<semaphore_mem>>, %arg24: memref<!tpu.dma_semaphore, #tpu.memory_space<semaphore_mem>>, %arg25: memref<!tpu.dma_semaphore, #tpu.memory_space<semaphore_mem>>, %arg26: memref<!tpu.dma_semaphore, #tpu.memory_space<semaphore_mem>>, %arg27: memref<!tpu.dma_semaphore, #tpu.memory_space<semaphore_mem>>) attributes {dimension_semantics = [#tpu.dimension_semantics<core_parallel>, #tpu.dimension_semantics<subcore_parallel>], iteration_bounds = array<i64: 2, 16>, scalar_prefetch = 0 : i64, scratch_operands = 22 : i64, tpu.core_type = #tpu.core_type<sc_vector_subcore>, window_params = [{transform_indices = #map}, {transform_indices = #map}, {transform_indices = #map}, {transform_indices = #map}]} {
    %mul3A = arith.constant 632 : i32
    %mul3A_0 = arith.muli %arg1, %mul3A : i32
    %scan3A = arith.constant 0 : i32
    %scan3A_1 = arith.constant 0 : i32
    %scan3A_2 = arith.constant 128 : i32
    %scan3A_3 = arith.addi %scan3A_1, %scan3A_2 : i32
    %scan3A_4 = arith.constant 2 : i32
    %scan3A_5 = scf.for %scan3A_61 = %scan3A_1 to %scan3A_3 step %scan3A_4 iter_args(%scan3A_62 = %scan3A) -> (i32)  : i32 {
      %broadcast_in_dim3A = arith.constant 0.000000e+00 : f32
      %broadcast_in_dim3A_63 = vector.broadcast %broadcast_in_dim3A : f32 to vector<16xf32>
      %swap3A = arith.index_cast %scan3A_61 : i32 to index
      %swap3A_64 = arith.constant 0 : index
      %swap3A_65 = tpu.vector_load %arg9[%swap3A, %swap3A_64] {strides = array<i32>} : memref<128x32xf32, #tpu.memory_space<vmem>>, vector<1x16xf32>,
      %swap3A_66 = vector.shape_cast %swap3A_65 : vector<1x16xf32> to vector<16xf32>
      %swap3A_67 = vector.shape_cast %broadcast_in_dim3A_63 : vector<16xf32> to vector<1x16xf32>
      tpu.vector_store %arg9[%swap3A, %swap3A_64], %swap3A_67 {strides = array<i32>} : memref<128x32xf32, #tpu.memory_space<vmem>>, vector<1x16xf32>,
      %broadcast_in_dim3A_68 = arith.constant 0.000000e+00 : f32
      %broadcast_in_dim3A_69 = vector.broadcast %broadcast_in_dim3A_68 : f32 to vector<16xf32>
      %swap3A_70 = arith.index_cast %scan3A_61 : i32 to index
      %swap3A_71 = arith.constant 16 : index
      %swap3A_72 = tpu.vector_load %arg9[%swap3A_70, %swap3A_71] {strides = array<i32>} : memref<128x32xf32, #tpu.memory_space<vmem>>, vector<1x16xf32>,
      %swap3A_73 = vector.shape_cast %swap3A_72 : vector<1x16xf32> to vector<16xf32>
      %swap3A_74 = vector.shape_cast %broadcast_in_dim3A_69 : vector<16xf32> to vector<1x16xf32>
      tpu.vector_store %arg9[%swap3A_70, %swap3A_71], %swap3A_74 {strides = array<i32>} : memref<128x32xf32, #tpu.memory_space<vmem>>, vector<1x16xf32>,
      %scan3A_75 = arith.constant 0 : i32
      %scan3A_76 = arith.constant 1 : i32
      %scan3A_77 = arith.addi %scan3A_61, %scan3A_76 : i32
      %broadcast_in_dim3A_78 = arith.constant 0.000000e+00 : f32
      %broadcast_in_dim3A_79 = vector.broadcast %broadcast_in_dim3A_78 : f32 to vector<16xf32>
      %swap3A_80 = arith.index_cast %scan3A_77 : i32 to index
      %swap3A_81 = arith.constant 0 : index
      %swap3A_82 = tpu.vector_load %arg9[%swap3A_80, %swap3A_81] {strides = array<i32>} : memref<128x32xf32, #tpu.memory_space<vmem>>, vector<1x16xf32>,
      %swap3A_83 = vector.shape_cast %swap3A_82 : vector<1x16xf32> to vector<16xf32>
      %swap3A_84 = vector.shape_cast %broadcast_in_dim3A_79 : vector<16xf32> to vector<1x16xf32>
      tpu.vector_store %arg9[%swap3A_80, %swap3A_81], %swap3A_84 {strides = array<i32>} : memref<128x32xf32, #tpu.memory_space<vmem>>, vector<1x16xf32>,
      %broadcast_in_dim3A_85 = arith.constant 0.000000e+00 : f32
      %broadcast_in_dim3A_86 = vector.broadcast %broadcast_in_dim3A_85 : f32 to vector<16xf32>
      %swap3A_87 = arith.index_cast %scan3A_77 : i32 to index
      %swap3A_88 = arith.constant 16 : index
      %swap3A_89 = tpu.vector_load %arg9[%swap3A_87, %swap3A_88] {strides = array<i32>} : memref<128x32xf32, #tpu.memory_space<vmem>>, vector<1x16xf32>,
      %swap3A_90 = vector.shape_cast %swap3A_89 : vector<1x16xf32> to vector<16xf32>
      %swap3A_91 = vector.shape_cast %broadcast_in_dim3A_86 : vector<16xf32> to vector<1x16xf32>
      tpu.vector_store %arg9[%swap3A_87, %swap3A_88], %swap3A_91 {strides = array<i32>} : memref<128x32xf32, #tpu.memory_space<vmem>>, vector<1x16xf32>,
      %scan3A_92 = arith.constant 0 : i32
      scf.yield %scan3A_92 : i32
    }
    %scan3A_6 = arith.constant 128 : i32
    "tpu.region"() ({
      %run_scoped3A = tpu.sem_alloc : memref<!tpu.dma_semaphore, #tpu.memory_space<semaphore_mem>>
      %dma_start3A = arith.constant 0 : i32
      %dma_start3A_61 = arith.constant 0 : i32
      %dma_start3A_62 = tpu.memref_slice %arg3[%arg1, %dma_start3A, %dma_start3A_61] : memref<16x160x128xi32, #tpu.memory_space<hbm>> -> memref<1x160x128xi32, #tpu.memory_space<hbm>>
      %dma_start3A_63 = tpu.memref_squeeze %dma_start3A_62 : memref<1x160x128xi32, #tpu.memory_space<hbm>> -> memref<160x128xi32, #tpu.memory_space<hbm>>
      %dma_start3A_64 = arith.constant 0 : i32
      %dma_start3A_65 = arith.constant 0 : i32
      %dma_start3A_66 = tpu.memref_slice %arg3[%arg1, %dma_start3A_64, %dma_start3A_65] : memref<16x160x128xi32, #tpu.memory_space<hbm>> -> memref<1x160x128xi32, #tpu.memory_space<hbm>>
      %dma_start3A_67 = tpu.memref_squeeze %dma_start3A_66 : memref<1x160x128xi32, #tpu.memory_space<hbm>> -> memref<160x128xi32, #tpu.memory_space<hbm>>
      tpu.enqueue_dma source(%dma_start3A_67 : memref<160x128xi32, #tpu.memory_space<hbm>>) target(%arg6 : memref<160x128xi32, #tpu.memory_space<vmem>>) target_semaphore(%run_scoped3A : memref<!tpu.dma_semaphore, #tpu.memory_space<semaphore_mem>>)
      %dma_wait3A = arith.constant 0 : i32
      %dma_wait3A_68 = arith.constant 0 : i32
      %dma_wait3A_69 = tpu.memref_slice %arg3[%arg1, %dma_wait3A, %dma_wait3A_68] : memref<16x160x128xi32, #tpu.memory_space<hbm>> -> memref<1x160x128xi32, #tpu.memory_space<hbm>>
      %dma_wait3A_70 = tpu.memref_squeeze %dma_wait3A_69 : memref<1x160x128xi32, #tpu.memory_space<hbm>> -> memref<160x128xi32, #tpu.memory_space<hbm>>
      %dma_wait3A_71 = arith.constant 0 : i32
      %dma_wait3A_72 = arith.constant 0 : i32
      %dma_wait3A_73 = tpu.memref_slice %arg3[%arg1, %dma_wait3A_71, %dma_wait3A_72] : memref<16x160x128xi32, #tpu.memory_space<hbm>> -> memref<1x160x128xi32, #tpu.memory_space<hbm>>
      %dma_wait3A_74 = tpu.memref_squeeze %dma_wait3A_73 : memref<1x160x128xi32, #tpu.memory_space<hbm>> -> memref<160x128xi32, #tpu.memory_space<hbm>>
      tpu.wait_dma2 semaphore(%run_scoped3A : memref<!tpu.dma_semaphore, #tpu.memory_space<semaphore_mem>>) src(%dma_wait3A_74 : memref<160x128xi32, #tpu.memory_space<hbm>>) dst(%arg6 : memref<160x128xi32, #tpu.memory_space<vmem>>)
      tpu.yield
    }) : () -> ()
    "tpu.region"() ({
      %run_scoped3A = tpu.sem_alloc : memref<!tpu.dma_semaphore, #tpu.memory_space<semaphore_mem>>
      %dma_start3A = arith.constant 0 : i32
      %dma_start3A_61 = arith.constant 0 : i32
      %dma_start3A_62 = tpu.memref_slice %arg4[%arg1, %dma_start3A, %dma_start3A_61] : memref<16x160x128xi32, #tpu.memory_space<hbm>> -> memref<1x160x128xi32, #tpu.memory_space<hbm>>
      %dma_start3A_63 = tpu.memref_squeeze %dma_start3A_62 : memref<1x160x128xi32, #tpu.memory_space<hbm>> -> memref<160x128xi32, #tpu.memory_space<hbm>>
      %dma_start3A_64 = arith.constant 0 : i32
      %dma_start3A_65 = arith.constant 0 : i32
      %dma_start3A_66 = tpu.memref_slice %arg4[%arg1, %dma_start3A_64, %dma_start3A_65] : memref<16x160x128xi32, #tpu.memory_space<hbm>> -> memref<1x160x128xi32, #tpu.memory_space<hbm>>
      %dma_start3A_67 = tpu.memref_squeeze %dma_start3A_66 : memref<1x160x128xi32, #tpu.memory_space<hbm>> -> memref<160x128xi32, #tpu.memory_space<hbm>>
      tpu.enqueue_dma source(%dma_start3A_67 : memref<160x128xi32, #tpu.memory_space<hbm>>) target(%arg7 : memref<160x128xi32, #tpu.memory_space<vmem>>) target_semaphore(%run_scoped3A : memref<!tpu.dma_semaphore, #tpu.memory_space<semaphore_mem>>)
      %dma_wait3A = arith.constant 0 : i32
      %dma_wait3A_68 = arith.constant 0 : i32
      %dma_wait3A_69 = tpu.memref_slice %arg4[%arg1, %dma_wait3A, %dma_wait3A_68] : memref<16x160x128xi32, #tpu.memory_space<hbm>> -> memref<1x160x128xi32, #tpu.memory_space<hbm>>
      %dma_wait3A_70 = tpu.memref_squeeze %dma_wait3A_69 : memref<1x160x128xi32, #tpu.memory_space<hbm>> -> memref<160x128xi32, #tpu.memory_space<hbm>>
      %dma_wait3A_71 = arith.constant 0 : i32
      %dma_wait3A_72 = arith.constant 0 : i32
      %dma_wait3A_73 = tpu.memref_slice %arg4[%arg1, %dma_wait3A_71, %dma_wait3A_72] : memref<16x160x128xi32, #tpu.memory_space<hbm>> -> memref<1x160x128xi32, #tpu.memory_space<hbm>>
      %dma_wait3A_74 = tpu.memref_squeeze %dma_wait3A_73 : memref<1x160x128xi32, #tpu.memory_space<hbm>> -> memref<160x128xi32, #tpu.memory_space<hbm>>
      tpu.wait_dma2 semaphore(%run_scoped3A : memref<!tpu.dma_semaphore, #tpu.memory_space<semaphore_mem>>) src(%dma_wait3A_74 : memref<160x128xi32, #tpu.memory_space<hbm>>) dst(%arg7 : memref<160x128xi32, #tpu.memory_space<vmem>>)
      tpu.yield
    }) : () -> ()
    %mul3A_7 = arith.constant 2 : i32
    %mul3A_8 = arith.muli %arg0, %mul3A_7 : i32
    %add3A = arith.constant 0 : i32
    %add3A_9 = arith.addi %mul3A_8, %add3A : i32
    %mul3A_10 = arith.constant 625 : i32
    %mul3A_11 = arith.muli %arg1, %mul3A_10 : i32
    %mul3A_12 = arith.constant 625 : i32
    %mul3A_13 = arith.muli %arg1, %mul3A_12 : i32
    "tpu.region"() ({
      %run_scoped3A = tpu.sem_alloc : memref<!tpu.dma_semaphore, #tpu.memory_space<semaphore_mem>>
      %dma_start3A = arith.constant 0 : i32
      %dma_start3A_61 = tpu.memref_slice %arg11[%mul3A_13, %dma_start3A] : memref<10000x32xf32, #tpu.memory_space<vmem_shared>> -> memref<625x32xf32, #tpu.memory_space<vmem_shared>>
      %dma_start3A_62 = arith.constant 0 : i32
      %dma_start3A_63 = tpu.memref_slice %arg2[%add3A_9, %mul3A_11, %dma_start3A_62] : memref<4x10000x32xf32, #tpu.memory_space<hbm>> -> memref<1x625x32xf32, #tpu.memory_space<hbm>>
      %dma_start3A_64 = tpu.memref_squeeze %dma_start3A_63 : memref<1x625x32xf32, #tpu.memory_space<hbm>> -> memref<625x32xf32, #tpu.memory_space<hbm>>
      tpu.enqueue_dma source(%dma_start3A_64 : memref<625x32xf32, #tpu.memory_space<hbm>>) target(%dma_start3A_61 : memref<625x32xf32, #tpu.memory_space<vmem_shared>>) target_semaphore(%run_scoped3A : memref<!tpu.dma_semaphore, #tpu.memory_space<semaphore_mem>>)
      %dma_wait3A = arith.constant 0 : i32
      %dma_wait3A_65 = tpu.memref_slice %arg11[%mul3A_13, %dma_wait3A] : memref<10000x32xf32, #tpu.memory_space<vmem_shared>> -> memref<625x32xf32, #tpu.memory_space<vmem_shared>>
      %dma_wait3A_66 = arith.constant 0 : i32
      %dma_wait3A_67 = tpu.memref_slice %arg2[%add3A_9, %mul3A_11, %dma_wait3A_66] : memref<4x10000x32xf32, #tpu.memory_space<hbm>> -> memref<1x625x32xf32, #tpu.memory_space<hbm>>
      %dma_wait3A_68 = tpu.memref_squeeze %dma_wait3A_67 : memref<1x625x32xf32, #tpu.memory_space<hbm>> -> memref<625x32xf32, #tpu.memory_space<hbm>>
      tpu.wait_dma2 semaphore(%run_scoped3A : memref<!tpu.dma_semaphore, #tpu.memory_space<semaphore_mem>>) src(%dma_wait3A_68 : memref<625x32xf32, #tpu.memory_space<hbm>>) dst(%dma_wait3A_65 : memref<625x32xf32, #tpu.memory_space<vmem_shared>>)
      tpu.yield
    }) : () -> ()
    %add3A_14 = arith.constant 0 : i32
    %add3A_15 = arith.addi %mul3A_0, %add3A_14 : i32
    "tpu.region"() ({
      %run_scoped3A = tpu.sem_alloc : memref<!tpu.dma_semaphore, #tpu.memory_space<semaphore_mem>>
      %dma_start3A = arith.constant 0 : i32
      %dma_start3A_61 = tpu.memref_slice %arg10[%add3A_15, %dma_start3A] : memref<10112x32xf32, #tpu.memory_space<vmem_shared>> -> memref<128x32xf32, #tpu.memory_space<vmem_shared>>
      %dma_start3A_62 = arith.constant 0 : i32
      %dma_start3A_63 = tpu.memref_slice %arg10[%add3A_15, %dma_start3A_62] : memref<10112x32xf32, #tpu.memory_space<vmem_shared>> -> memref<128x32xf32, #tpu.memory_space<vmem_shared>>
      tpu.enqueue_dma source(%arg9 : memref<128x32xf32, #tpu.memory_space<vmem>>) target(%dma_start3A_63 : memref<128x32xf32, #tpu.memory_space<vmem_shared>>) target_semaphore(%run_scoped3A : memref<!tpu.dma_semaphore, #tpu.memory_space<semaphore_mem>>)
      %dma_wait3A = arith.constant 0 : i32
      %dma_wait3A_64 = tpu.memref_slice %arg10[%add3A_15, %dma_wait3A] : memref<10112x32xf32, #tpu.memory_space<vmem_shared>> -> memref<128x32xf32, #tpu.memory_space<vmem_shared>>
      %dma_wait3A_65 = arith.constant 0 : i32
      %dma_wait3A_66 = tpu.memref_slice %arg10[%add3A_15, %dma_wait3A_65] : memref<10112x32xf32, #tpu.memory_space<vmem_shared>> -> memref<128x32xf32, #tpu.memory_space<vmem_shared>>
      tpu.wait_dma2 semaphore(%run_scoped3A : memref<!tpu.dma_semaphore, #tpu.memory_space<semaphore_mem>>) src(%arg9 : memref<128x32xf32, #tpu.memory_space<vmem>>) dst(%dma_wait3A_66 : memref<128x32xf32, #tpu.memory_space<vmem_shared>>)
      tpu.yield
    }) : () -> ()
    %add3A_16 = arith.constant 128 : i32
    %add3A_17 = arith.addi %mul3A_0, %add3A_16 : i32
    "tpu.region"() ({
      %run_scoped3A = tpu.sem_alloc : memref<!tpu.dma_semaphore, #tpu.memory_space<semaphore_mem>>
      %dma_start3A = arith.constant 0 : i32
      %dma_start3A_61 = tpu.memref_slice %arg10[%add3A_17, %dma_start3A] : memref<10112x32xf32, #tpu.memory_space<vmem_shared>> -> memref<128x32xf32, #tpu.memory_space<vmem_shared>>
      %dma_start3A_62 = arith.constant 0 : i32
      %dma_start3A_63 = tpu.memref_slice %arg10[%add3A_17, %dma_start3A_62] : memref<10112x32xf32, #tpu.memory_space<vmem_shared>> -> memref<128x32xf32, #tpu.memory_space<vmem_shared>>
      tpu.enqueue_dma source(%arg9 : memref<128x32xf32, #tpu.memory_space<vmem>>) target(%dma_start3A_63 : memref<128x32xf32, #tpu.memory_space<vmem_shared>>) target_semaphore(%run_scoped3A : memref<!tpu.dma_semaphore, #tpu.memory_space<semaphore_mem>>)
      %dma_wait3A = arith.constant 0 : i32
      %dma_wait3A_64 = tpu.memref_slice %arg10[%add3A_17, %dma_wait3A] : memref<10112x32xf32, #tpu.memory_space<vmem_shared>> -> memref<128x32xf32, #tpu.memory_space<vmem_shared>>
      %dma_wait3A_65 = arith.constant 0 : i32
      %dma_wait3A_66 = tpu.memref_slice %arg10[%add3A_17, %dma_wait3A_65] : memref<10112x32xf32, #tpu.memory_space<vmem_shared>> -> memref<128x32xf32, #tpu.memory_space<vmem_shared>>
      tpu.wait_dma2 semaphore(%run_scoped3A : memref<!tpu.dma_semaphore, #tpu.memory_space<semaphore_mem>>) src(%arg9 : memref<128x32xf32, #tpu.memory_space<vmem>>) dst(%dma_wait3A_66 : memref<128x32xf32, #tpu.memory_space<vmem_shared>>)
      tpu.yield
    }) : () -> ()
    %add3A_18 = arith.constant 256 : i32
    %add3A_19 = arith.addi %mul3A_0, %add3A_18 : i32
    "tpu.region"() ({
      %run_scoped3A = tpu.sem_alloc : memref<!tpu.dma_semaphore, #tpu.memory_space<semaphore_mem>>
      %dma_start3A = arith.constant 0 : i32
      %dma_start3A_61 = tpu.memref_slice %arg10[%add3A_19, %dma_start3A] : memref<10112x32xf32, #tpu.memory_space<vmem_shared>> -> memref<128x32xf32, #tpu.memory_space<vmem_shared>>
      %dma_start3A_62 = arith.constant 0 : i32
      %dma_start3A_63 = tpu.memref_slice %arg10[%add3A_19, %dma_start3A_62] : memref<10112x32xf32, #tpu.memory_space<vmem_shared>> -> memref<128x32xf32, #tpu.memory_space<vmem_shared>>
      tpu.enqueue_dma source(%arg9 : memref<128x32xf32, #tpu.memory_space<vmem>>) target(%dma_start3A_63 : memref<128x32xf32, #tpu.memory_space<vmem_shared>>) target_semaphore(%run_scoped3A : memref<!tpu.dma_semaphore, #tpu.memory_space<semaphore_mem>>)
      %dma_wait3A = arith.constant 0 : i32
      %dma_wait3A_64 = tpu.memref_slice %arg10[%add3A_19, %dma_wait3A] : memref<10112x32xf32, #tpu.memory_space<vmem_shared>> -> memref<128x32xf32, #tpu.memory_space<vmem_shared>>
      %dma_wait3A_65 = arith.constant 0 : i32
      %dma_wait3A_66 = tpu.memref_slice %arg10[%add3A_19, %dma_wait3A_65] : memref<10112x32xf32, #tpu.memory_space<vmem_shared>> -> memref<128x32xf32, #tpu.memory_space<vmem_shared>>
      tpu.wait_dma2 semaphore(%run_scoped3A : memref<!tpu.dma_semaphore, #tpu.memory_space<semaphore_mem>>) src(%arg9 : memref<128x32xf32, #tpu.memory_space<vmem>>) dst(%dma_wait3A_66 : memref<128x32xf32, #tpu.memory_space<vmem_shared>>)
      tpu.yield
    }) : () -> ()
    %add3A_20 = arith.constant 384 : i32
    %add3A_21 = arith.addi %mul3A_0, %add3A_20 : i32
    "tpu.region"() ({
      %run_scoped3A = tpu.sem_alloc : memref<!tpu.dma_semaphore, #tpu.memory_space<semaphore_mem>>
      %dma_start3A = arith.constant 0 : i32
      %dma_start3A_61 = tpu.memref_slice %arg10[%add3A_21, %dma_start3A] : memref<10112x32xf32, #tpu.memory_space<vmem_shared>> -> memref<128x32xf32, #tpu.memory_space<vmem_shared>>
      %dma_start3A_62 = arith.constant 0 : i32
      %dma_start3A_63 = tpu.memref_slice %arg10[%add3A_21, %dma_start3A_62] : memref<10112x32xf32, #tpu.memory_space<vmem_shared>> -> memref<128x32xf32, #tpu.memory_space<vmem_shared>>
      tpu.enqueue_dma source(%arg9 : memref<128x32xf32, #tpu.memory_space<vmem>>) target(%dma_start3A_63 : memref<128x32xf32, #tpu.memory_space<vmem_shared>>) target_semaphore(%run_scoped3A : memref<!tpu.dma_semaphore, #tpu.memory_space<semaphore_mem>>)
      %dma_wait3A = arith.constant 0 : i32
      %dma_wait3A_64 = tpu.memref_slice %arg10[%add3A_21, %dma_wait3A] : memref<10112x32xf32, #tpu.memory_space<vmem_shared>> -> memref<128x32xf32, #tpu.memory_space<vmem_shared>>
      %dma_wait3A_65 = arith.constant 0 : i32
      %dma_wait3A_66 = tpu.memref_slice %arg10[%add3A_21, %dma_wait3A_65] : memref<10112x32xf32, #tpu.memory_space<vmem_shared>> -> memref<128x32xf32, #tpu.memory_space<vmem_shared>>
      tpu.wait_dma2 semaphore(%run_scoped3A : memref<!tpu.dma_semaphore, #tpu.memory_space<semaphore_mem>>) src(%arg9 : memref<128x32xf32, #tpu.memory_space<vmem>>) dst(%dma_wait3A_66 : memref<128x32xf32, #tpu.memory_space<vmem_shared>>)
      tpu.yield
    }) : () -> ()
    %add3A_22 = arith.constant 512 : i32
    %add3A_23 = arith.addi %mul3A_0, %add3A_22 : i32
    "tpu.region"() ({
      %run_scoped3A = tpu.sem_alloc : memref<!tpu.dma_semaphore, #tpu.memory_space<semaphore_mem>>
      %dma_start3A = arith.constant 0 : i32
      %dma_start3A_61 = arith.constant 0 : i32
      %dma_start3A_62 = tpu.memref_slice %arg9[%dma_start3A, %dma_start3A_61] : memref<128x32xf32, #tpu.memory_space<vmem>> -> memref<120x32xf32, #tpu.memory_space<vmem>>
      %dma_start3A_63 = arith.constant 0 : i32
      %dma_start3A_64 = tpu.memref_slice %arg10[%add3A_23, %dma_start3A_63] : memref<10112x32xf32, #tpu.memory_space<vmem_shared>> -> memref<120x32xf32, #tpu.memory_space<vmem_shared>>
      %dma_start3A_65 = arith.constant 0 : i32
      %dma_start3A_66 = tpu.memref_slice %arg10[%add3A_23, %dma_start3A_65] : memref<10112x32xf32, #tpu.memory_space<vmem_shared>> -> memref<120x32xf32, #tpu.memory_space<vmem_shared>>
      %dma_start3A_67 = arith.constant 0 : i32
      %dma_start3A_68 = arith.constant 0 : i32
      %dma_start3A_69 = tpu.memref_slice %arg9[%dma_start3A_67, %dma_start3A_68] : memref<128x32xf32, #tpu.memory_space<vmem>> -> memref<120x32xf32, #tpu.memory_space<vmem>>
      tpu.enqueue_dma source(%dma_start3A_69 : memref<120x32xf32, #tpu.memory_space<vmem>>) target(%dma_start3A_66 : memref<120x32xf32, #tpu.memory_space<vmem_shared>>) target_semaphore(%run_scoped3A : memref<!tpu.dma_semaphore, #tpu.memory_space<semaphore_mem>>)
      %dma_wait3A = arith.constant 0 : i32
      %dma_wait3A_70 = arith.constant 0 : i32
      %dma_wait3A_71 = tpu.memref_slice %arg9[%dma_wait3A, %dma_wait3A_70] : memref<128x32xf32, #tpu.memory_space<vmem>> -> memref<120x32xf32, #tpu.memory_space<vmem>>
      %dma_wait3A_72 = arith.constant 0 : i32
      %dma_wait3A_73 = tpu.memref_slice %arg10[%add3A_23, %dma_wait3A_72] : memref<10112x32xf32, #tpu.memory_space<vmem_shared>> -> memref<120x32xf32, #tpu.memory_space<vmem_shared>>
      %dma_wait3A_74 = arith.constant 0 : i32
      %dma_wait3A_75 = tpu.memref_slice %arg10[%add3A_23, %dma_wait3A_74] : memref<10112x32xf32, #tpu.memory_space<vmem_shared>> -> memref<120x32xf32, #tpu.memory_space<vmem_shared>>
      %dma_wait3A_76 = arith.constant 0 : i32
      %dma_wait3A_77 = arith.constant 0 : i32
      %dma_wait3A_78 = tpu.memref_slice %arg9[%dma_wait3A_76, %dma_wait3A_77] : memref<128x32xf32, #tpu.memory_space<vmem>> -> memref<120x32xf32, #tpu.memory_space<vmem>>
      tpu.wait_dma2 semaphore(%run_scoped3A : memref<!tpu.dma_semaphore, #tpu.memory_space<semaphore_mem>>) src(%dma_wait3A_78 : memref<120x32xf32, #tpu.memory_space<vmem>>) dst(%dma_wait3A_75 : memref<120x32xf32, #tpu.memory_space<vmem_shared>>)
      tpu.yield
    }) : () -> ()
    %barrier3A = arith.constant 0 : index
    tpu.barrier barrier_id(%barrier3A)
    %scan3A_24 = arith.constant 0 : i32
    %scan3A_25 = arith.constant 0 : i32
    %scan3A_26 = arith.constant 20 : i32
    %scan3A_27 = arith.addi %scan3A_25, %scan3A_26 : i32
    %scan3A_28 = arith.constant 1 : i32
    %scan3A_29 = scf.for %scan3A_61 = %scan3A_25 to %scan3A_27 step %scan3A_28 iter_args(%scan3A_62 = %scan3A_24) -> (i32)  : i32 {
      %mul3A_63 = arith.constant 8 : i32
      %mul3A_64 = arith.muli %scan3A_61, %mul3A_63 : i32
      %add3A_65 = arith.constant 0 : i32
      %add3A_66 = arith.addi %mul3A_64, %add3A_65 : i32
      %dma_start3A = arith.constant 0 : i32
      %dma_start3A_67 = arith.constant 0 : i32
      %dma_start3A_68 = arith.constant 0 : i32
      %dma_start3A_69 = tpu.memref_slice %arg8[%dma_start3A, %dma_start3A_67, %dma_start3A_68] : memref<8x128x32xf32, #tpu.memory_space<vmem>> -> memref<1x128x32xf32, #tpu.memory_space<vmem>>
      %dma_start3A_70 = tpu.memref_squeeze %dma_start3A_69 : memref<1x128x32xf32, #tpu.memory_space<vmem>> -> memref<128x32xf32, #tpu.memory_space<vmem>>
      %dma_start3A_71 = arith.constant 0 : i32
      %dma_start3A_72 = tpu.memref_slice %arg6[%add3A_66, %dma_start3A_71] : memref<160x128xi32, #tpu.memory_space<vmem>> -> memref<1x128xi32, #tpu.memory_space<vmem>>
      %dma_start3A_73 = tpu.memref_squeeze %dma_start3A_72 : memref<1x128xi32, #tpu.memory_space<vmem>> -> memref<128xi32, #tpu.memory_space<vmem>>
      %dma_start3A_74 = arith.constant 0 : i32
      %dma_start3A_75 = arith.constant 0 : i32
      %dma_start3A_76 = tpu.memref_slice %arg11[%dma_start3A_74, %dma_start3A_75] : memref<10000x32xf32, #tpu.memory_space<vmem_shared>> -> memref<10000x32xf32, #tpu.memory_space<vmem_shared>>
      tpu.enqueue_indirect_dma source(%dma_start3A_76 : memref<10000x32xf32, #tpu.memory_space<vmem_shared>>) target(%dma_start3A_70 : memref<128x32xf32, #tpu.memory_space<vmem>>) offsets(%dma_start3A_73 : memref<128xi32, #tpu.memory_space<vmem>>) semaphore(%arg12 : memref<!tpu.dma_semaphore, #tpu.memory_space<semaphore_mem>>)
      %add3A_77 = arith.constant 1 : i32
      %add3A_78 = arith.addi %mul3A_64, %add3A_77 : i32
      %dma_start3A_79 = arith.constant 1 : i32
      %dma_start3A_80 = arith.constant 0 : i32
      %dma_start3A_81 = arith.constant 0 : i32
      %dma_start3A_82 = tpu.memref_slice %arg8[%dma_start3A_79, %dma_start3A_80, %dma_start3A_81] : memref<8x128x32xf32, #tpu.memory_space<vmem>> -> memref<1x128x32xf32, #tpu.memory_space<vmem>>
      %dma_start3A_83 = tpu.memref_squeeze %dma_start3A_82 : memref<1x128x32xf32, #tpu.memory_space<vmem>> -> memref<128x32xf32, #tpu.memory_space<vmem>>
      %dma_start3A_84 = arith.constant 0 : i32
      %dma_start3A_85 = tpu.memref_slice %arg6[%add3A_78, %dma_start3A_84] : memref<160x128xi32, #tpu.memory_space<vmem>> -> memref<1x128xi32, #tpu.memory_space<vmem>>
      %dma_start3A_86 = tpu.memref_squeeze %dma_start3A_85 : memref<1x128xi32, #tpu.memory_space<vmem>> -> memref<128xi32, #tpu.memory_space<vmem>>
      %dma_start3A_87 = arith.constant 0 : i32
      %dma_start3A_88 = arith.constant 0 : i32
      %dma_start3A_89 = tpu.memref_slice %arg11[%dma_start3A_87, %dma_start3A_88] : memref<10000x32xf32, #tpu.memory_space<vmem_shared>> -> memref<10000x32xf32, #tpu.memory_space<vmem_shared>>
      tpu.enqueue_indirect_dma source(%dma_start3A_89 : memref<10000x32xf32, #tpu.memory_space<vmem_shared>>) target(%dma_start3A_83 : memref<128x32xf32, #tpu.memory_space<vmem>>) offsets(%dma_start3A_86 : memref<128xi32, #tpu.memory_space<vmem>>) semaphore(%arg13 : memref<!tpu.dma_semaphore, #tpu.memory_space<semaphore_mem>>)
      %add3A_90 = arith.constant 2 : i32
      %add3A_91 = arith.addi %mul3A_64, %add3A_90 : i32
      %dma_start3A_92 = arith.constant 2 : i32
      %dma_start3A_93 = arith.constant 0 : i32
      %dma_start3A_94 = arith.constant 0 : i32
      %dma_start3A_95 = tpu.memref_slice %arg8[%dma_start3A_92, %dma_start3A_93, %dma_start3A_94] : memref<8x128x32xf32, #tpu.memory_space<vmem>> -> memref<1x128x32xf32, #tpu.memory_space<vmem>>
      %dma_start3A_96 = tpu.memref_squeeze %dma_start3A_95 : memref<1x128x32xf32, #tpu.memory_space<vmem>> -> memref<128x32xf32, #tpu.memory_space<vmem>>
      %dma_start3A_97 = arith.constant 0 : i32
      %dma_start3A_98 = tpu.memref_slice %arg6[%add3A_91, %dma_start3A_97] : memref<160x128xi32, #tpu.memory_space<vmem>> -> memref<1x128xi32, #tpu.memory_space<vmem>>
      %dma_start3A_99 = tpu.memref_squeeze %dma_start3A_98 : memref<1x128xi32, #tpu.memory_space<vmem>> -> memref<128xi32, #tpu.memory_space<vmem>>
      %dma_start3A_100 = arith.constant 0 : i32
      %dma_start3A_101 = arith.constant 0 : i32
      %dma_start3A_102 = tpu.memref_slice %arg11[%dma_start3A_100, %dma_start3A_101] : memref<10000x32xf32, #tpu.memory_space<vmem_shared>> -> memref<10000x32xf32, #tpu.memory_space<vmem_shared>>
      tpu.enqueue_indirect_dma source(%dma_start3A_102 : memref<10000x32xf32, #tpu.memory_space<vmem_shared>>) target(%dma_start3A_96 : memref<128x32xf32, #tpu.memory_space<vmem>>) offsets(%dma_start3A_99 : memref<128xi32, #tpu.memory_space<vmem>>) semaphore(%arg14 : memref<!tpu.dma_semaphore, #tpu.memory_space<semaphore_mem>>)
      %add3A_103 = arith.constant 3 : i32
      %add3A_104 = arith.addi %mul3A_64, %add3A_103 : i32
      %dma_start3A_105 = arith.constant 3 : i32
      %dma_start3A_106 = arith.constant 0 : i32
      %dma_start3A_107 = arith.constant 0 : i32
      %dma_start3A_108 = tpu.memref_slice %arg8[%dma_start3A_105, %dma_start3A_106, %dma_start3A_107] : memref<8x128x32xf32, #tpu.memory_space<vmem>> -> memref<1x128x32xf32, #tpu.memory_space<vmem>>
      %dma_start3A_109 = tpu.memref_squeeze %dma_start3A_108 : memref<1x128x32xf32, #tpu.memory_space<vmem>> -> memref<128x32xf32, #tpu.memory_space<vmem>>
      %dma_start3A_110 = arith.constant 0 : i32
      %dma_start3A_111 = tpu.memref_slice %arg6[%add3A_104, %dma_start3A_110] : memref<160x128xi32, #tpu.memory_space<vmem>> -> memref<1x128xi32, #tpu.memory_space<vmem>>
      %dma_start3A_112 = tpu.memref_squeeze %dma_start3A_111 : memref<1x128xi32, #tpu.memory_space<vmem>> -> memref<128xi32, #tpu.memory_space<vmem>>
      %dma_start3A_113 = arith.constant 0 : i32
      %dma_start3A_114 = arith.constant 0 : i32
      %dma_start3A_115 = tpu.memref_slice %arg11[%dma_start3A_113, %dma_start3A_114] : memref<10000x32xf32, #tpu.memory_space<vmem_shared>> -> memref<10000x32xf32, #tpu.memory_space<vmem_shared>>
      tpu.enqueue_indirect_dma source(%dma_start3A_115 : memref<10000x32xf32, #tpu.memory_space<vmem_shared>>) target(%dma_start3A_109 : memref<128x32xf32, #tpu.memory_space<vmem>>) offsets(%dma_start3A_112 : memref<128xi32, #tpu.memory_space<vmem>>) semaphore(%arg15 : memref<!tpu.dma_semaphore, #tpu.memory_space<semaphore_mem>>)
      %add3A_116 = arith.constant 4 : i32
      %add3A_117 = arith.addi %mul3A_64, %add3A_116 : i32
      %dma_start3A_118 = arith.constant 4 : i32
      %dma_start3A_119 = arith.constant 0 : i32
      %dma_start3A_120 = arith.constant 0 : i32
      %dma_start3A_121 = tpu.memref_slice %arg8[%dma_start3A_118, %dma_start3A_119, %dma_start3A_120] : memref<8x128x32xf32, #tpu.memory_space<vmem>> -> memref<1x128x32xf32, #tpu.memory_space<vmem>>
      %dma_start3A_122 = tpu.memref_squeeze %dma_start3A_121 : memref<1x128x32xf32, #tpu.memory_space<vmem>> -> memref<128x32xf32, #tpu.memory_space<vmem>>
      %dma_start3A_123 = arith.constant 0 : i32
      %dma_start3A_124 = tpu.memref_slice %arg6[%add3A_117, %dma_start3A_123] : memref<160x128xi32, #tpu.memory_space<vmem>> -> memref<1x128xi32, #tpu.memory_space<vmem>>
      %dma_start3A_125 = tpu.memref_squeeze %dma_start3A_124 : memref<1x128xi32, #tpu.memory_space<vmem>> -> memref<128xi32, #tpu.memory_space<vmem>>
      %dma_start3A_126 = arith.constant 0 : i32
      %dma_start3A_127 = arith.constant 0 : i32
      %dma_start3A_128 = tpu.memref_slice %arg11[%dma_start3A_126, %dma_start3A_127] : memref<10000x32xf32, #tpu.memory_space<vmem_shared>> -> memref<10000x32xf32, #tpu.memory_space<vmem_shared>>
      tpu.enqueue_indirect_dma source(%dma_start3A_128 : memref<10000x32xf32, #tpu.memory_space<vmem_shared>>) target(%dma_start3A_122 : memref<128x32xf32, #tpu.memory_space<vmem>>) offsets(%dma_start3A_125 : memref<128xi32, #tpu.memory_space<vmem>>) semaphore(%arg16 : memref<!tpu.dma_semaphore, #tpu.memory_space<semaphore_mem>>)
      %add3A_129 = arith.constant 5 : i32
      %add3A_130 = arith.addi %mul3A_64, %add3A_129 : i32
      %dma_start3A_131 = arith.constant 5 : i32
      %dma_start3A_132 = arith.constant 0 : i32
      %dma_start3A_133 = arith.constant 0 : i32
      %dma_start3A_134 = tpu.memref_slice %arg8[%dma_start3A_131, %dma_start3A_132, %dma_start3A_133] : memref<8x128x32xf32, #tpu.memory_space<vmem>> -> memref<1x128x32xf32, #tpu.memory_space<vmem>>
      %dma_start3A_135 = tpu.memref_squeeze %dma_start3A_134 : memref<1x128x32xf32, #tpu.memory_space<vmem>> -> memref<128x32xf32, #tpu.memory_space<vmem>>
      %dma_start3A_136 = arith.constant 0 : i32
      %dma_start3A_137 = tpu.memref_slice %arg6[%add3A_130, %dma_start3A_136] : memref<160x128xi32, #tpu.memory_space<vmem>> -> memref<1x128xi32, #tpu.memory_space<vmem>>
      %dma_start3A_138 = tpu.memref_squeeze %dma_start3A_137 : memref<1x128xi32, #tpu.memory_space<vmem>> -> memref<128xi32, #tpu.memory_space<vmem>>
      %dma_start3A_139 = arith.constant 0 : i32
      %dma_start3A_140 = arith.constant 0 : i32
      %dma_start3A_141 = tpu.memref_slice %arg11[%dma_start3A_139, %dma_start3A_140] : memref<10000x32xf32, #tpu.memory_space<vmem_shared>> -> memref<10000x32xf32, #tpu.memory_space<vmem_shared>>
      tpu.enqueue_indirect_dma source(%dma_start3A_141 : memref<10000x32xf32, #tpu.memory_space<vmem_shared>>) target(%dma_start3A_135 : memref<128x32xf32, #tpu.memory_space<vmem>>) offsets(%dma_start3A_138 : memref<128xi32, #tpu.memory_space<vmem>>) semaphore(%arg17 : memref<!tpu.dma_semaphore, #tpu.memory_space<semaphore_mem>>)
      %add3A_142 = arith.constant 6 : i32
      %add3A_143 = arith.addi %mul3A_64, %add3A_142 : i32
      %dma_start3A_144 = arith.constant 6 : i32
      %dma_start3A_145 = arith.constant 0 : i32
      %dma_start3A_146 = arith.constant 0 : i32
      %dma_start3A_147 = tpu.memref_slice %arg8[%dma_start3A_144, %dma_start3A_145, %dma_start3A_146] : memref<8x128x32xf32, #tpu.memory_space<vmem>> -> memref<1x128x32xf32, #tpu.memory_space<vmem>>
      %dma_start3A_148 = tpu.memref_squeeze %dma_start3A_147 : memref<1x128x32xf32, #tpu.memory_space<vmem>> -> memref<128x32xf32, #tpu.memory_space<vmem>>
      %dma_start3A_149 = arith.constant 0 : i32
      %dma_start3A_150 = tpu.memref_slice %arg6[%add3A_143, %dma_start3A_149] : memref<160x128xi32, #tpu.memory_space<vmem>> -> memref<1x128xi32, #tpu.memory_space<vmem>>
      %dma_start3A_151 = tpu.memref_squeeze %dma_start3A_150 : memref<1x128xi32, #tpu.memory_space<vmem>> -> memref<128xi32, #tpu.memory_space<vmem>>
      %dma_start3A_152 = arith.constant 0 : i32
      %dma_start3A_153 = arith.constant 0 : i32
      %dma_start3A_154 = tpu.memref_slice %arg11[%dma_start3A_152, %dma_start3A_153] : memref<10000x32xf32, #tpu.memory_space<vmem_shared>> -> memref<10000x32xf32, #tpu.memory_space<vmem_shared>>
      tpu.enqueue_indirect_dma source(%dma_start3A_154 : memref<10000x32xf32, #tpu.memory_space<vmem_shared>>) target(%dma_start3A_148 : memref<128x32xf32, #tpu.memory_space<vmem>>) offsets(%dma_start3A_151 : memref<128xi32, #tpu.memory_space<vmem>>) semaphore(%arg18 : memref<!tpu.dma_semaphore, #tpu.memory_space<semaphore_mem>>)
      %add3A_155 = arith.constant 7 : i32
      %add3A_156 = arith.addi %mul3A_64, %add3A_155 : i32
      %dma_start3A_157 = arith.constant 7 : i32
      %dma_start3A_158 = arith.constant 0 : i32
      %dma_start3A_159 = arith.constant 0 : i32
      %dma_start3A_160 = tpu.memref_slice %arg8[%dma_start3A_157, %dma_start3A_158, %dma_start3A_159] : memref<8x128x32xf32, #tpu.memory_space<vmem>> -> memref<1x128x32xf32, #tpu.memory_space<vmem>>
      %dma_start3A_161 = tpu.memref_squeeze %dma_start3A_160 : memref<1x128x32xf32, #tpu.memory_space<vmem>> -> memref<128x32xf32, #tpu.memory_space<vmem>>
      %dma_start3A_162 = arith.constant 0 : i32
      %dma_start3A_163 = tpu.memref_slice %arg6[%add3A_156, %dma_start3A_162] : memref<160x128xi32, #tpu.memory_space<vmem>> -> memref<1x128xi32, #tpu.memory_space<vmem>>
      %dma_start3A_164 = tpu.memref_squeeze %dma_start3A_163 : memref<1x128xi32, #tpu.memory_space<vmem>> -> memref<128xi32, #tpu.memory_space<vmem>>
      %dma_start3A_165 = arith.constant 0 : i32
      %dma_start3A_166 = arith.constant 0 : i32
      %dma_start3A_167 = tpu.memref_slice %arg11[%dma_start3A_165, %dma_start3A_166] : memref<10000x32xf32, #tpu.memory_space<vmem_shared>> -> memref<10000x32xf32, #tpu.memory_space<vmem_shared>>
      tpu.enqueue_indirect_dma source(%dma_start3A_167 : memref<10000x32xf32, #tpu.memory_space<vmem_shared>>) target(%dma_start3A_161 : memref<128x32xf32, #tpu.memory_space<vmem>>) offsets(%dma_start3A_164 : memref<128xi32, #tpu.memory_space<vmem>>) semaphore(%arg19 : memref<!tpu.dma_semaphore, #tpu.memory_space<semaphore_mem>>)
      %dma_wait3A = arith.constant 0 : i32
      %dma_wait3A_168 = arith.constant 0 : i32
      %dma_wait3A_169 = arith.constant 0 : i32
      %dma_wait3A_170 = tpu.memref_slice %arg8[%dma_wait3A, %dma_wait3A_168, %dma_wait3A_169] : memref<8x128x32xf32, #tpu.memory_space<vmem>> -> memref<1x128x32xf32, #tpu.memory_space<vmem>>
      %dma_wait3A_171 = tpu.memref_squeeze %dma_wait3A_170 : memref<1x128x32xf32, #tpu.memory_space<vmem>> -> memref<128x32xf32, #tpu.memory_space<vmem>>
      %dma_wait3A_172 = arith.constant 0 : i32
      %dma_wait3A_173 = tpu.memref_slice %arg6[%add3A_66, %dma_wait3A_172] : memref<160x128xi32, #tpu.memory_space<vmem>> -> memref<1x128xi32, #tpu.memory_space<vmem>>
      %dma_wait3A_174 = tpu.memref_squeeze %dma_wait3A_173 : memref<1x128xi32, #tpu.memory_space<vmem>> -> memref<128xi32, #tpu.memory_space<vmem>>
      %dma_wait3A_175 = arith.constant 0 : i32
      %dma_wait3A_176 = arith.constant 0 : i32
      %dma_wait3A_177 = tpu.memref_slice %arg11[%dma_wait3A_175, %dma_wait3A_176] : memref<10000x32xf32, #tpu.memory_space<vmem_shared>> -> memref<10000x32xf32, #tpu.memory_space<vmem_shared>>
      tpu.wait_indirect_dma semaphore(%arg12 : memref<!tpu.dma_semaphore, #tpu.memory_space<semaphore_mem>>) src(%dma_wait3A_177 : memref<10000x32xf32, #tpu.memory_space<vmem_shared>>) dst(%dma_wait3A_171 : memref<128x32xf32, #tpu.memory_space<vmem>>)
      %add3A_178 = arith.constant 0 : i32
      %add3A_179 = arith.addi %mul3A_64, %add3A_178 : i32
      %dma_start3A_180 = arith.constant 0 : i32
      %dma_start3A_181 = arith.constant 0 : i32
      %dma_start3A_182 = arith.constant 0 : i32
      %dma_start3A_183 = tpu.memref_slice %arg8[%dma_start3A_180, %dma_start3A_181, %dma_start3A_182] : memref<8x128x32xf32, #tpu.memory_space<vmem>> -> memref<1x128x32xf32, #tpu.memory_space<vmem>>
      %dma_start3A_184 = tpu.memref_squeeze %dma_start3A_183 : memref<1x128x32xf32, #tpu.memory_space<vmem>> -> memref<128x32xf32, #tpu.memory_space<vmem>>
      %dma_start3A_185 = arith.constant 0 : i32
      %dma_start3A_186 = tpu.memref_slice %arg7[%add3A_179, %dma_start3A_185] : memref<160x128xi32, #tpu.memory_space<vmem>> -> memref<1x128xi32, #tpu.memory_space<vmem>>
      %dma_start3A_187 = tpu.memref_squeeze %dma_start3A_186 : memref<1x128xi32, #tpu.memory_space<vmem>> -> memref<128xi32, #tpu.memory_space<vmem>>
      %dma_start3A_188 = arith.constant 0 : i32
      %dma_start3A_189 = arith.constant 0 : i32
      %dma_start3A_190 = tpu.memref_slice %arg10[%dma_start3A_188, %dma_start3A_189] : memref<10112x32xf32, #tpu.memory_space<vmem_shared>> -> memref<10112x32xf32, #tpu.memory_space<vmem_shared>>
      tpu.enqueue_indirect_dma source(%dma_start3A_184 : memref<128x32xf32, #tpu.memory_space<vmem>>) target(%dma_start3A_190 : memref<10112x32xf32, #tpu.memory_space<vmem_shared>>) offsets(%dma_start3A_187 : memref<128xi32, #tpu.memory_space<vmem>>) semaphore(%arg20 : memref<!tpu.dma_semaphore, #tpu.memory_space<semaphore_mem>>) {add = true}
      %dma_wait3A_191 = arith.constant 1 : i32
      %dma_wait3A_192 = arith.constant 0 : i32
      %dma_wait3A_193 = arith.constant 0 : i32
      %dma_wait3A_194 = tpu.memref_slice %arg8[%dma_wait3A_191, %dma_wait3A_192, %dma_wait3A_193] : memref<8x128x32xf32, #tpu.memory_space<vmem>> -> memref<1x128x32xf32, #tpu.memory_space<vmem>>
      %dma_wait3A_195 = tpu.memref_squeeze %dma_wait3A_194 : memref<1x128x32xf32, #tpu.memory_space<vmem>> -> memref<128x32xf32, #tpu.memory_space<vmem>>
      %dma_wait3A_196 = arith.constant 0 : i32
      %dma_wait3A_197 = tpu.memref_slice %arg6[%add3A_78, %dma_wait3A_196] : memref<160x128xi32, #tpu.memory_space<vmem>> -> memref<1x128xi32, #tpu.memory_space<vmem>>
      %dma_wait3A_198 = tpu.memref_squeeze %dma_wait3A_197 : memref<1x128xi32, #tpu.memory_space<vmem>> -> memref<128xi32, #tpu.memory_space<vmem>>
      %dma_wait3A_199 = arith.constant 0 : i32
      %dma_wait3A_200 = arith.constant 0 : i32
      %dma_wait3A_201 = tpu.memref_slice %arg11[%dma_wait3A_199, %dma_wait3A_200] : memref<10000x32xf32, #tpu.memory_space<vmem_shared>> -> memref<10000x32xf32, #tpu.memory_space<vmem_shared>>
      tpu.wait_indirect_dma semaphore(%arg13 : memref<!tpu.dma_semaphore, #tpu.memory_space<semaphore_mem>>) src(%dma_wait3A_201 : memref<10000x32xf32, #tpu.memory_space<vmem_shared>>) dst(%dma_wait3A_195 : memref<128x32xf32, #tpu.memory_space<vmem>>)
      %add3A_202 = arith.constant 1 : i32
      %add3A_203 = arith.addi %mul3A_64, %add3A_202 : i32
      %dma_start3A_204 = arith.constant 1 : i32
      %dma_start3A_205 = arith.constant 0 : i32
      %dma_start3A_206 = arith.constant 0 : i32
      %dma_start3A_207 = tpu.memref_slice %arg8[%dma_start3A_204, %dma_start3A_205, %dma_start3A_206] : memref<8x128x32xf32, #tpu.memory_space<vmem>> -> memref<1x128x32xf32, #tpu.memory_space<vmem>>
      %dma_start3A_208 = tpu.memref_squeeze %dma_start3A_207 : memref<1x128x32xf32, #tpu.memory_space<vmem>> -> memref<128x32xf32, #tpu.memory_space<vmem>>
      %dma_start3A_209 = arith.constant 0 : i32
      %dma_start3A_210 = tpu.memref_slice %arg7[%add3A_203, %dma_start3A_209] : memref<160x128xi32, #tpu.memory_space<vmem>> -> memref<1x128xi32, #tpu.memory_space<vmem>>
      %dma_start3A_211 = tpu.memref_squeeze %dma_start3A_210 : memref<1x128xi32, #tpu.memory_space<vmem>> -> memref<128xi32, #tpu.memory_space<vmem>>
      %dma_start3A_212 = arith.constant 0 : i32
      %dma_start3A_213 = arith.constant 0 : i32
      %dma_start3A_214 = tpu.memref_slice %arg10[%dma_start3A_212, %dma_start3A_213] : memref<10112x32xf32, #tpu.memory_space<vmem_shared>> -> memref<10112x32xf32, #tpu.memory_space<vmem_shared>>
      tpu.enqueue_indirect_dma source(%dma_start3A_208 : memref<128x32xf32, #tpu.memory_space<vmem>>) target(%dma_start3A_214 : memref<10112x32xf32, #tpu.memory_space<vmem_shared>>) offsets(%dma_start3A_211 : memref<128xi32, #tpu.memory_space<vmem>>) semaphore(%arg21 : memref<!tpu.dma_semaphore, #tpu.memory_space<semaphore_mem>>) {add = true}
      %dma_wait3A_215 = arith.constant 2 : i32
      %dma_wait3A_216 = arith.constant 0 : i32
      %dma_wait3A_217 = arith.constant 0 : i32
      %dma_wait3A_218 = tpu.memref_slice %arg8[%dma_wait3A_215, %dma_wait3A_216, %dma_wait3A_217] : memref<8x128x32xf32, #tpu.memory_space<vmem>> -> memref<1x128x32xf32, #tpu.memory_space<vmem>>
      %dma_wait3A_219 = tpu.memref_squeeze %dma_wait3A_218 : memref<1x128x32xf32, #tpu.memory_space<vmem>> -> memref<128x32xf32, #tpu.memory_space<vmem>>
      %dma_wait3A_220 = arith.constant 0 : i32
      %dma_wait3A_221 = tpu.memref_slice %arg6[%add3A_91, %dma_wait3A_220] : memref<160x128xi32, #tpu.memory_space<vmem>> -> memref<1x128xi32, #tpu.memory_space<vmem>>
      %dma_wait3A_222 = tpu.memref_squeeze %dma_wait3A_221 : memref<1x128xi32, #tpu.memory_space<vmem>> -> memref<128xi32, #tpu.memory_space<vmem>>
      %dma_wait3A_223 = arith.constant 0 : i32
      %dma_wait3A_224 = arith.constant 0 : i32
      %dma_wait3A_225 = tpu.memref_slice %arg11[%dma_wait3A_223, %dma_wait3A_224] : memref<10000x32xf32, #tpu.memory_space<vmem_shared>> -> memref<10000x32xf32, #tpu.memory_space<vmem_shared>>
      tpu.wait_indirect_dma semaphore(%arg14 : memref<!tpu.dma_semaphore, #tpu.memory_space<semaphore_mem>>) src(%dma_wait3A_225 : memref<10000x32xf32, #tpu.memory_space<vmem_shared>>) dst(%dma_wait3A_219 : memref<128x32xf32, #tpu.memory_space<vmem>>)
      %add3A_226 = arith.constant 2 : i32
      %add3A_227 = arith.addi %mul3A_64, %add3A_226 : i32
      %dma_start3A_228 = arith.constant 2 : i32
      %dma_start3A_229 = arith.constant 0 : i32
      %dma_start3A_230 = arith.constant 0 : i32
      %dma_start3A_231 = tpu.memref_slice %arg8[%dma_start3A_228, %dma_start3A_229, %dma_start3A_230] : memref<8x128x32xf32, #tpu.memory_space<vmem>> -> memref<1x128x32xf32, #tpu.memory_space<vmem>>
      %dma_start3A_232 = tpu.memref_squeeze %dma_start3A_231 : memref<1x128x32xf32, #tpu.memory_space<vmem>> -> memref<128x32xf32, #tpu.memory_space<vmem>>
      %dma_start3A_233 = arith.constant 0 : i32
      %dma_start3A_234 = tpu.memref_slice %arg7[%add3A_227, %dma_start3A_233] : memref<160x128xi32, #tpu.memory_space<vmem>> -> memref<1x128xi32, #tpu.memory_space<vmem>>
      %dma_start3A_235 = tpu.memref_squeeze %dma_start3A_234 : memref<1x128xi32, #tpu.memory_space<vmem>> -> memref<128xi32, #tpu.memory_space<vmem>>
      %dma_start3A_236 = arith.constant 0 : i32
      %dma_start3A_237 = arith.constant 0 : i32
      %dma_start3A_238 = tpu.memref_slice %arg10[%dma_start3A_236, %dma_start3A_237] : memref<10112x32xf32, #tpu.memory_space<vmem_shared>> -> memref<10112x32xf32, #tpu.memory_space<vmem_shared>>
      tpu.enqueue_indirect_dma source(%dma_start3A_232 : memref<128x32xf32, #tpu.memory_space<vmem>>) target(%dma_start3A_238 : memref<10112x32xf32, #tpu.memory_space<vmem_shared>>) offsets(%dma_start3A_235 : memref<128xi32, #tpu.memory_space<vmem>>) semaphore(%arg22 : memref<!tpu.dma_semaphore, #tpu.memory_space<semaphore_mem>>) {add = true}
      %dma_wait3A_239 = arith.constant 3 : i32
      %dma_wait3A_240 = arith.constant 0 : i32
      %dma_wait3A_241 = arith.constant 0 : i32
      %dma_wait3A_242 = tpu.memref_slice %arg8[%dma_wait3A_239, %dma_wait3A_240, %dma_wait3A_241] : memref<8x128x32xf32, #tpu.memory_space<vmem>> -> memref<1x128x32xf32, #tpu.memory_space<vmem>>
      %dma_wait3A_243 = tpu.memref_squeeze %dma_wait3A_242 : memref<1x128x32xf32, #tpu.memory_space<vmem>> -> memref<128x32xf32, #tpu.memory_space<vmem>>
      %dma_wait3A_244 = arith.constant 0 : i32
      %dma_wait3A_245 = tpu.memref_slice %arg6[%add3A_104, %dma_wait3A_244] : memref<160x128xi32, #tpu.memory_space<vmem>> -> memref<1x128xi32, #tpu.memory_space<vmem>>
      %dma_wait3A_246 = tpu.memref_squeeze %dma_wait3A_245 : memref<1x128xi32, #tpu.memory_space<vmem>> -> memref<128xi32, #tpu.memory_space<vmem>>
      %dma_wait3A_247 = arith.constant 0 : i32
      %dma_wait3A_248 = arith.constant 0 : i32
      %dma_wait3A_249 = tpu.memref_slice %arg11[%dma_wait3A_247, %dma_wait3A_248] : memref<10000x32xf32, #tpu.memory_space<vmem_shared>> -> memref<10000x32xf32, #tpu.memory_space<vmem_shared>>
      tpu.wait_indirect_dma semaphore(%arg15 : memref<!tpu.dma_semaphore, #tpu.memory_space<semaphore_mem>>) src(%dma_wait3A_249 : memref<10000x32xf32, #tpu.memory_space<vmem_shared>>) dst(%dma_wait3A_243 : memref<128x32xf32, #tpu.memory_space<vmem>>)
      %add3A_250 = arith.constant 3 : i32
      %add3A_251 = arith.addi %mul3A_64, %add3A_250 : i32
      %dma_start3A_252 = arith.constant 3 : i32
      %dma_start3A_253 = arith.constant 0 : i32
      %dma_start3A_254 = arith.constant 0 : i32
      %dma_start3A_255 = tpu.memref_slice %arg8[%dma_start3A_252, %dma_start3A_253, %dma_start3A_254] : memref<8x128x32xf32, #tpu.memory_space<vmem>> -> memref<1x128x32xf32, #tpu.memory_space<vmem>>
      %dma_start3A_256 = tpu.memref_squeeze %dma_start3A_255 : memref<1x128x32xf32, #tpu.memory_space<vmem>> -> memref<128x32xf32, #tpu.memory_space<vmem>>
      %dma_start3A_257 = arith.constant 0 : i32
      %dma_start3A_258 = tpu.memref_slice %arg7[%add3A_251, %dma_start3A_257] : memref<160x128xi32, #tpu.memory_space<vmem>> -> memref<1x128xi32, #tpu.memory_space<vmem>>
      %dma_start3A_259 = tpu.memref_squeeze %dma_start3A_258 : memref<1x128xi32, #tpu.memory_space<vmem>> -> memref<128xi32, #tpu.memory_space<vmem>>
      %dma_start3A_260 = arith.constant 0 : i32
      %dma_start3A_261 = arith.constant 0 : i32
      %dma_start3A_262 = tpu.memref_slice %arg10[%dma_start3A_260, %dma_start3A_261] : memref<10112x32xf32, #tpu.memory_space<vmem_shared>> -> memref<10112x32xf32, #tpu.memory_space<vmem_shared>>
      tpu.enqueue_indirect_dma source(%dma_start3A_256 : memref<128x32xf32, #tpu.memory_space<vmem>>) target(%dma_start3A_262 : memref<10112x32xf32, #tpu.memory_space<vmem_shared>>) offsets(%dma_start3A_259 : memref<128xi32, #tpu.memory_space<vmem>>) semaphore(%arg23 : memref<!tpu.dma_semaphore, #tpu.memory_space<semaphore_mem>>) {add = true}
      %dma_wait3A_263 = arith.constant 4 : i32
      %dma_wait3A_264 = arith.constant 0 : i32
      %dma_wait3A_265 = arith.constant 0 : i32
      %dma_wait3A_266 = tpu.memref_slice %arg8[%dma_wait3A_263, %dma_wait3A_264, %dma_wait3A_265] : memref<8x128x32xf32, #tpu.memory_space<vmem>> -> memref<1x128x32xf32, #tpu.memory_space<vmem>>
      %dma_wait3A_267 = tpu.memref_squeeze %dma_wait3A_266 : memref<1x128x32xf32, #tpu.memory_space<vmem>> -> memref<128x32xf32, #tpu.memory_space<vmem>>
      %dma_wait3A_268 = arith.constant 0 : i32
      %dma_wait3A_269 = tpu.memref_slice %arg6[%add3A_117, %dma_wait3A_268] : memref<160x128xi32, #tpu.memory_space<vmem>> -> memref<1x128xi32, #tpu.memory_space<vmem>>
      %dma_wait3A_270 = tpu.memref_squeeze %dma_wait3A_269 : memref<1x128xi32, #tpu.memory_space<vmem>> -> memref<128xi32, #tpu.memory_space<vmem>>
      %dma_wait3A_271 = arith.constant 0 : i32
      %dma_wait3A_272 = arith.constant 0 : i32
      %dma_wait3A_273 = tpu.memref_slice %arg11[%dma_wait3A_271, %dma_wait3A_272] : memref<10000x32xf32, #tpu.memory_space<vmem_shared>> -> memref<10000x32xf32, #tpu.memory_space<vmem_shared>>
      tpu.wait_indirect_dma semaphore(%arg16 : memref<!tpu.dma_semaphore, #tpu.memory_space<semaphore_mem>>) src(%dma_wait3A_273 : memref<10000x32xf32, #tpu.memory_space<vmem_shared>>) dst(%dma_wait3A_267 : memref<128x32xf32, #tpu.memory_space<vmem>>)
      %add3A_274 = arith.constant 4 : i32
      %add3A_275 = arith.addi %mul3A_64, %add3A_274 : i32
      %dma_start3A_276 = arith.constant 4 : i32
      %dma_start3A_277 = arith.constant 0 : i32
      %dma_start3A_278 = arith.constant 0 : i32
      %dma_start3A_279 = tpu.memref_slice %arg8[%dma_start3A_276, %dma_start3A_277, %dma_start3A_278] : memref<8x128x32xf32, #tpu.memory_space<vmem>> -> memref<1x128x32xf32, #tpu.memory_space<vmem>>
      %dma_start3A_280 = tpu.memref_squeeze %dma_start3A_279 : memref<1x128x32xf32, #tpu.memory_space<vmem>> -> memref<128x32xf32, #tpu.memory_space<vmem>>
      %dma_start3A_281 = arith.constant 0 : i32
      %dma_start3A_282 = tpu.memref_slice %arg7[%add3A_275, %dma_start3A_281] : memref<160x128xi32, #tpu.memory_space<vmem>> -> memref<1x128xi32, #tpu.memory_space<vmem>>
      %dma_start3A_283 = tpu.memref_squeeze %dma_start3A_282 : memref<1x128xi32, #tpu.memory_space<vmem>> -> memref<128xi32, #tpu.memory_space<vmem>>
      %dma_start3A_284 = arith.constant 0 : i32
      %dma_start3A_285 = arith.constant 0 : i32
      %dma_start3A_286 = tpu.memref_slice %arg10[%dma_start3A_284, %dma_start3A_285] : memref<10112x32xf32, #tpu.memory_space<vmem_shared>> -> memref<10112x32xf32, #tpu.memory_space<vmem_shared>>
      tpu.enqueue_indirect_dma source(%dma_start3A_280 : memref<128x32xf32, #tpu.memory_space<vmem>>) target(%dma_start3A_286 : memref<10112x32xf32, #tpu.memory_space<vmem_shared>>) offsets(%dma_start3A_283 : memref<128xi32, #tpu.memory_space<vmem>>) semaphore(%arg24 : memref<!tpu.dma_semaphore, #tpu.memory_space<semaphore_mem>>) {add = true}
      %dma_wait3A_287 = arith.constant 5 : i32
      %dma_wait3A_288 = arith.constant 0 : i32
      %dma_wait3A_289 = arith.constant 0 : i32
      %dma_wait3A_290 = tpu.memref_slice %arg8[%dma_wait3A_287, %dma_wait3A_288, %dma_wait3A_289] : memref<8x128x32xf32, #tpu.memory_space<vmem>> -> memref<1x128x32xf32, #tpu.memory_space<vmem>>
      %dma_wait3A_291 = tpu.memref_squeeze %dma_wait3A_290 : memref<1x128x32xf32, #tpu.memory_space<vmem>> -> memref<128x32xf32, #tpu.memory_space<vmem>>
      %dma_wait3A_292 = arith.constant 0 : i32
      %dma_wait3A_293 = tpu.memref_slice %arg6[%add3A_130, %dma_wait3A_292] : memref<160x128xi32, #tpu.memory_space<vmem>> -> memref<1x128xi32, #tpu.memory_space<vmem>>
      %dma_wait3A_294 = tpu.memref_squeeze %dma_wait3A_293 : memref<1x128xi32, #tpu.memory_space<vmem>> -> memref<128xi32, #tpu.memory_space<vmem>>
      %dma_wait3A_295 = arith.constant 0 : i32
      %dma_wait3A_296 = arith.constant 0 : i32
      %dma_wait3A_297 = tpu.memref_slice %arg11[%dma_wait3A_295, %dma_wait3A_296] : memref<10000x32xf32, #tpu.memory_space<vmem_shared>> -> memref<10000x32xf32, #tpu.memory_space<vmem_shared>>
      tpu.wait_indirect_dma semaphore(%arg17 : memref<!tpu.dma_semaphore, #tpu.memory_space<semaphore_mem>>) src(%dma_wait3A_297 : memref<10000x32xf32, #tpu.memory_space<vmem_shared>>) dst(%dma_wait3A_291 : memref<128x32xf32, #tpu.memory_space<vmem>>)
      %add3A_298 = arith.constant 5 : i32
      %add3A_299 = arith.addi %mul3A_64, %add3A_298 : i32
      %dma_start3A_300 = arith.constant 5 : i32
      %dma_start3A_301 = arith.constant 0 : i32
      %dma_start3A_302 = arith.constant 0 : i32
      %dma_start3A_303 = tpu.memref_slice %arg8[%dma_start3A_300, %dma_start3A_301, %dma_start3A_302] : memref<8x128x32xf32, #tpu.memory_space<vmem>> -> memref<1x128x32xf32, #tpu.memory_space<vmem>>
      %dma_start3A_304 = tpu.memref_squeeze %dma_start3A_303 : memref<1x128x32xf32, #tpu.memory_space<vmem>> -> memref<128x32xf32, #tpu.memory_space<vmem>>
      %dma_start3A_305 = arith.constant 0 : i32
      %dma_start3A_306 = tpu.memref_slice %arg7[%add3A_299, %dma_start3A_305] : memref<160x128xi32, #tpu.memory_space<vmem>> -> memref<1x128xi32, #tpu.memory_space<vmem>>
      %dma_start3A_307 = tpu.memref_squeeze %dma_start3A_306 : memref<1x128xi32, #tpu.memory_space<vmem>> -> memref<128xi32, #tpu.memory_space<vmem>>
      %dma_start3A_308 = arith.constant 0 : i32
      %dma_start3A_309 = arith.constant 0 : i32
      %dma_start3A_310 = tpu.memref_slice %arg10[%dma_start3A_308, %dma_start3A_309] : memref<10112x32xf32, #tpu.memory_space<vmem_shared>> -> memref<10112x32xf32, #tpu.memory_space<vmem_shared>>
      tpu.enqueue_indirect_dma source(%dma_start3A_304 : memref<128x32xf32, #tpu.memory_space<vmem>>) target(%dma_start3A_310 : memref<10112x32xf32, #tpu.memory_space<vmem_shared>>) offsets(%dma_start3A_307 : memref<128xi32, #tpu.memory_space<vmem>>) semaphore(%arg25 : memref<!tpu.dma_semaphore, #tpu.memory_space<semaphore_mem>>) {add = true}
      %dma_wait3A_311 = arith.constant 6 : i32
      %dma_wait3A_312 = arith.constant 0 : i32
      %dma_wait3A_313 = arith.constant 0 : i32
      %dma_wait3A_314 = tpu.memref_slice %arg8[%dma_wait3A_311, %dma_wait3A_312, %dma_wait3A_313] : memref<8x128x32xf32, #tpu.memory_space<vmem>> -> memref<1x128x32xf32, #tpu.memory_space<vmem>>
      %dma_wait3A_315 = tpu.memref_squeeze %dma_wait3A_314 : memref<1x128x32xf32, #tpu.memory_space<vmem>> -> memref<128x32xf32, #tpu.memory_space<vmem>>
      %dma_wait3A_316 = arith.constant 0 : i32
      %dma_wait3A_317 = tpu.memref_slice %arg6[%add3A_143, %dma_wait3A_316] : memref<160x128xi32, #tpu.memory_space<vmem>> -> memref<1x128xi32, #tpu.memory_space<vmem>>
      %dma_wait3A_318 = tpu.memref_squeeze %dma_wait3A_317 : memref<1x128xi32, #tpu.memory_space<vmem>> -> memref<128xi32, #tpu.memory_space<vmem>>
      %dma_wait3A_319 = arith.constant 0 : i32
      %dma_wait3A_320 = arith.constant 0 : i32
      %dma_wait3A_321 = tpu.memref_slice %arg11[%dma_wait3A_319, %dma_wait3A_320] : memref<10000x32xf32, #tpu.memory_space<vmem_shared>> -> memref<10000x32xf32, #tpu.memory_space<vmem_shared>>
      tpu.wait_indirect_dma semaphore(%arg18 : memref<!tpu.dma_semaphore, #tpu.memory_space<semaphore_mem>>) src(%dma_wait3A_321 : memref<10000x32xf32, #tpu.memory_space<vmem_shared>>) dst(%dma_wait3A_315 : memref<128x32xf32, #tpu.memory_space<vmem>>)
      %add3A_322 = arith.constant 6 : i32
      %add3A_323 = arith.addi %mul3A_64, %add3A_322 : i32
      %dma_start3A_324 = arith.constant 6 : i32
      %dma_start3A_325 = arith.constant 0 : i32
      %dma_start3A_326 = arith.constant 0 : i32
      %dma_start3A_327 = tpu.memref_slice %arg8[%dma_start3A_324, %dma_start3A_325, %dma_start3A_326] : memref<8x128x32xf32, #tpu.memory_space<vmem>> -> memref<1x128x32xf32, #tpu.memory_space<vmem>>
      %dma_start3A_328 = tpu.memref_squeeze %dma_start3A_327 : memref<1x128x32xf32, #tpu.memory_space<vmem>> -> memref<128x32xf32, #tpu.memory_space<vmem>>
      %dma_start3A_329 = arith.constant 0 : i32
      %dma_start3A_330 = tpu.memref_slice %arg7[%add3A_323, %dma_start3A_329] : memref<160x128xi32, #tpu.memory_space<vmem>> -> memref<1x128xi32, #tpu.memory_space<vmem>>
      %dma_start3A_331 = tpu.memref_squeeze %dma_start3A_330 : memref<1x128xi32, #tpu.memory_space<vmem>> -> memref<128xi32, #tpu.memory_space<vmem>>
      %dma_start3A_332 = arith.constant 0 : i32
      %dma_start3A_333 = arith.constant 0 : i32
      %dma_start3A_334 = tpu.memref_slice %arg10[%dma_start3A_332, %dma_start3A_333] : memref<10112x32xf32, #tpu.memory_space<vmem_shared>> -> memref<10112x32xf32, #tpu.memory_space<vmem_shared>>
      tpu.enqueue_indirect_dma source(%dma_start3A_328 : memref<128x32xf32, #tpu.memory_space<vmem>>) target(%dma_start3A_334 : memref<10112x32xf32, #tpu.memory_space<vmem_shared>>) offsets(%dma_start3A_331 : memref<128xi32, #tpu.memory_space<vmem>>) semaphore(%arg26 : memref<!tpu.dma_semaphore, #tpu.memory_space<semaphore_mem>>) {add = true}
      %dma_wait3A_335 = arith.constant 7 : i32
      %dma_wait3A_336 = arith.constant 0 : i32
      %dma_wait3A_337 = arith.constant 0 : i32
      %dma_wait3A_338 = tpu.memref_slice %arg8[%dma_wait3A_335, %dma_wait3A_336, %dma_wait3A_337] : memref<8x128x32xf32, #tpu.memory_space<vmem>> -> memref<1x128x32xf32, #tpu.memory_space<vmem>>
      %dma_wait3A_339 = tpu.memref_squeeze %dma_wait3A_338 : memref<1x128x32xf32, #tpu.memory_space<vmem>> -> memref<128x32xf32, #tpu.memory_space<vmem>>
      %dma_wait3A_340 = arith.constant 0 : i32
      %dma_wait3A_341 = tpu.memref_slice %arg6[%add3A_156, %dma_wait3A_340] : memref<160x128xi32, #tpu.memory_space<vmem>> -> memref<1x128xi32, #tpu.memory_space<vmem>>
      %dma_wait3A_342 = tpu.memref_squeeze %dma_wait3A_341 : memref<1x128xi32, #tpu.memory_space<vmem>> -> memref<128xi32, #tpu.memory_space<vmem>>
      %dma_wait3A_343 = arith.constant 0 : i32
      %dma_wait3A_344 = arith.constant 0 : i32
      %dma_wait3A_345 = tpu.memref_slice %arg11[%dma_wait3A_343, %dma_wait3A_344] : memref<10000x32xf32, #tpu.memory_space<vmem_shared>> -> memref<10000x32xf32, #tpu.memory_space<vmem_shared>>
      tpu.wait_indirect_dma semaphore(%arg19 : memref<!tpu.dma_semaphore, #tpu.memory_space<semaphore_mem>>) src(%dma_wait3A_345 : memref<10000x32xf32, #tpu.memory_space<vmem_shared>>) dst(%dma_wait3A_339 : memref<128x32xf32, #tpu.memory_space<vmem>>)
      %add3A_346 = arith.constant 7 : i32
      %add3A_347 = arith.addi %mul3A_64, %add3A_346 : i32
      %dma_start3A_348 = arith.constant 7 : i32
      %dma_start3A_349 = arith.constant 0 : i32
      %dma_start3A_350 = arith.constant 0 : i32
      %dma_start3A_351 = tpu.memref_slice %arg8[%dma_start3A_348, %dma_start3A_349, %dma_start3A_350] : memref<8x128x32xf32, #tpu.memory_space<vmem>> -> memref<1x128x32xf32, #tpu.memory_space<vmem>>
      %dma_start3A_352 = tpu.memref_squeeze %dma_start3A_351 : memref<1x128x32xf32, #tpu.memory_space<vmem>> -> memref<128x32xf32, #tpu.memory_space<vmem>>
      %dma_start3A_353 = arith.constant 0 : i32
      %dma_start3A_354 = tpu.memref_slice %arg7[%add3A_347, %dma_start3A_353] : memref<160x128xi32, #tpu.memory_space<vmem>> -> memref<1x128xi32, #tpu.memory_space<vmem>>
      %dma_start3A_355 = tpu.memref_squeeze %dma_start3A_354 : memref<1x128xi32, #tpu.memory_space<vmem>> -> memref<128xi32, #tpu.memory_space<vmem>>
      %dma_start3A_356 = arith.constant 0 : i32
      %dma_start3A_357 = arith.constant 0 : i32
      %dma_start3A_358 = tpu.memref_slice %arg10[%dma_start3A_356, %dma_start3A_357] : memref<10112x32xf32, #tpu.memory_space<vmem_shared>> -> memref<10112x32xf32, #tpu.memory_space<vmem_shared>>
      tpu.enqueue_indirect_dma source(%dma_start3A_352 : memref<128x32xf32, #tpu.memory_space<vmem>>) target(%dma_start3A_358 : memref<10112x32xf32, #tpu.memory_space<vmem_shared>>) offsets(%dma_start3A_355 : memref<128xi32, #tpu.memory_space<vmem>>) semaphore(%arg27 : memref<!tpu.dma_semaphore, #tpu.memory_space<semaphore_mem>>) {add = true}
      %dma_wait3A_359 = arith.constant 0 : i32
      %dma_wait3A_360 = arith.constant 0 : i32
      %dma_wait3A_361 = arith.constant 0 : i32
      %dma_wait3A_362 = tpu.memref_slice %arg8[%dma_wait3A_359, %dma_wait3A_360, %dma_wait3A_361] : memref<8x128x32xf32, #tpu.memory_space<vmem>> -> memref<1x128x32xf32, #tpu.memory_space<vmem>>
      %dma_wait3A_363 = tpu.memref_squeeze %dma_wait3A_362 : memref<1x128x32xf32, #tpu.memory_space<vmem>> -> memref<128x32xf32, #tpu.memory_space<vmem>>
      %dma_wait3A_364 = arith.constant 0 : i32
      %dma_wait3A_365 = tpu.memref_slice %arg7[%add3A_179, %dma_wait3A_364] : memref<160x128xi32, #tpu.memory_space<vmem>> -> memref<1x128xi32, #tpu.memory_space<vmem>>
      %dma_wait3A_366 = tpu.memref_squeeze %dma_wait3A_365 : memref<1x128xi32, #tpu.memory_space<vmem>> -> memref<128xi32, #tpu.memory_space<vmem>>
      %dma_wait3A_367 = arith.constant 0 : i32
      %dma_wait3A_368 = arith.constant 0 : i32
      %dma_wait3A_369 = tpu.memref_slice %arg10[%dma_wait3A_367, %dma_wait3A_368] : memref<10112x32xf32, #tpu.memory_space<vmem_shared>> -> memref<10112x32xf32, #tpu.memory_space<vmem_shared>>
      tpu.wait_indirect_dma semaphore(%arg20 : memref<!tpu.dma_semaphore, #tpu.memory_space<semaphore_mem>>) src(%dma_wait3A_363 : memref<128x32xf32, #tpu.memory_space<vmem>>) dst(%dma_wait3A_369 : memref<10112x32xf32, #tpu.memory_space<vmem_shared>>)
      %dma_wait3A_370 = arith.constant 1 : i32
      %dma_wait3A_371 = arith.constant 0 : i32
      %dma_wait3A_372 = arith.constant 0 : i32
      %dma_wait3A_373 = tpu.memref_slice %arg8[%dma_wait3A_370, %dma_wait3A_371, %dma_wait3A_372] : memref<8x128x32xf32, #tpu.memory_space<vmem>> -> memref<1x128x32xf32, #tpu.memory_space<vmem>>
      %dma_wait3A_374 = tpu.memref_squeeze %dma_wait3A_373 : memref<1x128x32xf32, #tpu.memory_space<vmem>> -> memref<128x32xf32, #tpu.memory_space<vmem>>
      %dma_wait3A_375 = arith.constant 0 : i32
      %dma_wait3A_376 = tpu.memref_slice %arg7[%add3A_203, %dma_wait3A_375] : memref<160x128xi32, #tpu.memory_space<vmem>> -> memref<1x128xi32, #tpu.memory_space<vmem>>
      %dma_wait3A_377 = tpu.memref_squeeze %dma_wait3A_376 : memref<1x128xi32, #tpu.memory_space<vmem>> -> memref<128xi32, #tpu.memory_space<vmem>>
      %dma_wait3A_378 = arith.constant 0 : i32
      %dma_wait3A_379 = arith.constant 0 : i32
      %dma_wait3A_380 = tpu.memref_slice %arg10[%dma_wait3A_378, %dma_wait3A_379] : memref<10112x32xf32, #tpu.memory_space<vmem_shared>> -> memref<10112x32xf32, #tpu.memory_space<vmem_shared>>
      tpu.wait_indirect_dma semaphore(%arg21 : memref<!tpu.dma_semaphore, #tpu.memory_space<semaphore_mem>>) src(%dma_wait3A_374 : memref<128x32xf32, #tpu.memory_space<vmem>>) dst(%dma_wait3A_380 : memref<10112x32xf32, #tpu.memory_space<vmem_shared>>)
      %dma_wait3A_381 = arith.constant 2 : i32
      %dma_wait3A_382 = arith.constant 0 : i32
      %dma_wait3A_383 = arith.constant 0 : i32
      %dma_wait3A_384 = tpu.memref_slice %arg8[%dma_wait3A_381, %dma_wait3A_382, %dma_wait3A_383] : memref<8x128x32xf32, #tpu.memory_space<vmem>> -> memref<1x128x32xf32, #tpu.memory_space<vmem>>
      %dma_wait3A_385 = tpu.memref_squeeze %dma_wait3A_384 : memref<1x128x32xf32, #tpu.memory_space<vmem>> -> memref<128x32xf32, #tpu.memory_space<vmem>>
      %dma_wait3A_386 = arith.constant 0 : i32
      %dma_wait3A_387 = tpu.memref_slice %arg7[%add3A_227, %dma_wait3A_386] : memref<160x128xi32, #tpu.memory_space<vmem>> -> memref<1x128xi32, #tpu.memory_space<vmem>>
      %dma_wait3A_388 = tpu.memref_squeeze %dma_wait3A_387 : memref<1x128xi32, #tpu.memory_space<vmem>> -> memref<128xi32, #tpu.memory_space<vmem>>
      %dma_wait3A_389 = arith.constant 0 : i32
      %dma_wait3A_390 = arith.constant 0 : i32
      %dma_wait3A_391 = tpu.memref_slice %arg10[%dma_wait3A_389, %dma_wait3A_390] : memref<10112x32xf32, #tpu.memory_space<vmem_shared>> -> memref<10112x32xf32, #tpu.memory_space<vmem_shared>>
      tpu.wait_indirect_dma semaphore(%arg22 : memref<!tpu.dma_semaphore, #tpu.memory_space<semaphore_mem>>) src(%dma_wait3A_385 : memref<128x32xf32, #tpu.memory_space<vmem>>) dst(%dma_wait3A_391 : memref<10112x32xf32, #tpu.memory_space<vmem_shared>>)
      %dma_wait3A_392 = arith.constant 3 : i32
      %dma_wait3A_393 = arith.constant 0 : i32
      %dma_wait3A_394 = arith.constant 0 : i32
      %dma_wait3A_395 = tpu.memref_slice %arg8[%dma_wait3A_392, %dma_wait3A_393, %dma_wait3A_394] : memref<8x128x32xf32, #tpu.memory_space<vmem>> -> memref<1x128x32xf32, #tpu.memory_space<vmem>>
      %dma_wait3A_396 = tpu.memref_squeeze %dma_wait3A_395 : memref<1x128x32xf32, #tpu.memory_space<vmem>> -> memref<128x32xf32, #tpu.memory_space<vmem>>
      %dma_wait3A_397 = arith.constant 0 : i32
      %dma_wait3A_398 = tpu.memref_slice %arg7[%add3A_251, %dma_wait3A_397] : memref<160x128xi32, #tpu.memory_space<vmem>> -> memref<1x128xi32, #tpu.memory_space<vmem>>
      %dma_wait3A_399 = tpu.memref_squeeze %dma_wait3A_398 : memref<1x128xi32, #tpu.memory_space<vmem>> -> memref<128xi32, #tpu.memory_space<vmem>>
      %dma_wait3A_400 = arith.constant 0 : i32
      %dma_wait3A_401 = arith.constant 0 : i32
      %dma_wait3A_402 = tpu.memref_slice %arg10[%dma_wait3A_400, %dma_wait3A_401] : memref<10112x32xf32, #tpu.memory_space<vmem_shared>> -> memref<10112x32xf32, #tpu.memory_space<vmem_shared>>
      tpu.wait_indirect_dma semaphore(%arg23 : memref<!tpu.dma_semaphore, #tpu.memory_space<semaphore_mem>>) src(%dma_wait3A_396 : memref<128x32xf32, #tpu.memory_space<vmem>>) dst(%dma_wait3A_402 : memref<10112x32xf32, #tpu.memory_space<vmem_shared>>)
      %dma_wait3A_403 = arith.constant 4 : i32
      %dma_wait3A_404 = arith.constant 0 : i32
      %dma_wait3A_405 = arith.constant 0 : i32
      %dma_wait3A_406 = tpu.memref_slice %arg8[%dma_wait3A_403, %dma_wait3A_404, %dma_wait3A_405] : memref<8x128x32xf32, #tpu.memory_space<vmem>> -> memref<1x128x32xf32, #tpu.memory_space<vmem>>
      %dma_wait3A_407 = tpu.memref_squeeze %dma_wait3A_406 : memref<1x128x32xf32, #tpu.memory_space<vmem>> -> memref<128x32xf32, #tpu.memory_space<vmem>>
      %dma_wait3A_408 = arith.constant 0 : i32
      %dma_wait3A_409 = tpu.memref_slice %arg7[%add3A_275, %dma_wait3A_408] : memref<160x128xi32, #tpu.memory_space<vmem>> -> memref<1x128xi32, #tpu.memory_space<vmem>>
      %dma_wait3A_410 = tpu.memref_squeeze %dma_wait3A_409 : memref<1x128xi32, #tpu.memory_space<vmem>> -> memref<128xi32, #tpu.memory_space<vmem>>
      %dma_wait3A_411 = arith.constant 0 : i32
      %dma_wait3A_412 = arith.constant 0 : i32
      %dma_wait3A_413 = tpu.memref_slice %arg10[%dma_wait3A_411, %dma_wait3A_412] : memref<10112x32xf32, #tpu.memory_space<vmem_shared>> -> memref<10112x32xf32, #tpu.memory_space<vmem_shared>>
      tpu.wait_indirect_dma semaphore(%arg24 : memref<!tpu.dma_semaphore, #tpu.memory_space<semaphore_mem>>) src(%dma_wait3A_407 : memref<128x32xf32, #tpu.memory_space<vmem>>) dst(%dma_wait3A_413 : memref<10112x32xf32, #tpu.memory_space<vmem_shared>>)
      %dma_wait3A_414 = arith.constant 5 : i32
      %dma_wait3A_415 = arith.constant 0 : i32
      %dma_wait3A_416 = arith.constant 0 : i32
      %dma_wait3A_417 = tpu.memref_slice %arg8[%dma_wait3A_414, %dma_wait3A_415, %dma_wait3A_416] : memref<8x128x32xf32, #tpu.memory_space<vmem>> -> memref<1x128x32xf32, #tpu.memory_space<vmem>>
      %dma_wait3A_418 = tpu.memref_squeeze %dma_wait3A_417 : memref<1x128x32xf32, #tpu.memory_space<vmem>> -> memref<128x32xf32, #tpu.memory_space<vmem>>
      %dma_wait3A_419 = arith.constant 0 : i32
      %dma_wait3A_420 = tpu.memref_slice %arg7[%add3A_299, %dma_wait3A_419] : memref<160x128xi32, #tpu.memory_space<vmem>> -> memref<1x128xi32, #tpu.memory_space<vmem>>
      %dma_wait3A_421 = tpu.memref_squeeze %dma_wait3A_420 : memref<1x128xi32, #tpu.memory_space<vmem>> -> memref<128xi32, #tpu.memory_space<vmem>>
      %dma_wait3A_422 = arith.constant 0 : i32
      %dma_wait3A_423 = arith.constant 0 : i32
      %dma_wait3A_424 = tpu.memref_slice %arg10[%dma_wait3A_422, %dma_wait3A_423] : memref<10112x32xf32, #tpu.memory_space<vmem_shared>> -> memref<10112x32xf32, #tpu.memory_space<vmem_shared>>
      tpu.wait_indirect_dma semaphore(%arg25 : memref<!tpu.dma_semaphore, #tpu.memory_space<semaphore_mem>>) src(%dma_wait3A_418 : memref<128x32xf32, #tpu.memory_space<vmem>>) dst(%dma_wait3A_424 : memref<10112x32xf32, #tpu.memory_space<vmem_shared>>)
      %dma_wait3A_425 = arith.constant 6 : i32
      %dma_wait3A_426 = arith.constant 0 : i32
      %dma_wait3A_427 = arith.constant 0 : i32
      %dma_wait3A_428 = tpu.memref_slice %arg8[%dma_wait3A_425, %dma_wait3A_426, %dma_wait3A_427] : memref<8x128x32xf32, #tpu.memory_space<vmem>> -> memref<1x128x32xf32, #tpu.memory_space<vmem>>
      %dma_wait3A_429 = tpu.memref_squeeze %dma_wait3A_428 : memref<1x128x32xf32, #tpu.memory_space<vmem>> -> memref<128x32xf32, #tpu.memory_space<vmem>>
      %dma_wait3A_430 = arith.constant 0 : i32
      %dma_wait3A_431 = tpu.memref_slice %arg7[%add3A_323, %dma_wait3A_430] : memref<160x128xi32, #tpu.memory_space<vmem>> -> memref<1x128xi32, #tpu.memory_space<vmem>>
      %dma_wait3A_432 = tpu.memref_squeeze %dma_wait3A_431 : memref<1x128xi32, #tpu.memory_space<vmem>> -> memref<128xi32, #tpu.memory_space<vmem>>
      %dma_wait3A_433 = arith.constant 0 : i32
      %dma_wait3A_434 = arith.constant 0 : i32
      %dma_wait3A_435 = tpu.memref_slice %arg10[%dma_wait3A_433, %dma_wait3A_434] : memref<10112x32xf32, #tpu.memory_space<vmem_shared>> -> memref<10112x32xf32, #tpu.memory_space<vmem_shared>>
      tpu.wait_indirect_dma semaphore(%arg26 : memref<!tpu.dma_semaphore, #tpu.memory_space<semaphore_mem>>) src(%dma_wait3A_429 : memref<128x32xf32, #tpu.memory_space<vmem>>) dst(%dma_wait3A_435 : memref<10112x32xf32, #tpu.memory_space<vmem_shared>>)
      %dma_wait3A_436 = arith.constant 7 : i32
      %dma_wait3A_437 = arith.constant 0 : i32
      %dma_wait3A_438 = arith.constant 0 : i32
      %dma_wait3A_439 = tpu.memref_slice %arg8[%dma_wait3A_436, %dma_wait3A_437, %dma_wait3A_438] : memref<8x128x32xf32, #tpu.memory_space<vmem>> -> memref<1x128x32xf32, #tpu.memory_space<vmem>>
      %dma_wait3A_440 = tpu.memref_squeeze %dma_wait3A_439 : memref<1x128x32xf32, #tpu.memory_space<vmem>> -> memref<128x32xf32, #tpu.memory_space<vmem>>
      %dma_wait3A_441 = arith.constant 0 : i32
      %dma_wait3A_442 = tpu.memref_slice %arg7[%add3A_347, %dma_wait3A_441] : memref<160x128xi32, #tpu.memory_space<vmem>> -> memref<1x128xi32, #tpu.memory_space<vmem>>
      %dma_wait3A_443 = tpu.memref_squeeze %dma_wait3A_442 : memref<1x128xi32, #tpu.memory_space<vmem>> -> memref<128xi32, #tpu.memory_space<vmem>>
      %dma_wait3A_444 = arith.constant 0 : i32
      %dma_wait3A_445 = arith.constant 0 : i32
      %dma_wait3A_446 = tpu.memref_slice %arg10[%dma_wait3A_444, %dma_wait3A_445] : memref<10112x32xf32, #tpu.memory_space<vmem_shared>> -> memref<10112x32xf32, #tpu.memory_space<vmem_shared>>
      tpu.wait_indirect_dma semaphore(%arg27 : memref<!tpu.dma_semaphore, #tpu.memory_space<semaphore_mem>>) src(%dma_wait3A_440 : memref<128x32xf32, #tpu.memory_space<vmem>>) dst(%dma_wait3A_446 : memref<10112x32xf32, #tpu.memory_space<vmem_shared>>)
      %scan3A_447 = arith.constant 0 : i32
      scf.yield %scan3A_447 : i32
    }
    %scan3A_30 = arith.constant 20 : i32
    %barrier3A_31 = arith.constant 0 : index
    tpu.barrier barrier_id(%barrier3A_31)
    "tpu.region"() ({
      %run_scoped3A = tpu.sem_alloc : memref<!tpu.dma_semaphore, #tpu.memory_space<semaphore_mem>>
      %dma_start3A = arith.constant 0 : i32
      %dma_start3A_61 = tpu.memref_slice %arg5[%add3A_9, %mul3A_0, %dma_start3A] : memref<4x10112x32xf32, #tpu.memory_space<hbm>> -> memref<1x632x32xf32, #tpu.memory_space<hbm>>
      %dma_start3A_62 = tpu.memref_squeeze %dma_start3A_61 : memref<1x632x32xf32, #tpu.memory_space<hbm>> -> memref<632x32xf32, #tpu.memory_space<hbm>>
      %dma_start3A_63 = arith.constant 0 : i32
      %dma_start3A_64 = tpu.memref_slice %arg10[%mul3A_0, %dma_start3A_63] : memref<10112x32xf32, #tpu.memory_space<vmem_shared>> -> memref<632x32xf32, #tpu.memory_space<vmem_shared>>
      tpu.enqueue_dma source(%dma_start3A_64 : memref<632x32xf32, #tpu.memory_space<vmem_shared>>) target(%dma_start3A_62 : memref<632x32xf32, #tpu.memory_space<hbm>>) target_semaphore(%run_scoped3A : memref<!tpu.dma_semaphore, #tpu.memory_space<semaphore_mem>>)
      %dma_wait3A = arith.constant 0 : i32
      %dma_wait3A_65 = tpu.memref_slice %arg5[%add3A_9, %mul3A_0, %dma_wait3A] : memref<4x10112x32xf32, #tpu.memory_space<hbm>> -> memref<1x632x32xf32, #tpu.memory_space<hbm>>
      %dma_wait3A_66 = tpu.memref_squeeze %dma_wait3A_65 : memref<1x632x32xf32, #tpu.memory_space<hbm>> -> memref<632x32xf32, #tpu.memory_space<hbm>>
      %dma_wait3A_67 = arith.constant 0 : i32
      %dma_wait3A_68 = tpu.memref_slice %arg10[%mul3A_0, %dma_wait3A_67] : memref<10112x32xf32, #tpu.memory_space<vmem_shared>> -> memref<632x32xf32, #tpu.memory_space<vmem_shared>>
      tpu.wait_dma2 semaphore(%run_scoped3A : memref<!tpu.dma_semaphore, #tpu.memory_space<semaphore_mem>>) src(%dma_wait3A_68 : memref<632x32xf32, #tpu.memory_space<vmem_shared>>) dst(%dma_wait3A_66 : memref<632x32xf32, #tpu.memory_space<hbm>>)
      tpu.yield
    }) : () -> ()
    %barrier3A_32 = arith.constant 0 : index
    tpu.barrier barrier_id(%barrier3A_32)
    %mul3A_33 = arith.constant 2 : i32
    %mul3A_34 = arith.muli %arg0, %mul3A_33 : i32
    %add3A_35 = arith.constant 1 : i32
    %add3A_36 = arith.addi %mul3A_34, %add3A_35 : i32
    %mul3A_37 = arith.constant 625 : i32
    %mul3A_38 = arith.muli %arg1, %mul3A_37 : i32
    %mul3A_39 = arith.constant 625 : i32
    %mul3A_40 = arith.muli %arg1, %mul3A_39 : i32
    "tpu.region"() ({
      %run_scoped3A = tpu.sem_alloc : memref<!tpu.dma_semaphore, #tpu.memory_space<semaphore_mem>>
      %dma_start3A = arith.constant 0 : i32
      %dma_start3A_61 = tpu.memref_slice %arg11[%mul3A_40, %dma_start3A] : memref<10000x32xf32, #tpu.memory_space<vmem_shared>> -> memref<625x32xf32, #tpu.memory_space<vmem_shared>>
      %dma_start3A_62 = arith.constant 0 : i32
      %dma_start3A_63 = tpu.memref_slice %arg2[%add3A_36, %mul3A_38, %dma_start3A_62] : memref<4x10000x32xf32, #tpu.memory_space<hbm>> -> memref<1x625x32xf32, #tpu.memory_space<hbm>>
      %dma_start3A_64 = tpu.memref_squeeze %dma_start3A_63 : memref<1x625x32xf32, #tpu.memory_space<hbm>> -> memref<625x32xf32, #tpu.memory_space<hbm>>
      tpu.enqueue_dma source(%dma_start3A_64 : memref<625x32xf32, #tpu.memory_space<hbm>>) target(%dma_start3A_61 : memref<625x32xf32, #tpu.memory_space<vmem_shared>>) target_semaphore(%run_scoped3A : memref<!tpu.dma_semaphore, #tpu.memory_space<semaphore_mem>>)
      %dma_wait3A = arith.constant 0 : i32
      %dma_wait3A_65 = tpu.memref_slice %arg11[%mul3A_40, %dma_wait3A] : memref<10000x32xf32, #tpu.memory_space<vmem_shared>> -> memref<625x32xf32, #tpu.memory_space<vmem_shared>>
      %dma_wait3A_66 = arith.constant 0 : i32
      %dma_wait3A_67 = tpu.memref_slice %arg2[%add3A_36, %mul3A_38, %dma_wait3A_66] : memref<4x10000x32xf32, #tpu.memory_space<hbm>> -> memref<1x625x32xf32, #tpu.memory_space<hbm>>
      %dma_wait3A_68 = tpu.memref_squeeze %dma_wait3A_67 : memref<1x625x32xf32, #tpu.memory_space<hbm>> -> memref<625x32xf32, #tpu.memory_space<hbm>>
      tpu.wait_dma2 semaphore(%run_scoped3A : memref<!tpu.dma_semaphore, #tpu.memory_space<semaphore_mem>>) src(%dma_wait3A_68 : memref<625x32xf32, #tpu.memory_space<hbm>>) dst(%dma_wait3A_65 : memref<625x32xf32, #tpu.memory_space<vmem_shared>>)
      tpu.yield
    }) : () -> ()
    %add3A_41 = arith.constant 0 : i32
    %add3A_42 = arith.addi %mul3A_0, %add3A_41 : i32
    "tpu.region"() ({
      %run_scoped3A = tpu.sem_alloc : memref<!tpu.dma_semaphore, #tpu.memory_space<semaphore_mem>>
      %dma_start3A = arith.constant 0 : i32
      %dma_start3A_61 = tpu.memref_slice %arg10[%add3A_42, %dma_start3A] : memref<10112x32xf32, #tpu.memory_space<vmem_shared>> -> memref<128x32xf32, #tpu.memory_space<vmem_shared>>
      %dma_start3A_62 = arith.constant 0 : i32
      %dma_start3A_63 = tpu.memref_slice %arg10[%add3A_42, %dma_start3A_62] : memref<10112x32xf32, #tpu.memory_space<vmem_shared>> -> memref<128x32xf32, #tpu.memory_space<vmem_shared>>
      tpu.enqueue_dma source(%arg9 : memref<128x32xf32, #tpu.memory_space<vmem>>) target(%dma_start3A_63 : memref<128x32xf32, #tpu.memory_space<vmem_shared>>) target_semaphore(%run_scoped3A : memref<!tpu.dma_semaphore, #tpu.memory_space<semaphore_mem>>)
      %dma_wait3A = arith.constant 0 : i32
      %dma_wait3A_64 = tpu.memref_slice %arg10[%add3A_42, %dma_wait3A] : memref<10112x32xf32, #tpu.memory_space<vmem_shared>> -> memref<128x32xf32, #tpu.memory_space<vmem_shared>>
      %dma_wait3A_65 = arith.constant 0 : i32
      %dma_wait3A_66 = tpu.memref_slice %arg10[%add3A_42, %dma_wait3A_65] : memref<10112x32xf32, #tpu.memory_space<vmem_shared>> -> memref<128x32xf32, #tpu.memory_space<vmem_shared>>
      tpu.wait_dma2 semaphore(%run_scoped3A : memref<!tpu.dma_semaphore, #tpu.memory_space<semaphore_mem>>) src(%arg9 : memref<128x32xf32, #tpu.memory_space<vmem>>) dst(%dma_wait3A_66 : memref<128x32xf32, #tpu.memory_space<vmem_shared>>)
      tpu.yield
    }) : () -> ()
    %add3A_43 = arith.constant 128 : i32
    %add3A_44 = arith.addi %mul3A_0, %add3A_43 : i32
    "tpu.region"() ({
      %run_scoped3A = tpu.sem_alloc : memref<!tpu.dma_semaphore, #tpu.memory_space<semaphore_mem>>
      %dma_start3A = arith.constant 0 : i32
      %dma_start3A_61 = tpu.memref_slice %arg10[%add3A_44, %dma_start3A] : memref<10112x32xf32, #tpu.memory_space<vmem_shared>> -> memref<128x32xf32, #tpu.memory_space<vmem_shared>>
      %dma_start3A_62 = arith.constant 0 : i32
      %dma_start3A_63 = tpu.memref_slice %arg10[%add3A_44, %dma_start3A_62] : memref<10112x32xf32, #tpu.memory_space<vmem_shared>> -> memref<128x32xf32, #tpu.memory_space<vmem_shared>>
      tpu.enqueue_dma source(%arg9 : memref<128x32xf32, #tpu.memory_space<vmem>>) target(%dma_start3A_63 : memref<128x32xf32, #tpu.memory_space<vmem_shared>>) target_semaphore(%run_scoped3A : memref<!tpu.dma_semaphore, #tpu.memory_space<semaphore_mem>>)
      %dma_wait3A = arith.constant 0 : i32
      %dma_wait3A_64 = tpu.memref_slice %arg10[%add3A_44, %dma_wait3A] : memref<10112x32xf32, #tpu.memory_space<vmem_shared>> -> memref<128x32xf32, #tpu.memory_space<vmem_shared>>
      %dma_wait3A_65 = arith.constant 0 : i32
      %dma_wait3A_66 = tpu.memref_slice %arg10[%add3A_44, %dma_wait3A_65] : memref<10112x32xf32, #tpu.memory_space<vmem_shared>> -> memref<128x32xf32, #tpu.memory_space<vmem_shared>>
      tpu.wait_dma2 semaphore(%run_scoped3A : memref<!tpu.dma_semaphore, #tpu.memory_space<semaphore_mem>>) src(%arg9 : memref<128x32xf32, #tpu.memory_space<vmem>>) dst(%dma_wait3A_66 : memref<128x32xf32, #tpu.memory_space<vmem_shared>>)
      tpu.yield
    }) : () -> ()
    %add3A_45 = arith.constant 256 : i32
    %add3A_46 = arith.addi %mul3A_0, %add3A_45 : i32
    "tpu.region"() ({
      %run_scoped3A = tpu.sem_alloc : memref<!tpu.dma_semaphore, #tpu.memory_space<semaphore_mem>>
      %dma_start3A = arith.constant 0 : i32
      %dma_start3A_61 = tpu.memref_slice %arg10[%add3A_46, %dma_start3A] : memref<10112x32xf32, #tpu.memory_space<vmem_shared>> -> memref<128x32xf32, #tpu.memory_space<vmem_shared>>
      %dma_start3A_62 = arith.constant 0 : i32
      %dma_start3A_63 = tpu.memref_slice %arg10[%add3A_46, %dma_start3A_62] : memref<10112x32xf32, #tpu.memory_space<vmem_shared>> -> memref<128x32xf32, #tpu.memory_space<vmem_shared>>
      tpu.enqueue_dma source(%arg9 : memref<128x32xf32, #tpu.memory_space<vmem>>) target(%dma_start3A_63 : memref<128x32xf32, #tpu.memory_space<vmem_shared>>) target_semaphore(%run_scoped3A : memref<!tpu.dma_semaphore, #tpu.memory_space<semaphore_mem>>)
      %dma_wait3A = arith.constant 0 : i32
      %dma_wait3A_64 = tpu.memref_slice %arg10[%add3A_46, %dma_wait3A] : memref<10112x32xf32, #tpu.memory_space<vmem_shared>> -> memref<128x32xf32, #tpu.memory_space<vmem_shared>>
      %dma_wait3A_65 = arith.constant 0 : i32
      %dma_wait3A_66 = tpu.memref_slice %arg10[%add3A_46, %dma_wait3A_65] : memref<10112x32xf32, #tpu.memory_space<vmem_shared>> -> memref<128x32xf32, #tpu.memory_space<vmem_shared>>
      tpu.wait_dma2 semaphore(%run_scoped3A : memref<!tpu.dma_semaphore, #tpu.memory_space<semaphore_mem>>) src(%arg9 : memref<128x32xf32, #tpu.memory_space<vmem>>) dst(%dma_wait3A_66 : memref<128x32xf32, #tpu.memory_space<vmem_shared>>)
      tpu.yield
    }) : () -> ()
    %add3A_47 = arith.constant 384 : i32
    %add3A_48 = arith.addi %mul3A_0, %add3A_47 : i32
    "tpu.region"() ({
      %run_scoped3A = tpu.sem_alloc : memref<!tpu.dma_semaphore, #tpu.memory_space<semaphore_mem>>
      %dma_start3A = arith.constant 0 : i32
      %dma_start3A_61 = tpu.memref_slice %arg10[%add3A_48, %dma_start3A] : memref<10112x32xf32, #tpu.memory_space<vmem_shared>> -> memref<128x32xf32, #tpu.memory_space<vmem_shared>>
      %dma_start3A_62 = arith.constant 0 : i32
      %dma_start3A_63 = tpu.memref_slice %arg10[%add3A_48, %dma_start3A_62] : memref<10112x32xf32, #tpu.memory_space<vmem_shared>> -> memref<128x32xf32, #tpu.memory_space<vmem_shared>>
      tpu.enqueue_dma source(%arg9 : memref<128x32xf32, #tpu.memory_space<vmem>>) target(%dma_start3A_63 : memref<128x32xf32, #tpu.memory_space<vmem_shared>>) target_semaphore(%run_scoped3A : memref<!tpu.dma_semaphore, #tpu.memory_space<semaphore_mem>>)
      %dma_wait3A = arith.constant 0 : i32
      %dma_wait3A_64 = tpu.memref_slice %arg10[%add3A_48, %dma_wait3A] : memref<10112x32xf32, #tpu.memory_space<vmem_shared>> -> memref<128x32xf32, #tpu.memory_space<vmem_shared>>
      %dma_wait3A_65 = arith.constant 0 : i32
      %dma_wait3A_66 = tpu.memref_slice %arg10[%add3A_48, %dma_wait3A_65] : memref<10112x32xf32, #tpu.memory_space<vmem_shared>> -> memref<128x32xf32, #tpu.memory_space<vmem_shared>>
      tpu.wait_dma2 semaphore(%run_scoped3A : memref<!tpu.dma_semaphore, #tpu.memory_space<semaphore_mem>>) src(%arg9 : memref<128x32xf32, #tpu.memory_space<vmem>>) dst(%dma_wait3A_66 : memref<128x32xf32, #tpu.memory_space<vmem_shared>>)
      tpu.yield
    }) : () -> ()
    %add3A_49 = arith.constant 512 : i32
    %add3A_50 = arith.addi %mul3A_0, %add3A_49 : i32
    "tpu.region"() ({
      %run_scoped3A = tpu.sem_alloc : memref<!tpu.dma_semaphore, #tpu.memory_space<semaphore_mem>>
      %dma_start3A = arith.constant 0 : i32
      %dma_start3A_61 = arith.constant 0 : i32
      %dma_start3A_62 = tpu.memref_slice %arg9[%dma_start3A, %dma_start3A_61] : memref<128x32xf32, #tpu.memory_space<vmem>> -> memref<120x32xf32, #tpu.memory_space<vmem>>
      %dma_start3A_63 = arith.constant 0 : i32
      %dma_start3A_64 = tpu.memref_slice %arg10[%add3A_50, %dma_start3A_63] : memref<10112x32xf32, #tpu.memory_space<vmem_shared>> -> memref<120x32xf32, #tpu.memory_space<vmem_shared>>
      %dma_start3A_65 = arith.constant 0 : i32
      %dma_start3A_66 = tpu.memref_slice %arg10[%add3A_50, %dma_start3A_65] : memref<10112x32xf32, #tpu.memory_space<vmem_shared>> -> memref<120x32xf32, #tpu.memory_space<vmem_shared>>
      %dma_start3A_67 = arith.constant 0 : i32
      %dma_start3A_68 = arith.constant 0 : i32
      %dma_start3A_69 = tpu.memref_slice %arg9[%dma_start3A_67, %dma_start3A_68] : memref<128x32xf32, #tpu.memory_space<vmem>> -> memref<120x32xf32, #tpu.memory_space<vmem>>
      tpu.enqueue_dma source(%dma_start3A_69 : memref<120x32xf32, #tpu.memory_space<vmem>>) target(%dma_start3A_66 : memref<120x32xf32, #tpu.memory_space<vmem_shared>>) target_semaphore(%run_scoped3A : memref<!tpu.dma_semaphore, #tpu.memory_space<semaphore_mem>>)
      %dma_wait3A = arith.constant 0 : i32
      %dma_wait3A_70 = arith.constant 0 : i32
      %dma_wait3A_71 = tpu.memref_slice %arg9[%dma_wait3A, %dma_wait3A_70] : memref<128x32xf32, #tpu.memory_space<vmem>> -> memref<120x32xf32, #tpu.memory_space<vmem>>
      %dma_wait3A_72 = arith.constant 0 : i32
      %dma_wait3A_73 = tpu.memref_slice %arg10[%add3A_50, %dma_wait3A_72] : memref<10112x32xf32, #tpu.memory_space<vmem_shared>> -> memref<120x32xf32, #tpu.memory_space<vmem_shared>>
      %dma_wait3A_74 = arith.constant 0 : i32
      %dma_wait3A_75 = tpu.memref_slice %arg10[%add3A_50, %dma_wait3A_74] : memref<10112x32xf32, #tpu.memory_space<vmem_shared>> -> memref<120x32xf32, #tpu.memory_space<vmem_shared>>
      %dma_wait3A_76 = arith.constant 0 : i32
      %dma_wait3A_77 = arith.constant 0 : i32
      %dma_wait3A_78 = tpu.memref_slice %arg9[%dma_wait3A_76, %dma_wait3A_77] : memref<128x32xf32, #tpu.memory_space<vmem>> -> memref<120x32xf32, #tpu.memory_space<vmem>>
      tpu.wait_dma2 semaphore(%run_scoped3A : memref<!tpu.dma_semaphore, #tpu.memory_space<semaphore_mem>>) src(%dma_wait3A_78 : memref<120x32xf32, #tpu.memory_space<vmem>>) dst(%dma_wait3A_75 : memref<120x32xf32, #tpu.memory_space<vmem_shared>>)
      tpu.yield
    }) : () -> ()
    %barrier3A_51 = arith.constant 0 : index
    tpu.barrier barrier_id(%barrier3A_51)
    %scan3A_52 = arith.constant 0 : i32
    %scan3A_53 = arith.constant 0 : i32
    %scan3A_54 = arith.constant 20 : i32
    %scan3A_55 = arith.addi %scan3A_53, %scan3A_54 : i32
    %scan3A_56 = arith.constant 1 : i32
    %scan3A_57 = scf.for %scan3A_61 = %scan3A_53 to %scan3A_55 step %scan3A_56 iter_args(%scan3A_62 = %scan3A_52) -> (i32)  : i32 {
      %mul3A_63 = arith.constant 8 : i32
      %mul3A_64 = arith.muli %scan3A_61, %mul3A_63 : i32
      %add3A_65 = arith.constant 0 : i32
      %add3A_66 = arith.addi %mul3A_64, %add3A_65 : i32
      %dma_start3A = arith.constant 0 : i32
      %dma_start3A_67 = arith.constant 0 : i32
      %dma_start3A_68 = arith.constant 0 : i32
      %dma_start3A_69 = tpu.memref_slice %arg8[%dma_start3A, %dma_start3A_67, %dma_start3A_68] : memref<8x128x32xf32, #tpu.memory_space<vmem>> -> memref<1x128x32xf32, #tpu.memory_space<vmem>>
      %dma_start3A_70 = tpu.memref_squeeze %dma_start3A_69 : memref<1x128x32xf32, #tpu.memory_space<vmem>> -> memref<128x32xf32, #tpu.memory_space<vmem>>
      %dma_start3A_71 = arith.constant 0 : i32
      %dma_start3A_72 = tpu.memref_slice %arg6[%add3A_66, %dma_start3A_71] : memref<160x128xi32, #tpu.memory_space<vmem>> -> memref<1x128xi32, #tpu.memory_space<vmem>>
      %dma_start3A_73 = tpu.memref_squeeze %dma_start3A_72 : memref<1x128xi32, #tpu.memory_space<vmem>> -> memref<128xi32, #tpu.memory_space<vmem>>
      %dma_start3A_74 = arith.constant 0 : i32
      %dma_start3A_75 = arith.constant 0 : i32
      %dma_start3A_76 = tpu.memref_slice %arg11[%dma_start3A_74, %dma_start3A_75] : memref<10000x32xf32, #tpu.memory_space<vmem_shared>> -> memref<10000x32xf32, #tpu.memory_space<vmem_shared>>
      tpu.enqueue_indirect_dma source(%dma_start3A_76 : memref<10000x32xf32, #tpu.memory_space<vmem_shared>>) target(%dma_start3A_70 : memref<128x32xf32, #tpu.memory_space<vmem>>) offsets(%dma_start3A_73 : memref<128xi32, #tpu.memory_space<vmem>>) semaphore(%arg12 : memref<!tpu.dma_semaphore, #tpu.memory_space<semaphore_mem>>)
      %add3A_77 = arith.constant 1 : i32
      %add3A_78 = arith.addi %mul3A_64, %add3A_77 : i32
      %dma_start3A_79 = arith.constant 1 : i32
      %dma_start3A_80 = arith.constant 0 : i32
      %dma_start3A_81 = arith.constant 0 : i32
      %dma_start3A_82 = tpu.memref_slice %arg8[%dma_start3A_79, %dma_start3A_80, %dma_start3A_81] : memref<8x128x32xf32, #tpu.memory_space<vmem>> -> memref<1x128x32xf32, #tpu.memory_space<vmem>>
      %dma_start3A_83 = tpu.memref_squeeze %dma_start3A_82 : memref<1x128x32xf32, #tpu.memory_space<vmem>> -> memref<128x32xf32, #tpu.memory_space<vmem>>
      %dma_start3A_84 = arith.constant 0 : i32
      %dma_start3A_85 = tpu.memref_slice %arg6[%add3A_78, %dma_start3A_84] : memref<160x128xi32, #tpu.memory_space<vmem>> -> memref<1x128xi32, #tpu.memory_space<vmem>>
      %dma_start3A_86 = tpu.memref_squeeze %dma_start3A_85 : memref<1x128xi32, #tpu.memory_space<vmem>> -> memref<128xi32, #tpu.memory_space<vmem>>
      %dma_start3A_87 = arith.constant 0 : i32
      %dma_start3A_88 = arith.constant 0 : i32
      %dma_start3A_89 = tpu.memref_slice %arg11[%dma_start3A_87, %dma_start3A_88] : memref<10000x32xf32, #tpu.memory_space<vmem_shared>> -> memref<10000x32xf32, #tpu.memory_space<vmem_shared>>
      tpu.enqueue_indirect_dma source(%dma_start3A_89 : memref<10000x32xf32, #tpu.memory_space<vmem_shared>>) target(%dma_start3A_83 : memref<128x32xf32, #tpu.memory_space<vmem>>) offsets(%dma_start3A_86 : memref<128xi32, #tpu.memory_space<vmem>>) semaphore(%arg13 : memref<!tpu.dma_semaphore, #tpu.memory_space<semaphore_mem>>)
      %add3A_90 = arith.constant 2 : i32
      %add3A_91 = arith.addi %mul3A_64, %add3A_90 : i32
      %dma_start3A_92 = arith.constant 2 : i32
      %dma_start3A_93 = arith.constant 0 : i32
      %dma_start3A_94 = arith.constant 0 : i32
      %dma_start3A_95 = tpu.memref_slice %arg8[%dma_start3A_92, %dma_start3A_93, %dma_start3A_94] : memref<8x128x32xf32, #tpu.memory_space<vmem>> -> memref<1x128x32xf32, #tpu.memory_space<vmem>>
      %dma_start3A_96 = tpu.memref_squeeze %dma_start3A_95 : memref<1x128x32xf32, #tpu.memory_space<vmem>> -> memref<128x32xf32, #tpu.memory_space<vmem>>
      %dma_start3A_97 = arith.constant 0 : i32
      %dma_start3A_98 = tpu.memref_slice %arg6[%add3A_91, %dma_start3A_97] : memref<160x128xi32, #tpu.memory_space<vmem>> -> memref<1x128xi32, #tpu.memory_space<vmem>>
      %dma_start3A_99 = tpu.memref_squeeze %dma_start3A_98 : memref<1x128xi32, #tpu.memory_space<vmem>> -> memref<128xi32, #tpu.memory_space<vmem>>
      %dma_start3A_100 = arith.constant 0 : i32
      %dma_start3A_101 = arith.constant 0 : i32
      %dma_start3A_102 = tpu.memref_slice %arg11[%dma_start3A_100, %dma_start3A_101] : memref<10000x32xf32, #tpu.memory_space<vmem_shared>> -> memref<10000x32xf32, #tpu.memory_space<vmem_shared>>
      tpu.enqueue_indirect_dma source(%dma_start3A_102 : memref<10000x32xf32, #tpu.memory_space<vmem_shared>>) target(%dma_start3A_96 : memref<128x32xf32, #tpu.memory_space<vmem>>) offsets(%dma_start3A_99 : memref<128xi32, #tpu.memory_space<vmem>>) semaphore(%arg14 : memref<!tpu.dma_semaphore, #tpu.memory_space<semaphore_mem>>)
      %add3A_103 = arith.constant 3 : i32
      %add3A_104 = arith.addi %mul3A_64, %add3A_103 : i32
      %dma_start3A_105 = arith.constant 3 : i32
      %dma_start3A_106 = arith.constant 0 : i32
      %dma_start3A_107 = arith.constant 0 : i32
      %dma_start3A_108 = tpu.memref_slice %arg8[%dma_start3A_105, %dma_start3A_106, %dma_start3A_107] : memref<8x128x32xf32, #tpu.memory_space<vmem>> -> memref<1x128x32xf32, #tpu.memory_space<vmem>>
      %dma_start3A_109 = tpu.memref_squeeze %dma_start3A_108 : memref<1x128x32xf32, #tpu.memory_space<vmem>> -> memref<128x32xf32, #tpu.memory_space<vmem>>
      %dma_start3A_110 = arith.constant 0 : i32
      %dma_start3A_111 = tpu.memref_slice %arg6[%add3A_104, %dma_start3A_110] : memref<160x128xi32, #tpu.memory_space<vmem>> -> memref<1x128xi32, #tpu.memory_space<vmem>>
      %dma_start3A_112 = tpu.memref_squeeze %dma_start3A_111 : memref<1x128xi32, #tpu.memory_space<vmem>> -> memref<128xi32, #tpu.memory_space<vmem>>
      %dma_start3A_113 = arith.constant 0 : i32
      %dma_start3A_114 = arith.constant 0 : i32
      %dma_start3A_115 = tpu.memref_slice %arg11[%dma_start3A_113, %dma_start3A_114] : memref<10000x32xf32, #tpu.memory_space<vmem_shared>> -> memref<10000x32xf32, #tpu.memory_space<vmem_shared>>
      tpu.enqueue_indirect_dma source(%dma_start3A_115 : memref<10000x32xf32, #tpu.memory_space<vmem_shared>>) target(%dma_start3A_109 : memref<128x32xf32, #tpu.memory_space<vmem>>) offsets(%dma_start3A_112 : memref<128xi32, #tpu.memory_space<vmem>>) semaphore(%arg15 : memref<!tpu.dma_semaphore, #tpu.memory_space<semaphore_mem>>)
      %add3A_116 = arith.constant 4 : i32
      %add3A_117 = arith.addi %mul3A_64, %add3A_116 : i32
      %dma_start3A_118 = arith.constant 4 : i32
      %dma_start3A_119 = arith.constant 0 : i32
      %dma_start3A_120 = arith.constant 0 : i32
      %dma_start3A_121 = tpu.memref_slice %arg8[%dma_start3A_118, %dma_start3A_119, %dma_start3A_120] : memref<8x128x32xf32, #tpu.memory_space<vmem>> -> memref<1x128x32xf32, #tpu.memory_space<vmem>>
      %dma_start3A_122 = tpu.memref_squeeze %dma_start3A_121 : memref<1x128x32xf32, #tpu.memory_space<vmem>> -> memref<128x32xf32, #tpu.memory_space<vmem>>
      %dma_start3A_123 = arith.constant 0 : i32
      %dma_start3A_124 = tpu.memref_slice %arg6[%add3A_117, %dma_start3A_123] : memref<160x128xi32, #tpu.memory_space<vmem>> -> memref<1x128xi32, #tpu.memory_space<vmem>>
      %dma_start3A_125 = tpu.memref_squeeze %dma_start3A_124 : memref<1x128xi32, #tpu.memory_space<vmem>> -> memref<128xi32, #tpu.memory_space<vmem>>
      %dma_start3A_126 = arith.constant 0 : i32
      %dma_start3A_127 = arith.constant 0 : i32
      %dma_start3A_128 = tpu.memref_slice %arg11[%dma_start3A_126, %dma_start3A_127] : memref<10000x32xf32, #tpu.memory_space<vmem_shared>> -> memref<10000x32xf32, #tpu.memory_space<vmem_shared>>
      tpu.enqueue_indirect_dma source(%dma_start3A_128 : memref<10000x32xf32, #tpu.memory_space<vmem_shared>>) target(%dma_start3A_122 : memref<128x32xf32, #tpu.memory_space<vmem>>) offsets(%dma_start3A_125 : memref<128xi32, #tpu.memory_space<vmem>>) semaphore(%arg16 : memref<!tpu.dma_semaphore, #tpu.memory_space<semaphore_mem>>)
      %add3A_129 = arith.constant 5 : i32
      %add3A_130 = arith.addi %mul3A_64, %add3A_129 : i32
      %dma_start3A_131 = arith.constant 5 : i32
      %dma_start3A_132 = arith.constant 0 : i32
      %dma_start3A_133 = arith.constant 0 : i32
      %dma_start3A_134 = tpu.memref_slice %arg8[%dma_start3A_131, %dma_start3A_132, %dma_start3A_133] : memref<8x128x32xf32, #tpu.memory_space<vmem>> -> memref<1x128x32xf32, #tpu.memory_space<vmem>>
      %dma_start3A_135 = tpu.memref_squeeze %dma_start3A_134 : memref<1x128x32xf32, #tpu.memory_space<vmem>> -> memref<128x32xf32, #tpu.memory_space<vmem>>
      %dma_start3A_136 = arith.constant 0 : i32
      %dma_start3A_137 = tpu.memref_slice %arg6[%add3A_130, %dma_start3A_136] : memref<160x128xi32, #tpu.memory_space<vmem>> -> memref<1x128xi32, #tpu.memory_space<vmem>>
      %dma_start3A_138 = tpu.memref_squeeze %dma_start3A_137 : memref<1x128xi32, #tpu.memory_space<vmem>> -> memref<128xi32, #tpu.memory_space<vmem>>
      %dma_start3A_139 = arith.constant 0 : i32
      %dma_start3A_140 = arith.constant 0 : i32
      %dma_start3A_141 = tpu.memref_slice %arg11[%dma_start3A_139, %dma_start3A_140] : memref<10000x32xf32, #tpu.memory_space<vmem_shared>> -> memref<10000x32xf32, #tpu.memory_space<vmem_shared>>
      tpu.enqueue_indirect_dma source(%dma_start3A_141 : memref<10000x32xf32, #tpu.memory_space<vmem_shared>>) target(%dma_start3A_135 : memref<128x32xf32, #tpu.memory_space<vmem>>) offsets(%dma_start3A_138 : memref<128xi32, #tpu.memory_space<vmem>>) semaphore(%arg17 : memref<!tpu.dma_semaphore, #tpu.memory_space<semaphore_mem>>)
      %add3A_142 = arith.constant 6 : i32
      %add3A_143 = arith.addi %mul3A_64, %add3A_142 : i32
      %dma_start3A_144 = arith.constant 6 : i32
      %dma_start3A_145 = arith.constant 0 : i32
      %dma_start3A_146 = arith.constant 0 : i32
      %dma_start3A_147 = tpu.memref_slice %arg8[%dma_start3A_144, %dma_start3A_145, %dma_start3A_146] : memref<8x128x32xf32, #tpu.memory_space<vmem>> -> memref<1x128x32xf32, #tpu.memory_space<vmem>>
      %dma_start3A_148 = tpu.memref_squeeze %dma_start3A_147 : memref<1x128x32xf32, #tpu.memory_space<vmem>> -> memref<128x32xf32, #tpu.memory_space<vmem>>
      %dma_start3A_149 = arith.constant 0 : i32
      %dma_start3A_150 = tpu.memref_slice %arg6[%add3A_143, %dma_start3A_149] : memref<160x128xi32, #tpu.memory_space<vmem>> -> memref<1x128xi32, #tpu.memory_space<vmem>>
      %dma_start3A_151 = tpu.memref_squeeze %dma_start3A_150 : memref<1x128xi32, #tpu.memory_space<vmem>> -> memref<128xi32, #tpu.memory_space<vmem>>
      %dma_start3A_152 = arith.constant 0 : i32
      %dma_start3A_153 = arith.constant 0 : i32
      %dma_start3A_154 = tpu.memref_slice %arg11[%dma_start3A_152, %dma_start3A_153] : memref<10000x32xf32, #tpu.memory_space<vmem_shared>> -> memref<10000x32xf32, #tpu.memory_space<vmem_shared>>
      tpu.enqueue_indirect_dma source(%dma_start3A_154 : memref<10000x32xf32, #tpu.memory_space<vmem_shared>>) target(%dma_start3A_148 : memref<128x32xf32, #tpu.memory_space<vmem>>) offsets(%dma_start3A_151 : memref<128xi32, #tpu.memory_space<vmem>>) semaphore(%arg18 : memref<!tpu.dma_semaphore, #tpu.memory_space<semaphore_mem>>)
      %add3A_155 = arith.constant 7 : i32
      %add3A_156 = arith.addi %mul3A_64, %add3A_155 : i32
      %dma_start3A_157 = arith.constant 7 : i32
      %dma_start3A_158 = arith.constant 0 : i32
      %dma_start3A_159 = arith.constant 0 : i32
      %dma_start3A_160 = tpu.memref_slice %arg8[%dma_start3A_157, %dma_start3A_158, %dma_start3A_159] : memref<8x128x32xf32, #tpu.memory_space<vmem>> -> memref<1x128x32xf32, #tpu.memory_space<vmem>>
      %dma_start3A_161 = tpu.memref_squeeze %dma_start3A_160 : memref<1x128x32xf32, #tpu.memory_space<vmem>> -> memref<128x32xf32, #tpu.memory_space<vmem>>
      %dma_start3A_162 = arith.constant 0 : i32
      %dma_start3A_163 = tpu.memref_slice %arg6[%add3A_156, %dma_start3A_162] : memref<160x128xi32, #tpu.memory_space<vmem>> -> memref<1x128xi32, #tpu.memory_space<vmem>>
      %dma_start3A_164 = tpu.memref_squeeze %dma_start3A_163 : memref<1x128xi32, #tpu.memory_space<vmem>> -> memref<128xi32, #tpu.memory_space<vmem>>
      %dma_start3A_165 = arith.constant 0 : i32
      %dma_start3A_166 = arith.constant 0 : i32
      %dma_start3A_167 = tpu.memref_slice %arg11[%dma_start3A_165, %dma_start3A_166] : memref<10000x32xf32, #tpu.memory_space<vmem_shared>> -> memref<10000x32xf32, #tpu.memory_space<vmem_shared>>
      tpu.enqueue_indirect_dma source(%dma_start3A_167 : memref<10000x32xf32, #tpu.memory_space<vmem_shared>>) target(%dma_start3A_161 : memref<128x32xf32, #tpu.memory_space<vmem>>) offsets(%dma_start3A_164 : memref<128xi32, #tpu.memory_space<vmem>>) semaphore(%arg19 : memref<!tpu.dma_semaphore, #tpu.memory_space<semaphore_mem>>)
      %dma_wait3A = arith.constant 0 : i32
      %dma_wait3A_168 = arith.constant 0 : i32
      %dma_wait3A_169 = arith.constant 0 : i32
      %dma_wait3A_170 = tpu.memref_slice %arg8[%dma_wait3A, %dma_wait3A_168, %dma_wait3A_169] : memref<8x128x32xf32, #tpu.memory_space<vmem>> -> memref<1x128x32xf32, #tpu.memory_space<vmem>>
      %dma_wait3A_171 = tpu.memref_squeeze %dma_wait3A_170 : memref<1x128x32xf32, #tpu.memory_space<vmem>> -> memref<128x32xf32, #tpu.memory_space<vmem>>
      %dma_wait3A_172 = arith.constant 0 : i32
      %dma_wait3A_173 = tpu.memref_slice %arg6[%add3A_66, %dma_wait3A_172] : memref<160x128xi32, #tpu.memory_space<vmem>> -> memref<1x128xi32, #tpu.memory_space<vmem>>
      %dma_wait3A_174 = tpu.memref_squeeze %dma_wait3A_173 : memref<1x128xi32, #tpu.memory_space<vmem>> -> memref<128xi32, #tpu.memory_space<vmem>>
      %dma_wait3A_175 = arith.constant 0 : i32
      %dma_wait3A_176 = arith.constant 0 : i32
      %dma_wait3A_177 = tpu.memref_slice %arg11[%dma_wait3A_175, %dma_wait3A_176] : memref<10000x32xf32, #tpu.memory_space<vmem_shared>> -> memref<10000x32xf32, #tpu.memory_space<vmem_shared>>
      tpu.wait_indirect_dma semaphore(%arg12 : memref<!tpu.dma_semaphore, #tpu.memory_space<semaphore_mem>>) src(%dma_wait3A_177 : memref<10000x32xf32, #tpu.memory_space<vmem_shared>>) dst(%dma_wait3A_171 : memref<128x32xf32, #tpu.memory_space<vmem>>)
      %add3A_178 = arith.constant 0 : i32
      %add3A_179 = arith.addi %mul3A_64, %add3A_178 : i32
      %dma_start3A_180 = arith.constant 0 : i32
      %dma_start3A_181 = arith.constant 0 : i32
      %dma_start3A_182 = arith.constant 0 : i32
      %dma_start3A_183 = tpu.memref_slice %arg8[%dma_start3A_180, %dma_start3A_181, %dma_start3A_182] : memref<8x128x32xf32, #tpu.memory_space<vmem>> -> memref<1x128x32xf32, #tpu.memory_space<vmem>>
      %dma_start3A_184 = tpu.memref_squeeze %dma_start3A_183 : memref<1x128x32xf32, #tpu.memory_space<vmem>> -> memref<128x32xf32, #tpu.memory_space<vmem>>
      %dma_start3A_185 = arith.constant 0 : i32
      %dma_start3A_186 = tpu.memref_slice %arg7[%add3A_179, %dma_start3A_185] : memref<160x128xi32, #tpu.memory_space<vmem>> -> memref<1x128xi32, #tpu.memory_space<vmem>>
      %dma_start3A_187 = tpu.memref_squeeze %dma_start3A_186 : memref<1x128xi32, #tpu.memory_space<vmem>> -> memref<128xi32, #tpu.memory_space<vmem>>
      %dma_start3A_188 = arith.constant 0 : i32
      %dma_start3A_189 = arith.constant 0 : i32
      %dma_start3A_190 = tpu.memref_slice %arg10[%dma_start3A_188, %dma_start3A_189] : memref<10112x32xf32, #tpu.memory_space<vmem_shared>> -> memref<10112x32xf32, #tpu.memory_space<vmem_shared>>
      tpu.enqueue_indirect_dma source(%dma_start3A_184 : memref<128x32xf32, #tpu.memory_space<vmem>>) target(%dma_start3A_190 : memref<10112x32xf32, #tpu.memory_space<vmem_shared>>) offsets(%dma_start3A_187 : memref<128xi32, #tpu.memory_space<vmem>>) semaphore(%arg20 : memref<!tpu.dma_semaphore, #tpu.memory_space<semaphore_mem>>) {add = true}
      %dma_wait3A_191 = arith.constant 1 : i32
      %dma_wait3A_192 = arith.constant 0 : i32
      %dma_wait3A_193 = arith.constant 0 : i32
      %dma_wait3A_194 = tpu.memref_slice %arg8[%dma_wait3A_191, %dma_wait3A_192, %dma_wait3A_193] : memref<8x128x32xf32, #tpu.memory_space<vmem>> -> memref<1x128x32xf32, #tpu.memory_space<vmem>>
      %dma_wait3A_195 = tpu.memref_squeeze %dma_wait3A_194 : memref<1x128x32xf32, #tpu.memory_space<vmem>> -> memref<128x32xf32, #tpu.memory_space<vmem>>
      %dma_wait3A_196 = arith.constant 0 : i32
      %dma_wait3A_197 = tpu.memref_slice %arg6[%add3A_78, %dma_wait3A_196] : memref<160x128xi32, #tpu.memory_space<vmem>> -> memref<1x128xi32, #tpu.memory_space<vmem>>
      %dma_wait3A_198 = tpu.memref_squeeze %dma_wait3A_197 : memref<1x128xi32, #tpu.memory_space<vmem>> -> memref<128xi32, #tpu.memory_space<vmem>>
      %dma_wait3A_199 = arith.constant 0 : i32
      %dma_wait3A_200 = arith.constant 0 : i32
      %dma_wait3A_201 = tpu.memref_slice %arg11[%dma_wait3A_199, %dma_wait3A_200] : memref<10000x32xf32, #tpu.memory_space<vmem_shared>> -> memref<10000x32xf32, #tpu.memory_space<vmem_shared>>
      tpu.wait_indirect_dma semaphore(%arg13 : memref<!tpu.dma_semaphore, #tpu.memory_space<semaphore_mem>>) src(%dma_wait3A_201 : memref<10000x32xf32, #tpu.memory_space<vmem_shared>>) dst(%dma_wait3A_195 : memref<128x32xf32, #tpu.memory_space<vmem>>)
      %add3A_202 = arith.constant 1 : i32
      %add3A_203 = arith.addi %mul3A_64, %add3A_202 : i32
      %dma_start3A_204 = arith.constant 1 : i32
      %dma_start3A_205 = arith.constant 0 : i32
      %dma_start3A_206 = arith.constant 0 : i32
      %dma_start3A_207 = tpu.memref_slice %arg8[%dma_start3A_204, %dma_start3A_205, %dma_start3A_206] : memref<8x128x32xf32, #tpu.memory_space<vmem>> -> memref<1x128x32xf32, #tpu.memory_space<vmem>>
      %dma_start3A_208 = tpu.memref_squeeze %dma_start3A_207 : memref<1x128x32xf32, #tpu.memory_space<vmem>> -> memref<128x32xf32, #tpu.memory_space<vmem>>
      %dma_start3A_209 = arith.constant 0 : i32
      %dma_start3A_210 = tpu.memref_slice %arg7[%add3A_203, %dma_start3A_209] : memref<160x128xi32, #tpu.memory_space<vmem>> -> memref<1x128xi32, #tpu.memory_space<vmem>>
      %dma_start3A_211 = tpu.memref_squeeze %dma_start3A_210 : memref<1x128xi32, #tpu.memory_space<vmem>> -> memref<128xi32, #tpu.memory_space<vmem>>
      %dma_start3A_212 = arith.constant 0 : i32
      %dma_start3A_213 = arith.constant 0 : i32
      %dma_start3A_214 = tpu.memref_slice %arg10[%dma_start3A_212, %dma_start3A_213] : memref<10112x32xf32, #tpu.memory_space<vmem_shared>> -> memref<10112x32xf32, #tpu.memory_space<vmem_shared>>
      tpu.enqueue_indirect_dma source(%dma_start3A_208 : memref<128x32xf32, #tpu.memory_space<vmem>>) target(%dma_start3A_214 : memref<10112x32xf32, #tpu.memory_space<vmem_shared>>) offsets(%dma_start3A_211 : memref<128xi32, #tpu.memory_space<vmem>>) semaphore(%arg21 : memref<!tpu.dma_semaphore, #tpu.memory_space<semaphore_mem>>) {add = true}
      %dma_wait3A_215 = arith.constant 2 : i32
      %dma_wait3A_216 = arith.constant 0 : i32
      %dma_wait3A_217 = arith.constant 0 : i32
      %dma_wait3A_218 = tpu.memref_slice %arg8[%dma_wait3A_215, %dma_wait3A_216, %dma_wait3A_217] : memref<8x128x32xf32, #tpu.memory_space<vmem>> -> memref<1x128x32xf32, #tpu.memory_space<vmem>>
      %dma_wait3A_219 = tpu.memref_squeeze %dma_wait3A_218 : memref<1x128x32xf32, #tpu.memory_space<vmem>> -> memref<128x32xf32, #tpu.memory_space<vmem>>
      %dma_wait3A_220 = arith.constant 0 : i32
      %dma_wait3A_221 = tpu.memref_slice %arg6[%add3A_91, %dma_wait3A_220] : memref<160x128xi32, #tpu.memory_space<vmem>> -> memref<1x128xi32, #tpu.memory_space<vmem>>
      %dma_wait3A_222 = tpu.memref_squeeze %dma_wait3A_221 : memref<1x128xi32, #tpu.memory_space<vmem>> -> memref<128xi32, #tpu.memory_space<vmem>>
      %dma_wait3A_223 = arith.constant 0 : i32
      %dma_wait3A_224 = arith.constant 0 : i32
      %dma_wait3A_225 = tpu.memref_slice %arg11[%dma_wait3A_223, %dma_wait3A_224] : memref<10000x32xf32, #tpu.memory_space<vmem_shared>> -> memref<10000x32xf32, #tpu.memory_space<vmem_shared>>
      tpu.wait_indirect_dma semaphore(%arg14 : memref<!tpu.dma_semaphore, #tpu.memory_space<semaphore_mem>>) src(%dma_wait3A_225 : memref<10000x32xf32, #tpu.memory_space<vmem_shared>>) dst(%dma_wait3A_219 : memref<128x32xf32, #tpu.memory_space<vmem>>)
      %add3A_226 = arith.constant 2 : i32
      %add3A_227 = arith.addi %mul3A_64, %add3A_226 : i32
      %dma_start3A_228 = arith.constant 2 : i32
      %dma_start3A_229 = arith.constant 0 : i32
      %dma_start3A_230 = arith.constant 0 : i32
      %dma_start3A_231 = tpu.memref_slice %arg8[%dma_start3A_228, %dma_start3A_229, %dma_start3A_230] : memref<8x128x32xf32, #tpu.memory_space<vmem>> -> memref<1x128x32xf32, #tpu.memory_space<vmem>>
      %dma_start3A_232 = tpu.memref_squeeze %dma_start3A_231 : memref<1x128x32xf32, #tpu.memory_space<vmem>> -> memref<128x32xf32, #tpu.memory_space<vmem>>
      %dma_start3A_233 = arith.constant 0 : i32
      %dma_start3A_234 = tpu.memref_slice %arg7[%add3A_227, %dma_start3A_233] : memref<160x128xi32, #tpu.memory_space<vmem>> -> memref<1x128xi32, #tpu.memory_space<vmem>>
      %dma_start3A_235 = tpu.memref_squeeze %dma_start3A_234 : memref<1x128xi32, #tpu.memory_space<vmem>> -> memref<128xi32, #tpu.memory_space<vmem>>
      %dma_start3A_236 = arith.constant 0 : i32
      %dma_start3A_237 = arith.constant 0 : i32
      %dma_start3A_238 = tpu.memref_slice %arg10[%dma_start3A_236, %dma_start3A_237] : memref<10112x32xf32, #tpu.memory_space<vmem_shared>> -> memref<10112x32xf32, #tpu.memory_space<vmem_shared>>
      tpu.enqueue_indirect_dma source(%dma_start3A_232 : memref<128x32xf32, #tpu.memory_space<vmem>>) target(%dma_start3A_238 : memref<10112x32xf32, #tpu.memory_space<vmem_shared>>) offsets(%dma_start3A_235 : memref<128xi32, #tpu.memory_space<vmem>>) semaphore(%arg22 : memref<!tpu.dma_semaphore, #tpu.memory_space<semaphore_mem>>) {add = true}
      %dma_wait3A_239 = arith.constant 3 : i32
      %dma_wait3A_240 = arith.constant 0 : i32
      %dma_wait3A_241 = arith.constant 0 : i32
      %dma_wait3A_242 = tpu.memref_slice %arg8[%dma_wait3A_239, %dma_wait3A_240, %dma_wait3A_241] : memref<8x128x32xf32, #tpu.memory_space<vmem>> -> memref<1x128x32xf32, #tpu.memory_space<vmem>>
      %dma_wait3A_243 = tpu.memref_squeeze %dma_wait3A_242 : memref<1x128x32xf32, #tpu.memory_space<vmem>> -> memref<128x32xf32, #tpu.memory_space<vmem>>
      %dma_wait3A_244 = arith.constant 0 : i32
      %dma_wait3A_245 = tpu.memref_slice %arg6[%add3A_104, %dma_wait3A_244] : memref<160x128xi32, #tpu.memory_space<vmem>> -> memref<1x128xi32, #tpu.memory_space<vmem>>
      %dma_wait3A_246 = tpu.memref_squeeze %dma_wait3A_245 : memref<1x128xi32, #tpu.memory_space<vmem>> -> memref<128xi32, #tpu.memory_space<vmem>>
      %dma_wait3A_247 = arith.constant 0 : i32
      %dma_wait3A_248 = arith.constant 0 : i32
      %dma_wait3A_249 = tpu.memref_slice %arg11[%dma_wait3A_247, %dma_wait3A_248] : memref<10000x32xf32, #tpu.memory_space<vmem_shared>> -> memref<10000x32xf32, #tpu.memory_space<vmem_shared>>
      tpu.wait_indirect_dma semaphore(%arg15 : memref<!tpu.dma_semaphore, #tpu.memory_space<semaphore_mem>>) src(%dma_wait3A_249 : memref<10000x32xf32, #tpu.memory_space<vmem_shared>>) dst(%dma_wait3A_243 : memref<128x32xf32, #tpu.memory_space<vmem>>)
      %add3A_250 = arith.constant 3 : i32
      %add3A_251 = arith.addi %mul3A_64, %add3A_250 : i32
      %dma_start3A_252 = arith.constant 3 : i32
      %dma_start3A_253 = arith.constant 0 : i32
      %dma_start3A_254 = arith.constant 0 : i32
      %dma_start3A_255 = tpu.memref_slice %arg8[%dma_start3A_252, %dma_start3A_253, %dma_start3A_254] : memref<8x128x32xf32, #tpu.memory_space<vmem>> -> memref<1x128x32xf32, #tpu.memory_space<vmem>>
      %dma_start3A_256 = tpu.memref_squeeze %dma_start3A_255 : memref<1x128x32xf32, #tpu.memory_space<vmem>> -> memref<128x32xf32, #tpu.memory_space<vmem>>
      %dma_start3A_257 = arith.constant 0 : i32
      %dma_start3A_258 = tpu.memref_slice %arg7[%add3A_251, %dma_start3A_257] : memref<160x128xi32, #tpu.memory_space<vmem>> -> memref<1x128xi32, #tpu.memory_space<vmem>>
      %dma_start3A_259 = tpu.memref_squeeze %dma_start3A_258 : memref<1x128xi32, #tpu.memory_space<vmem>> -> memref<128xi32, #tpu.memory_space<vmem>>
      %dma_start3A_260 = arith.constant 0 : i32
      %dma_start3A_261 = arith.constant 0 : i32
      %dma_start3A_262 = tpu.memref_slice %arg10[%dma_start3A_260, %dma_start3A_261] : memref<10112x32xf32, #tpu.memory_space<vmem_shared>> -> memref<10112x32xf32, #tpu.memory_space<vmem_shared>>
      tpu.enqueue_indirect_dma source(%dma_start3A_256 : memref<128x32xf32, #tpu.memory_space<vmem>>) target(%dma_start3A_262 : memref<10112x32xf32, #tpu.memory_space<vmem_shared>>) offsets(%dma_start3A_259 : memref<128xi32, #tpu.memory_space<vmem>>) semaphore(%arg23 : memref<!tpu.dma_semaphore, #tpu.memory_space<semaphore_mem>>) {add = true}
      %dma_wait3A_263 = arith.constant 4 : i32
      %dma_wait3A_264 = arith.constant 0 : i32
      %dma_wait3A_265 = arith.constant 0 : i32
      %dma_wait3A_266 = tpu.memref_slice %arg8[%dma_wait3A_263, %dma_wait3A_264, %dma_wait3A_265] : memref<8x128x32xf32, #tpu.memory_space<vmem>> -> memref<1x128x32xf32, #tpu.memory_space<vmem>>
      %dma_wait3A_267 = tpu.memref_squeeze %dma_wait3A_266 : memref<1x128x32xf32, #tpu.memory_space<vmem>> -> memref<128x32xf32, #tpu.memory_space<vmem>>
      %dma_wait3A_268 = arith.constant 0 : i32
      %dma_wait3A_269 = tpu.memref_slice %arg6[%add3A_117, %dma_wait3A_268] : memref<160x128xi32, #tpu.memory_space<vmem>> -> memref<1x128xi32, #tpu.memory_space<vmem>>
      %dma_wait3A_270 = tpu.memref_squeeze %dma_wait3A_269 : memref<1x128xi32, #tpu.memory_space<vmem>> -> memref<128xi32, #tpu.memory_space<vmem>>
      %dma_wait3A_271 = arith.constant 0 : i32
      %dma_wait3A_272 = arith.constant 0 : i32
      %dma_wait3A_273 = tpu.memref_slice %arg11[%dma_wait3A_271, %dma_wait3A_272] : memref<10000x32xf32, #tpu.memory_space<vmem_shared>> -> memref<10000x32xf32, #tpu.memory_space<vmem_shared>>
      tpu.wait_indirect_dma semaphore(%arg16 : memref<!tpu.dma_semaphore, #tpu.memory_space<semaphore_mem>>) src(%dma_wait3A_273 : memref<10000x32xf32, #tpu.memory_space<vmem_shared>>) dst(%dma_wait3A_267 : memref<128x32xf32, #tpu.memory_space<vmem>>)
      %add3A_274 = arith.constant 4 : i32
      %add3A_275 = arith.addi %mul3A_64, %add3A_274 : i32
      %dma_start3A_276 = arith.constant 4 : i32
      %dma_start3A_277 = arith.constant 0 : i32
      %dma_start3A_278 = arith.constant 0 : i32
      %dma_start3A_279 = tpu.memref_slice %arg8[%dma_start3A_276, %dma_start3A_277, %dma_start3A_278] : memref<8x128x32xf32, #tpu.memory_space<vmem>> -> memref<1x128x32xf32, #tpu.memory_space<vmem>>
      %dma_start3A_280 = tpu.memref_squeeze %dma_start3A_279 : memref<1x128x32xf32, #tpu.memory_space<vmem>> -> memref<128x32xf32, #tpu.memory_space<vmem>>
      %dma_start3A_281 = arith.constant 0 : i32
      %dma_start3A_282 = tpu.memref_slice %arg7[%add3A_275, %dma_start3A_281] : memref<160x128xi32, #tpu.memory_space<vmem>> -> memref<1x128xi32, #tpu.memory_space<vmem>>
      %dma_start3A_283 = tpu.memref_squeeze %dma_start3A_282 : memref<1x128xi32, #tpu.memory_space<vmem>> -> memref<128xi32, #tpu.memory_space<vmem>>
      %dma_start3A_284 = arith.constant 0 : i32
      %dma_start3A_285 = arith.constant 0 : i32
      %dma_start3A_286 = tpu.memref_slice %arg10[%dma_start3A_284, %dma_start3A_285] : memref<10112x32xf32, #tpu.memory_space<vmem_shared>> -> memref<10112x32xf32, #tpu.memory_space<vmem_shared>>
      tpu.enqueue_indirect_dma source(%dma_start3A_280 : memref<128x32xf32, #tpu.memory_space<vmem>>) target(%dma_start3A_286 : memref<10112x32xf32, #tpu.memory_space<vmem_shared>>) offsets(%dma_start3A_283 : memref<128xi32, #tpu.memory_space<vmem>>) semaphore(%arg24 : memref<!tpu.dma_semaphore, #tpu.memory_space<semaphore_mem>>) {add = true}
      %dma_wait3A_287 = arith.constant 5 : i32
      %dma_wait3A_288 = arith.constant 0 : i32
      %dma_wait3A_289 = arith.constant 0 : i32
      %dma_wait3A_290 = tpu.memref_slice %arg8[%dma_wait3A_287, %dma_wait3A_288, %dma_wait3A_289] : memref<8x128x32xf32, #tpu.memory_space<vmem>> -> memref<1x128x32xf32, #tpu.memory_space<vmem>>
      %dma_wait3A_291 = tpu.memref_squeeze %dma_wait3A_290 : memref<1x128x32xf32, #tpu.memory_space<vmem>> -> memref<128x32xf32, #tpu.memory_space<vmem>>
      %dma_wait3A_292 = arith.constant 0 : i32
      %dma_wait3A_293 = tpu.memref_slice %arg6[%add3A_130, %dma_wait3A_292] : memref<160x128xi32, #tpu.memory_space<vmem>> -> memref<1x128xi32, #tpu.memory_space<vmem>>
      %dma_wait3A_294 = tpu.memref_squeeze %dma_wait3A_293 : memref<1x128xi32, #tpu.memory_space<vmem>> -> memref<128xi32, #tpu.memory_space<vmem>>
      %dma_wait3A_295 = arith.constant 0 : i32
      %dma_wait3A_296 = arith.constant 0 : i32
      %dma_wait3A_297 = tpu.memref_slice %arg11[%dma_wait3A_295, %dma_wait3A_296] : memref<10000x32xf32, #tpu.memory_space<vmem_shared>> -> memref<10000x32xf32, #tpu.memory_space<vmem_shared>>
      tpu.wait_indirect_dma semaphore(%arg17 : memref<!tpu.dma_semaphore, #tpu.memory_space<semaphore_mem>>) src(%dma_wait3A_297 : memref<10000x32xf32, #tpu.memory_space<vmem_shared>>) dst(%dma_wait3A_291 : memref<128x32xf32, #tpu.memory_space<vmem>>)
      %add3A_298 = arith.constant 5 : i32
      %add3A_299 = arith.addi %mul3A_64, %add3A_298 : i32
      %dma_start3A_300 = arith.constant 5 : i32
      %dma_start3A_301 = arith.constant 0 : i32
      %dma_start3A_302 = arith.constant 0 : i32
      %dma_start3A_303 = tpu.memref_slice %arg8[%dma_start3A_300, %dma_start3A_301, %dma_start3A_302] : memref<8x128x32xf32, #tpu.memory_space<vmem>> -> memref<1x128x32xf32, #tpu.memory_space<vmem>>
      %dma_start3A_304 = tpu.memref_squeeze %dma_start3A_303 : memref<1x128x32xf32, #tpu.memory_space<vmem>> -> memref<128x32xf32, #tpu.memory_space<vmem>>
      %dma_start3A_305 = arith.constant 0 : i32
      %dma_start3A_306 = tpu.memref_slice %arg7[%add3A_299, %dma_start3A_305] : memref<160x128xi32, #tpu.memory_space<vmem>> -> memref<1x128xi32, #tpu.memory_space<vmem>>
      %dma_start3A_307 = tpu.memref_squeeze %dma_start3A_306 : memref<1x128xi32, #tpu.memory_space<vmem>> -> memref<128xi32, #tpu.memory_space<vmem>>
      %dma_start3A_308 = arith.constant 0 : i32
      %dma_start3A_309 = arith.constant 0 : i32
      %dma_start3A_310 = tpu.memref_slice %arg10[%dma_start3A_308, %dma_start3A_309] : memref<10112x32xf32, #tpu.memory_space<vmem_shared>> -> memref<10112x32xf32, #tpu.memory_space<vmem_shared>>
      tpu.enqueue_indirect_dma source(%dma_start3A_304 : memref<128x32xf32, #tpu.memory_space<vmem>>) target(%dma_start3A_310 : memref<10112x32xf32, #tpu.memory_space<vmem_shared>>) offsets(%dma_start3A_307 : memref<128xi32, #tpu.memory_space<vmem>>) semaphore(%arg25 : memref<!tpu.dma_semaphore, #tpu.memory_space<semaphore_mem>>) {add = true}
      %dma_wait3A_311 = arith.constant 6 : i32
      %dma_wait3A_312 = arith.constant 0 : i32
      %dma_wait3A_313 = arith.constant 0 : i32
      %dma_wait3A_314 = tpu.memref_slice %arg8[%dma_wait3A_311, %dma_wait3A_312, %dma_wait3A_313] : memref<8x128x32xf32, #tpu.memory_space<vmem>> -> memref<1x128x32xf32, #tpu.memory_space<vmem>>
      %dma_wait3A_315 = tpu.memref_squeeze %dma_wait3A_314 : memref<1x128x32xf32, #tpu.memory_space<vmem>> -> memref<128x32xf32, #tpu.memory_space<vmem>>
      %dma_wait3A_316 = arith.constant 0 : i32
      %dma_wait3A_317 = tpu.memref_slice %arg6[%add3A_143, %dma_wait3A_316] : memref<160x128xi32, #tpu.memory_space<vmem>> -> memref<1x128xi32, #tpu.memory_space<vmem>>
      %dma_wait3A_318 = tpu.memref_squeeze %dma_wait3A_317 : memref<1x128xi32, #tpu.memory_space<vmem>> -> memref<128xi32, #tpu.memory_space<vmem>>
      %dma_wait3A_319 = arith.constant 0 : i32
      %dma_wait3A_320 = arith.constant 0 : i32
      %dma_wait3A_321 = tpu.memref_slice %arg11[%dma_wait3A_319, %dma_wait3A_320] : memref<10000x32xf32, #tpu.memory_space<vmem_shared>> -> memref<10000x32xf32, #tpu.memory_space<vmem_shared>>
      tpu.wait_indirect_dma semaphore(%arg18 : memref<!tpu.dma_semaphore, #tpu.memory_space<semaphore_mem>>) src(%dma_wait3A_321 : memref<10000x32xf32, #tpu.memory_space<vmem_shared>>) dst(%dma_wait3A_315 : memref<128x32xf32, #tpu.memory_space<vmem>>)
      %add3A_322 = arith.constant 6 : i32
      %add3A_323 = arith.addi %mul3A_64, %add3A_322 : i32
      %dma_start3A_324 = arith.constant 6 : i32
      %dma_start3A_325 = arith.constant 0 : i32
      %dma_start3A_326 = arith.constant 0 : i32
      %dma_start3A_327 = tpu.memref_slice %arg8[%dma_start3A_324, %dma_start3A_325, %dma_start3A_326] : memref<8x128x32xf32, #tpu.memory_space<vmem>> -> memref<1x128x32xf32, #tpu.memory_space<vmem>>
      %dma_start3A_328 = tpu.memref_squeeze %dma_start3A_327 : memref<1x128x32xf32, #tpu.memory_space<vmem>> -> memref<128x32xf32, #tpu.memory_space<vmem>>
      %dma_start3A_329 = arith.constant 0 : i32
      %dma_start3A_330 = tpu.memref_slice %arg7[%add3A_323, %dma_start3A_329] : memref<160x128xi32, #tpu.memory_space<vmem>> -> memref<1x128xi32, #tpu.memory_space<vmem>>
      %dma_start3A_331 = tpu.memref_squeeze %dma_start3A_330 : memref<1x128xi32, #tpu.memory_space<vmem>> -> memref<128xi32, #tpu.memory_space<vmem>>
      %dma_start3A_332 = arith.constant 0 : i32
      %dma_start3A_333 = arith.constant 0 : i32
      %dma_start3A_334 = tpu.memref_slice %arg10[%dma_start3A_332, %dma_start3A_333] : memref<10112x32xf32, #tpu.memory_space<vmem_shared>> -> memref<10112x32xf32, #tpu.memory_space<vmem_shared>>
      tpu.enqueue_indirect_dma source(%dma_start3A_328 : memref<128x32xf32, #tpu.memory_space<vmem>>) target(%dma_start3A_334 : memref<10112x32xf32, #tpu.memory_space<vmem_shared>>) offsets(%dma_start3A_331 : memref<128xi32, #tpu.memory_space<vmem>>) semaphore(%arg26 : memref<!tpu.dma_semaphore, #tpu.memory_space<semaphore_mem>>) {add = true}
      %dma_wait3A_335 = arith.constant 7 : i32
      %dma_wait3A_336 = arith.constant 0 : i32
      %dma_wait3A_337 = arith.constant 0 : i32
      %dma_wait3A_338 = tpu.memref_slice %arg8[%dma_wait3A_335, %dma_wait3A_336, %dma_wait3A_337] : memref<8x128x32xf32, #tpu.memory_space<vmem>> -> memref<1x128x32xf32, #tpu.memory_space<vmem>>
      %dma_wait3A_339 = tpu.memref_squeeze %dma_wait3A_338 : memref<1x128x32xf32, #tpu.memory_space<vmem>> -> memref<128x32xf32, #tpu.memory_space<vmem>>
      %dma_wait3A_340 = arith.constant 0 : i32
      %dma_wait3A_341 = tpu.memref_slice %arg6[%add3A_156, %dma_wait3A_340] : memref<160x128xi32, #tpu.memory_space<vmem>> -> memref<1x128xi32, #tpu.memory_space<vmem>>
      %dma_wait3A_342 = tpu.memref_squeeze %dma_wait3A_341 : memref<1x128xi32, #tpu.memory_space<vmem>> -> memref<128xi32, #tpu.memory_space<vmem>>
      %dma_wait3A_343 = arith.constant 0 : i32
      %dma_wait3A_344 = arith.constant 0 : i32
      %dma_wait3A_345 = tpu.memref_slice %arg11[%dma_wait3A_343, %dma_wait3A_344] : memref<10000x32xf32, #tpu.memory_space<vmem_shared>> -> memref<10000x32xf32, #tpu.memory_space<vmem_shared>>
      tpu.wait_indirect_dma semaphore(%arg19 : memref<!tpu.dma_semaphore, #tpu.memory_space<semaphore_mem>>) src(%dma_wait3A_345 : memref<10000x32xf32, #tpu.memory_space<vmem_shared>>) dst(%dma_wait3A_339 : memref<128x32xf32, #tpu.memory_space<vmem>>)
      %add3A_346 = arith.constant 7 : i32
      %add3A_347 = arith.addi %mul3A_64, %add3A_346 : i32
      %dma_start3A_348 = arith.constant 7 : i32
      %dma_start3A_349 = arith.constant 0 : i32
      %dma_start3A_350 = arith.constant 0 : i32
      %dma_start3A_351 = tpu.memref_slice %arg8[%dma_start3A_348, %dma_start3A_349, %dma_start3A_350] : memref<8x128x32xf32, #tpu.memory_space<vmem>> -> memref<1x128x32xf32, #tpu.memory_space<vmem>>
      %dma_start3A_352 = tpu.memref_squeeze %dma_start3A_351 : memref<1x128x32xf32, #tpu.memory_space<vmem>> -> memref<128x32xf32, #tpu.memory_space<vmem>>
      %dma_start3A_353 = arith.constant 0 : i32
      %dma_start3A_354 = tpu.memref_slice %arg7[%add3A_347, %dma_start3A_353] : memref<160x128xi32, #tpu.memory_space<vmem>> -> memref<1x128xi32, #tpu.memory_space<vmem>>
      %dma_start3A_355 = tpu.memref_squeeze %dma_start3A_354 : memref<1x128xi32, #tpu.memory_space<vmem>> -> memref<128xi32, #tpu.memory_space<vmem>>
      %dma_start3A_356 = arith.constant 0 : i32
      %dma_start3A_357 = arith.constant 0 : i32
      %dma_start3A_358 = tpu.memref_slice %arg10[%dma_start3A_356, %dma_start3A_357] : memref<10112x32xf32, #tpu.memory_space<vmem_shared>> -> memref<10112x32xf32, #tpu.memory_space<vmem_shared>>
      tpu.enqueue_indirect_dma source(%dma_start3A_352 : memref<128x32xf32, #tpu.memory_space<vmem>>) target(%dma_start3A_358 : memref<10112x32xf32, #tpu.memory_space<vmem_shared>>) offsets(%dma_start3A_355 : memref<128xi32, #tpu.memory_space<vmem>>) semaphore(%arg27 : memref<!tpu.dma_semaphore, #tpu.memory_space<semaphore_mem>>) {add = true}
      %dma_wait3A_359 = arith.constant 0 : i32
      %dma_wait3A_360 = arith.constant 0 : i32
      %dma_wait3A_361 = arith.constant 0 : i32
      %dma_wait3A_362 = tpu.memref_slice %arg8[%dma_wait3A_359, %dma_wait3A_360, %dma_wait3A_361] : memref<8x128x32xf32, #tpu.memory_space<vmem>> -> memref<1x128x32xf32, #tpu.memory_space<vmem>>
      %dma_wait3A_363 = tpu.memref_squeeze %dma_wait3A_362 : memref<1x128x32xf32, #tpu.memory_space<vmem>> -> memref<128x32xf32, #tpu.memory_space<vmem>>
      %dma_wait3A_364 = arith.constant 0 : i32
      %dma_wait3A_365 = tpu.memref_slice %arg7[%add3A_179, %dma_wait3A_364] : memref<160x128xi32, #tpu.memory_space<vmem>> -> memref<1x128xi32, #tpu.memory_space<vmem>>
      %dma_wait3A_366 = tpu.memref_squeeze %dma_wait3A_365 : memref<1x128xi32, #tpu.memory_space<vmem>> -> memref<128xi32, #tpu.memory_space<vmem>>
      %dma_wait3A_367 = arith.constant 0 : i32
      %dma_wait3A_368 = arith.constant 0 : i32
      %dma_wait3A_369 = tpu.memref_slice %arg10[%dma_wait3A_367, %dma_wait3A_368] : memref<10112x32xf32, #tpu.memory_space<vmem_shared>> -> memref<10112x32xf32, #tpu.memory_space<vmem_shared>>
      tpu.wait_indirect_dma semaphore(%arg20 : memref<!tpu.dma_semaphore, #tpu.memory_space<semaphore_mem>>) src(%dma_wait3A_363 : memref<128x32xf32, #tpu.memory_space<vmem>>) dst(%dma_wait3A_369 : memref<10112x32xf32, #tpu.memory_space<vmem_shared>>)
      %dma_wait3A_370 = arith.constant 1 : i32
      %dma_wait3A_371 = arith.constant 0 : i32
      %dma_wait3A_372 = arith.constant 0 : i32
      %dma_wait3A_373 = tpu.memref_slice %arg8[%dma_wait3A_370, %dma_wait3A_371, %dma_wait3A_372] : memref<8x128x32xf32, #tpu.memory_space<vmem>> -> memref<1x128x32xf32, #tpu.memory_space<vmem>>
      %dma_wait3A_374 = tpu.memref_squeeze %dma_wait3A_373 : memref<1x128x32xf32, #tpu.memory_space<vmem>> -> memref<128x32xf32, #tpu.memory_space<vmem>>
      %dma_wait3A_375 = arith.constant 0 : i32
      %dma_wait3A_376 = tpu.memref_slice %arg7[%add3A_203, %dma_wait3A_375] : memref<160x128xi32, #tpu.memory_space<vmem>> -> memref<1x128xi32, #tpu.memory_space<vmem>>
      %dma_wait3A_377 = tpu.memref_squeeze %dma_wait3A_376 : memref<1x128xi32, #tpu.memory_space<vmem>> -> memref<128xi32, #tpu.memory_space<vmem>>
      %dma_wait3A_378 = arith.constant 0 : i32
      %dma_wait3A_379 = arith.constant 0 : i32
      %dma_wait3A_380 = tpu.memref_slice %arg10[%dma_wait3A_378, %dma_wait3A_379] : memref<10112x32xf32, #tpu.memory_space<vmem_shared>> -> memref<10112x32xf32, #tpu.memory_space<vmem_shared>>
      tpu.wait_indirect_dma semaphore(%arg21 : memref<!tpu.dma_semaphore, #tpu.memory_space<semaphore_mem>>) src(%dma_wait3A_374 : memref<128x32xf32, #tpu.memory_space<vmem>>) dst(%dma_wait3A_380 : memref<10112x32xf32, #tpu.memory_space<vmem_shared>>)
      %dma_wait3A_381 = arith.constant 2 : i32
      %dma_wait3A_382 = arith.constant 0 : i32
      %dma_wait3A_383 = arith.constant 0 : i32
      %dma_wait3A_384 = tpu.memref_slice %arg8[%dma_wait3A_381, %dma_wait3A_382, %dma_wait3A_383] : memref<8x128x32xf32, #tpu.memory_space<vmem>> -> memref<1x128x32xf32, #tpu.memory_space<vmem>>
      %dma_wait3A_385 = tpu.memref_squeeze %dma_wait3A_384 : memref<1x128x32xf32, #tpu.memory_space<vmem>> -> memref<128x32xf32, #tpu.memory_space<vmem>>
      %dma_wait3A_386 = arith.constant 0 : i32
      %dma_wait3A_387 = tpu.memref_slice %arg7[%add3A_227, %dma_wait3A_386] : memref<160x128xi32, #tpu.memory_space<vmem>> -> memref<1x128xi32, #tpu.memory_space<vmem>>
      %dma_wait3A_388 = tpu.memref_squeeze %dma_wait3A_387 : memref<1x128xi32, #tpu.memory_space<vmem>> -> memref<128xi32, #tpu.memory_space<vmem>>
      %dma_wait3A_389 = arith.constant 0 : i32
      %dma_wait3A_390 = arith.constant 0 : i32
      %dma_wait3A_391 = tpu.memref_slice %arg10[%dma_wait3A_389, %dma_wait3A_390] : memref<10112x32xf32, #tpu.memory_space<vmem_shared>> -> memref<10112x32xf32, #tpu.memory_space<vmem_shared>>
      tpu.wait_indirect_dma semaphore(%arg22 : memref<!tpu.dma_semaphore, #tpu.memory_space<semaphore_mem>>) src(%dma_wait3A_385 : memref<128x32xf32, #tpu.memory_space<vmem>>) dst(%dma_wait3A_391 : memref<10112x32xf32, #tpu.memory_space<vmem_shared>>)
      %dma_wait3A_392 = arith.constant 3 : i32
      %dma_wait3A_393 = arith.constant 0 : i32
      %dma_wait3A_394 = arith.constant 0 : i32
      %dma_wait3A_395 = tpu.memref_slice %arg8[%dma_wait3A_392, %dma_wait3A_393, %dma_wait3A_394] : memref<8x128x32xf32, #tpu.memory_space<vmem>> -> memref<1x128x32xf32, #tpu.memory_space<vmem>>
      %dma_wait3A_396 = tpu.memref_squeeze %dma_wait3A_395 : memref<1x128x32xf32, #tpu.memory_space<vmem>> -> memref<128x32xf32, #tpu.memory_space<vmem>>
      %dma_wait3A_397 = arith.constant 0 : i32
      %dma_wait3A_398 = tpu.memref_slice %arg7[%add3A_251, %dma_wait3A_397] : memref<160x128xi32, #tpu.memory_space<vmem>> -> memref<1x128xi32, #tpu.memory_space<vmem>>
      %dma_wait3A_399 = tpu.memref_squeeze %dma_wait3A_398 : memref<1x128xi32, #tpu.memory_space<vmem>> -> memref<128xi32, #tpu.memory_space<vmem>>
      %dma_wait3A_400 = arith.constant 0 : i32
      %dma_wait3A_401 = arith.constant 0 : i32
      %dma_wait3A_402 = tpu.memref_slice %arg10[%dma_wait3A_400, %dma_wait3A_401] : memref<10112x32xf32, #tpu.memory_space<vmem_shared>> -> memref<10112x32xf32, #tpu.memory_space<vmem_shared>>
      tpu.wait_indirect_dma semaphore(%arg23 : memref<!tpu.dma_semaphore, #tpu.memory_space<semaphore_mem>>) src(%dma_wait3A_396 : memref<128x32xf32, #tpu.memory_space<vmem>>) dst(%dma_wait3A_402 : memref<10112x32xf32, #tpu.memory_space<vmem_shared>>)
      %dma_wait3A_403 = arith.constant 4 : i32
      %dma_wait3A_404 = arith.constant 0 : i32
      %dma_wait3A_405 = arith.constant 0 : i32
      %dma_wait3A_406 = tpu.memref_slice %arg8[%dma_wait3A_403, %dma_wait3A_404, %dma_wait3A_405] : memref<8x128x32xf32, #tpu.memory_space<vmem>> -> memref<1x128x32xf32, #tpu.memory_space<vmem>>
      %dma_wait3A_407 = tpu.memref_squeeze %dma_wait3A_406 : memref<1x128x32xf32, #tpu.memory_space<vmem>> -> memref<128x32xf32, #tpu.memory_space<vmem>>
      %dma_wait3A_408 = arith.constant 0 : i32
      %dma_wait3A_409 = tpu.memref_slice %arg7[%add3A_275, %dma_wait3A_408] : memref<160x128xi32, #tpu.memory_space<vmem>> -> memref<1x128xi32, #tpu.memory_space<vmem>>
      %dma_wait3A_410 = tpu.memref_squeeze %dma_wait3A_409 : memref<1x128xi32, #tpu.memory_space<vmem>> -> memref<128xi32, #tpu.memory_space<vmem>>
      %dma_wait3A_411 = arith.constant 0 : i32
      %dma_wait3A_412 = arith.constant 0 : i32
      %dma_wait3A_413 = tpu.memref_slice %arg10[%dma_wait3A_411, %dma_wait3A_412] : memref<10112x32xf32, #tpu.memory_space<vmem_shared>> -> memref<10112x32xf32, #tpu.memory_space<vmem_shared>>
      tpu.wait_indirect_dma semaphore(%arg24 : memref<!tpu.dma_semaphore, #tpu.memory_space<semaphore_mem>>) src(%dma_wait3A_407 : memref<128x32xf32, #tpu.memory_space<vmem>>) dst(%dma_wait3A_413 : memref<10112x32xf32, #tpu.memory_space<vmem_shared>>)
      %dma_wait3A_414 = arith.constant 5 : i32
      %dma_wait3A_415 = arith.constant 0 : i32
      %dma_wait3A_416 = arith.constant 0 : i32
      %dma_wait3A_417 = tpu.memref_slice %arg8[%dma_wait3A_414, %dma_wait3A_415, %dma_wait3A_416] : memref<8x128x32xf32, #tpu.memory_space<vmem>> -> memref<1x128x32xf32, #tpu.memory_space<vmem>>
      %dma_wait3A_418 = tpu.memref_squeeze %dma_wait3A_417 : memref<1x128x32xf32, #tpu.memory_space<vmem>> -> memref<128x32xf32, #tpu.memory_space<vmem>>
      %dma_wait3A_419 = arith.constant 0 : i32
      %dma_wait3A_420 = tpu.memref_slice %arg7[%add3A_299, %dma_wait3A_419] : memref<160x128xi32, #tpu.memory_space<vmem>> -> memref<1x128xi32, #tpu.memory_space<vmem>>
      %dma_wait3A_421 = tpu.memref_squeeze %dma_wait3A_420 : memref<1x128xi32, #tpu.memory_space<vmem>> -> memref<128xi32, #tpu.memory_space<vmem>>
      %dma_wait3A_422 = arith.constant 0 : i32
      %dma_wait3A_423 = arith.constant 0 : i32
      %dma_wait3A_424 = tpu.memref_slice %arg10[%dma_wait3A_422, %dma_wait3A_423] : memref<10112x32xf32, #tpu.memory_space<vmem_shared>> -> memref<10112x32xf32, #tpu.memory_space<vmem_shared>>
      tpu.wait_indirect_dma semaphore(%arg25 : memref<!tpu.dma_semaphore, #tpu.memory_space<semaphore_mem>>) src(%dma_wait3A_418 : memref<128x32xf32, #tpu.memory_space<vmem>>) dst(%dma_wait3A_424 : memref<10112x32xf32, #tpu.memory_space<vmem_shared>>)
      %dma_wait3A_425 = arith.constant 6 : i32
      %dma_wait3A_426 = arith.constant 0 : i32
      %dma_wait3A_427 = arith.constant 0 : i32
      %dma_wait3A_428 = tpu.memref_slice %arg8[%dma_wait3A_425, %dma_wait3A_426, %dma_wait3A_427] : memref<8x128x32xf32, #tpu.memory_space<vmem>> -> memref<1x128x32xf32, #tpu.memory_space<vmem>>
      %dma_wait3A_429 = tpu.memref_squeeze %dma_wait3A_428 : memref<1x128x32xf32, #tpu.memory_space<vmem>> -> memref<128x32xf32, #tpu.memory_space<vmem>>
      %dma_wait3A_430 = arith.constant 0 : i32
      %dma_wait3A_431 = tpu.memref_slice %arg7[%add3A_323, %dma_wait3A_430] : memref<160x128xi32, #tpu.memory_space<vmem>> -> memref<1x128xi32, #tpu.memory_space<vmem>>
      %dma_wait3A_432 = tpu.memref_squeeze %dma_wait3A_431 : memref<1x128xi32, #tpu.memory_space<vmem>> -> memref<128xi32, #tpu.memory_space<vmem>>
      %dma_wait3A_433 = arith.constant 0 : i32
      %dma_wait3A_434 = arith.constant 0 : i32
      %dma_wait3A_435 = tpu.memref_slice %arg10[%dma_wait3A_433, %dma_wait3A_434] : memref<10112x32xf32, #tpu.memory_space<vmem_shared>> -> memref<10112x32xf32, #tpu.memory_space<vmem_shared>>
      tpu.wait_indirect_dma semaphore(%arg26 : memref<!tpu.dma_semaphore, #tpu.memory_space<semaphore_mem>>) src(%dma_wait3A_429 : memref<128x32xf32, #tpu.memory_space<vmem>>) dst(%dma_wait3A_435 : memref<10112x32xf32, #tpu.memory_space<vmem_shared>>)
      %dma_wait3A_436 = arith.constant 7 : i32
      %dma_wait3A_437 = arith.constant 0 : i32
      %dma_wait3A_438 = arith.constant 0 : i32
      %dma_wait3A_439 = tpu.memref_slice %arg8[%dma_wait3A_436, %dma_wait3A_437, %dma_wait3A_438] : memref<8x128x32xf32, #tpu.memory_space<vmem>> -> memref<1x128x32xf32, #tpu.memory_space<vmem>>
      %dma_wait3A_440 = tpu.memref_squeeze %dma_wait3A_439 : memref<1x128x32xf32, #tpu.memory_space<vmem>> -> memref<128x32xf32, #tpu.memory_space<vmem>>
      %dma_wait3A_441 = arith.constant 0 : i32
      %dma_wait3A_442 = tpu.memref_slice %arg7[%add3A_347, %dma_wait3A_441] : memref<160x128xi32, #tpu.memory_space<vmem>> -> memref<1x128xi32, #tpu.memory_space<vmem>>
      %dma_wait3A_443 = tpu.memref_squeeze %dma_wait3A_442 : memref<1x128xi32, #tpu.memory_space<vmem>> -> memref<128xi32, #tpu.memory_space<vmem>>
      %dma_wait3A_444 = arith.constant 0 : i32
      %dma_wait3A_445 = arith.constant 0 : i32
      %dma_wait3A_446 = tpu.memref_slice %arg10[%dma_wait3A_444, %dma_wait3A_445] : memref<10112x32xf32, #tpu.memory_space<vmem_shared>> -> memref<10112x32xf32, #tpu.memory_space<vmem_shared>>
      tpu.wait_indirect_dma semaphore(%arg27 : memref<!tpu.dma_semaphore, #tpu.memory_space<semaphore_mem>>) src(%dma_wait3A_440 : memref<128x32xf32, #tpu.memory_space<vmem>>) dst(%dma_wait3A_446 : memref<10112x32xf32, #tpu.memory_space<vmem_shared>>)
      %scan3A_447 = arith.constant 0 : i32
      scf.yield %scan3A_447 : i32
    }
    %scan3A_58 = arith.constant 20 : i32
    %barrier3A_59 = arith.constant 0 : index
    tpu.barrier barrier_id(%barrier3A_59)
    "tpu.region"() ({
      %run_scoped3A = tpu.sem_alloc : memref<!tpu.dma_semaphore, #tpu.memory_space<semaphore_mem>>
      %dma_start3A = arith.constant 0 : i32
      %dma_start3A_61 = tpu.memref_slice %arg5[%add3A_36, %mul3A_0, %dma_start3A] : memref<4x10112x32xf32, #tpu.memory_space<hbm>> -> memref<1x632x32xf32, #tpu.memory_space<hbm>>
      %dma_start3A_62 = tpu.memref_squeeze %dma_start3A_61 : memref<1x632x32xf32, #tpu.memory_space<hbm>> -> memref<632x32xf32, #tpu.memory_space<hbm>>
      %dma_start3A_63 = arith.constant 0 : i32
      %dma_start3A_64 = tpu.memref_slice %arg10[%mul3A_0, %dma_start3A_63] : memref<10112x32xf32, #tpu.memory_space<vmem_shared>> -> memref<632x32xf32, #tpu.memory_space<vmem_shared>>
      tpu.enqueue_dma source(%dma_start3A_64 : memref<632x32xf32, #tpu.memory_space<vmem_shared>>) target(%dma_start3A_62 : memref<632x32xf32, #tpu.memory_space<hbm>>) target_semaphore(%run_scoped3A : memref<!tpu.dma_semaphore, #tpu.memory_space<semaphore_mem>>)
      %dma_wait3A = arith.constant 0 : i32
      %dma_wait3A_65 = tpu.memref_slice %arg5[%add3A_36, %mul3A_0, %dma_wait3A] : memref<4x10112x32xf32, #tpu.memory_space<hbm>> -> memref<1x632x32xf32, #tpu.memory_space<hbm>>
      %dma_wait3A_66 = tpu.memref_squeeze %dma_wait3A_65 : memref<1x632x32xf32, #tpu.memory_space<hbm>> -> memref<632x32xf32, #tpu.memory_space<hbm>>
      %dma_wait3A_67 = arith.constant 0 : i32
      %dma_wait3A_68 = tpu.memref_slice %arg10[%mul3A_0, %dma_wait3A_67] : memref<10112x32xf32, #tpu.memory_space<vmem_shared>> -> memref<632x32xf32, #tpu.memory_space<vmem_shared>>
      tpu.wait_dma2 semaphore(%run_scoped3A : memref<!tpu.dma_semaphore, #tpu.memory_space<semaphore_mem>>) src(%dma_wait3A_68 : memref<632x32xf32, #tpu.memory_space<vmem_shared>>) dst(%dma_wait3A_66 : memref<632x32xf32, #tpu.memory_space<hbm>>)
      tpu.yield
    }) : () -> ()
    %barrier3A_60 = arith.constant 0 : index
    tpu.barrier barrier_id(%barrier3A_60)
    return
  }
}

#map = affine_map<(d0, d1) -> (0, 0, 0)>
module attributes {stable_mosaic.version = 14 : i64} {
  func.func @_deg_body(%arg0: i32, %arg1: i32, %arg2: memref<32x80x128xi32, #tpu.memory_space<hbm>>, %arg3: memref<2x10112x16xf32, #tpu.memory_space<hbm>>, %arg4: memref<80x128xi32, #tpu.memory_space<vmem>>, %arg5: memref<128x16xf32, #tpu.memory_space<vmem>>, %arg6: memref<128x16xf32, #tpu.memory_space<vmem>>, %arg7: memref<10112x16xf32, #tpu.memory_space<vmem_shared>>, %arg8: memref<!tpu.dma_semaphore, #tpu.memory_space<semaphore_mem>>) attributes {dimension_semantics = [#tpu.dimension_semantics<core_parallel>, #tpu.dimension_semantics<subcore_parallel>], iteration_bounds = array<i64: 2, 16>, scalar_prefetch = 0 : i64, scratch_operands = 5 : i64, tpu.core_type = #tpu.core_type<sc_vector_subcore>, window_params = [{transform_indices = #map}, {transform_indices = #map}]} {
    %mul3A = arith.constant 16 : i32
    %mul3A_0 = arith.muli %arg0, %mul3A : i32
    %add3A = arith.addi %mul3A_0, %arg1 : i32
    %mul3A_1 = arith.constant 632 : i32
    %mul3A_2 = arith.muli %arg1, %mul3A_1 : i32
    %scan3A = arith.constant 0 : i32
    %scan3A_3 = arith.constant 0 : i32
    %scan3A_4 = arith.constant 128 : i32
    %scan3A_5 = arith.addi %scan3A_3, %scan3A_4 : i32
    %scan3A_6 = arith.constant 2 : i32
    %scan3A_7 = scf.for %scan3A_34 = %scan3A_3 to %scan3A_5 step %scan3A_6 iter_args(%scan3A_35 = %scan3A) -> (i32)  : i32 {
      %broadcast_in_dim3A = arith.constant 0.000000e+00 : f32
      %broadcast_in_dim3A_36 = vector.broadcast %broadcast_in_dim3A : f32 to vector<16xf32>
      %swap3A = arith.index_cast %scan3A_34 : i32 to index
      %swap3A_37 = arith.constant 0 : index
      %swap3A_38 = tpu.vector_load %arg6[%swap3A, %swap3A_37] {strides = array<i32>} : memref<128x16xf32, #tpu.memory_space<vmem>>, vector<1x16xf32>,
      %swap3A_39 = vector.shape_cast %swap3A_38 : vector<1x16xf32> to vector<16xf32>
      %swap3A_40 = vector.shape_cast %broadcast_in_dim3A_36 : vector<16xf32> to vector<1x16xf32>
      tpu.vector_store %arg6[%swap3A, %swap3A_37], %swap3A_40 {strides = array<i32>} : memref<128x16xf32, #tpu.memory_space<vmem>>, vector<1x16xf32>,
      %scan3A_41 = arith.constant 0 : i32
      %scan3A_42 = arith.constant 1 : i32
      %scan3A_43 = arith.addi %scan3A_34, %scan3A_42 : i32
      %broadcast_in_dim3A_44 = arith.constant 0.000000e+00 : f32
      %broadcast_in_dim3A_45 = vector.broadcast %broadcast_in_dim3A_44 : f32 to vector<16xf32>
      %swap3A_46 = arith.index_cast %scan3A_43 : i32 to index
      %swap3A_47 = arith.constant 0 : index
      %swap3A_48 = tpu.vector_load %arg6[%swap3A_46, %swap3A_47] {strides = array<i32>} : memref<128x16xf32, #tpu.memory_space<vmem>>, vector<1x16xf32>,
      %swap3A_49 = vector.shape_cast %swap3A_48 : vector<1x16xf32> to vector<16xf32>
      %swap3A_50 = vector.shape_cast %broadcast_in_dim3A_45 : vector<16xf32> to vector<1x16xf32>
      tpu.vector_store %arg6[%swap3A_46, %swap3A_47], %swap3A_50 {strides = array<i32>} : memref<128x16xf32, #tpu.memory_space<vmem>>, vector<1x16xf32>,
      %scan3A_51 = arith.constant 0 : i32
      scf.yield %scan3A_51 : i32
    }
    %scan3A_8 = arith.constant 128 : i32
    %scan3A_9 = arith.constant 0 : i32
    %scan3A_10 = arith.constant 0 : i32
    %scan3A_11 = arith.constant 128 : i32
    %scan3A_12 = arith.addi %scan3A_10, %scan3A_11 : i32
    %scan3A_13 = arith.constant 2 : i32
    %scan3A_14 = scf.for %scan3A_34 = %scan3A_10 to %scan3A_12 step %scan3A_13 iter_args(%scan3A_35 = %scan3A_9) -> (i32)  : i32 {
      %broadcast_in_dim3A = arith.constant 1.000000e+00 : f32
      %broadcast_in_dim3A_36 = vector.broadcast %broadcast_in_dim3A : f32 to vector<16xf32>
      %swap3A = arith.index_cast %scan3A_34 : i32 to index
      %swap3A_37 = arith.constant 0 : index
      %swap3A_38 = tpu.vector_load %arg5[%swap3A, %swap3A_37] {strides = array<i32>} : memref<128x16xf32, #tpu.memory_space<vmem>>, vector<1x16xf32>,
      %swap3A_39 = vector.shape_cast %swap3A_38 : vector<1x16xf32> to vector<16xf32>
      %swap3A_40 = vector.shape_cast %broadcast_in_dim3A_36 : vector<16xf32> to vector<1x16xf32>
      tpu.vector_store %arg5[%swap3A, %swap3A_37], %swap3A_40 {strides = array<i32>} : memref<128x16xf32, #tpu.memory_space<vmem>>, vector<1x16xf32>,
      %scan3A_41 = arith.constant 0 : i32
      %scan3A_42 = arith.constant 1 : i32
      %scan3A_43 = arith.addi %scan3A_34, %scan3A_42 : i32
      %broadcast_in_dim3A_44 = arith.constant 1.000000e+00 : f32
      %broadcast_in_dim3A_45 = vector.broadcast %broadcast_in_dim3A_44 : f32 to vector<16xf32>
      %swap3A_46 = arith.index_cast %scan3A_43 : i32 to index
      %swap3A_47 = arith.constant 0 : index
      %swap3A_48 = tpu.vector_load %arg5[%swap3A_46, %swap3A_47] {strides = array<i32>} : memref<128x16xf32, #tpu.memory_space<vmem>>, vector<1x16xf32>,
      %swap3A_49 = vector.shape_cast %swap3A_48 : vector<1x16xf32> to vector<16xf32>
      %swap3A_50 = vector.shape_cast %broadcast_in_dim3A_45 : vector<16xf32> to vector<1x16xf32>
      tpu.vector_store %arg5[%swap3A_46, %swap3A_47], %swap3A_50 {strides = array<i32>} : memref<128x16xf32, #tpu.memory_space<vmem>>, vector<1x16xf32>,
      %scan3A_51 = arith.constant 0 : i32
      scf.yield %scan3A_51 : i32
    }
    %scan3A_15 = arith.constant 128 : i32
    %add3A_16 = arith.constant 0 : i32
    %add3A_17 = arith.addi %mul3A_2, %add3A_16 : i32
    "tpu.region"() ({
      %run_scoped3A = tpu.sem_alloc : memref<!tpu.dma_semaphore, #tpu.memory_space<semaphore_mem>>
      %dma_start3A = arith.constant 0 : i32
      %dma_start3A_34 = tpu.memref_slice %arg7[%add3A_17, %dma_start3A] : memref<10112x16xf32, #tpu.memory_space<vmem_shared>> -> memref<128x16xf32, #tpu.memory_space<vmem_shared>>
      %dma_start3A_35 = arith.constant 0 : i32
      %dma_start3A_36 = tpu.memref_slice %arg7[%add3A_17, %dma_start3A_35] : memref<10112x16xf32, #tpu.memory_space<vmem_shared>> -> memref<128x16xf32, #tpu.memory_space<vmem_shared>>
      tpu.enqueue_dma source(%arg6 : memref<128x16xf32, #tpu.memory_space<vmem>>) target(%dma_start3A_36 : memref<128x16xf32, #tpu.memory_space<vmem_shared>>) target_semaphore(%run_scoped3A : memref<!tpu.dma_semaphore, #tpu.memory_space<semaphore_mem>>)
      %dma_wait3A = arith.constant 0 : i32
      %dma_wait3A_37 = tpu.memref_slice %arg7[%add3A_17, %dma_wait3A] : memref<10112x16xf32, #tpu.memory_space<vmem_shared>> -> memref<128x16xf32, #tpu.memory_space<vmem_shared>>
      %dma_wait3A_38 = arith.constant 0 : i32
      %dma_wait3A_39 = tpu.memref_slice %arg7[%add3A_17, %dma_wait3A_38] : memref<10112x16xf32, #tpu.memory_space<vmem_shared>> -> memref<128x16xf32, #tpu.memory_space<vmem_shared>>
      tpu.wait_dma2 semaphore(%run_scoped3A : memref<!tpu.dma_semaphore, #tpu.memory_space<semaphore_mem>>) src(%arg6 : memref<128x16xf32, #tpu.memory_space<vmem>>) dst(%dma_wait3A_39 : memref<128x16xf32, #tpu.memory_space<vmem_shared>>)
      tpu.yield
    }) : () -> ()
    %add3A_18 = arith.constant 128 : i32
    %add3A_19 = arith.addi %mul3A_2, %add3A_18 : i32
    "tpu.region"() ({
      %run_scoped3A = tpu.sem_alloc : memref<!tpu.dma_semaphore, #tpu.memory_space<semaphore_mem>>
      %dma_start3A = arith.constant 0 : i32
      %dma_start3A_34 = tpu.memref_slice %arg7[%add3A_19, %dma_start3A] : memref<10112x16xf32, #tpu.memory_space<vmem_shared>> -> memref<128x16xf32, #tpu.memory_space<vmem_shared>>
      %dma_start3A_35 = arith.constant 0 : i32
      %dma_start3A_36 = tpu.memref_slice %arg7[%add3A_19, %dma_start3A_35] : memref<10112x16xf32, #tpu.memory_space<vmem_shared>> -> memref<128x16xf32, #tpu.memory_space<vmem_shared>>
      tpu.enqueue_dma source(%arg6 : memref<128x16xf32, #tpu.memory_space<vmem>>) target(%dma_start3A_36 : memref<128x16xf32, #tpu.memory_space<vmem_shared>>) target_semaphore(%run_scoped3A : memref<!tpu.dma_semaphore, #tpu.memory_space<semaphore_mem>>)
      %dma_wait3A = arith.constant 0 : i32
      %dma_wait3A_37 = tpu.memref_slice %arg7[%add3A_19, %dma_wait3A] : memref<10112x16xf32, #tpu.memory_space<vmem_shared>> -> memref<128x16xf32, #tpu.memory_space<vmem_shared>>
      %dma_wait3A_38 = arith.constant 0 : i32
      %dma_wait3A_39 = tpu.memref_slice %arg7[%add3A_19, %dma_wait3A_38] : memref<10112x16xf32, #tpu.memory_space<vmem_shared>> -> memref<128x16xf32, #tpu.memory_space<vmem_shared>>
      tpu.wait_dma2 semaphore(%run_scoped3A : memref<!tpu.dma_semaphore, #tpu.memory_space<semaphore_mem>>) src(%arg6 : memref<128x16xf32, #tpu.memory_space<vmem>>) dst(%dma_wait3A_39 : memref<128x16xf32, #tpu.memory_space<vmem_shared>>)
      tpu.yield
    }) : () -> ()
    %add3A_20 = arith.constant 256 : i32
    %add3A_21 = arith.addi %mul3A_2, %add3A_20 : i32
    "tpu.region"() ({
      %run_scoped3A = tpu.sem_alloc : memref<!tpu.dma_semaphore, #tpu.memory_space<semaphore_mem>>
      %dma_start3A = arith.constant 0 : i32
      %dma_start3A_34 = tpu.memref_slice %arg7[%add3A_21, %dma_start3A] : memref<10112x16xf32, #tpu.memory_space<vmem_shared>> -> memref<128x16xf32, #tpu.memory_space<vmem_shared>>
      %dma_start3A_35 = arith.constant 0 : i32
      %dma_start3A_36 = tpu.memref_slice %arg7[%add3A_21, %dma_start3A_35] : memref<10112x16xf32, #tpu.memory_space<vmem_shared>> -> memref<128x16xf32, #tpu.memory_space<vmem_shared>>
      tpu.enqueue_dma source(%arg6 : memref<128x16xf32, #tpu.memory_space<vmem>>) target(%dma_start3A_36 : memref<128x16xf32, #tpu.memory_space<vmem_shared>>) target_semaphore(%run_scoped3A : memref<!tpu.dma_semaphore, #tpu.memory_space<semaphore_mem>>)
      %dma_wait3A = arith.constant 0 : i32
      %dma_wait3A_37 = tpu.memref_slice %arg7[%add3A_21, %dma_wait3A] : memref<10112x16xf32, #tpu.memory_space<vmem_shared>> -> memref<128x16xf32, #tpu.memory_space<vmem_shared>>
      %dma_wait3A_38 = arith.constant 0 : i32
      %dma_wait3A_39 = tpu.memref_slice %arg7[%add3A_21, %dma_wait3A_38] : memref<10112x16xf32, #tpu.memory_space<vmem_shared>> -> memref<128x16xf32, #tpu.memory_space<vmem_shared>>
      tpu.wait_dma2 semaphore(%run_scoped3A : memref<!tpu.dma_semaphore, #tpu.memory_space<semaphore_mem>>) src(%arg6 : memref<128x16xf32, #tpu.memory_space<vmem>>) dst(%dma_wait3A_39 : memref<128x16xf32, #tpu.memory_space<vmem_shared>>)
      tpu.yield
    }) : () -> ()
    %add3A_22 = arith.constant 384 : i32
    %add3A_23 = arith.addi %mul3A_2, %add3A_22 : i32
    "tpu.region"() ({
      %run_scoped3A = tpu.sem_alloc : memref<!tpu.dma_semaphore, #tpu.memory_space<semaphore_mem>>
      %dma_start3A = arith.constant 0 : i32
      %dma_start3A_34 = tpu.memref_slice %arg7[%add3A_23, %dma_start3A] : memref<10112x16xf32, #tpu.memory_space<vmem_shared>> -> memref<128x16xf32, #tpu.memory_space<vmem_shared>>
      %dma_start3A_35 = arith.constant 0 : i32
      %dma_start3A_36 = tpu.memref_slice %arg7[%add3A_23, %dma_start3A_35] : memref<10112x16xf32, #tpu.memory_space<vmem_shared>> -> memref<128x16xf32, #tpu.memory_space<vmem_shared>>
      tpu.enqueue_dma source(%arg6 : memref<128x16xf32, #tpu.memory_space<vmem>>) target(%dma_start3A_36 : memref<128x16xf32, #tpu.memory_space<vmem_shared>>) target_semaphore(%run_scoped3A : memref<!tpu.dma_semaphore, #tpu.memory_space<semaphore_mem>>)
      %dma_wait3A = arith.constant 0 : i32
      %dma_wait3A_37 = tpu.memref_slice %arg7[%add3A_23, %dma_wait3A] : memref<10112x16xf32, #tpu.memory_space<vmem_shared>> -> memref<128x16xf32, #tpu.memory_space<vmem_shared>>
      %dma_wait3A_38 = arith.constant 0 : i32
      %dma_wait3A_39 = tpu.memref_slice %arg7[%add3A_23, %dma_wait3A_38] : memref<10112x16xf32, #tpu.memory_space<vmem_shared>> -> memref<128x16xf32, #tpu.memory_space<vmem_shared>>
      tpu.wait_dma2 semaphore(%run_scoped3A : memref<!tpu.dma_semaphore, #tpu.memory_space<semaphore_mem>>) src(%arg6 : memref<128x16xf32, #tpu.memory_space<vmem>>) dst(%dma_wait3A_39 : memref<128x16xf32, #tpu.memory_space<vmem_shared>>)
      tpu.yield
    }) : () -> ()
    %add3A_24 = arith.constant 512 : i32
    %add3A_25 = arith.addi %mul3A_2, %add3A_24 : i32
    "tpu.region"() ({
      %run_scoped3A = tpu.sem_alloc : memref<!tpu.dma_semaphore, #tpu.memory_space<semaphore_mem>>
      %dma_start3A = arith.constant 0 : i32
      %dma_start3A_34 = arith.constant 0 : i32
      %dma_start3A_35 = tpu.memref_slice %arg6[%dma_start3A, %dma_start3A_34] : memref<128x16xf32, #tpu.memory_space<vmem>> -> memref<120x16xf32, #tpu.memory_space<vmem>>
      %dma_start3A_36 = arith.constant 0 : i32
      %dma_start3A_37 = tpu.memref_slice %arg7[%add3A_25, %dma_start3A_36] : memref<10112x16xf32, #tpu.memory_space<vmem_shared>> -> memref<120x16xf32, #tpu.memory_space<vmem_shared>>
      %dma_start3A_38 = arith.constant 0 : i32
      %dma_start3A_39 = tpu.memref_slice %arg7[%add3A_25, %dma_start3A_38] : memref<10112x16xf32, #tpu.memory_space<vmem_shared>> -> memref<120x16xf32, #tpu.memory_space<vmem_shared>>
      %dma_start3A_40 = arith.constant 0 : i32
      %dma_start3A_41 = arith.constant 0 : i32
      %dma_start3A_42 = tpu.memref_slice %arg6[%dma_start3A_40, %dma_start3A_41] : memref<128x16xf32, #tpu.memory_space<vmem>> -> memref<120x16xf32, #tpu.memory_space<vmem>>
      tpu.enqueue_dma source(%dma_start3A_42 : memref<120x16xf32, #tpu.memory_space<vmem>>) target(%dma_start3A_39 : memref<120x16xf32, #tpu.memory_space<vmem_shared>>) target_semaphore(%run_scoped3A : memref<!tpu.dma_semaphore, #tpu.memory_space<semaphore_mem>>)
      %dma_wait3A = arith.constant 0 : i32
      %dma_wait3A_43 = arith.constant 0 : i32
      %dma_wait3A_44 = tpu.memref_slice %arg6[%dma_wait3A, %dma_wait3A_43] : memref<128x16xf32, #tpu.memory_space<vmem>> -> memref<120x16xf32, #tpu.memory_space<vmem>>
      %dma_wait3A_45 = arith.constant 0 : i32
      %dma_wait3A_46 = tpu.memref_slice %arg7[%add3A_25, %dma_wait3A_45] : memref<10112x16xf32, #tpu.memory_space<vmem_shared>> -> memref<120x16xf32, #tpu.memory_space<vmem_shared>>
      %dma_wait3A_47 = arith.constant 0 : i32
      %dma_wait3A_48 = tpu.memref_slice %arg7[%add3A_25, %dma_wait3A_47] : memref<10112x16xf32, #tpu.memory_space<vmem_shared>> -> memref<120x16xf32, #tpu.memory_space<vmem_shared>>
      %dma_wait3A_49 = arith.constant 0 : i32
      %dma_wait3A_50 = arith.constant 0 : i32
      %dma_wait3A_51 = tpu.memref_slice %arg6[%dma_wait3A_49, %dma_wait3A_50] : memref<128x16xf32, #tpu.memory_space<vmem>> -> memref<120x16xf32, #tpu.memory_space<vmem>>
      tpu.wait_dma2 semaphore(%run_scoped3A : memref<!tpu.dma_semaphore, #tpu.memory_space<semaphore_mem>>) src(%dma_wait3A_51 : memref<120x16xf32, #tpu.memory_space<vmem>>) dst(%dma_wait3A_48 : memref<120x16xf32, #tpu.memory_space<vmem_shared>>)
      tpu.yield
    }) : () -> ()
    "tpu.region"() ({
      %run_scoped3A = tpu.sem_alloc : memref<!tpu.dma_semaphore, #tpu.memory_space<semaphore_mem>>
      %dma_start3A = arith.constant 0 : i32
      %dma_start3A_34 = arith.constant 0 : i32
      %dma_start3A_35 = tpu.memref_slice %arg2[%add3A, %dma_start3A, %dma_start3A_34] : memref<32x80x128xi32, #tpu.memory_space<hbm>> -> memref<1x80x128xi32, #tpu.memory_space<hbm>>
      %dma_start3A_36 = tpu.memref_squeeze %dma_start3A_35 : memref<1x80x128xi32, #tpu.memory_space<hbm>> -> memref<80x128xi32, #tpu.memory_space<hbm>>
      %dma_start3A_37 = arith.constant 0 : i32
      %dma_start3A_38 = arith.constant 0 : i32
      %dma_start3A_39 = tpu.memref_slice %arg2[%add3A, %dma_start3A_37, %dma_start3A_38] : memref<32x80x128xi32, #tpu.memory_space<hbm>> -> memref<1x80x128xi32, #tpu.memory_space<hbm>>
      %dma_start3A_40 = tpu.memref_squeeze %dma_start3A_39 : memref<1x80x128xi32, #tpu.memory_space<hbm>> -> memref<80x128xi32, #tpu.memory_space<hbm>>
      tpu.enqueue_dma source(%dma_start3A_40 : memref<80x128xi32, #tpu.memory_space<hbm>>) target(%arg4 : memref<80x128xi32, #tpu.memory_space<vmem>>) target_semaphore(%run_scoped3A : memref<!tpu.dma_semaphore, #tpu.memory_space<semaphore_mem>>)
      %dma_wait3A = arith.constant 0 : i32
      %dma_wait3A_41 = arith.constant 0 : i32
      %dma_wait3A_42 = tpu.memref_slice %arg2[%add3A, %dma_wait3A, %dma_wait3A_41] : memref<32x80x128xi32, #tpu.memory_space<hbm>> -> memref<1x80x128xi32, #tpu.memory_space<hbm>>
      %dma_wait3A_43 = tpu.memref_squeeze %dma_wait3A_42 : memref<1x80x128xi32, #tpu.memory_space<hbm>> -> memref<80x128xi32, #tpu.memory_space<hbm>>
      %dma_wait3A_44 = arith.constant 0 : i32
      %dma_wait3A_45 = arith.constant 0 : i32
      %dma_wait3A_46 = tpu.memref_slice %arg2[%add3A, %dma_wait3A_44, %dma_wait3A_45] : memref<32x80x128xi32, #tpu.memory_space<hbm>> -> memref<1x80x128xi32, #tpu.memory_space<hbm>>
      %dma_wait3A_47 = tpu.memref_squeeze %dma_wait3A_46 : memref<1x80x128xi32, #tpu.memory_space<hbm>> -> memref<80x128xi32, #tpu.memory_space<hbm>>
      tpu.wait_dma2 semaphore(%run_scoped3A : memref<!tpu.dma_semaphore, #tpu.memory_space<semaphore_mem>>) src(%dma_wait3A_47 : memref<80x128xi32, #tpu.memory_space<hbm>>) dst(%arg4 : memref<80x128xi32, #tpu.memory_space<vmem>>)
      tpu.yield
    }) : () -> ()
    %barrier3A = arith.constant 0 : index
    tpu.barrier barrier_id(%barrier3A)
    %scan3A_26 = arith.constant 0 : i32
    %scan3A_27 = arith.constant 0 : i32
    %scan3A_28 = arith.constant 80 : i32
    %scan3A_29 = arith.addi %scan3A_27, %scan3A_28 : i32
    %scan3A_30 = arith.constant 1 : i32
    %scan3A_31 = scf.for %scan3A_34 = %scan3A_27 to %scan3A_29 step %scan3A_30 iter_args(%scan3A_35 = %scan3A_26) -> (i32)  : i32 {
      "tpu.region"() ({
        %run_scoped3A = tpu.sem_alloc : memref<!tpu.dma_semaphore, #tpu.memory_space<semaphore_mem>>
        %dma_start3A = arith.constant 0 : i32
        %dma_start3A_37 = tpu.memref_slice %arg4[%scan3A_34, %dma_start3A] : memref<80x128xi32, #tpu.memory_space<vmem>> -> memref<1x128xi32, #tpu.memory_space<vmem>>
        %dma_start3A_38 = tpu.memref_squeeze %dma_start3A_37 : memref<1x128xi32, #tpu.memory_space<vmem>> -> memref<128xi32, #tpu.memory_space<vmem>>
        %dma_start3A_39 = arith.constant 0 : i32
        %dma_start3A_40 = arith.constant 0 : i32
        %dma_start3A_41 = tpu.memref_slice %arg7[%dma_start3A_39, %dma_start3A_40] : memref<10112x16xf32, #tpu.memory_space<vmem_shared>> -> memref<10112x16xf32, #tpu.memory_space<vmem_shared>>
        tpu.enqueue_indirect_dma source(%arg5 : memref<128x16xf32, #tpu.memory_space<vmem>>) target(%dma_start3A_41 : memref<10112x16xf32, #tpu.memory_space<vmem_shared>>) offsets(%dma_start3A_38 : memref<128xi32, #tpu.memory_space<vmem>>) semaphore(%run_scoped3A : memref<!tpu.dma_semaphore, #tpu.memory_space<semaphore_mem>>) {add = true}
        %dma_wait3A = arith.constant 0 : i32
        %dma_wait3A_42 = tpu.memref_slice %arg4[%scan3A_34, %dma_wait3A] : memref<80x128xi32, #tpu.memory_space<vmem>> -> memref<1x128xi32, #tpu.memory_space<vmem>>
        %dma_wait3A_43 = tpu.memref_squeeze %dma_wait3A_42 : memref<1x128xi32, #tpu.memory_space<vmem>> -> memref<128xi32, #tpu.memory_space<vmem>>
        %dma_wait3A_44 = arith.constant 0 : i32
        %dma_wait3A_45 = arith.constant 0 : i32
        %dma_wait3A_46 = tpu.memref_slice %arg7[%dma_wait3A_44, %dma_wait3A_45] : memref<10112x16xf32, #tpu.memory_space<vmem_shared>> -> memref<10112x16xf32, #tpu.memory_space<vmem_shared>>
        tpu.wait_indirect_dma semaphore(%run_scoped3A : memref<!tpu.dma_semaphore, #tpu.memory_space<semaphore_mem>>) src(%arg5 : memref<128x16xf32, #tpu.memory_space<vmem>>) dst(%dma_wait3A_46 : memref<10112x16xf32, #tpu.memory_space<vmem_shared>>)
        tpu.yield
      }) : () -> ()
      %scan3A_36 = arith.constant 0 : i32
      scf.yield %scan3A_36 : i32
    }
    %scan3A_32 = arith.constant 80 : i32
    %barrier3A_33 = arith.constant 0 : index
    tpu.barrier barrier_id(%barrier3A_33)
    "tpu.region"() ({
      %run_scoped3A = tpu.sem_alloc : memref<!tpu.dma_semaphore, #tpu.memory_space<semaphore_mem>>
      %dma_start3A = arith.constant 0 : i32
      %dma_start3A_34 = tpu.memref_slice %arg3[%arg0, %mul3A_2, %dma_start3A] : memref<2x10112x16xf32, #tpu.memory_space<hbm>> -> memref<1x632x16xf32, #tpu.memory_space<hbm>>
      %dma_start3A_35 = tpu.memref_squeeze %dma_start3A_34 : memref<1x632x16xf32, #tpu.memory_space<hbm>> -> memref<632x16xf32, #tpu.memory_space<hbm>>
      %dma_start3A_36 = arith.constant 0 : i32
      %dma_start3A_37 = tpu.memref_slice %arg7[%mul3A_2, %dma_start3A_36] : memref<10112x16xf32, #tpu.memory_space<vmem_shared>> -> memref<632x16xf32, #tpu.memory_space<vmem_shared>>
      tpu.enqueue_dma source(%dma_start3A_37 : memref<632x16xf32, #tpu.memory_space<vmem_shared>>) target(%dma_start3A_35 : memref<632x16xf32, #tpu.memory_space<hbm>>) target_semaphore(%run_scoped3A : memref<!tpu.dma_semaphore, #tpu.memory_space<semaphore_mem>>)
      %dma_wait3A = arith.constant 0 : i32
      %dma_wait3A_38 = tpu.memref_slice %arg3[%arg0, %mul3A_2, %dma_wait3A] : memref<2x10112x16xf32, #tpu.memory_space<hbm>> -> memref<1x632x16xf32, #tpu.memory_space<hbm>>
      %dma_wait3A_39 = tpu.memref_squeeze %dma_wait3A_38 : memref<1x632x16xf32, #tpu.memory_space<hbm>> -> memref<632x16xf32, #tpu.memory_space<hbm>>
      %dma_wait3A_40 = arith.constant 0 : i32
      %dma_wait3A_41 = tpu.memref_slice %arg7[%mul3A_2, %dma_wait3A_40] : memref<10112x16xf32, #tpu.memory_space<vmem_shared>> -> memref<632x16xf32, #tpu.memory_space<vmem_shared>>
      tpu.wait_dma2 semaphore(%run_scoped3A : memref<!tpu.dma_semaphore, #tpu.memory_space<semaphore_mem>>) src(%dma_wait3A_41 : memref<632x16xf32, #tpu.memory_space<vmem_shared>>) dst(%dma_wait3A_39 : memref<632x16xf32, #tpu.memory_space<hbm>>)
      tpu.yield
    }) : () -> ()
    return
  }
}

#map = affine_map<(d0, d1) -> (0, 0, 0)>
module attributes {stable_mosaic.version = 14 : i64} {
  func.func @_scat_body(%arg0: i32, %arg1: i32, %arg2: memref<4x10000x32xf32, #tpu.memory_space<hbm>>, %arg3: memref<16x160x128xi32, #tpu.memory_space<hbm>>, %arg4: memref<16x160x128xi32, #tpu.memory_space<hbm>>, %arg5: memref<4x10112x32xf32, #tpu.memory_space<hbm>>, %arg6: memref<160x128xi32, #tpu.memory_space<vmem>>, %arg7: memref<160x128xi32, #tpu.memory_space<vmem>>, %arg8: memref<8x128x32xf32, #tpu.memory_space<vmem>>, %arg9: memref<128x32xf32, #tpu.memory_space<vmem>>, %arg10: memref<10112x32xf32, #tpu.memory_space<vmem_shared>>, %arg11: memref<10000x32xf32, #tpu.memory_space<vmem_shared>>, %arg12: memref<!tpu.dma_semaphore, #tpu.memory_space<semaphore_mem>>, %arg13: memref<!tpu.dma_semaphore, #tpu.memory_space<semaphore_mem>>, %arg14: memref<!tpu.dma_semaphore, #tpu.memory_space<semaphore_mem>>, %arg15: memref<!tpu.dma_semaphore, #tpu.memory_space<semaphore_mem>>, %arg16: memref<!tpu.dma_semaphore, #tpu.memory_space<semaphore_mem>>, %arg17: memref<!tpu.dma_semaphore, #tpu.memory_space<semaphore_mem>>, %arg18: memref<!tpu.dma_semaphore, #tpu.memory_space<semaphore_mem>>, %arg19: memref<!tpu.dma_semaphore, #tpu.memory_space<semaphore_mem>>, %arg20: memref<!tpu.dma_semaphore, #tpu.memory_space<semaphore_mem>>, %arg21: memref<!tpu.dma_semaphore, #tpu.memory_space<semaphore_mem>>, %arg22: memref<!tpu.dma_semaphore, #tpu.memory_space<semaphore_mem>>, %arg23: memref<!tpu.dma_semaphore, #tpu.memory_space<semaphore_mem>>, %arg24: memref<!tpu.dma_semaphore, #tpu.memory_space<semaphore_mem>>, %arg25: memref<!tpu.dma_semaphore, #tpu.memory_space<semaphore_mem>>, %arg26: memref<!tpu.dma_semaphore, #tpu.memory_space<semaphore_mem>>, %arg27: memref<!tpu.dma_semaphore, #tpu.memory_space<semaphore_mem>>) attributes {dimension_semantics = [#tpu.dimension_semantics<core_parallel>, #tpu.dimension_semantics<subcore_parallel>], iteration_bounds = array<i64: 2, 16>, scalar_prefetch = 0 : i64, scratch_operands = 22 : i64, tpu.core_type = #tpu.core_type<sc_vector_subcore>, window_params = [{transform_indices = #map}, {transform_indices = #map}, {transform_indices = #map}, {transform_indices = #map}]} {
    %mul3A = arith.constant 632 : i32
    %mul3A_0 = arith.muli %arg1, %mul3A : i32
    %scan3A = arith.constant 0 : i32
    %scan3A_1 = arith.constant 0 : i32
    %scan3A_2 = arith.constant 128 : i32
    %scan3A_3 = arith.addi %scan3A_1, %scan3A_2 : i32
    %scan3A_4 = arith.constant 2 : i32
    %scan3A_5 = scf.for %scan3A_61 = %scan3A_1 to %scan3A_3 step %scan3A_4 iter_args(%scan3A_62 = %scan3A) -> (i32)  : i32 {
      %broadcast_in_dim3A = arith.constant 0.000000e+00 : f32
      %broadcast_in_dim3A_63 = vector.broadcast %broadcast_in_dim3A : f32 to vector<16xf32>
      %swap3A = arith.index_cast %scan3A_61 : i32 to index
      %swap3A_64 = arith.constant 0 : index
      %swap3A_65 = tpu.vector_load %arg9[%swap3A, %swap3A_64] {strides = array<i32>} : memref<128x32xf32, #tpu.memory_space<vmem>>, vector<1x16xf32>,
      %swap3A_66 = vector.shape_cast %swap3A_65 : vector<1x16xf32> to vector<16xf32>
      %swap3A_67 = vector.shape_cast %broadcast_in_dim3A_63 : vector<16xf32> to vector<1x16xf32>
      tpu.vector_store %arg9[%swap3A, %swap3A_64], %swap3A_67 {strides = array<i32>} : memref<128x32xf32, #tpu.memory_space<vmem>>, vector<1x16xf32>,
      %broadcast_in_dim3A_68 = arith.constant 0.000000e+00 : f32
      %broadcast_in_dim3A_69 = vector.broadcast %broadcast_in_dim3A_68 : f32 to vector<16xf32>
      %swap3A_70 = arith.index_cast %scan3A_61 : i32 to index
      %swap3A_71 = arith.constant 16 : index
      %swap3A_72 = tpu.vector_load %arg9[%swap3A_70, %swap3A_71] {strides = array<i32>} : memref<128x32xf32, #tpu.memory_space<vmem>>, vector<1x16xf32>,
      %swap3A_73 = vector.shape_cast %swap3A_72 : vector<1x16xf32> to vector<16xf32>
      %swap3A_74 = vector.shape_cast %broadcast_in_dim3A_69 : vector<16xf32> to vector<1x16xf32>
      tpu.vector_store %arg9[%swap3A_70, %swap3A_71], %swap3A_74 {strides = array<i32>} : memref<128x32xf32, #tpu.memory_space<vmem>>, vector<1x16xf32>,
      %scan3A_75 = arith.constant 0 : i32
      %scan3A_76 = arith.constant 1 : i32
      %scan3A_77 = arith.addi %scan3A_61, %scan3A_76 : i32
      %broadcast_in_dim3A_78 = arith.constant 0.000000e+00 : f32
      %broadcast_in_dim3A_79 = vector.broadcast %broadcast_in_dim3A_78 : f32 to vector<16xf32>
      %swap3A_80 = arith.index_cast %scan3A_77 : i32 to index
      %swap3A_81 = arith.constant 0 : index
      %swap3A_82 = tpu.vector_load %arg9[%swap3A_80, %swap3A_81] {strides = array<i32>} : memref<128x32xf32, #tpu.memory_space<vmem>>, vector<1x16xf32>,
      %swap3A_83 = vector.shape_cast %swap3A_82 : vector<1x16xf32> to vector<16xf32>
      %swap3A_84 = vector.shape_cast %broadcast_in_dim3A_79 : vector<16xf32> to vector<1x16xf32>
      tpu.vector_store %arg9[%swap3A_80, %swap3A_81], %swap3A_84 {strides = array<i32>} : memref<128x32xf32, #tpu.memory_space<vmem>>, vector<1x16xf32>,
      %broadcast_in_dim3A_85 = arith.constant 0.000000e+00 : f32
      %broadcast_in_dim3A_86 = vector.broadcast %broadcast_in_dim3A_85 : f32 to vector<16xf32>
      %swap3A_87 = arith.index_cast %scan3A_77 : i32 to index
      %swap3A_88 = arith.constant 16 : index
      %swap3A_89 = tpu.vector_load %arg9[%swap3A_87, %swap3A_88] {strides = array<i32>} : memref<128x32xf32, #tpu.memory_space<vmem>>, vector<1x16xf32>,
      %swap3A_90 = vector.shape_cast %swap3A_89 : vector<1x16xf32> to vector<16xf32>
      %swap3A_91 = vector.shape_cast %broadcast_in_dim3A_86 : vector<16xf32> to vector<1x16xf32>
      tpu.vector_store %arg9[%swap3A_87, %swap3A_88], %swap3A_91 {strides = array<i32>} : memref<128x32xf32, #tpu.memory_space<vmem>>, vector<1x16xf32>,
      %scan3A_92 = arith.constant 0 : i32
      scf.yield %scan3A_92 : i32
    }
    %scan3A_6 = arith.constant 128 : i32
    "tpu.region"() ({
      %run_scoped3A = tpu.sem_alloc : memref<!tpu.dma_semaphore, #tpu.memory_space<semaphore_mem>>
      %dma_start3A = arith.constant 0 : i32
      %dma_start3A_61 = arith.constant 0 : i32
      %dma_start3A_62 = tpu.memref_slice %arg3[%arg1, %dma_start3A, %dma_start3A_61] : memref<16x160x128xi32, #tpu.memory_space<hbm>> -> memref<1x160x128xi32, #tpu.memory_space<hbm>>
      %dma_start3A_63 = tpu.memref_squeeze %dma_start3A_62 : memref<1x160x128xi32, #tpu.memory_space<hbm>> -> memref<160x128xi32, #tpu.memory_space<hbm>>
      %dma_start3A_64 = arith.constant 0 : i32
      %dma_start3A_65 = arith.constant 0 : i32
      %dma_start3A_66 = tpu.memref_slice %arg3[%arg1, %dma_start3A_64, %dma_start3A_65] : memref<16x160x128xi32, #tpu.memory_space<hbm>> -> memref<1x160x128xi32, #tpu.memory_space<hbm>>
      %dma_start3A_67 = tpu.memref_squeeze %dma_start3A_66 : memref<1x160x128xi32, #tpu.memory_space<hbm>> -> memref<160x128xi32, #tpu.memory_space<hbm>>
      tpu.enqueue_dma source(%dma_start3A_67 : memref<160x128xi32, #tpu.memory_space<hbm>>) target(%arg6 : memref<160x128xi32, #tpu.memory_space<vmem>>) target_semaphore(%run_scoped3A : memref<!tpu.dma_semaphore, #tpu.memory_space<semaphore_mem>>)
      %dma_wait3A = arith.constant 0 : i32
      %dma_wait3A_68 = arith.constant 0 : i32
      %dma_wait3A_69 = tpu.memref_slice %arg3[%arg1, %dma_wait3A, %dma_wait3A_68] : memref<16x160x128xi32, #tpu.memory_space<hbm>> -> memref<1x160x128xi32, #tpu.memory_space<hbm>>
      %dma_wait3A_70 = tpu.memref_squeeze %dma_wait3A_69 : memref<1x160x128xi32, #tpu.memory_space<hbm>> -> memref<160x128xi32, #tpu.memory_space<hbm>>
      %dma_wait3A_71 = arith.constant 0 : i32
      %dma_wait3A_72 = arith.constant 0 : i32
      %dma_wait3A_73 = tpu.memref_slice %arg3[%arg1, %dma_wait3A_71, %dma_wait3A_72] : memref<16x160x128xi32, #tpu.memory_space<hbm>> -> memref<1x160x128xi32, #tpu.memory_space<hbm>>
      %dma_wait3A_74 = tpu.memref_squeeze %dma_wait3A_73 : memref<1x160x128xi32, #tpu.memory_space<hbm>> -> memref<160x128xi32, #tpu.memory_space<hbm>>
      tpu.wait_dma2 semaphore(%run_scoped3A : memref<!tpu.dma_semaphore, #tpu.memory_space<semaphore_mem>>) src(%dma_wait3A_74 : memref<160x128xi32, #tpu.memory_space<hbm>>) dst(%arg6 : memref<160x128xi32, #tpu.memory_space<vmem>>)
      tpu.yield
    }) : () -> ()
    "tpu.region"() ({
      %run_scoped3A = tpu.sem_alloc : memref<!tpu.dma_semaphore, #tpu.memory_space<semaphore_mem>>
      %dma_start3A = arith.constant 0 : i32
      %dma_start3A_61 = arith.constant 0 : i32
      %dma_start3A_62 = tpu.memref_slice %arg4[%arg1, %dma_start3A, %dma_start3A_61] : memref<16x160x128xi32, #tpu.memory_space<hbm>> -> memref<1x160x128xi32, #tpu.memory_space<hbm>>
      %dma_start3A_63 = tpu.memref_squeeze %dma_start3A_62 : memref<1x160x128xi32, #tpu.memory_space<hbm>> -> memref<160x128xi32, #tpu.memory_space<hbm>>
      %dma_start3A_64 = arith.constant 0 : i32
      %dma_start3A_65 = arith.constant 0 : i32
      %dma_start3A_66 = tpu.memref_slice %arg4[%arg1, %dma_start3A_64, %dma_start3A_65] : memref<16x160x128xi32, #tpu.memory_space<hbm>> -> memref<1x160x128xi32, #tpu.memory_space<hbm>>
      %dma_start3A_67 = tpu.memref_squeeze %dma_start3A_66 : memref<1x160x128xi32, #tpu.memory_space<hbm>> -> memref<160x128xi32, #tpu.memory_space<hbm>>
      tpu.enqueue_dma source(%dma_start3A_67 : memref<160x128xi32, #tpu.memory_space<hbm>>) target(%arg7 : memref<160x128xi32, #tpu.memory_space<vmem>>) target_semaphore(%run_scoped3A : memref<!tpu.dma_semaphore, #tpu.memory_space<semaphore_mem>>)
      %dma_wait3A = arith.constant 0 : i32
      %dma_wait3A_68 = arith.constant 0 : i32
      %dma_wait3A_69 = tpu.memref_slice %arg4[%arg1, %dma_wait3A, %dma_wait3A_68] : memref<16x160x128xi32, #tpu.memory_space<hbm>> -> memref<1x160x128xi32, #tpu.memory_space<hbm>>
      %dma_wait3A_70 = tpu.memref_squeeze %dma_wait3A_69 : memref<1x160x128xi32, #tpu.memory_space<hbm>> -> memref<160x128xi32, #tpu.memory_space<hbm>>
      %dma_wait3A_71 = arith.constant 0 : i32
      %dma_wait3A_72 = arith.constant 0 : i32
      %dma_wait3A_73 = tpu.memref_slice %arg4[%arg1, %dma_wait3A_71, %dma_wait3A_72] : memref<16x160x128xi32, #tpu.memory_space<hbm>> -> memref<1x160x128xi32, #tpu.memory_space<hbm>>
      %dma_wait3A_74 = tpu.memref_squeeze %dma_wait3A_73 : memref<1x160x128xi32, #tpu.memory_space<hbm>> -> memref<160x128xi32, #tpu.memory_space<hbm>>
      tpu.wait_dma2 semaphore(%run_scoped3A : memref<!tpu.dma_semaphore, #tpu.memory_space<semaphore_mem>>) src(%dma_wait3A_74 : memref<160x128xi32, #tpu.memory_space<hbm>>) dst(%arg7 : memref<160x128xi32, #tpu.memory_space<vmem>>)
      tpu.yield
    }) : () -> ()
    %mul3A_7 = arith.constant 2 : i32
    %mul3A_8 = arith.muli %arg0, %mul3A_7 : i32
    %add3A = arith.constant 0 : i32
    %add3A_9 = arith.addi %mul3A_8, %add3A : i32
    %mul3A_10 = arith.constant 625 : i32
    %mul3A_11 = arith.muli %arg1, %mul3A_10 : i32
    %mul3A_12 = arith.constant 625 : i32
    %mul3A_13 = arith.muli %arg1, %mul3A_12 : i32
    "tpu.region"() ({
      %run_scoped3A = tpu.sem_alloc : memref<!tpu.dma_semaphore, #tpu.memory_space<semaphore_mem>>
      %dma_start3A = arith.constant 0 : i32
      %dma_start3A_61 = tpu.memref_slice %arg11[%mul3A_13, %dma_start3A] : memref<10000x32xf32, #tpu.memory_space<vmem_shared>> -> memref<625x32xf32, #tpu.memory_space<vmem_shared>>
      %dma_start3A_62 = arith.constant 0 : i32
      %dma_start3A_63 = tpu.memref_slice %arg2[%add3A_9, %mul3A_11, %dma_start3A_62] : memref<4x10000x32xf32, #tpu.memory_space<hbm>> -> memref<1x625x32xf32, #tpu.memory_space<hbm>>
      %dma_start3A_64 = tpu.memref_squeeze %dma_start3A_63 : memref<1x625x32xf32, #tpu.memory_space<hbm>> -> memref<625x32xf32, #tpu.memory_space<hbm>>
      tpu.enqueue_dma source(%dma_start3A_64 : memref<625x32xf32, #tpu.memory_space<hbm>>) target(%dma_start3A_61 : memref<625x32xf32, #tpu.memory_space<vmem_shared>>) target_semaphore(%run_scoped3A : memref<!tpu.dma_semaphore, #tpu.memory_space<semaphore_mem>>)
      %dma_wait3A = arith.constant 0 : i32
      %dma_wait3A_65 = tpu.memref_slice %arg11[%mul3A_13, %dma_wait3A] : memref<10000x32xf32, #tpu.memory_space<vmem_shared>> -> memref<625x32xf32, #tpu.memory_space<vmem_shared>>
      %dma_wait3A_66 = arith.constant 0 : i32
      %dma_wait3A_67 = tpu.memref_slice %arg2[%add3A_9, %mul3A_11, %dma_wait3A_66] : memref<4x10000x32xf32, #tpu.memory_space<hbm>> -> memref<1x625x32xf32, #tpu.memory_space<hbm>>
      %dma_wait3A_68 = tpu.memref_squeeze %dma_wait3A_67 : memref<1x625x32xf32, #tpu.memory_space<hbm>> -> memref<625x32xf32, #tpu.memory_space<hbm>>
      tpu.wait_dma2 semaphore(%run_scoped3A : memref<!tpu.dma_semaphore, #tpu.memory_space<semaphore_mem>>) src(%dma_wait3A_68 : memref<625x32xf32, #tpu.memory_space<hbm>>) dst(%dma_wait3A_65 : memref<625x32xf32, #tpu.memory_space<vmem_shared>>)
      tpu.yield
    }) : () -> ()
    %add3A_14 = arith.constant 0 : i32
    %add3A_15 = arith.addi %mul3A_0, %add3A_14 : i32
    "tpu.region"() ({
      %run_scoped3A = tpu.sem_alloc : memref<!tpu.dma_semaphore, #tpu.memory_space<semaphore_mem>>
      %dma_start3A = arith.constant 0 : i32
      %dma_start3A_61 = tpu.memref_slice %arg10[%add3A_15, %dma_start3A] : memref<10112x32xf32, #tpu.memory_space<vmem_shared>> -> memref<128x32xf32, #tpu.memory_space<vmem_shared>>
      %dma_start3A_62 = arith.constant 0 : i32
      %dma_start3A_63 = tpu.memref_slice %arg10[%add3A_15, %dma_start3A_62] : memref<10112x32xf32, #tpu.memory_space<vmem_shared>> -> memref<128x32xf32, #tpu.memory_space<vmem_shared>>
      tpu.enqueue_dma source(%arg9 : memref<128x32xf32, #tpu.memory_space<vmem>>) target(%dma_start3A_63 : memref<128x32xf32, #tpu.memory_space<vmem_shared>>) target_semaphore(%run_scoped3A : memref<!tpu.dma_semaphore, #tpu.memory_space<semaphore_mem>>)
      %dma_wait3A = arith.constant 0 : i32
      %dma_wait3A_64 = tpu.memref_slice %arg10[%add3A_15, %dma_wait3A] : memref<10112x32xf32, #tpu.memory_space<vmem_shared>> -> memref<128x32xf32, #tpu.memory_space<vmem_shared>>
      %dma_wait3A_65 = arith.constant 0 : i32
      %dma_wait3A_66 = tpu.memref_slice %arg10[%add3A_15, %dma_wait3A_65] : memref<10112x32xf32, #tpu.memory_space<vmem_shared>> -> memref<128x32xf32, #tpu.memory_space<vmem_shared>>
      tpu.wait_dma2 semaphore(%run_scoped3A : memref<!tpu.dma_semaphore, #tpu.memory_space<semaphore_mem>>) src(%arg9 : memref<128x32xf32, #tpu.memory_space<vmem>>) dst(%dma_wait3A_66 : memref<128x32xf32, #tpu.memory_space<vmem_shared>>)
      tpu.yield
    }) : () -> ()
    %add3A_16 = arith.constant 128 : i32
    %add3A_17 = arith.addi %mul3A_0, %add3A_16 : i32
    "tpu.region"() ({
      %run_scoped3A = tpu.sem_alloc : memref<!tpu.dma_semaphore, #tpu.memory_space<semaphore_mem>>
      %dma_start3A = arith.constant 0 : i32
      %dma_start3A_61 = tpu.memref_slice %arg10[%add3A_17, %dma_start3A] : memref<10112x32xf32, #tpu.memory_space<vmem_shared>> -> memref<128x32xf32, #tpu.memory_space<vmem_shared>>
      %dma_start3A_62 = arith.constant 0 : i32
      %dma_start3A_63 = tpu.memref_slice %arg10[%add3A_17, %dma_start3A_62] : memref<10112x32xf32, #tpu.memory_space<vmem_shared>> -> memref<128x32xf32, #tpu.memory_space<vmem_shared>>
      tpu.enqueue_dma source(%arg9 : memref<128x32xf32, #tpu.memory_space<vmem>>) target(%dma_start3A_63 : memref<128x32xf32, #tpu.memory_space<vmem_shared>>) target_semaphore(%run_scoped3A : memref<!tpu.dma_semaphore, #tpu.memory_space<semaphore_mem>>)
      %dma_wait3A = arith.constant 0 : i32
      %dma_wait3A_64 = tpu.memref_slice %arg10[%add3A_17, %dma_wait3A] : memref<10112x32xf32, #tpu.memory_space<vmem_shared>> -> memref<128x32xf32, #tpu.memory_space<vmem_shared>>
      %dma_wait3A_65 = arith.constant 0 : i32
      %dma_wait3A_66 = tpu.memref_slice %arg10[%add3A_17, %dma_wait3A_65] : memref<10112x32xf32, #tpu.memory_space<vmem_shared>> -> memref<128x32xf32, #tpu.memory_space<vmem_shared>>
      tpu.wait_dma2 semaphore(%run_scoped3A : memref<!tpu.dma_semaphore, #tpu.memory_space<semaphore_mem>>) src(%arg9 : memref<128x32xf32, #tpu.memory_space<vmem>>) dst(%dma_wait3A_66 : memref<128x32xf32, #tpu.memory_space<vmem_shared>>)
      tpu.yield
    }) : () -> ()
    %add3A_18 = arith.constant 256 : i32
    %add3A_19 = arith.addi %mul3A_0, %add3A_18 : i32
    "tpu.region"() ({
      %run_scoped3A = tpu.sem_alloc : memref<!tpu.dma_semaphore, #tpu.memory_space<semaphore_mem>>
      %dma_start3A = arith.constant 0 : i32
      %dma_start3A_61 = tpu.memref_slice %arg10[%add3A_19, %dma_start3A] : memref<10112x32xf32, #tpu.memory_space<vmem_shared>> -> memref<128x32xf32, #tpu.memory_space<vmem_shared>>
      %dma_start3A_62 = arith.constant 0 : i32
      %dma_start3A_63 = tpu.memref_slice %arg10[%add3A_19, %dma_start3A_62] : memref<10112x32xf32, #tpu.memory_space<vmem_shared>> -> memref<128x32xf32, #tpu.memory_space<vmem_shared>>
      tpu.enqueue_dma source(%arg9 : memref<128x32xf32, #tpu.memory_space<vmem>>) target(%dma_start3A_63 : memref<128x32xf32, #tpu.memory_space<vmem_shared>>) target_semaphore(%run_scoped3A : memref<!tpu.dma_semaphore, #tpu.memory_space<semaphore_mem>>)
      %dma_wait3A = arith.constant 0 : i32
      %dma_wait3A_64 = tpu.memref_slice %arg10[%add3A_19, %dma_wait3A] : memref<10112x32xf32, #tpu.memory_space<vmem_shared>> -> memref<128x32xf32, #tpu.memory_space<vmem_shared>>
      %dma_wait3A_65 = arith.constant 0 : i32
      %dma_wait3A_66 = tpu.memref_slice %arg10[%add3A_19, %dma_wait3A_65] : memref<10112x32xf32, #tpu.memory_space<vmem_shared>> -> memref<128x32xf32, #tpu.memory_space<vmem_shared>>
      tpu.wait_dma2 semaphore(%run_scoped3A : memref<!tpu.dma_semaphore, #tpu.memory_space<semaphore_mem>>) src(%arg9 : memref<128x32xf32, #tpu.memory_space<vmem>>) dst(%dma_wait3A_66 : memref<128x32xf32, #tpu.memory_space<vmem_shared>>)
      tpu.yield
    }) : () -> ()
    %add3A_20 = arith.constant 384 : i32
    %add3A_21 = arith.addi %mul3A_0, %add3A_20 : i32
    "tpu.region"() ({
      %run_scoped3A = tpu.sem_alloc : memref<!tpu.dma_semaphore, #tpu.memory_space<semaphore_mem>>
      %dma_start3A = arith.constant 0 : i32
      %dma_start3A_61 = tpu.memref_slice %arg10[%add3A_21, %dma_start3A] : memref<10112x32xf32, #tpu.memory_space<vmem_shared>> -> memref<128x32xf32, #tpu.memory_space<vmem_shared>>
      %dma_start3A_62 = arith.constant 0 : i32
      %dma_start3A_63 = tpu.memref_slice %arg10[%add3A_21, %dma_start3A_62] : memref<10112x32xf32, #tpu.memory_space<vmem_shared>> -> memref<128x32xf32, #tpu.memory_space<vmem_shared>>
      tpu.enqueue_dma source(%arg9 : memref<128x32xf32, #tpu.memory_space<vmem>>) target(%dma_start3A_63 : memref<128x32xf32, #tpu.memory_space<vmem_shared>>) target_semaphore(%run_scoped3A : memref<!tpu.dma_semaphore, #tpu.memory_space<semaphore_mem>>)
      %dma_wait3A = arith.constant 0 : i32
      %dma_wait3A_64 = tpu.memref_slice %arg10[%add3A_21, %dma_wait3A] : memref<10112x32xf32, #tpu.memory_space<vmem_shared>> -> memref<128x32xf32, #tpu.memory_space<vmem_shared>>
      %dma_wait3A_65 = arith.constant 0 : i32
      %dma_wait3A_66 = tpu.memref_slice %arg10[%add3A_21, %dma_wait3A_65] : memref<10112x32xf32, #tpu.memory_space<vmem_shared>> -> memref<128x32xf32, #tpu.memory_space<vmem_shared>>
      tpu.wait_dma2 semaphore(%run_scoped3A : memref<!tpu.dma_semaphore, #tpu.memory_space<semaphore_mem>>) src(%arg9 : memref<128x32xf32, #tpu.memory_space<vmem>>) dst(%dma_wait3A_66 : memref<128x32xf32, #tpu.memory_space<vmem_shared>>)
      tpu.yield
    }) : () -> ()
    %add3A_22 = arith.constant 512 : i32
    %add3A_23 = arith.addi %mul3A_0, %add3A_22 : i32
    "tpu.region"() ({
      %run_scoped3A = tpu.sem_alloc : memref<!tpu.dma_semaphore, #tpu.memory_space<semaphore_mem>>
      %dma_start3A = arith.constant 0 : i32
      %dma_start3A_61 = arith.constant 0 : i32
      %dma_start3A_62 = tpu.memref_slice %arg9[%dma_start3A, %dma_start3A_61] : memref<128x32xf32, #tpu.memory_space<vmem>> -> memref<120x32xf32, #tpu.memory_space<vmem>>
      %dma_start3A_63 = arith.constant 0 : i32
      %dma_start3A_64 = tpu.memref_slice %arg10[%add3A_23, %dma_start3A_63] : memref<10112x32xf32, #tpu.memory_space<vmem_shared>> -> memref<120x32xf32, #tpu.memory_space<vmem_shared>>
      %dma_start3A_65 = arith.constant 0 : i32
      %dma_start3A_66 = tpu.memref_slice %arg10[%add3A_23, %dma_start3A_65] : memref<10112x32xf32, #tpu.memory_space<vmem_shared>> -> memref<120x32xf32, #tpu.memory_space<vmem_shared>>
      %dma_start3A_67 = arith.constant 0 : i32
      %dma_start3A_68 = arith.constant 0 : i32
      %dma_start3A_69 = tpu.memref_slice %arg9[%dma_start3A_67, %dma_start3A_68] : memref<128x32xf32, #tpu.memory_space<vmem>> -> memref<120x32xf32, #tpu.memory_space<vmem>>
      tpu.enqueue_dma source(%dma_start3A_69 : memref<120x32xf32, #tpu.memory_space<vmem>>) target(%dma_start3A_66 : memref<120x32xf32, #tpu.memory_space<vmem_shared>>) target_semaphore(%run_scoped3A : memref<!tpu.dma_semaphore, #tpu.memory_space<semaphore_mem>>)
      %dma_wait3A = arith.constant 0 : i32
      %dma_wait3A_70 = arith.constant 0 : i32
      %dma_wait3A_71 = tpu.memref_slice %arg9[%dma_wait3A, %dma_wait3A_70] : memref<128x32xf32, #tpu.memory_space<vmem>> -> memref<120x32xf32, #tpu.memory_space<vmem>>
      %dma_wait3A_72 = arith.constant 0 : i32
      %dma_wait3A_73 = tpu.memref_slice %arg10[%add3A_23, %dma_wait3A_72] : memref<10112x32xf32, #tpu.memory_space<vmem_shared>> -> memref<120x32xf32, #tpu.memory_space<vmem_shared>>
      %dma_wait3A_74 = arith.constant 0 : i32
      %dma_wait3A_75 = tpu.memref_slice %arg10[%add3A_23, %dma_wait3A_74] : memref<10112x32xf32, #tpu.memory_space<vmem_shared>> -> memref<120x32xf32, #tpu.memory_space<vmem_shared>>
      %dma_wait3A_76 = arith.constant 0 : i32
      %dma_wait3A_77 = arith.constant 0 : i32
      %dma_wait3A_78 = tpu.memref_slice %arg9[%dma_wait3A_76, %dma_wait3A_77] : memref<128x32xf32, #tpu.memory_space<vmem>> -> memref<120x32xf32, #tpu.memory_space<vmem>>
      tpu.wait_dma2 semaphore(%run_scoped3A : memref<!tpu.dma_semaphore, #tpu.memory_space<semaphore_mem>>) src(%dma_wait3A_78 : memref<120x32xf32, #tpu.memory_space<vmem>>) dst(%dma_wait3A_75 : memref<120x32xf32, #tpu.memory_space<vmem_shared>>)
      tpu.yield
    }) : () -> ()
    %barrier3A = arith.constant 0 : index
    tpu.barrier barrier_id(%barrier3A)
    %scan3A_24 = arith.constant 0 : i32
    %scan3A_25 = arith.constant 0 : i32
    %scan3A_26 = arith.constant 20 : i32
    %scan3A_27 = arith.addi %scan3A_25, %scan3A_26 : i32
    %scan3A_28 = arith.constant 1 : i32
    %scan3A_29 = scf.for %scan3A_61 = %scan3A_25 to %scan3A_27 step %scan3A_28 iter_args(%scan3A_62 = %scan3A_24) -> (i32)  : i32 {
      %mul3A_63 = arith.constant 8 : i32
      %mul3A_64 = arith.muli %scan3A_61, %mul3A_63 : i32
      %add3A_65 = arith.constant 0 : i32
      %add3A_66 = arith.addi %mul3A_64, %add3A_65 : i32
      %dma_start3A = arith.constant 0 : i32
      %dma_start3A_67 = arith.constant 0 : i32
      %dma_start3A_68 = arith.constant 0 : i32
      %dma_start3A_69 = tpu.memref_slice %arg8[%dma_start3A, %dma_start3A_67, %dma_start3A_68] : memref<8x128x32xf32, #tpu.memory_space<vmem>> -> memref<1x128x32xf32, #tpu.memory_space<vmem>>
      %dma_start3A_70 = tpu.memref_squeeze %dma_start3A_69 : memref<1x128x32xf32, #tpu.memory_space<vmem>> -> memref<128x32xf32, #tpu.memory_space<vmem>>
      %dma_start3A_71 = arith.constant 0 : i32
      %dma_start3A_72 = tpu.memref_slice %arg6[%add3A_66, %dma_start3A_71] : memref<160x128xi32, #tpu.memory_space<vmem>> -> memref<1x128xi32, #tpu.memory_space<vmem>>
      %dma_start3A_73 = tpu.memref_squeeze %dma_start3A_72 : memref<1x128xi32, #tpu.memory_space<vmem>> -> memref<128xi32, #tpu.memory_space<vmem>>
      %dma_start3A_74 = arith.constant 0 : i32
      %dma_start3A_75 = arith.constant 0 : i32
      %dma_start3A_76 = tpu.memref_slice %arg11[%dma_start3A_74, %dma_start3A_75] : memref<10000x32xf32, #tpu.memory_space<vmem_shared>> -> memref<10000x32xf32, #tpu.memory_space<vmem_shared>>
      tpu.enqueue_indirect_dma source(%dma_start3A_76 : memref<10000x32xf32, #tpu.memory_space<vmem_shared>>) target(%dma_start3A_70 : memref<128x32xf32, #tpu.memory_space<vmem>>) offsets(%dma_start3A_73 : memref<128xi32, #tpu.memory_space<vmem>>) semaphore(%arg12 : memref<!tpu.dma_semaphore, #tpu.memory_space<semaphore_mem>>)
      %add3A_77 = arith.constant 1 : i32
      %add3A_78 = arith.addi %mul3A_64, %add3A_77 : i32
      %dma_start3A_79 = arith.constant 1 : i32
      %dma_start3A_80 = arith.constant 0 : i32
      %dma_start3A_81 = arith.constant 0 : i32
      %dma_start3A_82 = tpu.memref_slice %arg8[%dma_start3A_79, %dma_start3A_80, %dma_start3A_81] : memref<8x128x32xf32, #tpu.memory_space<vmem>> -> memref<1x128x32xf32, #tpu.memory_space<vmem>>
      %dma_start3A_83 = tpu.memref_squeeze %dma_start3A_82 : memref<1x128x32xf32, #tpu.memory_space<vmem>> -> memref<128x32xf32, #tpu.memory_space<vmem>>
      %dma_start3A_84 = arith.constant 0 : i32
      %dma_start3A_85 = tpu.memref_slice %arg6[%add3A_78, %dma_start3A_84] : memref<160x128xi32, #tpu.memory_space<vmem>> -> memref<1x128xi32, #tpu.memory_space<vmem>>
      %dma_start3A_86 = tpu.memref_squeeze %dma_start3A_85 : memref<1x128xi32, #tpu.memory_space<vmem>> -> memref<128xi32, #tpu.memory_space<vmem>>
      %dma_start3A_87 = arith.constant 0 : i32
      %dma_start3A_88 = arith.constant 0 : i32
      %dma_start3A_89 = tpu.memref_slice %arg11[%dma_start3A_87, %dma_start3A_88] : memref<10000x32xf32, #tpu.memory_space<vmem_shared>> -> memref<10000x32xf32, #tpu.memory_space<vmem_shared>>
      tpu.enqueue_indirect_dma source(%dma_start3A_89 : memref<10000x32xf32, #tpu.memory_space<vmem_shared>>) target(%dma_start3A_83 : memref<128x32xf32, #tpu.memory_space<vmem>>) offsets(%dma_start3A_86 : memref<128xi32, #tpu.memory_space<vmem>>) semaphore(%arg13 : memref<!tpu.dma_semaphore, #tpu.memory_space<semaphore_mem>>)
      %add3A_90 = arith.constant 2 : i32
      %add3A_91 = arith.addi %mul3A_64, %add3A_90 : i32
      %dma_start3A_92 = arith.constant 2 : i32
      %dma_start3A_93 = arith.constant 0 : i32
      %dma_start3A_94 = arith.constant 0 : i32
      %dma_start3A_95 = tpu.memref_slice %arg8[%dma_start3A_92, %dma_start3A_93, %dma_start3A_94] : memref<8x128x32xf32, #tpu.memory_space<vmem>> -> memref<1x128x32xf32, #tpu.memory_space<vmem>>
      %dma_start3A_96 = tpu.memref_squeeze %dma_start3A_95 : memref<1x128x32xf32, #tpu.memory_space<vmem>> -> memref<128x32xf32, #tpu.memory_space<vmem>>
      %dma_start3A_97 = arith.constant 0 : i32
      %dma_start3A_98 = tpu.memref_slice %arg6[%add3A_91, %dma_start3A_97] : memref<160x128xi32, #tpu.memory_space<vmem>> -> memref<1x128xi32, #tpu.memory_space<vmem>>
      %dma_start3A_99 = tpu.memref_squeeze %dma_start3A_98 : memref<1x128xi32, #tpu.memory_space<vmem>> -> memref<128xi32, #tpu.memory_space<vmem>>
      %dma_start3A_100 = arith.constant 0 : i32
      %dma_start3A_101 = arith.constant 0 : i32
      %dma_start3A_102 = tpu.memref_slice %arg11[%dma_start3A_100, %dma_start3A_101] : memref<10000x32xf32, #tpu.memory_space<vmem_shared>> -> memref<10000x32xf32, #tpu.memory_space<vmem_shared>>
      tpu.enqueue_indirect_dma source(%dma_start3A_102 : memref<10000x32xf32, #tpu.memory_space<vmem_shared>>) target(%dma_start3A_96 : memref<128x32xf32, #tpu.memory_space<vmem>>) offsets(%dma_start3A_99 : memref<128xi32, #tpu.memory_space<vmem>>) semaphore(%arg14 : memref<!tpu.dma_semaphore, #tpu.memory_space<semaphore_mem>>)
      %add3A_103 = arith.constant 3 : i32
      %add3A_104 = arith.addi %mul3A_64, %add3A_103 : i32
      %dma_start3A_105 = arith.constant 3 : i32
      %dma_start3A_106 = arith.constant 0 : i32
      %dma_start3A_107 = arith.constant 0 : i32
      %dma_start3A_108 = tpu.memref_slice %arg8[%dma_start3A_105, %dma_start3A_106, %dma_start3A_107] : memref<8x128x32xf32, #tpu.memory_space<vmem>> -> memref<1x128x32xf32, #tpu.memory_space<vmem>>
      %dma_start3A_109 = tpu.memref_squeeze %dma_start3A_108 : memref<1x128x32xf32, #tpu.memory_space<vmem>> -> memref<128x32xf32, #tpu.memory_space<vmem>>
      %dma_start3A_110 = arith.constant 0 : i32
      %dma_start3A_111 = tpu.memref_slice %arg6[%add3A_104, %dma_start3A_110] : memref<160x128xi32, #tpu.memory_space<vmem>> -> memref<1x128xi32, #tpu.memory_space<vmem>>
      %dma_start3A_112 = tpu.memref_squeeze %dma_start3A_111 : memref<1x128xi32, #tpu.memory_space<vmem>> -> memref<128xi32, #tpu.memory_space<vmem>>
      %dma_start3A_113 = arith.constant 0 : i32
      %dma_start3A_114 = arith.constant 0 : i32
      %dma_start3A_115 = tpu.memref_slice %arg11[%dma_start3A_113, %dma_start3A_114] : memref<10000x32xf32, #tpu.memory_space<vmem_shared>> -> memref<10000x32xf32, #tpu.memory_space<vmem_shared>>
      tpu.enqueue_indirect_dma source(%dma_start3A_115 : memref<10000x32xf32, #tpu.memory_space<vmem_shared>>) target(%dma_start3A_109 : memref<128x32xf32, #tpu.memory_space<vmem>>) offsets(%dma_start3A_112 : memref<128xi32, #tpu.memory_space<vmem>>) semaphore(%arg15 : memref<!tpu.dma_semaphore, #tpu.memory_space<semaphore_mem>>)
      %add3A_116 = arith.constant 4 : i32
      %add3A_117 = arith.addi %mul3A_64, %add3A_116 : i32
      %dma_start3A_118 = arith.constant 4 : i32
      %dma_start3A_119 = arith.constant 0 : i32
      %dma_start3A_120 = arith.constant 0 : i32
      %dma_start3A_121 = tpu.memref_slice %arg8[%dma_start3A_118, %dma_start3A_119, %dma_start3A_120] : memref<8x128x32xf32, #tpu.memory_space<vmem>> -> memref<1x128x32xf32, #tpu.memory_space<vmem>>
      %dma_start3A_122 = tpu.memref_squeeze %dma_start3A_121 : memref<1x128x32xf32, #tpu.memory_space<vmem>> -> memref<128x32xf32, #tpu.memory_space<vmem>>
      %dma_start3A_123 = arith.constant 0 : i32
      %dma_start3A_124 = tpu.memref_slice %arg6[%add3A_117, %dma_start3A_123] : memref<160x128xi32, #tpu.memory_space<vmem>> -> memref<1x128xi32, #tpu.memory_space<vmem>>
      %dma_start3A_125 = tpu.memref_squeeze %dma_start3A_124 : memref<1x128xi32, #tpu.memory_space<vmem>> -> memref<128xi32, #tpu.memory_space<vmem>>
      %dma_start3A_126 = arith.constant 0 : i32
      %dma_start3A_127 = arith.constant 0 : i32
      %dma_start3A_128 = tpu.memref_slice %arg11[%dma_start3A_126, %dma_start3A_127] : memref<10000x32xf32, #tpu.memory_space<vmem_shared>> -> memref<10000x32xf32, #tpu.memory_space<vmem_shared>>
      tpu.enqueue_indirect_dma source(%dma_start3A_128 : memref<10000x32xf32, #tpu.memory_space<vmem_shared>>) target(%dma_start3A_122 : memref<128x32xf32, #tpu.memory_space<vmem>>) offsets(%dma_start3A_125 : memref<128xi32, #tpu.memory_space<vmem>>) semaphore(%arg16 : memref<!tpu.dma_semaphore, #tpu.memory_space<semaphore_mem>>)
      %add3A_129 = arith.constant 5 : i32
      %add3A_130 = arith.addi %mul3A_64, %add3A_129 : i32
      %dma_start3A_131 = arith.constant 5 : i32
      %dma_start3A_132 = arith.constant 0 : i32
      %dma_start3A_133 = arith.constant 0 : i32
      %dma_start3A_134 = tpu.memref_slice %arg8[%dma_start3A_131, %dma_start3A_132, %dma_start3A_133] : memref<8x128x32xf32, #tpu.memory_space<vmem>> -> memref<1x128x32xf32, #tpu.memory_space<vmem>>
      %dma_start3A_135 = tpu.memref_squeeze %dma_start3A_134 : memref<1x128x32xf32, #tpu.memory_space<vmem>> -> memref<128x32xf32, #tpu.memory_space<vmem>>
      %dma_start3A_136 = arith.constant 0 : i32
      %dma_start3A_137 = tpu.memref_slice %arg6[%add3A_130, %dma_start3A_136] : memref<160x128xi32, #tpu.memory_space<vmem>> -> memref<1x128xi32, #tpu.memory_space<vmem>>
      %dma_start3A_138 = tpu.memref_squeeze %dma_start3A_137 : memref<1x128xi32, #tpu.memory_space<vmem>> -> memref<128xi32, #tpu.memory_space<vmem>>
      %dma_start3A_139 = arith.constant 0 : i32
      %dma_start3A_140 = arith.constant 0 : i32
      %dma_start3A_141 = tpu.memref_slice %arg11[%dma_start3A_139, %dma_start3A_140] : memref<10000x32xf32, #tpu.memory_space<vmem_shared>> -> memref<10000x32xf32, #tpu.memory_space<vmem_shared>>
      tpu.enqueue_indirect_dma source(%dma_start3A_141 : memref<10000x32xf32, #tpu.memory_space<vmem_shared>>) target(%dma_start3A_135 : memref<128x32xf32, #tpu.memory_space<vmem>>) offsets(%dma_start3A_138 : memref<128xi32, #tpu.memory_space<vmem>>) semaphore(%arg17 : memref<!tpu.dma_semaphore, #tpu.memory_space<semaphore_mem>>)
      %add3A_142 = arith.constant 6 : i32
      %add3A_143 = arith.addi %mul3A_64, %add3A_142 : i32
      %dma_start3A_144 = arith.constant 6 : i32
      %dma_start3A_145 = arith.constant 0 : i32
      %dma_start3A_146 = arith.constant 0 : i32
      %dma_start3A_147 = tpu.memref_slice %arg8[%dma_start3A_144, %dma_start3A_145, %dma_start3A_146] : memref<8x128x32xf32, #tpu.memory_space<vmem>> -> memref<1x128x32xf32, #tpu.memory_space<vmem>>
      %dma_start3A_148 = tpu.memref_squeeze %dma_start3A_147 : memref<1x128x32xf32, #tpu.memory_space<vmem>> -> memref<128x32xf32, #tpu.memory_space<vmem>>
      %dma_start3A_149 = arith.constant 0 : i32
      %dma_start3A_150 = tpu.memref_slice %arg6[%add3A_143, %dma_start3A_149] : memref<160x128xi32, #tpu.memory_space<vmem>> -> memref<1x128xi32, #tpu.memory_space<vmem>>
      %dma_start3A_151 = tpu.memref_squeeze %dma_start3A_150 : memref<1x128xi32, #tpu.memory_space<vmem>> -> memref<128xi32, #tpu.memory_space<vmem>>
      %dma_start3A_152 = arith.constant 0 : i32
      %dma_start3A_153 = arith.constant 0 : i32
      %dma_start3A_154 = tpu.memref_slice %arg11[%dma_start3A_152, %dma_start3A_153] : memref<10000x32xf32, #tpu.memory_space<vmem_shared>> -> memref<10000x32xf32, #tpu.memory_space<vmem_shared>>
      tpu.enqueue_indirect_dma source(%dma_start3A_154 : memref<10000x32xf32, #tpu.memory_space<vmem_shared>>) target(%dma_start3A_148 : memref<128x32xf32, #tpu.memory_space<vmem>>) offsets(%dma_start3A_151 : memref<128xi32, #tpu.memory_space<vmem>>) semaphore(%arg18 : memref<!tpu.dma_semaphore, #tpu.memory_space<semaphore_mem>>)
      %add3A_155 = arith.constant 7 : i32
      %add3A_156 = arith.addi %mul3A_64, %add3A_155 : i32
      %dma_start3A_157 = arith.constant 7 : i32
      %dma_start3A_158 = arith.constant 0 : i32
      %dma_start3A_159 = arith.constant 0 : i32
      %dma_start3A_160 = tpu.memref_slice %arg8[%dma_start3A_157, %dma_start3A_158, %dma_start3A_159] : memref<8x128x32xf32, #tpu.memory_space<vmem>> -> memref<1x128x32xf32, #tpu.memory_space<vmem>>
      %dma_start3A_161 = tpu.memref_squeeze %dma_start3A_160 : memref<1x128x32xf32, #tpu.memory_space<vmem>> -> memref<128x32xf32, #tpu.memory_space<vmem>>
      %dma_start3A_162 = arith.constant 0 : i32
      %dma_start3A_163 = tpu.memref_slice %arg6[%add3A_156, %dma_start3A_162] : memref<160x128xi32, #tpu.memory_space<vmem>> -> memref<1x128xi32, #tpu.memory_space<vmem>>
      %dma_start3A_164 = tpu.memref_squeeze %dma_start3A_163 : memref<1x128xi32, #tpu.memory_space<vmem>> -> memref<128xi32, #tpu.memory_space<vmem>>
      %dma_start3A_165 = arith.constant 0 : i32
      %dma_start3A_166 = arith.constant 0 : i32
      %dma_start3A_167 = tpu.memref_slice %arg11[%dma_start3A_165, %dma_start3A_166] : memref<10000x32xf32, #tpu.memory_space<vmem_shared>> -> memref<10000x32xf32, #tpu.memory_space<vmem_shared>>
      tpu.enqueue_indirect_dma source(%dma_start3A_167 : memref<10000x32xf32, #tpu.memory_space<vmem_shared>>) target(%dma_start3A_161 : memref<128x32xf32, #tpu.memory_space<vmem>>) offsets(%dma_start3A_164 : memref<128xi32, #tpu.memory_space<vmem>>) semaphore(%arg19 : memref<!tpu.dma_semaphore, #tpu.memory_space<semaphore_mem>>)
      %dma_wait3A = arith.constant 0 : i32
      %dma_wait3A_168 = arith.constant 0 : i32
      %dma_wait3A_169 = arith.constant 0 : i32
      %dma_wait3A_170 = tpu.memref_slice %arg8[%dma_wait3A, %dma_wait3A_168, %dma_wait3A_169] : memref<8x128x32xf32, #tpu.memory_space<vmem>> -> memref<1x128x32xf32, #tpu.memory_space<vmem>>
      %dma_wait3A_171 = tpu.memref_squeeze %dma_wait3A_170 : memref<1x128x32xf32, #tpu.memory_space<vmem>> -> memref<128x32xf32, #tpu.memory_space<vmem>>
      %dma_wait3A_172 = arith.constant 0 : i32
      %dma_wait3A_173 = tpu.memref_slice %arg6[%add3A_66, %dma_wait3A_172] : memref<160x128xi32, #tpu.memory_space<vmem>> -> memref<1x128xi32, #tpu.memory_space<vmem>>
      %dma_wait3A_174 = tpu.memref_squeeze %dma_wait3A_173 : memref<1x128xi32, #tpu.memory_space<vmem>> -> memref<128xi32, #tpu.memory_space<vmem>>
      %dma_wait3A_175 = arith.constant 0 : i32
      %dma_wait3A_176 = arith.constant 0 : i32
      %dma_wait3A_177 = tpu.memref_slice %arg11[%dma_wait3A_175, %dma_wait3A_176] : memref<10000x32xf32, #tpu.memory_space<vmem_shared>> -> memref<10000x32xf32, #tpu.memory_space<vmem_shared>>
      tpu.wait_indirect_dma semaphore(%arg12 : memref<!tpu.dma_semaphore, #tpu.memory_space<semaphore_mem>>) src(%dma_wait3A_177 : memref<10000x32xf32, #tpu.memory_space<vmem_shared>>) dst(%dma_wait3A_171 : memref<128x32xf32, #tpu.memory_space<vmem>>)
      %add3A_178 = arith.constant 0 : i32
      %add3A_179 = arith.addi %mul3A_64, %add3A_178 : i32
      %dma_start3A_180 = arith.constant 0 : i32
      %dma_start3A_181 = arith.constant 0 : i32
      %dma_start3A_182 = arith.constant 0 : i32
      %dma_start3A_183 = tpu.memref_slice %arg8[%dma_start3A_180, %dma_start3A_181, %dma_start3A_182] : memref<8x128x32xf32, #tpu.memory_space<vmem>> -> memref<1x128x32xf32, #tpu.memory_space<vmem>>
      %dma_start3A_184 = tpu.memref_squeeze %dma_start3A_183 : memref<1x128x32xf32, #tpu.memory_space<vmem>> -> memref<128x32xf32, #tpu.memory_space<vmem>>
      %dma_start3A_185 = arith.constant 0 : i32
      %dma_start3A_186 = tpu.memref_slice %arg7[%add3A_179, %dma_start3A_185] : memref<160x128xi32, #tpu.memory_space<vmem>> -> memref<1x128xi32, #tpu.memory_space<vmem>>
      %dma_start3A_187 = tpu.memref_squeeze %dma_start3A_186 : memref<1x128xi32, #tpu.memory_space<vmem>> -> memref<128xi32, #tpu.memory_space<vmem>>
      %dma_start3A_188 = arith.constant 0 : i32
      %dma_start3A_189 = arith.constant 0 : i32
      %dma_start3A_190 = tpu.memref_slice %arg10[%dma_start3A_188, %dma_start3A_189] : memref<10112x32xf32, #tpu.memory_space<vmem_shared>> -> memref<10112x32xf32, #tpu.memory_space<vmem_shared>>
      tpu.enqueue_indirect_dma source(%dma_start3A_184 : memref<128x32xf32, #tpu.memory_space<vmem>>) target(%dma_start3A_190 : memref<10112x32xf32, #tpu.memory_space<vmem_shared>>) offsets(%dma_start3A_187 : memref<128xi32, #tpu.memory_space<vmem>>) semaphore(%arg20 : memref<!tpu.dma_semaphore, #tpu.memory_space<semaphore_mem>>) {add = true}
      %dma_wait3A_191 = arith.constant 1 : i32
      %dma_wait3A_192 = arith.constant 0 : i32
      %dma_wait3A_193 = arith.constant 0 : i32
      %dma_wait3A_194 = tpu.memref_slice %arg8[%dma_wait3A_191, %dma_wait3A_192, %dma_wait3A_193] : memref<8x128x32xf32, #tpu.memory_space<vmem>> -> memref<1x128x32xf32, #tpu.memory_space<vmem>>
      %dma_wait3A_195 = tpu.memref_squeeze %dma_wait3A_194 : memref<1x128x32xf32, #tpu.memory_space<vmem>> -> memref<128x32xf32, #tpu.memory_space<vmem>>
      %dma_wait3A_196 = arith.constant 0 : i32
      %dma_wait3A_197 = tpu.memref_slice %arg6[%add3A_78, %dma_wait3A_196] : memref<160x128xi32, #tpu.memory_space<vmem>> -> memref<1x128xi32, #tpu.memory_space<vmem>>
      %dma_wait3A_198 = tpu.memref_squeeze %dma_wait3A_197 : memref<1x128xi32, #tpu.memory_space<vmem>> -> memref<128xi32, #tpu.memory_space<vmem>>
      %dma_wait3A_199 = arith.constant 0 : i32
      %dma_wait3A_200 = arith.constant 0 : i32
      %dma_wait3A_201 = tpu.memref_slice %arg11[%dma_wait3A_199, %dma_wait3A_200] : memref<10000x32xf32, #tpu.memory_space<vmem_shared>> -> memref<10000x32xf32, #tpu.memory_space<vmem_shared>>
      tpu.wait_indirect_dma semaphore(%arg13 : memref<!tpu.dma_semaphore, #tpu.memory_space<semaphore_mem>>) src(%dma_wait3A_201 : memref<10000x32xf32, #tpu.memory_space<vmem_shared>>) dst(%dma_wait3A_195 : memref<128x32xf32, #tpu.memory_space<vmem>>)
      %add3A_202 = arith.constant 1 : i32
      %add3A_203 = arith.addi %mul3A_64, %add3A_202 : i32
      %dma_start3A_204 = arith.constant 1 : i32
      %dma_start3A_205 = arith.constant 0 : i32
      %dma_start3A_206 = arith.constant 0 : i32
      %dma_start3A_207 = tpu.memref_slice %arg8[%dma_start3A_204, %dma_start3A_205, %dma_start3A_206] : memref<8x128x32xf32, #tpu.memory_space<vmem>> -> memref<1x128x32xf32, #tpu.memory_space<vmem>>
      %dma_start3A_208 = tpu.memref_squeeze %dma_start3A_207 : memref<1x128x32xf32, #tpu.memory_space<vmem>> -> memref<128x32xf32, #tpu.memory_space<vmem>>
      %dma_start3A_209 = arith.constant 0 : i32
      %dma_start3A_210 = tpu.memref_slice %arg7[%add3A_203, %dma_start3A_209] : memref<160x128xi32, #tpu.memory_space<vmem>> -> memref<1x128xi32, #tpu.memory_space<vmem>>
      %dma_start3A_211 = tpu.memref_squeeze %dma_start3A_210 : memref<1x128xi32, #tpu.memory_space<vmem>> -> memref<128xi32, #tpu.memory_space<vmem>>
      %dma_start3A_212 = arith.constant 0 : i32
      %dma_start3A_213 = arith.constant 0 : i32
      %dma_start3A_214 = tpu.memref_slice %arg10[%dma_start3A_212, %dma_start3A_213] : memref<10112x32xf32, #tpu.memory_space<vmem_shared>> -> memref<10112x32xf32, #tpu.memory_space<vmem_shared>>
      tpu.enqueue_indirect_dma source(%dma_start3A_208 : memref<128x32xf32, #tpu.memory_space<vmem>>) target(%dma_start3A_214 : memref<10112x32xf32, #tpu.memory_space<vmem_shared>>) offsets(%dma_start3A_211 : memref<128xi32, #tpu.memory_space<vmem>>) semaphore(%arg21 : memref<!tpu.dma_semaphore, #tpu.memory_space<semaphore_mem>>) {add = true}
      %dma_wait3A_215 = arith.constant 2 : i32
      %dma_wait3A_216 = arith.constant 0 : i32
      %dma_wait3A_217 = arith.constant 0 : i32
      %dma_wait3A_218 = tpu.memref_slice %arg8[%dma_wait3A_215, %dma_wait3A_216, %dma_wait3A_217] : memref<8x128x32xf32, #tpu.memory_space<vmem>> -> memref<1x128x32xf32, #tpu.memory_space<vmem>>
      %dma_wait3A_219 = tpu.memref_squeeze %dma_wait3A_218 : memref<1x128x32xf32, #tpu.memory_space<vmem>> -> memref<128x32xf32, #tpu.memory_space<vmem>>
      %dma_wait3A_220 = arith.constant 0 : i32
      %dma_wait3A_221 = tpu.memref_slice %arg6[%add3A_91, %dma_wait3A_220] : memref<160x128xi32, #tpu.memory_space<vmem>> -> memref<1x128xi32, #tpu.memory_space<vmem>>
      %dma_wait3A_222 = tpu.memref_squeeze %dma_wait3A_221 : memref<1x128xi32, #tpu.memory_space<vmem>> -> memref<128xi32, #tpu.memory_space<vmem>>
      %dma_wait3A_223 = arith.constant 0 : i32
      %dma_wait3A_224 = arith.constant 0 : i32
      %dma_wait3A_225 = tpu.memref_slice %arg11[%dma_wait3A_223, %dma_wait3A_224] : memref<10000x32xf32, #tpu.memory_space<vmem_shared>> -> memref<10000x32xf32, #tpu.memory_space<vmem_shared>>
      tpu.wait_indirect_dma semaphore(%arg14 : memref<!tpu.dma_semaphore, #tpu.memory_space<semaphore_mem>>) src(%dma_wait3A_225 : memref<10000x32xf32, #tpu.memory_space<vmem_shared>>) dst(%dma_wait3A_219 : memref<128x32xf32, #tpu.memory_space<vmem>>)
      %add3A_226 = arith.constant 2 : i32
      %add3A_227 = arith.addi %mul3A_64, %add3A_226 : i32
      %dma_start3A_228 = arith.constant 2 : i32
      %dma_start3A_229 = arith.constant 0 : i32
      %dma_start3A_230 = arith.constant 0 : i32
      %dma_start3A_231 = tpu.memref_slice %arg8[%dma_start3A_228, %dma_start3A_229, %dma_start3A_230] : memref<8x128x32xf32, #tpu.memory_space<vmem>> -> memref<1x128x32xf32, #tpu.memory_space<vmem>>
      %dma_start3A_232 = tpu.memref_squeeze %dma_start3A_231 : memref<1x128x32xf32, #tpu.memory_space<vmem>> -> memref<128x32xf32, #tpu.memory_space<vmem>>
      %dma_start3A_233 = arith.constant 0 : i32
      %dma_start3A_234 = tpu.memref_slice %arg7[%add3A_227, %dma_start3A_233] : memref<160x128xi32, #tpu.memory_space<vmem>> -> memref<1x128xi32, #tpu.memory_space<vmem>>
      %dma_start3A_235 = tpu.memref_squeeze %dma_start3A_234 : memref<1x128xi32, #tpu.memory_space<vmem>> -> memref<128xi32, #tpu.memory_space<vmem>>
      %dma_start3A_236 = arith.constant 0 : i32
      %dma_start3A_237 = arith.constant 0 : i32
      %dma_start3A_238 = tpu.memref_slice %arg10[%dma_start3A_236, %dma_start3A_237] : memref<10112x32xf32, #tpu.memory_space<vmem_shared>> -> memref<10112x32xf32, #tpu.memory_space<vmem_shared>>
      tpu.enqueue_indirect_dma source(%dma_start3A_232 : memref<128x32xf32, #tpu.memory_space<vmem>>) target(%dma_start3A_238 : memref<10112x32xf32, #tpu.memory_space<vmem_shared>>) offsets(%dma_start3A_235 : memref<128xi32, #tpu.memory_space<vmem>>) semaphore(%arg22 : memref<!tpu.dma_semaphore, #tpu.memory_space<semaphore_mem>>) {add = true}
      %dma_wait3A_239 = arith.constant 3 : i32
      %dma_wait3A_240 = arith.constant 0 : i32
      %dma_wait3A_241 = arith.constant 0 : i32
      %dma_wait3A_242 = tpu.memref_slice %arg8[%dma_wait3A_239, %dma_wait3A_240, %dma_wait3A_241] : memref<8x128x32xf32, #tpu.memory_space<vmem>> -> memref<1x128x32xf32, #tpu.memory_space<vmem>>
      %dma_wait3A_243 = tpu.memref_squeeze %dma_wait3A_242 : memref<1x128x32xf32, #tpu.memory_space<vmem>> -> memref<128x32xf32, #tpu.memory_space<vmem>>
      %dma_wait3A_244 = arith.constant 0 : i32
      %dma_wait3A_245 = tpu.memref_slice %arg6[%add3A_104, %dma_wait3A_244] : memref<160x128xi32, #tpu.memory_space<vmem>> -> memref<1x128xi32, #tpu.memory_space<vmem>>
      %dma_wait3A_246 = tpu.memref_squeeze %dma_wait3A_245 : memref<1x128xi32, #tpu.memory_space<vmem>> -> memref<128xi32, #tpu.memory_space<vmem>>
      %dma_wait3A_247 = arith.constant 0 : i32
      %dma_wait3A_248 = arith.constant 0 : i32
      %dma_wait3A_249 = tpu.memref_slice %arg11[%dma_wait3A_247, %dma_wait3A_248] : memref<10000x32xf32, #tpu.memory_space<vmem_shared>> -> memref<10000x32xf32, #tpu.memory_space<vmem_shared>>
      tpu.wait_indirect_dma semaphore(%arg15 : memref<!tpu.dma_semaphore, #tpu.memory_space<semaphore_mem>>) src(%dma_wait3A_249 : memref<10000x32xf32, #tpu.memory_space<vmem_shared>>) dst(%dma_wait3A_243 : memref<128x32xf32, #tpu.memory_space<vmem>>)
      %add3A_250 = arith.constant 3 : i32
      %add3A_251 = arith.addi %mul3A_64, %add3A_250 : i32
      %dma_start3A_252 = arith.constant 3 : i32
      %dma_start3A_253 = arith.constant 0 : i32
      %dma_start3A_254 = arith.constant 0 : i32
      %dma_start3A_255 = tpu.memref_slice %arg8[%dma_start3A_252, %dma_start3A_253, %dma_start3A_254] : memref<8x128x32xf32, #tpu.memory_space<vmem>> -> memref<1x128x32xf32, #tpu.memory_space<vmem>>
      %dma_start3A_256 = tpu.memref_squeeze %dma_start3A_255 : memref<1x128x32xf32, #tpu.memory_space<vmem>> -> memref<128x32xf32, #tpu.memory_space<vmem>>
      %dma_start3A_257 = arith.constant 0 : i32
      %dma_start3A_258 = tpu.memref_slice %arg7[%add3A_251, %dma_start3A_257] : memref<160x128xi32, #tpu.memory_space<vmem>> -> memref<1x128xi32, #tpu.memory_space<vmem>>
      %dma_start3A_259 = tpu.memref_squeeze %dma_start3A_258 : memref<1x128xi32, #tpu.memory_space<vmem>> -> memref<128xi32, #tpu.memory_space<vmem>>
      %dma_start3A_260 = arith.constant 0 : i32
      %dma_start3A_261 = arith.constant 0 : i32
      %dma_start3A_262 = tpu.memref_slice %arg10[%dma_start3A_260, %dma_start3A_261] : memref<10112x32xf32, #tpu.memory_space<vmem_shared>> -> memref<10112x32xf32, #tpu.memory_space<vmem_shared>>
      tpu.enqueue_indirect_dma source(%dma_start3A_256 : memref<128x32xf32, #tpu.memory_space<vmem>>) target(%dma_start3A_262 : memref<10112x32xf32, #tpu.memory_space<vmem_shared>>) offsets(%dma_start3A_259 : memref<128xi32, #tpu.memory_space<vmem>>) semaphore(%arg23 : memref<!tpu.dma_semaphore, #tpu.memory_space<semaphore_mem>>) {add = true}
      %dma_wait3A_263 = arith.constant 4 : i32
      %dma_wait3A_264 = arith.constant 0 : i32
      %dma_wait3A_265 = arith.constant 0 : i32
      %dma_wait3A_266 = tpu.memref_slice %arg8[%dma_wait3A_263, %dma_wait3A_264, %dma_wait3A_265] : memref<8x128x32xf32, #tpu.memory_space<vmem>> -> memref<1x128x32xf32, #tpu.memory_space<vmem>>
      %dma_wait3A_267 = tpu.memref_squeeze %dma_wait3A_266 : memref<1x128x32xf32, #tpu.memory_space<vmem>> -> memref<128x32xf32, #tpu.memory_space<vmem>>
      %dma_wait3A_268 = arith.constant 0 : i32
      %dma_wait3A_269 = tpu.memref_slice %arg6[%add3A_117, %dma_wait3A_268] : memref<160x128xi32, #tpu.memory_space<vmem>> -> memref<1x128xi32, #tpu.memory_space<vmem>>
      %dma_wait3A_270 = tpu.memref_squeeze %dma_wait3A_269 : memref<1x128xi32, #tpu.memory_space<vmem>> -> memref<128xi32, #tpu.memory_space<vmem>>
      %dma_wait3A_271 = arith.constant 0 : i32
      %dma_wait3A_272 = arith.constant 0 : i32
      %dma_wait3A_273 = tpu.memref_slice %arg11[%dma_wait3A_271, %dma_wait3A_272] : memref<10000x32xf32, #tpu.memory_space<vmem_shared>> -> memref<10000x32xf32, #tpu.memory_space<vmem_shared>>
      tpu.wait_indirect_dma semaphore(%arg16 : memref<!tpu.dma_semaphore, #tpu.memory_space<semaphore_mem>>) src(%dma_wait3A_273 : memref<10000x32xf32, #tpu.memory_space<vmem_shared>>) dst(%dma_wait3A_267 : memref<128x32xf32, #tpu.memory_space<vmem>>)
      %add3A_274 = arith.constant 4 : i32
      %add3A_275 = arith.addi %mul3A_64, %add3A_274 : i32
      %dma_start3A_276 = arith.constant 4 : i32
      %dma_start3A_277 = arith.constant 0 : i32
      %dma_start3A_278 = arith.constant 0 : i32
      %dma_start3A_279 = tpu.memref_slice %arg8[%dma_start3A_276, %dma_start3A_277, %dma_start3A_278] : memref<8x128x32xf32, #tpu.memory_space<vmem>> -> memref<1x128x32xf32, #tpu.memory_space<vmem>>
      %dma_start3A_280 = tpu.memref_squeeze %dma_start3A_279 : memref<1x128x32xf32, #tpu.memory_space<vmem>> -> memref<128x32xf32, #tpu.memory_space<vmem>>
      %dma_start3A_281 = arith.constant 0 : i32
      %dma_start3A_282 = tpu.memref_slice %arg7[%add3A_275, %dma_start3A_281] : memref<160x128xi32, #tpu.memory_space<vmem>> -> memref<1x128xi32, #tpu.memory_space<vmem>>
      %dma_start3A_283 = tpu.memref_squeeze %dma_start3A_282 : memref<1x128xi32, #tpu.memory_space<vmem>> -> memref<128xi32, #tpu.memory_space<vmem>>
      %dma_start3A_284 = arith.constant 0 : i32
      %dma_start3A_285 = arith.constant 0 : i32
      %dma_start3A_286 = tpu.memref_slice %arg10[%dma_start3A_284, %dma_start3A_285] : memref<10112x32xf32, #tpu.memory_space<vmem_shared>> -> memref<10112x32xf32, #tpu.memory_space<vmem_shared>>
      tpu.enqueue_indirect_dma source(%dma_start3A_280 : memref<128x32xf32, #tpu.memory_space<vmem>>) target(%dma_start3A_286 : memref<10112x32xf32, #tpu.memory_space<vmem_shared>>) offsets(%dma_start3A_283 : memref<128xi32, #tpu.memory_space<vmem>>) semaphore(%arg24 : memref<!tpu.dma_semaphore, #tpu.memory_space<semaphore_mem>>) {add = true}
      %dma_wait3A_287 = arith.constant 5 : i32
      %dma_wait3A_288 = arith.constant 0 : i32
      %dma_wait3A_289 = arith.constant 0 : i32
      %dma_wait3A_290 = tpu.memref_slice %arg8[%dma_wait3A_287, %dma_wait3A_288, %dma_wait3A_289] : memref<8x128x32xf32, #tpu.memory_space<vmem>> -> memref<1x128x32xf32, #tpu.memory_space<vmem>>
      %dma_wait3A_291 = tpu.memref_squeeze %dma_wait3A_290 : memref<1x128x32xf32, #tpu.memory_space<vmem>> -> memref<128x32xf32, #tpu.memory_space<vmem>>
      %dma_wait3A_292 = arith.constant 0 : i32
      %dma_wait3A_293 = tpu.memref_slice %arg6[%add3A_130, %dma_wait3A_292] : memref<160x128xi32, #tpu.memory_space<vmem>> -> memref<1x128xi32, #tpu.memory_space<vmem>>
      %dma_wait3A_294 = tpu.memref_squeeze %dma_wait3A_293 : memref<1x128xi32, #tpu.memory_space<vmem>> -> memref<128xi32, #tpu.memory_space<vmem>>
      %dma_wait3A_295 = arith.constant 0 : i32
      %dma_wait3A_296 = arith.constant 0 : i32
      %dma_wait3A_297 = tpu.memref_slice %arg11[%dma_wait3A_295, %dma_wait3A_296] : memref<10000x32xf32, #tpu.memory_space<vmem_shared>> -> memref<10000x32xf32, #tpu.memory_space<vmem_shared>>
      tpu.wait_indirect_dma semaphore(%arg17 : memref<!tpu.dma_semaphore, #tpu.memory_space<semaphore_mem>>) src(%dma_wait3A_297 : memref<10000x32xf32, #tpu.memory_space<vmem_shared>>) dst(%dma_wait3A_291 : memref<128x32xf32, #tpu.memory_space<vmem>>)
      %add3A_298 = arith.constant 5 : i32
      %add3A_299 = arith.addi %mul3A_64, %add3A_298 : i32
      %dma_start3A_300 = arith.constant 5 : i32
      %dma_start3A_301 = arith.constant 0 : i32
      %dma_start3A_302 = arith.constant 0 : i32
      %dma_start3A_303 = tpu.memref_slice %arg8[%dma_start3A_300, %dma_start3A_301, %dma_start3A_302] : memref<8x128x32xf32, #tpu.memory_space<vmem>> -> memref<1x128x32xf32, #tpu.memory_space<vmem>>
      %dma_start3A_304 = tpu.memref_squeeze %dma_start3A_303 : memref<1x128x32xf32, #tpu.memory_space<vmem>> -> memref<128x32xf32, #tpu.memory_space<vmem>>
      %dma_start3A_305 = arith.constant 0 : i32
      %dma_start3A_306 = tpu.memref_slice %arg7[%add3A_299, %dma_start3A_305] : memref<160x128xi32, #tpu.memory_space<vmem>> -> memref<1x128xi32, #tpu.memory_space<vmem>>
      %dma_start3A_307 = tpu.memref_squeeze %dma_start3A_306 : memref<1x128xi32, #tpu.memory_space<vmem>> -> memref<128xi32, #tpu.memory_space<vmem>>
      %dma_start3A_308 = arith.constant 0 : i32
      %dma_start3A_309 = arith.constant 0 : i32
      %dma_start3A_310 = tpu.memref_slice %arg10[%dma_start3A_308, %dma_start3A_309] : memref<10112x32xf32, #tpu.memory_space<vmem_shared>> -> memref<10112x32xf32, #tpu.memory_space<vmem_shared>>
      tpu.enqueue_indirect_dma source(%dma_start3A_304 : memref<128x32xf32, #tpu.memory_space<vmem>>) target(%dma_start3A_310 : memref<10112x32xf32, #tpu.memory_space<vmem_shared>>) offsets(%dma_start3A_307 : memref<128xi32, #tpu.memory_space<vmem>>) semaphore(%arg25 : memref<!tpu.dma_semaphore, #tpu.memory_space<semaphore_mem>>) {add = true}
      %dma_wait3A_311 = arith.constant 6 : i32
      %dma_wait3A_312 = arith.constant 0 : i32
      %dma_wait3A_313 = arith.constant 0 : i32
      %dma_wait3A_314 = tpu.memref_slice %arg8[%dma_wait3A_311, %dma_wait3A_312, %dma_wait3A_313] : memref<8x128x32xf32, #tpu.memory_space<vmem>> -> memref<1x128x32xf32, #tpu.memory_space<vmem>>
      %dma_wait3A_315 = tpu.memref_squeeze %dma_wait3A_314 : memref<1x128x32xf32, #tpu.memory_space<vmem>> -> memref<128x32xf32, #tpu.memory_space<vmem>>
      %dma_wait3A_316 = arith.constant 0 : i32
      %dma_wait3A_317 = tpu.memref_slice %arg6[%add3A_143, %dma_wait3A_316] : memref<160x128xi32, #tpu.memory_space<vmem>> -> memref<1x128xi32, #tpu.memory_space<vmem>>
      %dma_wait3A_318 = tpu.memref_squeeze %dma_wait3A_317 : memref<1x128xi32, #tpu.memory_space<vmem>> -> memref<128xi32, #tpu.memory_space<vmem>>
      %dma_wait3A_319 = arith.constant 0 : i32
      %dma_wait3A_320 = arith.constant 0 : i32
      %dma_wait3A_321 = tpu.memref_slice %arg11[%dma_wait3A_319, %dma_wait3A_320] : memref<10000x32xf32, #tpu.memory_space<vmem_shared>> -> memref<10000x32xf32, #tpu.memory_space<vmem_shared>>
      tpu.wait_indirect_dma semaphore(%arg18 : memref<!tpu.dma_semaphore, #tpu.memory_space<semaphore_mem>>) src(%dma_wait3A_321 : memref<10000x32xf32, #tpu.memory_space<vmem_shared>>) dst(%dma_wait3A_315 : memref<128x32xf32, #tpu.memory_space<vmem>>)
      %add3A_322 = arith.constant 6 : i32
      %add3A_323 = arith.addi %mul3A_64, %add3A_322 : i32
      %dma_start3A_324 = arith.constant 6 : i32
      %dma_start3A_325 = arith.constant 0 : i32
      %dma_start3A_326 = arith.constant 0 : i32
      %dma_start3A_327 = tpu.memref_slice %arg8[%dma_start3A_324, %dma_start3A_325, %dma_start3A_326] : memref<8x128x32xf32, #tpu.memory_space<vmem>> -> memref<1x128x32xf32, #tpu.memory_space<vmem>>
      %dma_start3A_328 = tpu.memref_squeeze %dma_start3A_327 : memref<1x128x32xf32, #tpu.memory_space<vmem>> -> memref<128x32xf32, #tpu.memory_space<vmem>>
      %dma_start3A_329 = arith.constant 0 : i32
      %dma_start3A_330 = tpu.memref_slice %arg7[%add3A_323, %dma_start3A_329] : memref<160x128xi32, #tpu.memory_space<vmem>> -> memref<1x128xi32, #tpu.memory_space<vmem>>
      %dma_start3A_331 = tpu.memref_squeeze %dma_start3A_330 : memref<1x128xi32, #tpu.memory_space<vmem>> -> memref<128xi32, #tpu.memory_space<vmem>>
      %dma_start3A_332 = arith.constant 0 : i32
      %dma_start3A_333 = arith.constant 0 : i32
      %dma_start3A_334 = tpu.memref_slice %arg10[%dma_start3A_332, %dma_start3A_333] : memref<10112x32xf32, #tpu.memory_space<vmem_shared>> -> memref<10112x32xf32, #tpu.memory_space<vmem_shared>>
      tpu.enqueue_indirect_dma source(%dma_start3A_328 : memref<128x32xf32, #tpu.memory_space<vmem>>) target(%dma_start3A_334 : memref<10112x32xf32, #tpu.memory_space<vmem_shared>>) offsets(%dma_start3A_331 : memref<128xi32, #tpu.memory_space<vmem>>) semaphore(%arg26 : memref<!tpu.dma_semaphore, #tpu.memory_space<semaphore_mem>>) {add = true}
      %dma_wait3A_335 = arith.constant 7 : i32
      %dma_wait3A_336 = arith.constant 0 : i32
      %dma_wait3A_337 = arith.constant 0 : i32
      %dma_wait3A_338 = tpu.memref_slice %arg8[%dma_wait3A_335, %dma_wait3A_336, %dma_wait3A_337] : memref<8x128x32xf32, #tpu.memory_space<vmem>> -> memref<1x128x32xf32, #tpu.memory_space<vmem>>
      %dma_wait3A_339 = tpu.memref_squeeze %dma_wait3A_338 : memref<1x128x32xf32, #tpu.memory_space<vmem>> -> memref<128x32xf32, #tpu.memory_space<vmem>>
      %dma_wait3A_340 = arith.constant 0 : i32
      %dma_wait3A_341 = tpu.memref_slice %arg6[%add3A_156, %dma_wait3A_340] : memref<160x128xi32, #tpu.memory_space<vmem>> -> memref<1x128xi32, #tpu.memory_space<vmem>>
      %dma_wait3A_342 = tpu.memref_squeeze %dma_wait3A_341 : memref<1x128xi32, #tpu.memory_space<vmem>> -> memref<128xi32, #tpu.memory_space<vmem>>
      %dma_wait3A_343 = arith.constant 0 : i32
      %dma_wait3A_344 = arith.constant 0 : i32
      %dma_wait3A_345 = tpu.memref_slice %arg11[%dma_wait3A_343, %dma_wait3A_344] : memref<10000x32xf32, #tpu.memory_space<vmem_shared>> -> memref<10000x32xf32, #tpu.memory_space<vmem_shared>>
      tpu.wait_indirect_dma semaphore(%arg19 : memref<!tpu.dma_semaphore, #tpu.memory_space<semaphore_mem>>) src(%dma_wait3A_345 : memref<10000x32xf32, #tpu.memory_space<vmem_shared>>) dst(%dma_wait3A_339 : memref<128x32xf32, #tpu.memory_space<vmem>>)
      %add3A_346 = arith.constant 7 : i32
      %add3A_347 = arith.addi %mul3A_64, %add3A_346 : i32
      %dma_start3A_348 = arith.constant 7 : i32
      %dma_start3A_349 = arith.constant 0 : i32
      %dma_start3A_350 = arith.constant 0 : i32
      %dma_start3A_351 = tpu.memref_slice %arg8[%dma_start3A_348, %dma_start3A_349, %dma_start3A_350] : memref<8x128x32xf32, #tpu.memory_space<vmem>> -> memref<1x128x32xf32, #tpu.memory_space<vmem>>
      %dma_start3A_352 = tpu.memref_squeeze %dma_start3A_351 : memref<1x128x32xf32, #tpu.memory_space<vmem>> -> memref<128x32xf32, #tpu.memory_space<vmem>>
      %dma_start3A_353 = arith.constant 0 : i32
      %dma_start3A_354 = tpu.memref_slice %arg7[%add3A_347, %dma_start3A_353] : memref<160x128xi32, #tpu.memory_space<vmem>> -> memref<1x128xi32, #tpu.memory_space<vmem>>
      %dma_start3A_355 = tpu.memref_squeeze %dma_start3A_354 : memref<1x128xi32, #tpu.memory_space<vmem>> -> memref<128xi32, #tpu.memory_space<vmem>>
      %dma_start3A_356 = arith.constant 0 : i32
      %dma_start3A_357 = arith.constant 0 : i32
      %dma_start3A_358 = tpu.memref_slice %arg10[%dma_start3A_356, %dma_start3A_357] : memref<10112x32xf32, #tpu.memory_space<vmem_shared>> -> memref<10112x32xf32, #tpu.memory_space<vmem_shared>>
      tpu.enqueue_indirect_dma source(%dma_start3A_352 : memref<128x32xf32, #tpu.memory_space<vmem>>) target(%dma_start3A_358 : memref<10112x32xf32, #tpu.memory_space<vmem_shared>>) offsets(%dma_start3A_355 : memref<128xi32, #tpu.memory_space<vmem>>) semaphore(%arg27 : memref<!tpu.dma_semaphore, #tpu.memory_space<semaphore_mem>>) {add = true}
      %dma_wait3A_359 = arith.constant 0 : i32
      %dma_wait3A_360 = arith.constant 0 : i32
      %dma_wait3A_361 = arith.constant 0 : i32
      %dma_wait3A_362 = tpu.memref_slice %arg8[%dma_wait3A_359, %dma_wait3A_360, %dma_wait3A_361] : memref<8x128x32xf32, #tpu.memory_space<vmem>> -> memref<1x128x32xf32, #tpu.memory_space<vmem>>
      %dma_wait3A_363 = tpu.memref_squeeze %dma_wait3A_362 : memref<1x128x32xf32, #tpu.memory_space<vmem>> -> memref<128x32xf32, #tpu.memory_space<vmem>>
      %dma_wait3A_364 = arith.constant 0 : i32
      %dma_wait3A_365 = tpu.memref_slice %arg7[%add3A_179, %dma_wait3A_364] : memref<160x128xi32, #tpu.memory_space<vmem>> -> memref<1x128xi32, #tpu.memory_space<vmem>>
      %dma_wait3A_366 = tpu.memref_squeeze %dma_wait3A_365 : memref<1x128xi32, #tpu.memory_space<vmem>> -> memref<128xi32, #tpu.memory_space<vmem>>
      %dma_wait3A_367 = arith.constant 0 : i32
      %dma_wait3A_368 = arith.constant 0 : i32
      %dma_wait3A_369 = tpu.memref_slice %arg10[%dma_wait3A_367, %dma_wait3A_368] : memref<10112x32xf32, #tpu.memory_space<vmem_shared>> -> memref<10112x32xf32, #tpu.memory_space<vmem_shared>>
      tpu.wait_indirect_dma semaphore(%arg20 : memref<!tpu.dma_semaphore, #tpu.memory_space<semaphore_mem>>) src(%dma_wait3A_363 : memref<128x32xf32, #tpu.memory_space<vmem>>) dst(%dma_wait3A_369 : memref<10112x32xf32, #tpu.memory_space<vmem_shared>>)
      %dma_wait3A_370 = arith.constant 1 : i32
      %dma_wait3A_371 = arith.constant 0 : i32
      %dma_wait3A_372 = arith.constant 0 : i32
      %dma_wait3A_373 = tpu.memref_slice %arg8[%dma_wait3A_370, %dma_wait3A_371, %dma_wait3A_372] : memref<8x128x32xf32, #tpu.memory_space<vmem>> -> memref<1x128x32xf32, #tpu.memory_space<vmem>>
      %dma_wait3A_374 = tpu.memref_squeeze %dma_wait3A_373 : memref<1x128x32xf32, #tpu.memory_space<vmem>> -> memref<128x32xf32, #tpu.memory_space<vmem>>
      %dma_wait3A_375 = arith.constant 0 : i32
      %dma_wait3A_376 = tpu.memref_slice %arg7[%add3A_203, %dma_wait3A_375] : memref<160x128xi32, #tpu.memory_space<vmem>> -> memref<1x128xi32, #tpu.memory_space<vmem>>
      %dma_wait3A_377 = tpu.memref_squeeze %dma_wait3A_376 : memref<1x128xi32, #tpu.memory_space<vmem>> -> memref<128xi32, #tpu.memory_space<vmem>>
      %dma_wait3A_378 = arith.constant 0 : i32
      %dma_wait3A_379 = arith.constant 0 : i32
      %dma_wait3A_380 = tpu.memref_slice %arg10[%dma_wait3A_378, %dma_wait3A_379] : memref<10112x32xf32, #tpu.memory_space<vmem_shared>> -> memref<10112x32xf32, #tpu.memory_space<vmem_shared>>
      tpu.wait_indirect_dma semaphore(%arg21 : memref<!tpu.dma_semaphore, #tpu.memory_space<semaphore_mem>>) src(%dma_wait3A_374 : memref<128x32xf32, #tpu.memory_space<vmem>>) dst(%dma_wait3A_380 : memref<10112x32xf32, #tpu.memory_space<vmem_shared>>)
      %dma_wait3A_381 = arith.constant 2 : i32
      %dma_wait3A_382 = arith.constant 0 : i32
      %dma_wait3A_383 = arith.constant 0 : i32
      %dma_wait3A_384 = tpu.memref_slice %arg8[%dma_wait3A_381, %dma_wait3A_382, %dma_wait3A_383] : memref<8x128x32xf32, #tpu.memory_space<vmem>> -> memref<1x128x32xf32, #tpu.memory_space<vmem>>
      %dma_wait3A_385 = tpu.memref_squeeze %dma_wait3A_384 : memref<1x128x32xf32, #tpu.memory_space<vmem>> -> memref<128x32xf32, #tpu.memory_space<vmem>>
      %dma_wait3A_386 = arith.constant 0 : i32
      %dma_wait3A_387 = tpu.memref_slice %arg7[%add3A_227, %dma_wait3A_386] : memref<160x128xi32, #tpu.memory_space<vmem>> -> memref<1x128xi32, #tpu.memory_space<vmem>>
      %dma_wait3A_388 = tpu.memref_squeeze %dma_wait3A_387 : memref<1x128xi32, #tpu.memory_space<vmem>> -> memref<128xi32, #tpu.memory_space<vmem>>
      %dma_wait3A_389 = arith.constant 0 : i32
      %dma_wait3A_390 = arith.constant 0 : i32
      %dma_wait3A_391 = tpu.memref_slice %arg10[%dma_wait3A_389, %dma_wait3A_390] : memref<10112x32xf32, #tpu.memory_space<vmem_shared>> -> memref<10112x32xf32, #tpu.memory_space<vmem_shared>>
      tpu.wait_indirect_dma semaphore(%arg22 : memref<!tpu.dma_semaphore, #tpu.memory_space<semaphore_mem>>) src(%dma_wait3A_385 : memref<128x32xf32, #tpu.memory_space<vmem>>) dst(%dma_wait3A_391 : memref<10112x32xf32, #tpu.memory_space<vmem_shared>>)
      %dma_wait3A_392 = arith.constant 3 : i32
      %dma_wait3A_393 = arith.constant 0 : i32
      %dma_wait3A_394 = arith.constant 0 : i32
      %dma_wait3A_395 = tpu.memref_slice %arg8[%dma_wait3A_392, %dma_wait3A_393, %dma_wait3A_394] : memref<8x128x32xf32, #tpu.memory_space<vmem>> -> memref<1x128x32xf32, #tpu.memory_space<vmem>>
      %dma_wait3A_396 = tpu.memref_squeeze %dma_wait3A_395 : memref<1x128x32xf32, #tpu.memory_space<vmem>> -> memref<128x32xf32, #tpu.memory_space<vmem>>
      %dma_wait3A_397 = arith.constant 0 : i32
      %dma_wait3A_398 = tpu.memref_slice %arg7[%add3A_251, %dma_wait3A_397] : memref<160x128xi32, #tpu.memory_space<vmem>> -> memref<1x128xi32, #tpu.memory_space<vmem>>
      %dma_wait3A_399 = tpu.memref_squeeze %dma_wait3A_398 : memref<1x128xi32, #tpu.memory_space<vmem>> -> memref<128xi32, #tpu.memory_space<vmem>>
      %dma_wait3A_400 = arith.constant 0 : i32
      %dma_wait3A_401 = arith.constant 0 : i32
      %dma_wait3A_402 = tpu.memref_slice %arg10[%dma_wait3A_400, %dma_wait3A_401] : memref<10112x32xf32, #tpu.memory_space<vmem_shared>> -> memref<10112x32xf32, #tpu.memory_space<vmem_shared>>
      tpu.wait_indirect_dma semaphore(%arg23 : memref<!tpu.dma_semaphore, #tpu.memory_space<semaphore_mem>>) src(%dma_wait3A_396 : memref<128x32xf32, #tpu.memory_space<vmem>>) dst(%dma_wait3A_402 : memref<10112x32xf32, #tpu.memory_space<vmem_shared>>)
      %dma_wait3A_403 = arith.constant 4 : i32
      %dma_wait3A_404 = arith.constant 0 : i32
      %dma_wait3A_405 = arith.constant 0 : i32
      %dma_wait3A_406 = tpu.memref_slice %arg8[%dma_wait3A_403, %dma_wait3A_404, %dma_wait3A_405] : memref<8x128x32xf32, #tpu.memory_space<vmem>> -> memref<1x128x32xf32, #tpu.memory_space<vmem>>
      %dma_wait3A_407 = tpu.memref_squeeze %dma_wait3A_406 : memref<1x128x32xf32, #tpu.memory_space<vmem>> -> memref<128x32xf32, #tpu.memory_space<vmem>>
      %dma_wait3A_408 = arith.constant 0 : i32
      %dma_wait3A_409 = tpu.memref_slice %arg7[%add3A_275, %dma_wait3A_408] : memref<160x128xi32, #tpu.memory_space<vmem>> -> memref<1x128xi32, #tpu.memory_space<vmem>>
      %dma_wait3A_410 = tpu.memref_squeeze %dma_wait3A_409 : memref<1x128xi32, #tpu.memory_space<vmem>> -> memref<128xi32, #tpu.memory_space<vmem>>
      %dma_wait3A_411 = arith.constant 0 : i32
      %dma_wait3A_412 = arith.constant 0 : i32
      %dma_wait3A_413 = tpu.memref_slice %arg10[%dma_wait3A_411, %dma_wait3A_412] : memref<10112x32xf32, #tpu.memory_space<vmem_shared>> -> memref<10112x32xf32, #tpu.memory_space<vmem_shared>>
      tpu.wait_indirect_dma semaphore(%arg24 : memref<!tpu.dma_semaphore, #tpu.memory_space<semaphore_mem>>) src(%dma_wait3A_407 : memref<128x32xf32, #tpu.memory_space<vmem>>) dst(%dma_wait3A_413 : memref<10112x32xf32, #tpu.memory_space<vmem_shared>>)
      %dma_wait3A_414 = arith.constant 5 : i32
      %dma_wait3A_415 = arith.constant 0 : i32
      %dma_wait3A_416 = arith.constant 0 : i32
      %dma_wait3A_417 = tpu.memref_slice %arg8[%dma_wait3A_414, %dma_wait3A_415, %dma_wait3A_416] : memref<8x128x32xf32, #tpu.memory_space<vmem>> -> memref<1x128x32xf32, #tpu.memory_space<vmem>>
      %dma_wait3A_418 = tpu.memref_squeeze %dma_wait3A_417 : memref<1x128x32xf32, #tpu.memory_space<vmem>> -> memref<128x32xf32, #tpu.memory_space<vmem>>
      %dma_wait3A_419 = arith.constant 0 : i32
      %dma_wait3A_420 = tpu.memref_slice %arg7[%add3A_299, %dma_wait3A_419] : memref<160x128xi32, #tpu.memory_space<vmem>> -> memref<1x128xi32, #tpu.memory_space<vmem>>
      %dma_wait3A_421 = tpu.memref_squeeze %dma_wait3A_420 : memref<1x128xi32, #tpu.memory_space<vmem>> -> memref<128xi32, #tpu.memory_space<vmem>>
      %dma_wait3A_422 = arith.constant 0 : i32
      %dma_wait3A_423 = arith.constant 0 : i32
      %dma_wait3A_424 = tpu.memref_slice %arg10[%dma_wait3A_422, %dma_wait3A_423] : memref<10112x32xf32, #tpu.memory_space<vmem_shared>> -> memref<10112x32xf32, #tpu.memory_space<vmem_shared>>
      tpu.wait_indirect_dma semaphore(%arg25 : memref<!tpu.dma_semaphore, #tpu.memory_space<semaphore_mem>>) src(%dma_wait3A_418 : memref<128x32xf32, #tpu.memory_space<vmem>>) dst(%dma_wait3A_424 : memref<10112x32xf32, #tpu.memory_space<vmem_shared>>)
      %dma_wait3A_425 = arith.constant 6 : i32
      %dma_wait3A_426 = arith.constant 0 : i32
      %dma_wait3A_427 = arith.constant 0 : i32
      %dma_wait3A_428 = tpu.memref_slice %arg8[%dma_wait3A_425, %dma_wait3A_426, %dma_wait3A_427] : memref<8x128x32xf32, #tpu.memory_space<vmem>> -> memref<1x128x32xf32, #tpu.memory_space<vmem>>
      %dma_wait3A_429 = tpu.memref_squeeze %dma_wait3A_428 : memref<1x128x32xf32, #tpu.memory_space<vmem>> -> memref<128x32xf32, #tpu.memory_space<vmem>>
      %dma_wait3A_430 = arith.constant 0 : i32
      %dma_wait3A_431 = tpu.memref_slice %arg7[%add3A_323, %dma_wait3A_430] : memref<160x128xi32, #tpu.memory_space<vmem>> -> memref<1x128xi32, #tpu.memory_space<vmem>>
      %dma_wait3A_432 = tpu.memref_squeeze %dma_wait3A_431 : memref<1x128xi32, #tpu.memory_space<vmem>> -> memref<128xi32, #tpu.memory_space<vmem>>
      %dma_wait3A_433 = arith.constant 0 : i32
      %dma_wait3A_434 = arith.constant 0 : i32
      %dma_wait3A_435 = tpu.memref_slice %arg10[%dma_wait3A_433, %dma_wait3A_434] : memref<10112x32xf32, #tpu.memory_space<vmem_shared>> -> memref<10112x32xf32, #tpu.memory_space<vmem_shared>>
      tpu.wait_indirect_dma semaphore(%arg26 : memref<!tpu.dma_semaphore, #tpu.memory_space<semaphore_mem>>) src(%dma_wait3A_429 : memref<128x32xf32, #tpu.memory_space<vmem>>) dst(%dma_wait3A_435 : memref<10112x32xf32, #tpu.memory_space<vmem_shared>>)
      %dma_wait3A_436 = arith.constant 7 : i32
      %dma_wait3A_437 = arith.constant 0 : i32
      %dma_wait3A_438 = arith.constant 0 : i32
      %dma_wait3A_439 = tpu.memref_slice %arg8[%dma_wait3A_436, %dma_wait3A_437, %dma_wait3A_438] : memref<8x128x32xf32, #tpu.memory_space<vmem>> -> memref<1x128x32xf32, #tpu.memory_space<vmem>>
      %dma_wait3A_440 = tpu.memref_squeeze %dma_wait3A_439 : memref<1x128x32xf32, #tpu.memory_space<vmem>> -> memref<128x32xf32, #tpu.memory_space<vmem>>
      %dma_wait3A_441 = arith.constant 0 : i32
      %dma_wait3A_442 = tpu.memref_slice %arg7[%add3A_347, %dma_wait3A_441] : memref<160x128xi32, #tpu.memory_space<vmem>> -> memref<1x128xi32, #tpu.memory_space<vmem>>
      %dma_wait3A_443 = tpu.memref_squeeze %dma_wait3A_442 : memref<1x128xi32, #tpu.memory_space<vmem>> -> memref<128xi32, #tpu.memory_space<vmem>>
      %dma_wait3A_444 = arith.constant 0 : i32
      %dma_wait3A_445 = arith.constant 0 : i32
      %dma_wait3A_446 = tpu.memref_slice %arg10[%dma_wait3A_444, %dma_wait3A_445] : memref<10112x32xf32, #tpu.memory_space<vmem_shared>> -> memref<10112x32xf32, #tpu.memory_space<vmem_shared>>
      tpu.wait_indirect_dma semaphore(%arg27 : memref<!tpu.dma_semaphore, #tpu.memory_space<semaphore_mem>>) src(%dma_wait3A_440 : memref<128x32xf32, #tpu.memory_space<vmem>>) dst(%dma_wait3A_446 : memref<10112x32xf32, #tpu.memory_space<vmem_shared>>)
      %scan3A_447 = arith.constant 0 : i32
      scf.yield %scan3A_447 : i32
    }
    %scan3A_30 = arith.constant 20 : i32
    %barrier3A_31 = arith.constant 0 : index
    tpu.barrier barrier_id(%barrier3A_31)
    "tpu.region"() ({
      %run_scoped3A = tpu.sem_alloc : memref<!tpu.dma_semaphore, #tpu.memory_space<semaphore_mem>>
      %dma_start3A = arith.constant 0 : i32
      %dma_start3A_61 = tpu.memref_slice %arg5[%add3A_9, %mul3A_0, %dma_start3A] : memref<4x10112x32xf32, #tpu.memory_space<hbm>> -> memref<1x632x32xf32, #tpu.memory_space<hbm>>
      %dma_start3A_62 = tpu.memref_squeeze %dma_start3A_61 : memref<1x632x32xf32, #tpu.memory_space<hbm>> -> memref<632x32xf32, #tpu.memory_space<hbm>>
      %dma_start3A_63 = arith.constant 0 : i32
      %dma_start3A_64 = tpu.memref_slice %arg10[%mul3A_0, %dma_start3A_63] : memref<10112x32xf32, #tpu.memory_space<vmem_shared>> -> memref<632x32xf32, #tpu.memory_space<vmem_shared>>
      tpu.enqueue_dma source(%dma_start3A_64 : memref<632x32xf32, #tpu.memory_space<vmem_shared>>) target(%dma_start3A_62 : memref<632x32xf32, #tpu.memory_space<hbm>>) target_semaphore(%run_scoped3A : memref<!tpu.dma_semaphore, #tpu.memory_space<semaphore_mem>>)
      %dma_wait3A = arith.constant 0 : i32
      %dma_wait3A_65 = tpu.memref_slice %arg5[%add3A_9, %mul3A_0, %dma_wait3A] : memref<4x10112x32xf32, #tpu.memory_space<hbm>> -> memref<1x632x32xf32, #tpu.memory_space<hbm>>
      %dma_wait3A_66 = tpu.memref_squeeze %dma_wait3A_65 : memref<1x632x32xf32, #tpu.memory_space<hbm>> -> memref<632x32xf32, #tpu.memory_space<hbm>>
      %dma_wait3A_67 = arith.constant 0 : i32
      %dma_wait3A_68 = tpu.memref_slice %arg10[%mul3A_0, %dma_wait3A_67] : memref<10112x32xf32, #tpu.memory_space<vmem_shared>> -> memref<632x32xf32, #tpu.memory_space<vmem_shared>>
      tpu.wait_dma2 semaphore(%run_scoped3A : memref<!tpu.dma_semaphore, #tpu.memory_space<semaphore_mem>>) src(%dma_wait3A_68 : memref<632x32xf32, #tpu.memory_space<vmem_shared>>) dst(%dma_wait3A_66 : memref<632x32xf32, #tpu.memory_space<hbm>>)
      tpu.yield
    }) : () -> ()
    %barrier3A_32 = arith.constant 0 : index
    tpu.barrier barrier_id(%barrier3A_32)
    %mul3A_33 = arith.constant 2 : i32
    %mul3A_34 = arith.muli %arg0, %mul3A_33 : i32
    %add3A_35 = arith.constant 1 : i32
    %add3A_36 = arith.addi %mul3A_34, %add3A_35 : i32
    %mul3A_37 = arith.constant 625 : i32
    %mul3A_38 = arith.muli %arg1, %mul3A_37 : i32
    %mul3A_39 = arith.constant 625 : i32
    %mul3A_40 = arith.muli %arg1, %mul3A_39 : i32
    "tpu.region"() ({
      %run_scoped3A = tpu.sem_alloc : memref<!tpu.dma_semaphore, #tpu.memory_space<semaphore_mem>>
      %dma_start3A = arith.constant 0 : i32
      %dma_start3A_61 = tpu.memref_slice %arg11[%mul3A_40, %dma_start3A] : memref<10000x32xf32, #tpu.memory_space<vmem_shared>> -> memref<625x32xf32, #tpu.memory_space<vmem_shared>>
      %dma_start3A_62 = arith.constant 0 : i32
      %dma_start3A_63 = tpu.memref_slice %arg2[%add3A_36, %mul3A_38, %dma_start3A_62] : memref<4x10000x32xf32, #tpu.memory_space<hbm>> -> memref<1x625x32xf32, #tpu.memory_space<hbm>>
      %dma_start3A_64 = tpu.memref_squeeze %dma_start3A_63 : memref<1x625x32xf32, #tpu.memory_space<hbm>> -> memref<625x32xf32, #tpu.memory_space<hbm>>
      tpu.enqueue_dma source(%dma_start3A_64 : memref<625x32xf32, #tpu.memory_space<hbm>>) target(%dma_start3A_61 : memref<625x32xf32, #tpu.memory_space<vmem_shared>>) target_semaphore(%run_scoped3A : memref<!tpu.dma_semaphore, #tpu.memory_space<semaphore_mem>>)
      %dma_wait3A = arith.constant 0 : i32
      %dma_wait3A_65 = tpu.memref_slice %arg11[%mul3A_40, %dma_wait3A] : memref<10000x32xf32, #tpu.memory_space<vmem_shared>> -> memref<625x32xf32, #tpu.memory_space<vmem_shared>>
      %dma_wait3A_66 = arith.constant 0 : i32
      %dma_wait3A_67 = tpu.memref_slice %arg2[%add3A_36, %mul3A_38, %dma_wait3A_66] : memref<4x10000x32xf32, #tpu.memory_space<hbm>> -> memref<1x625x32xf32, #tpu.memory_space<hbm>>
      %dma_wait3A_68 = tpu.memref_squeeze %dma_wait3A_67 : memref<1x625x32xf32, #tpu.memory_space<hbm>> -> memref<625x32xf32, #tpu.memory_space<hbm>>
      tpu.wait_dma2 semaphore(%run_scoped3A : memref<!tpu.dma_semaphore, #tpu.memory_space<semaphore_mem>>) src(%dma_wait3A_68 : memref<625x32xf32, #tpu.memory_space<hbm>>) dst(%dma_wait3A_65 : memref<625x32xf32, #tpu.memory_space<vmem_shared>>)
      tpu.yield
    }) : () -> ()
    %add3A_41 = arith.constant 0 : i32
    %add3A_42 = arith.addi %mul3A_0, %add3A_41 : i32
    "tpu.region"() ({
      %run_scoped3A = tpu.sem_alloc : memref<!tpu.dma_semaphore, #tpu.memory_space<semaphore_mem>>
      %dma_start3A = arith.constant 0 : i32
      %dma_start3A_61 = tpu.memref_slice %arg10[%add3A_42, %dma_start3A] : memref<10112x32xf32, #tpu.memory_space<vmem_shared>> -> memref<128x32xf32, #tpu.memory_space<vmem_shared>>
      %dma_start3A_62 = arith.constant 0 : i32
      %dma_start3A_63 = tpu.memref_slice %arg10[%add3A_42, %dma_start3A_62] : memref<10112x32xf32, #tpu.memory_space<vmem_shared>> -> memref<128x32xf32, #tpu.memory_space<vmem_shared>>
      tpu.enqueue_dma source(%arg9 : memref<128x32xf32, #tpu.memory_space<vmem>>) target(%dma_start3A_63 : memref<128x32xf32, #tpu.memory_space<vmem_shared>>) target_semaphore(%run_scoped3A : memref<!tpu.dma_semaphore, #tpu.memory_space<semaphore_mem>>)
      %dma_wait3A = arith.constant 0 : i32
      %dma_wait3A_64 = tpu.memref_slice %arg10[%add3A_42, %dma_wait3A] : memref<10112x32xf32, #tpu.memory_space<vmem_shared>> -> memref<128x32xf32, #tpu.memory_space<vmem_shared>>
      %dma_wait3A_65 = arith.constant 0 : i32
      %dma_wait3A_66 = tpu.memref_slice %arg10[%add3A_42, %dma_wait3A_65] : memref<10112x32xf32, #tpu.memory_space<vmem_shared>> -> memref<128x32xf32, #tpu.memory_space<vmem_shared>>
      tpu.wait_dma2 semaphore(%run_scoped3A : memref<!tpu.dma_semaphore, #tpu.memory_space<semaphore_mem>>) src(%arg9 : memref<128x32xf32, #tpu.memory_space<vmem>>) dst(%dma_wait3A_66 : memref<128x32xf32, #tpu.memory_space<vmem_shared>>)
      tpu.yield
    }) : () -> ()
    %add3A_43 = arith.constant 128 : i32
    %add3A_44 = arith.addi %mul3A_0, %add3A_43 : i32
    "tpu.region"() ({
      %run_scoped3A = tpu.sem_alloc : memref<!tpu.dma_semaphore, #tpu.memory_space<semaphore_mem>>
      %dma_start3A = arith.constant 0 : i32
      %dma_start3A_61 = tpu.memref_slice %arg10[%add3A_44, %dma_start3A] : memref<10112x32xf32, #tpu.memory_space<vmem_shared>> -> memref<128x32xf32, #tpu.memory_space<vmem_shared>>
      %dma_start3A_62 = arith.constant 0 : i32
      %dma_start3A_63 = tpu.memref_slice %arg10[%add3A_44, %dma_start3A_62] : memref<10112x32xf32, #tpu.memory_space<vmem_shared>> -> memref<128x32xf32, #tpu.memory_space<vmem_shared>>
      tpu.enqueue_dma source(%arg9 : memref<128x32xf32, #tpu.memory_space<vmem>>) target(%dma_start3A_63 : memref<128x32xf32, #tpu.memory_space<vmem_shared>>) target_semaphore(%run_scoped3A : memref<!tpu.dma_semaphore, #tpu.memory_space<semaphore_mem>>)
      %dma_wait3A = arith.constant 0 : i32
      %dma_wait3A_64 = tpu.memref_slice %arg10[%add3A_44, %dma_wait3A] : memref<10112x32xf32, #tpu.memory_space<vmem_shared>> -> memref<128x32xf32, #tpu.memory_space<vmem_shared>>
      %dma_wait3A_65 = arith.constant 0 : i32
      %dma_wait3A_66 = tpu.memref_slice %arg10[%add3A_44, %dma_wait3A_65] : memref<10112x32xf32, #tpu.memory_space<vmem_shared>> -> memref<128x32xf32, #tpu.memory_space<vmem_shared>>
      tpu.wait_dma2 semaphore(%run_scoped3A : memref<!tpu.dma_semaphore, #tpu.memory_space<semaphore_mem>>) src(%arg9 : memref<128x32xf32, #tpu.memory_space<vmem>>) dst(%dma_wait3A_66 : memref<128x32xf32, #tpu.memory_space<vmem_shared>>)
      tpu.yield
    }) : () -> ()
    %add3A_45 = arith.constant 256 : i32
    %add3A_46 = arith.addi %mul3A_0, %add3A_45 : i32
    "tpu.region"() ({
      %run_scoped3A = tpu.sem_alloc : memref<!tpu.dma_semaphore, #tpu.memory_space<semaphore_mem>>
      %dma_start3A = arith.constant 0 : i32
      %dma_start3A_61 = tpu.memref_slice %arg10[%add3A_46, %dma_start3A] : memref<10112x32xf32, #tpu.memory_space<vmem_shared>> -> memref<128x32xf32, #tpu.memory_space<vmem_shared>>
      %dma_start3A_62 = arith.constant 0 : i32
      %dma_start3A_63 = tpu.memref_slice %arg10[%add3A_46, %dma_start3A_62] : memref<10112x32xf32, #tpu.memory_space<vmem_shared>> -> memref<128x32xf32, #tpu.memory_space<vmem_shared>>
      tpu.enqueue_dma source(%arg9 : memref<128x32xf32, #tpu.memory_space<vmem>>) target(%dma_start3A_63 : memref<128x32xf32, #tpu.memory_space<vmem_shared>>) target_semaphore(%run_scoped3A : memref<!tpu.dma_semaphore, #tpu.memory_space<semaphore_mem>>)
      %dma_wait3A = arith.constant 0 : i32
      %dma_wait3A_64 = tpu.memref_slice %arg10[%add3A_46, %dma_wait3A] : memref<10112x32xf32, #tpu.memory_space<vmem_shared>> -> memref<128x32xf32, #tpu.memory_space<vmem_shared>>
      %dma_wait3A_65 = arith.constant 0 : i32
      %dma_wait3A_66 = tpu.memref_slice %arg10[%add3A_46, %dma_wait3A_65] : memref<10112x32xf32, #tpu.memory_space<vmem_shared>> -> memref<128x32xf32, #tpu.memory_space<vmem_shared>>
      tpu.wait_dma2 semaphore(%run_scoped3A : memref<!tpu.dma_semaphore, #tpu.memory_space<semaphore_mem>>) src(%arg9 : memref<128x32xf32, #tpu.memory_space<vmem>>) dst(%dma_wait3A_66 : memref<128x32xf32, #tpu.memory_space<vmem_shared>>)
      tpu.yield
    }) : () -> ()
    %add3A_47 = arith.constant 384 : i32
    %add3A_48 = arith.addi %mul3A_0, %add3A_47 : i32
    "tpu.region"() ({
      %run_scoped3A = tpu.sem_alloc : memref<!tpu.dma_semaphore, #tpu.memory_space<semaphore_mem>>
      %dma_start3A = arith.constant 0 : i32
      %dma_start3A_61 = tpu.memref_slice %arg10[%add3A_48, %dma_start3A] : memref<10112x32xf32, #tpu.memory_space<vmem_shared>> -> memref<128x32xf32, #tpu.memory_space<vmem_shared>>
      %dma_start3A_62 = arith.constant 0 : i32
      %dma_start3A_63 = tpu.memref_slice %arg10[%add3A_48, %dma_start3A_62] : memref<10112x32xf32, #tpu.memory_space<vmem_shared>> -> memref<128x32xf32, #tpu.memory_space<vmem_shared>>
      tpu.enqueue_dma source(%arg9 : memref<128x32xf32, #tpu.memory_space<vmem>>) target(%dma_start3A_63 : memref<128x32xf32, #tpu.memory_space<vmem_shared>>) target_semaphore(%run_scoped3A : memref<!tpu.dma_semaphore, #tpu.memory_space<semaphore_mem>>)
      %dma_wait3A = arith.constant 0 : i32
      %dma_wait3A_64 = tpu.memref_slice %arg10[%add3A_48, %dma_wait3A] : memref<10112x32xf32, #tpu.memory_space<vmem_shared>> -> memref<128x32xf32, #tpu.memory_space<vmem_shared>>
      %dma_wait3A_65 = arith.constant 0 : i32
      %dma_wait3A_66 = tpu.memref_slice %arg10[%add3A_48, %dma_wait3A_65] : memref<10112x32xf32, #tpu.memory_space<vmem_shared>> -> memref<128x32xf32, #tpu.memory_space<vmem_shared>>
      tpu.wait_dma2 semaphore(%run_scoped3A : memref<!tpu.dma_semaphore, #tpu.memory_space<semaphore_mem>>) src(%arg9 : memref<128x32xf32, #tpu.memory_space<vmem>>) dst(%dma_wait3A_66 : memref<128x32xf32, #tpu.memory_space<vmem_shared>>)
      tpu.yield
    }) : () -> ()
    %add3A_49 = arith.constant 512 : i32
    %add3A_50 = arith.addi %mul3A_0, %add3A_49 : i32
    "tpu.region"() ({
      %run_scoped3A = tpu.sem_alloc : memref<!tpu.dma_semaphore, #tpu.memory_space<semaphore_mem>>
      %dma_start3A = arith.constant 0 : i32
      %dma_start3A_61 = arith.constant 0 : i32
      %dma_start3A_62 = tpu.memref_slice %arg9[%dma_start3A, %dma_start3A_61] : memref<128x32xf32, #tpu.memory_space<vmem>> -> memref<120x32xf32, #tpu.memory_space<vmem>>
      %dma_start3A_63 = arith.constant 0 : i32
      %dma_start3A_64 = tpu.memref_slice %arg10[%add3A_50, %dma_start3A_63] : memref<10112x32xf32, #tpu.memory_space<vmem_shared>> -> memref<120x32xf32, #tpu.memory_space<vmem_shared>>
      %dma_start3A_65 = arith.constant 0 : i32
      %dma_start3A_66 = tpu.memref_slice %arg10[%add3A_50, %dma_start3A_65] : memref<10112x32xf32, #tpu.memory_space<vmem_shared>> -> memref<120x32xf32, #tpu.memory_space<vmem_shared>>
      %dma_start3A_67 = arith.constant 0 : i32
      %dma_start3A_68 = arith.constant 0 : i32
      %dma_start3A_69 = tpu.memref_slice %arg9[%dma_start3A_67, %dma_start3A_68] : memref<128x32xf32, #tpu.memory_space<vmem>> -> memref<120x32xf32, #tpu.memory_space<vmem>>
      tpu.enqueue_dma source(%dma_start3A_69 : memref<120x32xf32, #tpu.memory_space<vmem>>) target(%dma_start3A_66 : memref<120x32xf32, #tpu.memory_space<vmem_shared>>) target_semaphore(%run_scoped3A : memref<!tpu.dma_semaphore, #tpu.memory_space<semaphore_mem>>)
      %dma_wait3A = arith.constant 0 : i32
      %dma_wait3A_70 = arith.constant 0 : i32
      %dma_wait3A_71 = tpu.memref_slice %arg9[%dma_wait3A, %dma_wait3A_70] : memref<128x32xf32, #tpu.memory_space<vmem>> -> memref<120x32xf32, #tpu.memory_space<vmem>>
      %dma_wait3A_72 = arith.constant 0 : i32
      %dma_wait3A_73 = tpu.memref_slice %arg10[%add3A_50, %dma_wait3A_72] : memref<10112x32xf32, #tpu.memory_space<vmem_shared>> -> memref<120x32xf32, #tpu.memory_space<vmem_shared>>
      %dma_wait3A_74 = arith.constant 0 : i32
      %dma_wait3A_75 = tpu.memref_slice %arg10[%add3A_50, %dma_wait3A_74] : memref<10112x32xf32, #tpu.memory_space<vmem_shared>> -> memref<120x32xf32, #tpu.memory_space<vmem_shared>>
      %dma_wait3A_76 = arith.constant 0 : i32
      %dma_wait3A_77 = arith.constant 0 : i32
      %dma_wait3A_78 = tpu.memref_slice %arg9[%dma_wait3A_76, %dma_wait3A_77] : memref<128x32xf32, #tpu.memory_space<vmem>> -> memref<120x32xf32, #tpu.memory_space<vmem>>
      tpu.wait_dma2 semaphore(%run_scoped3A : memref<!tpu.dma_semaphore, #tpu.memory_space<semaphore_mem>>) src(%dma_wait3A_78 : memref<120x32xf32, #tpu.memory_space<vmem>>) dst(%dma_wait3A_75 : memref<120x32xf32, #tpu.memory_space<vmem_shared>>)
      tpu.yield
    }) : () -> ()
    %barrier3A_51 = arith.constant 0 : index
    tpu.barrier barrier_id(%barrier3A_51)
    %scan3A_52 = arith.constant 0 : i32
    %scan3A_53 = arith.constant 0 : i32
    %scan3A_54 = arith.constant 20 : i32
    %scan3A_55 = arith.addi %scan3A_53, %scan3A_54 : i32
    %scan3A_56 = arith.constant 1 : i32
    %scan3A_57 = scf.for %scan3A_61 = %scan3A_53 to %scan3A_55 step %scan3A_56 iter_args(%scan3A_62 = %scan3A_52) -> (i32)  : i32 {
      %mul3A_63 = arith.constant 8 : i32
      %mul3A_64 = arith.muli %scan3A_61, %mul3A_63 : i32
      %add3A_65 = arith.constant 0 : i32
      %add3A_66 = arith.addi %mul3A_64, %add3A_65 : i32
      %dma_start3A = arith.constant 0 : i32
      %dma_start3A_67 = arith.constant 0 : i32
      %dma_start3A_68 = arith.constant 0 : i32
      %dma_start3A_69 = tpu.memref_slice %arg8[%dma_start3A, %dma_start3A_67, %dma_start3A_68] : memref<8x128x32xf32, #tpu.memory_space<vmem>> -> memref<1x128x32xf32, #tpu.memory_space<vmem>>
      %dma_start3A_70 = tpu.memref_squeeze %dma_start3A_69 : memref<1x128x32xf32, #tpu.memory_space<vmem>> -> memref<128x32xf32, #tpu.memory_space<vmem>>
      %dma_start3A_71 = arith.constant 0 : i32
      %dma_start3A_72 = tpu.memref_slice %arg6[%add3A_66, %dma_start3A_71] : memref<160x128xi32, #tpu.memory_space<vmem>> -> memref<1x128xi32, #tpu.memory_space<vmem>>
      %dma_start3A_73 = tpu.memref_squeeze %dma_start3A_72 : memref<1x128xi32, #tpu.memory_space<vmem>> -> memref<128xi32, #tpu.memory_space<vmem>>
      %dma_start3A_74 = arith.constant 0 : i32
      %dma_start3A_75 = arith.constant 0 : i32
      %dma_start3A_76 = tpu.memref_slice %arg11[%dma_start3A_74, %dma_start3A_75] : memref<10000x32xf32, #tpu.memory_space<vmem_shared>> -> memref<10000x32xf32, #tpu.memory_space<vmem_shared>>
      tpu.enqueue_indirect_dma source(%dma_start3A_76 : memref<10000x32xf32, #tpu.memory_space<vmem_shared>>) target(%dma_start3A_70 : memref<128x32xf32, #tpu.memory_space<vmem>>) offsets(%dma_start3A_73 : memref<128xi32, #tpu.memory_space<vmem>>) semaphore(%arg12 : memref<!tpu.dma_semaphore, #tpu.memory_space<semaphore_mem>>)
      %add3A_77 = arith.constant 1 : i32
      %add3A_78 = arith.addi %mul3A_64, %add3A_77 : i32
      %dma_start3A_79 = arith.constant 1 : i32
      %dma_start3A_80 = arith.constant 0 : i32
      %dma_start3A_81 = arith.constant 0 : i32
      %dma_start3A_82 = tpu.memref_slice %arg8[%dma_start3A_79, %dma_start3A_80, %dma_start3A_81] : memref<8x128x32xf32, #tpu.memory_space<vmem>> -> memref<1x128x32xf32, #tpu.memory_space<vmem>>
      %dma_start3A_83 = tpu.memref_squeeze %dma_start3A_82 : memref<1x128x32xf32, #tpu.memory_space<vmem>> -> memref<128x32xf32, #tpu.memory_space<vmem>>
      %dma_start3A_84 = arith.constant 0 : i32
      %dma_start3A_85 = tpu.memref_slice %arg6[%add3A_78, %dma_start3A_84] : memref<160x128xi32, #tpu.memory_space<vmem>> -> memref<1x128xi32, #tpu.memory_space<vmem>>
      %dma_start3A_86 = tpu.memref_squeeze %dma_start3A_85 : memref<1x128xi32, #tpu.memory_space<vmem>> -> memref<128xi32, #tpu.memory_space<vmem>>
      %dma_start3A_87 = arith.constant 0 : i32
      %dma_start3A_88 = arith.constant 0 : i32
      %dma_start3A_89 = tpu.memref_slice %arg11[%dma_start3A_87, %dma_start3A_88] : memref<10000x32xf32, #tpu.memory_space<vmem_shared>> -> memref<10000x32xf32, #tpu.memory_space<vmem_shared>>
      tpu.enqueue_indirect_dma source(%dma_start3A_89 : memref<10000x32xf32, #tpu.memory_space<vmem_shared>>) target(%dma_start3A_83 : memref<128x32xf32, #tpu.memory_space<vmem>>) offsets(%dma_start3A_86 : memref<128xi32, #tpu.memory_space<vmem>>) semaphore(%arg13 : memref<!tpu.dma_semaphore, #tpu.memory_space<semaphore_mem>>)
      %add3A_90 = arith.constant 2 : i32
      %add3A_91 = arith.addi %mul3A_64, %add3A_90 : i32
      %dma_start3A_92 = arith.constant 2 : i32
      %dma_start3A_93 = arith.constant 0 : i32
      %dma_start3A_94 = arith.constant 0 : i32
      %dma_start3A_95 = tpu.memref_slice %arg8[%dma_start3A_92, %dma_start3A_93, %dma_start3A_94] : memref<8x128x32xf32, #tpu.memory_space<vmem>> -> memref<1x128x32xf32, #tpu.memory_space<vmem>>
      %dma_start3A_96 = tpu.memref_squeeze %dma_start3A_95 : memref<1x128x32xf32, #tpu.memory_space<vmem>> -> memref<128x32xf32, #tpu.memory_space<vmem>>
      %dma_start3A_97 = arith.constant 0 : i32
      %dma_start3A_98 = tpu.memref_slice %arg6[%add3A_91, %dma_start3A_97] : memref<160x128xi32, #tpu.memory_space<vmem>> -> memref<1x128xi32, #tpu.memory_space<vmem>>
      %dma_start3A_99 = tpu.memref_squeeze %dma_start3A_98 : memref<1x128xi32, #tpu.memory_space<vmem>> -> memref<128xi32, #tpu.memory_space<vmem>>
      %dma_start3A_100 = arith.constant 0 : i32
      %dma_start3A_101 = arith.constant 0 : i32
      %dma_start3A_102 = tpu.memref_slice %arg11[%dma_start3A_100, %dma_start3A_101] : memref<10000x32xf32, #tpu.memory_space<vmem_shared>> -> memref<10000x32xf32, #tpu.memory_space<vmem_shared>>
      tpu.enqueue_indirect_dma source(%dma_start3A_102 : memref<10000x32xf32, #tpu.memory_space<vmem_shared>>) target(%dma_start3A_96 : memref<128x32xf32, #tpu.memory_space<vmem>>) offsets(%dma_start3A_99 : memref<128xi32, #tpu.memory_space<vmem>>) semaphore(%arg14 : memref<!tpu.dma_semaphore, #tpu.memory_space<semaphore_mem>>)
      %add3A_103 = arith.constant 3 : i32
      %add3A_104 = arith.addi %mul3A_64, %add3A_103 : i32
      %dma_start3A_105 = arith.constant 3 : i32
      %dma_start3A_106 = arith.constant 0 : i32
      %dma_start3A_107 = arith.constant 0 : i32
      %dma_start3A_108 = tpu.memref_slice %arg8[%dma_start3A_105, %dma_start3A_106, %dma_start3A_107] : memref<8x128x32xf32, #tpu.memory_space<vmem>> -> memref<1x128x32xf32, #tpu.memory_space<vmem>>
      %dma_start3A_109 = tpu.memref_squeeze %dma_start3A_108 : memref<1x128x32xf32, #tpu.memory_space<vmem>> -> memref<128x32xf32, #tpu.memory_space<vmem>>
      %dma_start3A_110 = arith.constant 0 : i32
      %dma_start3A_111 = tpu.memref_slice %arg6[%add3A_104, %dma_start3A_110] : memref<160x128xi32, #tpu.memory_space<vmem>> -> memref<1x128xi32, #tpu.memory_space<vmem>>
      %dma_start3A_112 = tpu.memref_squeeze %dma_start3A_111 : memref<1x128xi32, #tpu.memory_space<vmem>> -> memref<128xi32, #tpu.memory_space<vmem>>
      %dma_start3A_113 = arith.constant 0 : i32
      %dma_start3A_114 = arith.constant 0 : i32
      %dma_start3A_115 = tpu.memref_slice %arg11[%dma_start3A_113, %dma_start3A_114] : memref<10000x32xf32, #tpu.memory_space<vmem_shared>> -> memref<10000x32xf32, #tpu.memory_space<vmem_shared>>
      tpu.enqueue_indirect_dma source(%dma_start3A_115 : memref<10000x32xf32, #tpu.memory_space<vmem_shared>>) target(%dma_start3A_109 : memref<128x32xf32, #tpu.memory_space<vmem>>) offsets(%dma_start3A_112 : memref<128xi32, #tpu.memory_space<vmem>>) semaphore(%arg15 : memref<!tpu.dma_semaphore, #tpu.memory_space<semaphore_mem>>)
      %add3A_116 = arith.constant 4 : i32
      %add3A_117 = arith.addi %mul3A_64, %add3A_116 : i32
      %dma_start3A_118 = arith.constant 4 : i32
      %dma_start3A_119 = arith.constant 0 : i32
      %dma_start3A_120 = arith.constant 0 : i32
      %dma_start3A_121 = tpu.memref_slice %arg8[%dma_start3A_118, %dma_start3A_119, %dma_start3A_120] : memref<8x128x32xf32, #tpu.memory_space<vmem>> -> memref<1x128x32xf32, #tpu.memory_space<vmem>>
      %dma_start3A_122 = tpu.memref_squeeze %dma_start3A_121 : memref<1x128x32xf32, #tpu.memory_space<vmem>> -> memref<128x32xf32, #tpu.memory_space<vmem>>
      %dma_start3A_123 = arith.constant 0 : i32
      %dma_start3A_124 = tpu.memref_slice %arg6[%add3A_117, %dma_start3A_123] : memref<160x128xi32, #tpu.memory_space<vmem>> -> memref<1x128xi32, #tpu.memory_space<vmem>>
      %dma_start3A_125 = tpu.memref_squeeze %dma_start3A_124 : memref<1x128xi32, #tpu.memory_space<vmem>> -> memref<128xi32, #tpu.memory_space<vmem>>
      %dma_start3A_126 = arith.constant 0 : i32
      %dma_start3A_127 = arith.constant 0 : i32
      %dma_start3A_128 = tpu.memref_slice %arg11[%dma_start3A_126, %dma_start3A_127] : memref<10000x32xf32, #tpu.memory_space<vmem_shared>> -> memref<10000x32xf32, #tpu.memory_space<vmem_shared>>
      tpu.enqueue_indirect_dma source(%dma_start3A_128 : memref<10000x32xf32, #tpu.memory_space<vmem_shared>>) target(%dma_start3A_122 : memref<128x32xf32, #tpu.memory_space<vmem>>) offsets(%dma_start3A_125 : memref<128xi32, #tpu.memory_space<vmem>>) semaphore(%arg16 : memref<!tpu.dma_semaphore, #tpu.memory_space<semaphore_mem>>)
      %add3A_129 = arith.constant 5 : i32
      %add3A_130 = arith.addi %mul3A_64, %add3A_129 : i32
      %dma_start3A_131 = arith.constant 5 : i32
      %dma_start3A_132 = arith.constant 0 : i32
      %dma_start3A_133 = arith.constant 0 : i32
      %dma_start3A_134 = tpu.memref_slice %arg8[%dma_start3A_131, %dma_start3A_132, %dma_start3A_133] : memref<8x128x32xf32, #tpu.memory_space<vmem>> -> memref<1x128x32xf32, #tpu.memory_space<vmem>>
      %dma_start3A_135 = tpu.memref_squeeze %dma_start3A_134 : memref<1x128x32xf32, #tpu.memory_space<vmem>> -> memref<128x32xf32, #tpu.memory_space<vmem>>
      %dma_start3A_136 = arith.constant 0 : i32
      %dma_start3A_137 = tpu.memref_slice %arg6[%add3A_130, %dma_start3A_136] : memref<160x128xi32, #tpu.memory_space<vmem>> -> memref<1x128xi32, #tpu.memory_space<vmem>>
      %dma_start3A_138 = tpu.memref_squeeze %dma_start3A_137 : memref<1x128xi32, #tpu.memory_space<vmem>> -> memref<128xi32, #tpu.memory_space<vmem>>
      %dma_start3A_139 = arith.constant 0 : i32
      %dma_start3A_140 = arith.constant 0 : i32
      %dma_start3A_141 = tpu.memref_slice %arg11[%dma_start3A_139, %dma_start3A_140] : memref<10000x32xf32, #tpu.memory_space<vmem_shared>> -> memref<10000x32xf32, #tpu.memory_space<vmem_shared>>
      tpu.enqueue_indirect_dma source(%dma_start3A_141 : memref<10000x32xf32, #tpu.memory_space<vmem_shared>>) target(%dma_start3A_135 : memref<128x32xf32, #tpu.memory_space<vmem>>) offsets(%dma_start3A_138 : memref<128xi32, #tpu.memory_space<vmem>>) semaphore(%arg17 : memref<!tpu.dma_semaphore, #tpu.memory_space<semaphore_mem>>)
      %add3A_142 = arith.constant 6 : i32
      %add3A_143 = arith.addi %mul3A_64, %add3A_142 : i32
      %dma_start3A_144 = arith.constant 6 : i32
      %dma_start3A_145 = arith.constant 0 : i32
      %dma_start3A_146 = arith.constant 0 : i32
      %dma_start3A_147 = tpu.memref_slice %arg8[%dma_start3A_144, %dma_start3A_145, %dma_start3A_146] : memref<8x128x32xf32, #tpu.memory_space<vmem>> -> memref<1x128x32xf32, #tpu.memory_space<vmem>>
      %dma_start3A_148 = tpu.memref_squeeze %dma_start3A_147 : memref<1x128x32xf32, #tpu.memory_space<vmem>> -> memref<128x32xf32, #tpu.memory_space<vmem>>
      %dma_start3A_149 = arith.constant 0 : i32
      %dma_start3A_150 = tpu.memref_slice %arg6[%add3A_143, %dma_start3A_149] : memref<160x128xi32, #tpu.memory_space<vmem>> -> memref<1x128xi32, #tpu.memory_space<vmem>>
      %dma_start3A_151 = tpu.memref_squeeze %dma_start3A_150 : memref<1x128xi32, #tpu.memory_space<vmem>> -> memref<128xi32, #tpu.memory_space<vmem>>
      %dma_start3A_152 = arith.constant 0 : i32
      %dma_start3A_153 = arith.constant 0 : i32
      %dma_start3A_154 = tpu.memref_slice %arg11[%dma_start3A_152, %dma_start3A_153] : memref<10000x32xf32, #tpu.memory_space<vmem_shared>> -> memref<10000x32xf32, #tpu.memory_space<vmem_shared>>
      tpu.enqueue_indirect_dma source(%dma_start3A_154 : memref<10000x32xf32, #tpu.memory_space<vmem_shared>>) target(%dma_start3A_148 : memref<128x32xf32, #tpu.memory_space<vmem>>) offsets(%dma_start3A_151 : memref<128xi32, #tpu.memory_space<vmem>>) semaphore(%arg18 : memref<!tpu.dma_semaphore, #tpu.memory_space<semaphore_mem>>)
      %add3A_155 = arith.constant 7 : i32
      %add3A_156 = arith.addi %mul3A_64, %add3A_155 : i32
      %dma_start3A_157 = arith.constant 7 : i32
      %dma_start3A_158 = arith.constant 0 : i32
      %dma_start3A_159 = arith.constant 0 : i32
      %dma_start3A_160 = tpu.memref_slice %arg8[%dma_start3A_157, %dma_start3A_158, %dma_start3A_159] : memref<8x128x32xf32, #tpu.memory_space<vmem>> -> memref<1x128x32xf32, #tpu.memory_space<vmem>>
      %dma_start3A_161 = tpu.memref_squeeze %dma_start3A_160 : memref<1x128x32xf32, #tpu.memory_space<vmem>> -> memref<128x32xf32, #tpu.memory_space<vmem>>
      %dma_start3A_162 = arith.constant 0 : i32
      %dma_start3A_163 = tpu.memref_slice %arg6[%add3A_156, %dma_start3A_162] : memref<160x128xi32, #tpu.memory_space<vmem>> -> memref<1x128xi32, #tpu.memory_space<vmem>>
      %dma_start3A_164 = tpu.memref_squeeze %dma_start3A_163 : memref<1x128xi32, #tpu.memory_space<vmem>> -> memref<128xi32, #tpu.memory_space<vmem>>
      %dma_start3A_165 = arith.constant 0 : i32
      %dma_start3A_166 = arith.constant 0 : i32
      %dma_start3A_167 = tpu.memref_slice %arg11[%dma_start3A_165, %dma_start3A_166] : memref<10000x32xf32, #tpu.memory_space<vmem_shared>> -> memref<10000x32xf32, #tpu.memory_space<vmem_shared>>
      tpu.enqueue_indirect_dma source(%dma_start3A_167 : memref<10000x32xf32, #tpu.memory_space<vmem_shared>>) target(%dma_start3A_161 : memref<128x32xf32, #tpu.memory_space<vmem>>) offsets(%dma_start3A_164 : memref<128xi32, #tpu.memory_space<vmem>>) semaphore(%arg19 : memref<!tpu.dma_semaphore, #tpu.memory_space<semaphore_mem>>)
      %dma_wait3A = arith.constant 0 : i32
      %dma_wait3A_168 = arith.constant 0 : i32
      %dma_wait3A_169 = arith.constant 0 : i32
      %dma_wait3A_170 = tpu.memref_slice %arg8[%dma_wait3A, %dma_wait3A_168, %dma_wait3A_169] : memref<8x128x32xf32, #tpu.memory_space<vmem>> -> memref<1x128x32xf32, #tpu.memory_space<vmem>>
      %dma_wait3A_171 = tpu.memref_squeeze %dma_wait3A_170 : memref<1x128x32xf32, #tpu.memory_space<vmem>> -> memref<128x32xf32, #tpu.memory_space<vmem>>
      %dma_wait3A_172 = arith.constant 0 : i32
      %dma_wait3A_173 = tpu.memref_slice %arg6[%add3A_66, %dma_wait3A_172] : memref<160x128xi32, #tpu.memory_space<vmem>> -> memref<1x128xi32, #tpu.memory_space<vmem>>
      %dma_wait3A_174 = tpu.memref_squeeze %dma_wait3A_173 : memref<1x128xi32, #tpu.memory_space<vmem>> -> memref<128xi32, #tpu.memory_space<vmem>>
      %dma_wait3A_175 = arith.constant 0 : i32
      %dma_wait3A_176 = arith.constant 0 : i32
      %dma_wait3A_177 = tpu.memref_slice %arg11[%dma_wait3A_175, %dma_wait3A_176] : memref<10000x32xf32, #tpu.memory_space<vmem_shared>> -> memref<10000x32xf32, #tpu.memory_space<vmem_shared>>
      tpu.wait_indirect_dma semaphore(%arg12 : memref<!tpu.dma_semaphore, #tpu.memory_space<semaphore_mem>>) src(%dma_wait3A_177 : memref<10000x32xf32, #tpu.memory_space<vmem_shared>>) dst(%dma_wait3A_171 : memref<128x32xf32, #tpu.memory_space<vmem>>)
      %add3A_178 = arith.constant 0 : i32
      %add3A_179 = arith.addi %mul3A_64, %add3A_178 : i32
      %dma_start3A_180 = arith.constant 0 : i32
      %dma_start3A_181 = arith.constant 0 : i32
      %dma_start3A_182 = arith.constant 0 : i32
      %dma_start3A_183 = tpu.memref_slice %arg8[%dma_start3A_180, %dma_start3A_181, %dma_start3A_182] : memref<8x128x32xf32, #tpu.memory_space<vmem>> -> memref<1x128x32xf32, #tpu.memory_space<vmem>>
      %dma_start3A_184 = tpu.memref_squeeze %dma_start3A_183 : memref<1x128x32xf32, #tpu.memory_space<vmem>> -> memref<128x32xf32, #tpu.memory_space<vmem>>
      %dma_start3A_185 = arith.constant 0 : i32
      %dma_start3A_186 = tpu.memref_slice %arg7[%add3A_179, %dma_start3A_185] : memref<160x128xi32, #tpu.memory_space<vmem>> -> memref<1x128xi32, #tpu.memory_space<vmem>>
      %dma_start3A_187 = tpu.memref_squeeze %dma_start3A_186 : memref<1x128xi32, #tpu.memory_space<vmem>> -> memref<128xi32, #tpu.memory_space<vmem>>
      %dma_start3A_188 = arith.constant 0 : i32
      %dma_start3A_189 = arith.constant 0 : i32
      %dma_start3A_190 = tpu.memref_slice %arg10[%dma_start3A_188, %dma_start3A_189] : memref<10112x32xf32, #tpu.memory_space<vmem_shared>> -> memref<10112x32xf32, #tpu.memory_space<vmem_shared>>
      tpu.enqueue_indirect_dma source(%dma_start3A_184 : memref<128x32xf32, #tpu.memory_space<vmem>>) target(%dma_start3A_190 : memref<10112x32xf32, #tpu.memory_space<vmem_shared>>) offsets(%dma_start3A_187 : memref<128xi32, #tpu.memory_space<vmem>>) semaphore(%arg20 : memref<!tpu.dma_semaphore, #tpu.memory_space<semaphore_mem>>) {add = true}
      %dma_wait3A_191 = arith.constant 1 : i32
      %dma_wait3A_192 = arith.constant 0 : i32
      %dma_wait3A_193 = arith.constant 0 : i32
      %dma_wait3A_194 = tpu.memref_slice %arg8[%dma_wait3A_191, %dma_wait3A_192, %dma_wait3A_193] : memref<8x128x32xf32, #tpu.memory_space<vmem>> -> memref<1x128x32xf32, #tpu.memory_space<vmem>>
      %dma_wait3A_195 = tpu.memref_squeeze %dma_wait3A_194 : memref<1x128x32xf32, #tpu.memory_space<vmem>> -> memref<128x32xf32, #tpu.memory_space<vmem>>
      %dma_wait3A_196 = arith.constant 0 : i32
      %dma_wait3A_197 = tpu.memref_slice %arg6[%add3A_78, %dma_wait3A_196] : memref<160x128xi32, #tpu.memory_space<vmem>> -> memref<1x128xi32, #tpu.memory_space<vmem>>
      %dma_wait3A_198 = tpu.memref_squeeze %dma_wait3A_197 : memref<1x128xi32, #tpu.memory_space<vmem>> -> memref<128xi32, #tpu.memory_space<vmem>>
      %dma_wait3A_199 = arith.constant 0 : i32
      %dma_wait3A_200 = arith.constant 0 : i32
      %dma_wait3A_201 = tpu.memref_slice %arg11[%dma_wait3A_199, %dma_wait3A_200] : memref<10000x32xf32, #tpu.memory_space<vmem_shared>> -> memref<10000x32xf32, #tpu.memory_space<vmem_shared>>
      tpu.wait_indirect_dma semaphore(%arg13 : memref<!tpu.dma_semaphore, #tpu.memory_space<semaphore_mem>>) src(%dma_wait3A_201 : memref<10000x32xf32, #tpu.memory_space<vmem_shared>>) dst(%dma_wait3A_195 : memref<128x32xf32, #tpu.memory_space<vmem>>)
      %add3A_202 = arith.constant 1 : i32
      %add3A_203 = arith.addi %mul3A_64, %add3A_202 : i32
      %dma_start3A_204 = arith.constant 1 : i32
      %dma_start3A_205 = arith.constant 0 : i32
      %dma_start3A_206 = arith.constant 0 : i32
      %dma_start3A_207 = tpu.memref_slice %arg8[%dma_start3A_204, %dma_start3A_205, %dma_start3A_206] : memref<8x128x32xf32, #tpu.memory_space<vmem>> -> memref<1x128x32xf32, #tpu.memory_space<vmem>>
      %dma_start3A_208 = tpu.memref_squeeze %dma_start3A_207 : memref<1x128x32xf32, #tpu.memory_space<vmem>> -> memref<128x32xf32, #tpu.memory_space<vmem>>
      %dma_start3A_209 = arith.constant 0 : i32
      %dma_start3A_210 = tpu.memref_slice %arg7[%add3A_203, %dma_start3A_209] : memref<160x128xi32, #tpu.memory_space<vmem>> -> memref<1x128xi32, #tpu.memory_space<vmem>>
      %dma_start3A_211 = tpu.memref_squeeze %dma_start3A_210 : memref<1x128xi32, #tpu.memory_space<vmem>> -> memref<128xi32, #tpu.memory_space<vmem>>
      %dma_start3A_212 = arith.constant 0 : i32
      %dma_start3A_213 = arith.constant 0 : i32
      %dma_start3A_214 = tpu.memref_slice %arg10[%dma_start3A_212, %dma_start3A_213] : memref<10112x32xf32, #tpu.memory_space<vmem_shared>> -> memref<10112x32xf32, #tpu.memory_space<vmem_shared>>
      tpu.enqueue_indirect_dma source(%dma_start3A_208 : memref<128x32xf32, #tpu.memory_space<vmem>>) target(%dma_start3A_214 : memref<10112x32xf32, #tpu.memory_space<vmem_shared>>) offsets(%dma_start3A_211 : memref<128xi32, #tpu.memory_space<vmem>>) semaphore(%arg21 : memref<!tpu.dma_semaphore, #tpu.memory_space<semaphore_mem>>) {add = true}
      %dma_wait3A_215 = arith.constant 2 : i32
      %dma_wait3A_216 = arith.constant 0 : i32
      %dma_wait3A_217 = arith.constant 0 : i32
      %dma_wait3A_218 = tpu.memref_slice %arg8[%dma_wait3A_215, %dma_wait3A_216, %dma_wait3A_217] : memref<8x128x32xf32, #tpu.memory_space<vmem>> -> memref<1x128x32xf32, #tpu.memory_space<vmem>>
      %dma_wait3A_219 = tpu.memref_squeeze %dma_wait3A_218 : memref<1x128x32xf32, #tpu.memory_space<vmem>> -> memref<128x32xf32, #tpu.memory_space<vmem>>
      %dma_wait3A_220 = arith.constant 0 : i32
      %dma_wait3A_221 = tpu.memref_slice %arg6[%add3A_91, %dma_wait3A_220] : memref<160x128xi32, #tpu.memory_space<vmem>> -> memref<1x128xi32, #tpu.memory_space<vmem>>
      %dma_wait3A_222 = tpu.memref_squeeze %dma_wait3A_221 : memref<1x128xi32, #tpu.memory_space<vmem>> -> memref<128xi32, #tpu.memory_space<vmem>>
      %dma_wait3A_223 = arith.constant 0 : i32
      %dma_wait3A_224 = arith.constant 0 : i32
      %dma_wait3A_225 = tpu.memref_slice %arg11[%dma_wait3A_223, %dma_wait3A_224] : memref<10000x32xf32, #tpu.memory_space<vmem_shared>> -> memref<10000x32xf32, #tpu.memory_space<vmem_shared>>
      tpu.wait_indirect_dma semaphore(%arg14 : memref<!tpu.dma_semaphore, #tpu.memory_space<semaphore_mem>>) src(%dma_wait3A_225 : memref<10000x32xf32, #tpu.memory_space<vmem_shared>>) dst(%dma_wait3A_219 : memref<128x32xf32, #tpu.memory_space<vmem>>)
      %add3A_226 = arith.constant 2 : i32
      %add3A_227 = arith.addi %mul3A_64, %add3A_226 : i32
      %dma_start3A_228 = arith.constant 2 : i32
      %dma_start3A_229 = arith.constant 0 : i32
      %dma_start3A_230 = arith.constant 0 : i32
      %dma_start3A_231 = tpu.memref_slice %arg8[%dma_start3A_228, %dma_start3A_229, %dma_start3A_230] : memref<8x128x32xf32, #tpu.memory_space<vmem>> -> memref<1x128x32xf32, #tpu.memory_space<vmem>>
      %dma_start3A_232 = tpu.memref_squeeze %dma_start3A_231 : memref<1x128x32xf32, #tpu.memory_space<vmem>> -> memref<128x32xf32, #tpu.memory_space<vmem>>
      %dma_start3A_233 = arith.constant 0 : i32
      %dma_start3A_234 = tpu.memref_slice %arg7[%add3A_227, %dma_start3A_233] : memref<160x128xi32, #tpu.memory_space<vmem>> -> memref<1x128xi32, #tpu.memory_space<vmem>>
      %dma_start3A_235 = tpu.memref_squeeze %dma_start3A_234 : memref<1x128xi32, #tpu.memory_space<vmem>> -> memref<128xi32, #tpu.memory_space<vmem>>
      %dma_start3A_236 = arith.constant 0 : i32
      %dma_start3A_237 = arith.constant 0 : i32
      %dma_start3A_238 = tpu.memref_slice %arg10[%dma_start3A_236, %dma_start3A_237] : memref<10112x32xf32, #tpu.memory_space<vmem_shared>> -> memref<10112x32xf32, #tpu.memory_space<vmem_shared>>
      tpu.enqueue_indirect_dma source(%dma_start3A_232 : memref<128x32xf32, #tpu.memory_space<vmem>>) target(%dma_start3A_238 : memref<10112x32xf32, #tpu.memory_space<vmem_shared>>) offsets(%dma_start3A_235 : memref<128xi32, #tpu.memory_space<vmem>>) semaphore(%arg22 : memref<!tpu.dma_semaphore, #tpu.memory_space<semaphore_mem>>) {add = true}
      %dma_wait3A_239 = arith.constant 3 : i32
      %dma_wait3A_240 = arith.constant 0 : i32
      %dma_wait3A_241 = arith.constant 0 : i32
      %dma_wait3A_242 = tpu.memref_slice %arg8[%dma_wait3A_239, %dma_wait3A_240, %dma_wait3A_241] : memref<8x128x32xf32, #tpu.memory_space<vmem>> -> memref<1x128x32xf32, #tpu.memory_space<vmem>>
      %dma_wait3A_243 = tpu.memref_squeeze %dma_wait3A_242 : memref<1x128x32xf32, #tpu.memory_space<vmem>> -> memref<128x32xf32, #tpu.memory_space<vmem>>
      %dma_wait3A_244 = arith.constant 0 : i32
      %dma_wait3A_245 = tpu.memref_slice %arg6[%add3A_104, %dma_wait3A_244] : memref<160x128xi32, #tpu.memory_space<vmem>> -> memref<1x128xi32, #tpu.memory_space<vmem>>
      %dma_wait3A_246 = tpu.memref_squeeze %dma_wait3A_245 : memref<1x128xi32, #tpu.memory_space<vmem>> -> memref<128xi32, #tpu.memory_space<vmem>>
      %dma_wait3A_247 = arith.constant 0 : i32
      %dma_wait3A_248 = arith.constant 0 : i32
      %dma_wait3A_249 = tpu.memref_slice %arg11[%dma_wait3A_247, %dma_wait3A_248] : memref<10000x32xf32, #tpu.memory_space<vmem_shared>> -> memref<10000x32xf32, #tpu.memory_space<vmem_shared>>
      tpu.wait_indirect_dma semaphore(%arg15 : memref<!tpu.dma_semaphore, #tpu.memory_space<semaphore_mem>>) src(%dma_wait3A_249 : memref<10000x32xf32, #tpu.memory_space<vmem_shared>>) dst(%dma_wait3A_243 : memref<128x32xf32, #tpu.memory_space<vmem>>)
      %add3A_250 = arith.constant 3 : i32
      %add3A_251 = arith.addi %mul3A_64, %add3A_250 : i32
      %dma_start3A_252 = arith.constant 3 : i32
      %dma_start3A_253 = arith.constant 0 : i32
      %dma_start3A_254 = arith.constant 0 : i32
      %dma_start3A_255 = tpu.memref_slice %arg8[%dma_start3A_252, %dma_start3A_253, %dma_start3A_254] : memref<8x128x32xf32, #tpu.memory_space<vmem>> -> memref<1x128x32xf32, #tpu.memory_space<vmem>>
      %dma_start3A_256 = tpu.memref_squeeze %dma_start3A_255 : memref<1x128x32xf32, #tpu.memory_space<vmem>> -> memref<128x32xf32, #tpu.memory_space<vmem>>
      %dma_start3A_257 = arith.constant 0 : i32
      %dma_start3A_258 = tpu.memref_slice %arg7[%add3A_251, %dma_start3A_257] : memref<160x128xi32, #tpu.memory_space<vmem>> -> memref<1x128xi32, #tpu.memory_space<vmem>>
      %dma_start3A_259 = tpu.memref_squeeze %dma_start3A_258 : memref<1x128xi32, #tpu.memory_space<vmem>> -> memref<128xi32, #tpu.memory_space<vmem>>
      %dma_start3A_260 = arith.constant 0 : i32
      %dma_start3A_261 = arith.constant 0 : i32
      %dma_start3A_262 = tpu.memref_slice %arg10[%dma_start3A_260, %dma_start3A_261] : memref<10112x32xf32, #tpu.memory_space<vmem_shared>> -> memref<10112x32xf32, #tpu.memory_space<vmem_shared>>
      tpu.enqueue_indirect_dma source(%dma_start3A_256 : memref<128x32xf32, #tpu.memory_space<vmem>>) target(%dma_start3A_262 : memref<10112x32xf32, #tpu.memory_space<vmem_shared>>) offsets(%dma_start3A_259 : memref<128xi32, #tpu.memory_space<vmem>>) semaphore(%arg23 : memref<!tpu.dma_semaphore, #tpu.memory_space<semaphore_mem>>) {add = true}
      %dma_wait3A_263 = arith.constant 4 : i32
      %dma_wait3A_264 = arith.constant 0 : i32
      %dma_wait3A_265 = arith.constant 0 : i32
      %dma_wait3A_266 = tpu.memref_slice %arg8[%dma_wait3A_263, %dma_wait3A_264, %dma_wait3A_265] : memref<8x128x32xf32, #tpu.memory_space<vmem>> -> memref<1x128x32xf32, #tpu.memory_space<vmem>>
      %dma_wait3A_267 = tpu.memref_squeeze %dma_wait3A_266 : memref<1x128x32xf32, #tpu.memory_space<vmem>> -> memref<128x32xf32, #tpu.memory_space<vmem>>
      %dma_wait3A_268 = arith.constant 0 : i32
      %dma_wait3A_269 = tpu.memref_slice %arg6[%add3A_117, %dma_wait3A_268] : memref<160x128xi32, #tpu.memory_space<vmem>> -> memref<1x128xi32, #tpu.memory_space<vmem>>
      %dma_wait3A_270 = tpu.memref_squeeze %dma_wait3A_269 : memref<1x128xi32, #tpu.memory_space<vmem>> -> memref<128xi32, #tpu.memory_space<vmem>>
      %dma_wait3A_271 = arith.constant 0 : i32
      %dma_wait3A_272 = arith.constant 0 : i32
      %dma_wait3A_273 = tpu.memref_slice %arg11[%dma_wait3A_271, %dma_wait3A_272] : memref<10000x32xf32, #tpu.memory_space<vmem_shared>> -> memref<10000x32xf32, #tpu.memory_space<vmem_shared>>
      tpu.wait_indirect_dma semaphore(%arg16 : memref<!tpu.dma_semaphore, #tpu.memory_space<semaphore_mem>>) src(%dma_wait3A_273 : memref<10000x32xf32, #tpu.memory_space<vmem_shared>>) dst(%dma_wait3A_267 : memref<128x32xf32, #tpu.memory_space<vmem>>)
      %add3A_274 = arith.constant 4 : i32
      %add3A_275 = arith.addi %mul3A_64, %add3A_274 : i32
      %dma_start3A_276 = arith.constant 4 : i32
      %dma_start3A_277 = arith.constant 0 : i32
      %dma_start3A_278 = arith.constant 0 : i32
      %dma_start3A_279 = tpu.memref_slice %arg8[%dma_start3A_276, %dma_start3A_277, %dma_start3A_278] : memref<8x128x32xf32, #tpu.memory_space<vmem>> -> memref<1x128x32xf32, #tpu.memory_space<vmem>>
      %dma_start3A_280 = tpu.memref_squeeze %dma_start3A_279 : memref<1x128x32xf32, #tpu.memory_space<vmem>> -> memref<128x32xf32, #tpu.memory_space<vmem>>
      %dma_start3A_281 = arith.constant 0 : i32
      %dma_start3A_282 = tpu.memref_slice %arg7[%add3A_275, %dma_start3A_281] : memref<160x128xi32, #tpu.memory_space<vmem>> -> memref<1x128xi32, #tpu.memory_space<vmem>>
      %dma_start3A_283 = tpu.memref_squeeze %dma_start3A_282 : memref<1x128xi32, #tpu.memory_space<vmem>> -> memref<128xi32, #tpu.memory_space<vmem>>
      %dma_start3A_284 = arith.constant 0 : i32
      %dma_start3A_285 = arith.constant 0 : i32
      %dma_start3A_286 = tpu.memref_slice %arg10[%dma_start3A_284, %dma_start3A_285] : memref<10112x32xf32, #tpu.memory_space<vmem_shared>> -> memref<10112x32xf32, #tpu.memory_space<vmem_shared>>
      tpu.enqueue_indirect_dma source(%dma_start3A_280 : memref<128x32xf32, #tpu.memory_space<vmem>>) target(%dma_start3A_286 : memref<10112x32xf32, #tpu.memory_space<vmem_shared>>) offsets(%dma_start3A_283 : memref<128xi32, #tpu.memory_space<vmem>>) semaphore(%arg24 : memref<!tpu.dma_semaphore, #tpu.memory_space<semaphore_mem>>) {add = true}
      %dma_wait3A_287 = arith.constant 5 : i32
      %dma_wait3A_288 = arith.constant 0 : i32
      %dma_wait3A_289 = arith.constant 0 : i32
      %dma_wait3A_290 = tpu.memref_slice %arg8[%dma_wait3A_287, %dma_wait3A_288, %dma_wait3A_289] : memref<8x128x32xf32, #tpu.memory_space<vmem>> -> memref<1x128x32xf32, #tpu.memory_space<vmem>>
      %dma_wait3A_291 = tpu.memref_squeeze %dma_wait3A_290 : memref<1x128x32xf32, #tpu.memory_space<vmem>> -> memref<128x32xf32, #tpu.memory_space<vmem>>
      %dma_wait3A_292 = arith.constant 0 : i32
      %dma_wait3A_293 = tpu.memref_slice %arg6[%add3A_130, %dma_wait3A_292] : memref<160x128xi32, #tpu.memory_space<vmem>> -> memref<1x128xi32, #tpu.memory_space<vmem>>
      %dma_wait3A_294 = tpu.memref_squeeze %dma_wait3A_293 : memref<1x128xi32, #tpu.memory_space<vmem>> -> memref<128xi32, #tpu.memory_space<vmem>>
      %dma_wait3A_295 = arith.constant 0 : i32
      %dma_wait3A_296 = arith.constant 0 : i32
      %dma_wait3A_297 = tpu.memref_slice %arg11[%dma_wait3A_295, %dma_wait3A_296] : memref<10000x32xf32, #tpu.memory_space<vmem_shared>> -> memref<10000x32xf32, #tpu.memory_space<vmem_shared>>
      tpu.wait_indirect_dma semaphore(%arg17 : memref<!tpu.dma_semaphore, #tpu.memory_space<semaphore_mem>>) src(%dma_wait3A_297 : memref<10000x32xf32, #tpu.memory_space<vmem_shared>>) dst(%dma_wait3A_291 : memref<128x32xf32, #tpu.memory_space<vmem>>)
      %add3A_298 = arith.constant 5 : i32
      %add3A_299 = arith.addi %mul3A_64, %add3A_298 : i32
      %dma_start3A_300 = arith.constant 5 : i32
      %dma_start3A_301 = arith.constant 0 : i32
      %dma_start3A_302 = arith.constant 0 : i32
      %dma_start3A_303 = tpu.memref_slice %arg8[%dma_start3A_300, %dma_start3A_301, %dma_start3A_302] : memref<8x128x32xf32, #tpu.memory_space<vmem>> -> memref<1x128x32xf32, #tpu.memory_space<vmem>>
      %dma_start3A_304 = tpu.memref_squeeze %dma_start3A_303 : memref<1x128x32xf32, #tpu.memory_space<vmem>> -> memref<128x32xf32, #tpu.memory_space<vmem>>
      %dma_start3A_305 = arith.constant 0 : i32
      %dma_start3A_306 = tpu.memref_slice %arg7[%add3A_299, %dma_start3A_305] : memref<160x128xi32, #tpu.memory_space<vmem>> -> memref<1x128xi32, #tpu.memory_space<vmem>>
      %dma_start3A_307 = tpu.memref_squeeze %dma_start3A_306 : memref<1x128xi32, #tpu.memory_space<vmem>> -> memref<128xi32, #tpu.memory_space<vmem>>
      %dma_start3A_308 = arith.constant 0 : i32
      %dma_start3A_309 = arith.constant 0 : i32
      %dma_start3A_310 = tpu.memref_slice %arg10[%dma_start3A_308, %dma_start3A_309] : memref<10112x32xf32, #tpu.memory_space<vmem_shared>> -> memref<10112x32xf32, #tpu.memory_space<vmem_shared>>
      tpu.enqueue_indirect_dma source(%dma_start3A_304 : memref<128x32xf32, #tpu.memory_space<vmem>>) target(%dma_start3A_310 : memref<10112x32xf32, #tpu.memory_space<vmem_shared>>) offsets(%dma_start3A_307 : memref<128xi32, #tpu.memory_space<vmem>>) semaphore(%arg25 : memref<!tpu.dma_semaphore, #tpu.memory_space<semaphore_mem>>) {add = true}
      %dma_wait3A_311 = arith.constant 6 : i32
      %dma_wait3A_312 = arith.constant 0 : i32
      %dma_wait3A_313 = arith.constant 0 : i32
      %dma_wait3A_314 = tpu.memref_slice %arg8[%dma_wait3A_311, %dma_wait3A_312, %dma_wait3A_313] : memref<8x128x32xf32, #tpu.memory_space<vmem>> -> memref<1x128x32xf32, #tpu.memory_space<vmem>>
      %dma_wait3A_315 = tpu.memref_squeeze %dma_wait3A_314 : memref<1x128x32xf32, #tpu.memory_space<vmem>> -> memref<128x32xf32, #tpu.memory_space<vmem>>
      %dma_wait3A_316 = arith.constant 0 : i32
      %dma_wait3A_317 = tpu.memref_slice %arg6[%add3A_143, %dma_wait3A_316] : memref<160x128xi32, #tpu.memory_space<vmem>> -> memref<1x128xi32, #tpu.memory_space<vmem>>
      %dma_wait3A_318 = tpu.memref_squeeze %dma_wait3A_317 : memref<1x128xi32, #tpu.memory_space<vmem>> -> memref<128xi32, #tpu.memory_space<vmem>>
      %dma_wait3A_319 = arith.constant 0 : i32
      %dma_wait3A_320 = arith.constant 0 : i32
      %dma_wait3A_321 = tpu.memref_slice %arg11[%dma_wait3A_319, %dma_wait3A_320] : memref<10000x32xf32, #tpu.memory_space<vmem_shared>> -> memref<10000x32xf32, #tpu.memory_space<vmem_shared>>
      tpu.wait_indirect_dma semaphore(%arg18 : memref<!tpu.dma_semaphore, #tpu.memory_space<semaphore_mem>>) src(%dma_wait3A_321 : memref<10000x32xf32, #tpu.memory_space<vmem_shared>>) dst(%dma_wait3A_315 : memref<128x32xf32, #tpu.memory_space<vmem>>)
      %add3A_322 = arith.constant 6 : i32
      %add3A_323 = arith.addi %mul3A_64, %add3A_322 : i32
      %dma_start3A_324 = arith.constant 6 : i32
      %dma_start3A_325 = arith.constant 0 : i32
      %dma_start3A_326 = arith.constant 0 : i32
      %dma_start3A_327 = tpu.memref_slice %arg8[%dma_start3A_324, %dma_start3A_325, %dma_start3A_326] : memref<8x128x32xf32, #tpu.memory_space<vmem>> -> memref<1x128x32xf32, #tpu.memory_space<vmem>>
      %dma_start3A_328 = tpu.memref_squeeze %dma_start3A_327 : memref<1x128x32xf32, #tpu.memory_space<vmem>> -> memref<128x32xf32, #tpu.memory_space<vmem>>
      %dma_start3A_329 = arith.constant 0 : i32
      %dma_start3A_330 = tpu.memref_slice %arg7[%add3A_323, %dma_start3A_329] : memref<160x128xi32, #tpu.memory_space<vmem>> -> memref<1x128xi32, #tpu.memory_space<vmem>>
      %dma_start3A_331 = tpu.memref_squeeze %dma_start3A_330 : memref<1x128xi32, #tpu.memory_space<vmem>> -> memref<128xi32, #tpu.memory_space<vmem>>
      %dma_start3A_332 = arith.constant 0 : i32
      %dma_start3A_333 = arith.constant 0 : i32
      %dma_start3A_334 = tpu.memref_slice %arg10[%dma_start3A_332, %dma_start3A_333] : memref<10112x32xf32, #tpu.memory_space<vmem_shared>> -> memref<10112x32xf32, #tpu.memory_space<vmem_shared>>
      tpu.enqueue_indirect_dma source(%dma_start3A_328 : memref<128x32xf32, #tpu.memory_space<vmem>>) target(%dma_start3A_334 : memref<10112x32xf32, #tpu.memory_space<vmem_shared>>) offsets(%dma_start3A_331 : memref<128xi32, #tpu.memory_space<vmem>>) semaphore(%arg26 : memref<!tpu.dma_semaphore, #tpu.memory_space<semaphore_mem>>) {add = true}
      %dma_wait3A_335 = arith.constant 7 : i32
      %dma_wait3A_336 = arith.constant 0 : i32
      %dma_wait3A_337 = arith.constant 0 : i32
      %dma_wait3A_338 = tpu.memref_slice %arg8[%dma_wait3A_335, %dma_wait3A_336, %dma_wait3A_337] : memref<8x128x32xf32, #tpu.memory_space<vmem>> -> memref<1x128x32xf32, #tpu.memory_space<vmem>>
      %dma_wait3A_339 = tpu.memref_squeeze %dma_wait3A_338 : memref<1x128x32xf32, #tpu.memory_space<vmem>> -> memref<128x32xf32, #tpu.memory_space<vmem>>
      %dma_wait3A_340 = arith.constant 0 : i32
      %dma_wait3A_341 = tpu.memref_slice %arg6[%add3A_156, %dma_wait3A_340] : memref<160x128xi32, #tpu.memory_space<vmem>> -> memref<1x128xi32, #tpu.memory_space<vmem>>
      %dma_wait3A_342 = tpu.memref_squeeze %dma_wait3A_341 : memref<1x128xi32, #tpu.memory_space<vmem>> -> memref<128xi32, #tpu.memory_space<vmem>>
      %dma_wait3A_343 = arith.constant 0 : i32
      %dma_wait3A_344 = arith.constant 0 : i32
      %dma_wait3A_345 = tpu.memref_slice %arg11[%dma_wait3A_343, %dma_wait3A_344] : memref<10000x32xf32, #tpu.memory_space<vmem_shared>> -> memref<10000x32xf32, #tpu.memory_space<vmem_shared>>
      tpu.wait_indirect_dma semaphore(%arg19 : memref<!tpu.dma_semaphore, #tpu.memory_space<semaphore_mem>>) src(%dma_wait3A_345 : memref<10000x32xf32, #tpu.memory_space<vmem_shared>>) dst(%dma_wait3A_339 : memref<128x32xf32, #tpu.memory_space<vmem>>)
      %add3A_346 = arith.constant 7 : i32
      %add3A_347 = arith.addi %mul3A_64, %add3A_346 : i32
      %dma_start3A_348 = arith.constant 7 : i32
      %dma_start3A_349 = arith.constant 0 : i32
      %dma_start3A_350 = arith.constant 0 : i32
      %dma_start3A_351 = tpu.memref_slice %arg8[%dma_start3A_348, %dma_start3A_349, %dma_start3A_350] : memref<8x128x32xf32, #tpu.memory_space<vmem>> -> memref<1x128x32xf32, #tpu.memory_space<vmem>>
      %dma_start3A_352 = tpu.memref_squeeze %dma_start3A_351 : memref<1x128x32xf32, #tpu.memory_space<vmem>> -> memref<128x32xf32, #tpu.memory_space<vmem>>
      %dma_start3A_353 = arith.constant 0 : i32
      %dma_start3A_354 = tpu.memref_slice %arg7[%add3A_347, %dma_start3A_353] : memref<160x128xi32, #tpu.memory_space<vmem>> -> memref<1x128xi32, #tpu.memory_space<vmem>>
      %dma_start3A_355 = tpu.memref_squeeze %dma_start3A_354 : memref<1x128xi32, #tpu.memory_space<vmem>> -> memref<128xi32, #tpu.memory_space<vmem>>
      %dma_start3A_356 = arith.constant 0 : i32
      %dma_start3A_357 = arith.constant 0 : i32
      %dma_start3A_358 = tpu.memref_slice %arg10[%dma_start3A_356, %dma_start3A_357] : memref<10112x32xf32, #tpu.memory_space<vmem_shared>> -> memref<10112x32xf32, #tpu.memory_space<vmem_shared>>
      tpu.enqueue_indirect_dma source(%dma_start3A_352 : memref<128x32xf32, #tpu.memory_space<vmem>>) target(%dma_start3A_358 : memref<10112x32xf32, #tpu.memory_space<vmem_shared>>) offsets(%dma_start3A_355 : memref<128xi32, #tpu.memory_space<vmem>>) semaphore(%arg27 : memref<!tpu.dma_semaphore, #tpu.memory_space<semaphore_mem>>) {add = true}
      %dma_wait3A_359 = arith.constant 0 : i32
      %dma_wait3A_360 = arith.constant 0 : i32
      %dma_wait3A_361 = arith.constant 0 : i32
      %dma_wait3A_362 = tpu.memref_slice %arg8[%dma_wait3A_359, %dma_wait3A_360, %dma_wait3A_361] : memref<8x128x32xf32, #tpu.memory_space<vmem>> -> memref<1x128x32xf32, #tpu.memory_space<vmem>>
      %dma_wait3A_363 = tpu.memref_squeeze %dma_wait3A_362 : memref<1x128x32xf32, #tpu.memory_space<vmem>> -> memref<128x32xf32, #tpu.memory_space<vmem>>
      %dma_wait3A_364 = arith.constant 0 : i32
      %dma_wait3A_365 = tpu.memref_slice %arg7[%add3A_179, %dma_wait3A_364] : memref<160x128xi32, #tpu.memory_space<vmem>> -> memref<1x128xi32, #tpu.memory_space<vmem>>
      %dma_wait3A_366 = tpu.memref_squeeze %dma_wait3A_365 : memref<1x128xi32, #tpu.memory_space<vmem>> -> memref<128xi32, #tpu.memory_space<vmem>>
      %dma_wait3A_367 = arith.constant 0 : i32
      %dma_wait3A_368 = arith.constant 0 : i32
      %dma_wait3A_369 = tpu.memref_slice %arg10[%dma_wait3A_367, %dma_wait3A_368] : memref<10112x32xf32, #tpu.memory_space<vmem_shared>> -> memref<10112x32xf32, #tpu.memory_space<vmem_shared>>
      tpu.wait_indirect_dma semaphore(%arg20 : memref<!tpu.dma_semaphore, #tpu.memory_space<semaphore_mem>>) src(%dma_wait3A_363 : memref<128x32xf32, #tpu.memory_space<vmem>>) dst(%dma_wait3A_369 : memref<10112x32xf32, #tpu.memory_space<vmem_shared>>)
      %dma_wait3A_370 = arith.constant 1 : i32
      %dma_wait3A_371 = arith.constant 0 : i32
      %dma_wait3A_372 = arith.constant 0 : i32
      %dma_wait3A_373 = tpu.memref_slice %arg8[%dma_wait3A_370, %dma_wait3A_371, %dma_wait3A_372] : memref<8x128x32xf32, #tpu.memory_space<vmem>> -> memref<1x128x32xf32, #tpu.memory_space<vmem>>
      %dma_wait3A_374 = tpu.memref_squeeze %dma_wait3A_373 : memref<1x128x32xf32, #tpu.memory_space<vmem>> -> memref<128x32xf32, #tpu.memory_space<vmem>>
      %dma_wait3A_375 = arith.constant 0 : i32
      %dma_wait3A_376 = tpu.memref_slice %arg7[%add3A_203, %dma_wait3A_375] : memref<160x128xi32, #tpu.memory_space<vmem>> -> memref<1x128xi32, #tpu.memory_space<vmem>>
      %dma_wait3A_377 = tpu.memref_squeeze %dma_wait3A_376 : memref<1x128xi32, #tpu.memory_space<vmem>> -> memref<128xi32, #tpu.memory_space<vmem>>
      %dma_wait3A_378 = arith.constant 0 : i32
      %dma_wait3A_379 = arith.constant 0 : i32
      %dma_wait3A_380 = tpu.memref_slice %arg10[%dma_wait3A_378, %dma_wait3A_379] : memref<10112x32xf32, #tpu.memory_space<vmem_shared>> -> memref<10112x32xf32, #tpu.memory_space<vmem_shared>>
      tpu.wait_indirect_dma semaphore(%arg21 : memref<!tpu.dma_semaphore, #tpu.memory_space<semaphore_mem>>) src(%dma_wait3A_374 : memref<128x32xf32, #tpu.memory_space<vmem>>) dst(%dma_wait3A_380 : memref<10112x32xf32, #tpu.memory_space<vmem_shared>>)
      %dma_wait3A_381 = arith.constant 2 : i32
      %dma_wait3A_382 = arith.constant 0 : i32
      %dma_wait3A_383 = arith.constant 0 : i32
      %dma_wait3A_384 = tpu.memref_slice %arg8[%dma_wait3A_381, %dma_wait3A_382, %dma_wait3A_383] : memref<8x128x32xf32, #tpu.memory_space<vmem>> -> memref<1x128x32xf32, #tpu.memory_space<vmem>>
      %dma_wait3A_385 = tpu.memref_squeeze %dma_wait3A_384 : memref<1x128x32xf32, #tpu.memory_space<vmem>> -> memref<128x32xf32, #tpu.memory_space<vmem>>
      %dma_wait3A_386 = arith.constant 0 : i32
      %dma_wait3A_387 = tpu.memref_slice %arg7[%add3A_227, %dma_wait3A_386] : memref<160x128xi32, #tpu.memory_space<vmem>> -> memref<1x128xi32, #tpu.memory_space<vmem>>
      %dma_wait3A_388 = tpu.memref_squeeze %dma_wait3A_387 : memref<1x128xi32, #tpu.memory_space<vmem>> -> memref<128xi32, #tpu.memory_space<vmem>>
      %dma_wait3A_389 = arith.constant 0 : i32
      %dma_wait3A_390 = arith.constant 0 : i32
      %dma_wait3A_391 = tpu.memref_slice %arg10[%dma_wait3A_389, %dma_wait3A_390] : memref<10112x32xf32, #tpu.memory_space<vmem_shared>> -> memref<10112x32xf32, #tpu.memory_space<vmem_shared>>
      tpu.wait_indirect_dma semaphore(%arg22 : memref<!tpu.dma_semaphore, #tpu.memory_space<semaphore_mem>>) src(%dma_wait3A_385 : memref<128x32xf32, #tpu.memory_space<vmem>>) dst(%dma_wait3A_391 : memref<10112x32xf32, #tpu.memory_space<vmem_shared>>)
      %dma_wait3A_392 = arith.constant 3 : i32
      %dma_wait3A_393 = arith.constant 0 : i32
      %dma_wait3A_394 = arith.constant 0 : i32
      %dma_wait3A_395 = tpu.memref_slice %arg8[%dma_wait3A_392, %dma_wait3A_393, %dma_wait3A_394] : memref<8x128x32xf32, #tpu.memory_space<vmem>> -> memref<1x128x32xf32, #tpu.memory_space<vmem>>
      %dma_wait3A_396 = tpu.memref_squeeze %dma_wait3A_395 : memref<1x128x32xf32, #tpu.memory_space<vmem>> -> memref<128x32xf32, #tpu.memory_space<vmem>>
      %dma_wait3A_397 = arith.constant 0 : i32
      %dma_wait3A_398 = tpu.memref_slice %arg7[%add3A_251, %dma_wait3A_397] : memref<160x128xi32, #tpu.memory_space<vmem>> -> memref<1x128xi32, #tpu.memory_space<vmem>>
      %dma_wait3A_399 = tpu.memref_squeeze %dma_wait3A_398 : memref<1x128xi32, #tpu.memory_space<vmem>> -> memref<128xi32, #tpu.memory_space<vmem>>
      %dma_wait3A_400 = arith.constant 0 : i32
      %dma_wait3A_401 = arith.constant 0 : i32
      %dma_wait3A_402 = tpu.memref_slice %arg10[%dma_wait3A_400, %dma_wait3A_401] : memref<10112x32xf32, #tpu.memory_space<vmem_shared>> -> memref<10112x32xf32, #tpu.memory_space<vmem_shared>>
      tpu.wait_indirect_dma semaphore(%arg23 : memref<!tpu.dma_semaphore, #tpu.memory_space<semaphore_mem>>) src(%dma_wait3A_396 : memref<128x32xf32, #tpu.memory_space<vmem>>) dst(%dma_wait3A_402 : memref<10112x32xf32, #tpu.memory_space<vmem_shared>>)
      %dma_wait3A_403 = arith.constant 4 : i32
      %dma_wait3A_404 = arith.constant 0 : i32
      %dma_wait3A_405 = arith.constant 0 : i32
      %dma_wait3A_406 = tpu.memref_slice %arg8[%dma_wait3A_403, %dma_wait3A_404, %dma_wait3A_405] : memref<8x128x32xf32, #tpu.memory_space<vmem>> -> memref<1x128x32xf32, #tpu.memory_space<vmem>>
      %dma_wait3A_407 = tpu.memref_squeeze %dma_wait3A_406 : memref<1x128x32xf32, #tpu.memory_space<vmem>> -> memref<128x32xf32, #tpu.memory_space<vmem>>
      %dma_wait3A_408 = arith.constant 0 : i32
      %dma_wait3A_409 = tpu.memref_slice %arg7[%add3A_275, %dma_wait3A_408] : memref<160x128xi32, #tpu.memory_space<vmem>> -> memref<1x128xi32, #tpu.memory_space<vmem>>
      %dma_wait3A_410 = tpu.memref_squeeze %dma_wait3A_409 : memref<1x128xi32, #tpu.memory_space<vmem>> -> memref<128xi32, #tpu.memory_space<vmem>>
      %dma_wait3A_411 = arith.constant 0 : i32
      %dma_wait3A_412 = arith.constant 0 : i32
      %dma_wait3A_413 = tpu.memref_slice %arg10[%dma_wait3A_411, %dma_wait3A_412] : memref<10112x32xf32, #tpu.memory_space<vmem_shared>> -> memref<10112x32xf32, #tpu.memory_space<vmem_shared>>
      tpu.wait_indirect_dma semaphore(%arg24 : memref<!tpu.dma_semaphore, #tpu.memory_space<semaphore_mem>>) src(%dma_wait3A_407 : memref<128x32xf32, #tpu.memory_space<vmem>>) dst(%dma_wait3A_413 : memref<10112x32xf32, #tpu.memory_space<vmem_shared>>)
      %dma_wait3A_414 = arith.constant 5 : i32
      %dma_wait3A_415 = arith.constant 0 : i32
      %dma_wait3A_416 = arith.constant 0 : i32
      %dma_wait3A_417 = tpu.memref_slice %arg8[%dma_wait3A_414, %dma_wait3A_415, %dma_wait3A_416] : memref<8x128x32xf32, #tpu.memory_space<vmem>> -> memref<1x128x32xf32, #tpu.memory_space<vmem>>
      %dma_wait3A_418 = tpu.memref_squeeze %dma_wait3A_417 : memref<1x128x32xf32, #tpu.memory_space<vmem>> -> memref<128x32xf32, #tpu.memory_space<vmem>>
      %dma_wait3A_419 = arith.constant 0 : i32
      %dma_wait3A_420 = tpu.memref_slice %arg7[%add3A_299, %dma_wait3A_419] : memref<160x128xi32, #tpu.memory_space<vmem>> -> memref<1x128xi32, #tpu.memory_space<vmem>>
      %dma_wait3A_421 = tpu.memref_squeeze %dma_wait3A_420 : memref<1x128xi32, #tpu.memory_space<vmem>> -> memref<128xi32, #tpu.memory_space<vmem>>
      %dma_wait3A_422 = arith.constant 0 : i32
      %dma_wait3A_423 = arith.constant 0 : i32
      %dma_wait3A_424 = tpu.memref_slice %arg10[%dma_wait3A_422, %dma_wait3A_423] : memref<10112x32xf32, #tpu.memory_space<vmem_shared>> -> memref<10112x32xf32, #tpu.memory_space<vmem_shared>>
      tpu.wait_indirect_dma semaphore(%arg25 : memref<!tpu.dma_semaphore, #tpu.memory_space<semaphore_mem>>) src(%dma_wait3A_418 : memref<128x32xf32, #tpu.memory_space<vmem>>) dst(%dma_wait3A_424 : memref<10112x32xf32, #tpu.memory_space<vmem_shared>>)
      %dma_wait3A_425 = arith.constant 6 : i32
      %dma_wait3A_426 = arith.constant 0 : i32
      %dma_wait3A_427 = arith.constant 0 : i32
      %dma_wait3A_428 = tpu.memref_slice %arg8[%dma_wait3A_425, %dma_wait3A_426, %dma_wait3A_427] : memref<8x128x32xf32, #tpu.memory_space<vmem>> -> memref<1x128x32xf32, #tpu.memory_space<vmem>>
      %dma_wait3A_429 = tpu.memref_squeeze %dma_wait3A_428 : memref<1x128x32xf32, #tpu.memory_space<vmem>> -> memref<128x32xf32, #tpu.memory_space<vmem>>
      %dma_wait3A_430 = arith.constant 0 : i32
      %dma_wait3A_431 = tpu.memref_slice %arg7[%add3A_323, %dma_wait3A_430] : memref<160x128xi32, #tpu.memory_space<vmem>> -> memref<1x128xi32, #tpu.memory_space<vmem>>
      %dma_wait3A_432 = tpu.memref_squeeze %dma_wait3A_431 : memref<1x128xi32, #tpu.memory_space<vmem>> -> memref<128xi32, #tpu.memory_space<vmem>>
      %dma_wait3A_433 = arith.constant 0 : i32
      %dma_wait3A_434 = arith.constant 0 : i32
      %dma_wait3A_435 = tpu.memref_slice %arg10[%dma_wait3A_433, %dma_wait3A_434] : memref<10112x32xf32, #tpu.memory_space<vmem_shared>> -> memref<10112x32xf32, #tpu.memory_space<vmem_shared>>
      tpu.wait_indirect_dma semaphore(%arg26 : memref<!tpu.dma_semaphore, #tpu.memory_space<semaphore_mem>>) src(%dma_wait3A_429 : memref<128x32xf32, #tpu.memory_space<vmem>>) dst(%dma_wait3A_435 : memref<10112x32xf32, #tpu.memory_space<vmem_shared>>)
      %dma_wait3A_436 = arith.constant 7 : i32
      %dma_wait3A_437 = arith.constant 0 : i32
      %dma_wait3A_438 = arith.constant 0 : i32
      %dma_wait3A_439 = tpu.memref_slice %arg8[%dma_wait3A_436, %dma_wait3A_437, %dma_wait3A_438] : memref<8x128x32xf32, #tpu.memory_space<vmem>> -> memref<1x128x32xf32, #tpu.memory_space<vmem>>
      %dma_wait3A_440 = tpu.memref_squeeze %dma_wait3A_439 : memref<1x128x32xf32, #tpu.memory_space<vmem>> -> memref<128x32xf32, #tpu.memory_space<vmem>>
      %dma_wait3A_441 = arith.constant 0 : i32
      %dma_wait3A_442 = tpu.memref_slice %arg7[%add3A_347, %dma_wait3A_441] : memref<160x128xi32, #tpu.memory_space<vmem>> -> memref<1x128xi32, #tpu.memory_space<vmem>>
      %dma_wait3A_443 = tpu.memref_squeeze %dma_wait3A_442 : memref<1x128xi32, #tpu.memory_space<vmem>> -> memref<128xi32, #tpu.memory_space<vmem>>
      %dma_wait3A_444 = arith.constant 0 : i32
      %dma_wait3A_445 = arith.constant 0 : i32
      %dma_wait3A_446 = tpu.memref_slice %arg10[%dma_wait3A_444, %dma_wait3A_445] : memref<10112x32xf32, #tpu.memory_space<vmem_shared>> -> memref<10112x32xf32, #tpu.memory_space<vmem_shared>>
      tpu.wait_indirect_dma semaphore(%arg27 : memref<!tpu.dma_semaphore, #tpu.memory_space<semaphore_mem>>) src(%dma_wait3A_440 : memref<128x32xf32, #tpu.memory_space<vmem>>) dst(%dma_wait3A_446 : memref<10112x32xf32, #tpu.memory_space<vmem_shared>>)
      %scan3A_447 = arith.constant 0 : i32
      scf.yield %scan3A_447 : i32
    }
    %scan3A_58 = arith.constant 20 : i32
    %barrier3A_59 = arith.constant 0 : index
    tpu.barrier barrier_id(%barrier3A_59)
    "tpu.region"() ({
      %run_scoped3A = tpu.sem_alloc : memref<!tpu.dma_semaphore, #tpu.memory_space<semaphore_mem>>
      %dma_start3A = arith.constant 0 : i32
      %dma_start3A_61 = tpu.memref_slice %arg5[%add3A_36, %mul3A_0, %dma_start3A] : memref<4x10112x32xf32, #tpu.memory_space<hbm>> -> memref<1x632x32xf32, #tpu.memory_space<hbm>>
      %dma_start3A_62 = tpu.memref_squeeze %dma_start3A_61 : memref<1x632x32xf32, #tpu.memory_space<hbm>> -> memref<632x32xf32, #tpu.memory_space<hbm>>
      %dma_start3A_63 = arith.constant 0 : i32
      %dma_start3A_64 = tpu.memref_slice %arg10[%mul3A_0, %dma_start3A_63] : memref<10112x32xf32, #tpu.memory_space<vmem_shared>> -> memref<632x32xf32, #tpu.memory_space<vmem_shared>>
      tpu.enqueue_dma source(%dma_start3A_64 : memref<632x32xf32, #tpu.memory_space<vmem_shared>>) target(%dma_start3A_62 : memref<632x32xf32, #tpu.memory_space<hbm>>) target_semaphore(%run_scoped3A : memref<!tpu.dma_semaphore, #tpu.memory_space<semaphore_mem>>)
      %dma_wait3A = arith.constant 0 : i32
      %dma_wait3A_65 = tpu.memref_slice %arg5[%add3A_36, %mul3A_0, %dma_wait3A] : memref<4x10112x32xf32, #tpu.memory_space<hbm>> -> memref<1x632x32xf32, #tpu.memory_space<hbm>>
      %dma_wait3A_66 = tpu.memref_squeeze %dma_wait3A_65 : memref<1x632x32xf32, #tpu.memory_space<hbm>> -> memref<632x32xf32, #tpu.memory_space<hbm>>
      %dma_wait3A_67 = arith.constant 0 : i32
      %dma_wait3A_68 = tpu.memref_slice %arg10[%mul3A_0, %dma_wait3A_67] : memref<10112x32xf32, #tpu.memory_space<vmem_shared>> -> memref<632x32xf32, #tpu.memory_space<vmem_shared>>
      tpu.wait_dma2 semaphore(%run_scoped3A : memref<!tpu.dma_semaphore, #tpu.memory_space<semaphore_mem>>) src(%dma_wait3A_68 : memref<632x32xf32, #tpu.memory_space<vmem_shared>>) dst(%dma_wait3A_66 : memref<632x32xf32, #tpu.memory_space<hbm>>)
      tpu.yield
    }) : () -> ()
    %barrier3A_60 = arith.constant 0 : index
    tpu.barrier barrier_id(%barrier3A_60)
    return
  }
}

module attributes {stable_mosaic.version = 14 : i64} {
  func.func @_mlp_g_body(%arg0: i32, %arg1: memref<1000x128xf32, #tpu.memory_space<vmem>>, %arg2: memref<128x128xf32, #tpu.memory_space<vmem>>, %arg3: memref<1x128xf32, #tpu.memory_space<vmem>>, %arg4: memref<128x128xf32, #tpu.memory_space<vmem>>, %arg5: memref<1x128xf32, #tpu.memory_space<vmem>>, %arg6: memref<128x128xf32, #tpu.memory_space<vmem>>, %arg7: memref<2x1000x16xf32, #tpu.memory_space<vmem>>, %arg8: memref<1000x128xf32, #tpu.memory_space<vmem>>, %arg9: memref<4x1000x32xf32, #tpu.memory_space<vmem>>) attributes {dimension_semantics = [#tpu.dimension_semantics<arbitrary>], iteration_bounds = array<i64: 10>, scalar_prefetch = 0 : i64, scratch_operands = 0 : i64, tpu.core_type = #tpu.core_type<tc>, window_params = [{transform_indices = @transform_0, window_bounds = array<i64: 1000, 128>}, {pipeline_mode = #tpu.pipeline_mode<synchronous>, transform_indices = @transform_1, window_bounds = array<i64: 128, 128>}, {pipeline_mode = #tpu.pipeline_mode<synchronous>, transform_indices = @transform_2, window_bounds = array<i64: 1, 128>}, {pipeline_mode = #tpu.pipeline_mode<synchronous>, transform_indices = @transform_3, window_bounds = array<i64: 128, 128>}, {pipeline_mode = #tpu.pipeline_mode<synchronous>, transform_indices = @transform_4, window_bounds = array<i64: 1, 128>}, {pipeline_mode = #tpu.pipeline_mode<synchronous>, transform_indices = @transform_5, window_bounds = array<i64: 128, 128>}, {transform_indices = @transform_6, window_bounds = array<i64: 2, 1000, 16>}, {transform_indices = @transform_7, window_bounds = array<i64: 1000, 128>}, {transform_indices = @transform_8, window_bounds = array<i64: 4, 1000, 32>}]} {
    %get3A = arith.constant 0 : index
    %get3A_0 = arith.constant 0 : index
    %get3A_1 = vector.load %arg1[%get3A, %get3A_0] : memref<1000x128xf32, #tpu.memory_space<vmem>>, vector<1000x128xf32>
    %get3A_2 = arith.constant 0 : index
    %get3A_3 = arith.constant 0 : index
    %get3A_4 = vector.load %arg2[%get3A_2, %get3A_3] : memref<128x128xf32, #tpu.memory_space<vmem>>, vector<128x128xf32>
    %dot_general3A = arith.constant dense<0.000000e+00> : vector<1000x128xf32>
    %dot_general3A_5 = tpu.matmul %get3A_1, %get3A_4, %dot_general3A {dimension_numbers = #tpu.dot_dimension_numbers<[1], [0], [0], [1], [0, 0, 1, 1], [], []>, transpose_lhs_hint = false} : vector<1000x128xf32>, vector<128x128xf32>, vector<1000x128xf32> -> vector<1000x128xf32>
    %get3A_6 = arith.constant 0 : index
    %get3A_7 = arith.constant 0 : index
    %get3A_8 = vector.load %arg3[%get3A_6, %get3A_7] : memref<1x128xf32, #tpu.memory_space<vmem>>, vector<1x128xf32>
    %add3A = vector.broadcast %get3A_8 : vector<1x128xf32> to vector<1000x128xf32>
    %add3A_9 = arith.addf %dot_general3A_5, %add3A : vector<1000x128xf32>
    %ge3A = arith.constant 0.000000e+00 : f32
    %ge3A_10 = vector.broadcast %ge3A : f32 to vector<1000x128xf32>
    %ge3A_11 = arith.cmpf oge, %add3A_9, %ge3A_10 : vector<1000x128xf32>
    %mul3A = arith.constant 0.00999999977 : f32
    %mul3A_12 = vector.broadcast %mul3A : f32 to vector<1000x128xf32>
    %mul3A_13 = arith.mulf %add3A_9, %mul3A_12 : vector<1000x128xf32>
    %select_n3A = arith.select %ge3A_11, %add3A_9, %mul3A_13 : vector<1000x128xi1>, vector<1000x128xf32>
    %get3A_14 = arith.constant 0 : index
    %get3A_15 = arith.constant 0 : index
    %get3A_16 = vector.load %arg4[%get3A_14, %get3A_15] : memref<128x128xf32, #tpu.memory_space<vmem>>, vector<128x128xf32>
    %dot_general3A_17 = arith.constant dense<0.000000e+00> : vector<1000x128xf32>
    %dot_general3A_18 = tpu.matmul %select_n3A, %get3A_16, %dot_general3A_17 {dimension_numbers = #tpu.dot_dimension_numbers<[1], [0], [0], [1], [0, 0, 1, 1], [], []>, transpose_lhs_hint = false} : vector<1000x128xf32>, vector<128x128xf32>, vector<1000x128xf32> -> vector<1000x128xf32>
    %get3A_19 = arith.constant 0 : index
    %get3A_20 = arith.constant 0 : index
    %get3A_21 = vector.load %arg5[%get3A_19, %get3A_20] : memref<1x128xf32, #tpu.memory_space<vmem>>, vector<1x128xf32>
    %add3A_22 = vector.broadcast %get3A_21 : vector<1x128xf32> to vector<1000x128xf32>
    %add3A_23 = arith.addf %dot_general3A_18, %add3A_22 : vector<1000x128xf32>
    %ge3A_24 = arith.constant 0.000000e+00 : f32
    %ge3A_25 = vector.broadcast %ge3A_24 : f32 to vector<1000x128xf32>
    %ge3A_26 = arith.cmpf oge, %add3A_23, %ge3A_25 : vector<1000x128xf32>
    %mul3A_27 = arith.constant 0.00999999977 : f32
    %mul3A_28 = vector.broadcast %mul3A_27 : f32 to vector<1000x128xf32>
    %mul3A_29 = arith.mulf %add3A_23, %mul3A_28 : vector<1000x128xf32>
    %select_n3A_30 = arith.select %ge3A_26, %add3A_23, %mul3A_29 : vector<1000x128xi1>, vector<1000x128xf32>
    %swap3A = arith.constant 0 : index
    %swap3A_31 = arith.constant 0 : index
    %swap3A_32 = vector.load %arg8[%swap3A, %swap3A_31] : memref<1000x128xf32, #tpu.memory_space<vmem>>, vector<1000x128xf32>
    tpu.vector_store %arg8[%swap3A, %swap3A_31], %select_n3A_30 {strides = array<i32>} : memref<1000x128xf32, #tpu.memory_space<vmem>>, vector<1000x128xf32>,
    %get3A_33 = arith.constant 0 : index
    %get3A_34 = arith.constant 0 : index
    %get3A_35 = arith.constant 0 : index
    %get3A_36 = vector.load %arg7[%get3A_33, %get3A_34, %get3A_35] : memref<2x1000x16xf32, #tpu.memory_space<vmem>>, vector<1x1000x1xf32>
    %get3A_37 = vector.shape_cast %get3A_36 : vector<1x1000x1xf32> to vector<1000x1xf32>
    %get3A_38 = arith.constant 1 : index
    %get3A_39 = arith.constant 0 : index
    %get3A_40 = arith.constant 0 : index
    %get3A_41 = vector.load %arg7[%get3A_38, %get3A_39, %get3A_40] : memref<2x1000x16xf32, #tpu.memory_space<vmem>>, vector<1x1000x1xf32>
    %get3A_42 = vector.shape_cast %get3A_41 : vector<1x1000x1xf32> to vector<1000x1xf32>
    %add3A_43 = arith.addf %get3A_37, %get3A_42 : vector<1000x1xf32>
    %add3A_44 = arith.constant 1.000000e+00 : f32
    %add3A_45 = vector.broadcast %add3A_44 : f32 to vector<1000x1xf32>
    %add3A_46 = arith.addf %add3A_43, %add3A_45 : vector<1000x1xf32>
    %rsqrt3A = math.rsqrt %add3A_46 : vector<1000x1xf32>
    %get3A_47 = arith.constant 0 : index
    %get3A_48 = arith.constant 0 : index
    %get3A_49 = vector.load %arg6[%get3A_47, %get3A_48] : memref<128x128xf32, #tpu.memory_space<vmem>>, vector<128x128xf32>
    %dot_general3A_50 = arith.constant dense<0.000000e+00> : vector<1000x128xf32>
    %dot_general3A_51 = tpu.matmul %select_n3A_30, %get3A_49, %dot_general3A_50 {dimension_numbers = #tpu.dot_dimension_numbers<[1], [0], [0], [1], [0, 0, 1, 1], [], []>, transpose_lhs_hint = false} : vector<1000x128xf32>, vector<128x128xf32>, vector<1000x128xf32> -> vector<1000x128xf32>
    %mul3A_52 = vector.broadcast %rsqrt3A : vector<1000x1xf32> to vector<1000x128xf32>
    %mul3A_53 = arith.mulf %dot_general3A_51, %mul3A_52 : vector<1000x128xf32>
    %slice3A = vector.extract_strided_slice %mul3A_53 {offsets = [0, 0], sizes = [1000, 32], strides = [1, 1]} : vector<1000x128xf32> to vector<1000x32xf32>
    %swap3A_54 = arith.constant 0 : index
    %swap3A_55 = arith.constant 0 : index
    %swap3A_56 = arith.constant 0 : index
    %swap3A_57 = vector.load %arg9[%swap3A_54, %swap3A_55, %swap3A_56] : memref<4x1000x32xf32, #tpu.memory_space<vmem>>, vector<1x1000x32xf32>
    %swap3A_58 = vector.shape_cast %swap3A_57 : vector<1x1000x32xf32> to vector<1000x32xf32>
    %swap3A_59 = vector.shape_cast %slice3A : vector<1000x32xf32> to vector<1x1000x32xf32>
    tpu.vector_store %arg9[%swap3A_54, %swap3A_55, %swap3A_56], %swap3A_59 {strides = array<i32>} : memref<4x1000x32xf32, #tpu.memory_space<vmem>>, vector<1x1000x32xf32>,
    %slice3A_60 = vector.extract_strided_slice %mul3A_53 {offsets = [0, 32], sizes = [1000, 32], strides = [1, 1]} : vector<1000x128xf32> to vector<1000x32xf32>
    %swap3A_61 = arith.constant 1 : index
    %swap3A_62 = arith.constant 0 : index
    %swap3A_63 = arith.constant 0 : index
    %swap3A_64 = vector.load %arg9[%swap3A_61, %swap3A_62, %swap3A_63] : memref<4x1000x32xf32, #tpu.memory_space<vmem>>, vector<1x1000x32xf32>
    %swap3A_65 = vector.shape_cast %swap3A_64 : vector<1x1000x32xf32> to vector<1000x32xf32>
    %swap3A_66 = vector.shape_cast %slice3A_60 : vector<1000x32xf32> to vector<1x1000x32xf32>
    tpu.vector_store %arg9[%swap3A_61, %swap3A_62, %swap3A_63], %swap3A_66 {strides = array<i32>} : memref<4x1000x32xf32, #tpu.memory_space<vmem>>, vector<1x1000x32xf32>,
    %slice3A_67 = vector.extract_strided_slice %mul3A_53 {offsets = [0, 64], sizes = [1000, 32], strides = [1, 1]} : vector<1000x128xf32> to vector<1000x32xf32>
    %swap3A_68 = arith.constant 2 : index
    %swap3A_69 = arith.constant 0 : index
    %swap3A_70 = arith.constant 0 : index
    %swap3A_71 = vector.load %arg9[%swap3A_68, %swap3A_69, %swap3A_70] : memref<4x1000x32xf32, #tpu.memory_space<vmem>>, vector<1x1000x32xf32>
    %swap3A_72 = vector.shape_cast %swap3A_71 : vector<1x1000x32xf32> to vector<1000x32xf32>
    %swap3A_73 = vector.shape_cast %slice3A_67 : vector<1000x32xf32> to vector<1x1000x32xf32>
    tpu.vector_store %arg9[%swap3A_68, %swap3A_69, %swap3A_70], %swap3A_73 {strides = array<i32>} : memref<4x1000x32xf32, #tpu.memory_space<vmem>>, vector<1x1000x32xf32>,
    %slice3A_74 = vector.extract_strided_slice %mul3A_53 {offsets = [0, 96], sizes = [1000, 32], strides = [1, 1]} : vector<1000x128xf32> to vector<1000x32xf32>
    %swap3A_75 = arith.constant 3 : index
    %swap3A_76 = arith.constant 0 : index
    %swap3A_77 = arith.constant 0 : index
    %swap3A_78 = vector.load %arg9[%swap3A_75, %swap3A_76, %swap3A_77] : memref<4x1000x32xf32, #tpu.memory_space<vmem>>, vector<1x1000x32xf32>
    %swap3A_79 = vector.shape_cast %swap3A_78 : vector<1x1000x32xf32> to vector<1000x32xf32>
    %swap3A_80 = vector.shape_cast %slice3A_74 : vector<1000x32xf32> to vector<1x1000x32xf32>
    tpu.vector_store %arg9[%swap3A_75, %swap3A_76, %swap3A_77], %swap3A_80 {strides = array<i32>} : memref<4x1000x32xf32, #tpu.memory_space<vmem>>, vector<1x1000x32xf32>,
    return
  }
  func.func @transform_0(%arg0: i32) -> (i32, i32) {
    %c0_i32 = arith.constant 0 : i32
    %c0_i32_0 = arith.constant 0 : i32
    return %arg0, %c0_i32 : i32, i32
  }
  func.func @transform_1(%arg0: i32) -> (i32, i32) {
    %c0_i32 = arith.constant 0 : i32
    %c0_i32_0 = arith.constant 0 : i32
    %c0_i32_1 = arith.constant 0 : i32
    return %c0_i32, %c0_i32_0 : i32, i32
  }
  func.func @transform_2(%arg0: i32) -> (i32, i32) {
    %c0_i32 = arith.constant 0 : i32
    %c0_i32_0 = arith.constant 0 : i32
    %c0_i32_1 = arith.constant 0 : i32
    return %c0_i32, %c0_i32_0 : i32, i32
  }
  func.func @transform_3(%arg0: i32) -> (i32, i32) {
    %c0_i32 = arith.constant 0 : i32
    %c0_i32_0 = arith.constant 0 : i32
    %c0_i32_1 = arith.constant 0 : i32
    return %c0_i32, %c0_i32_0 : i32, i32
  }
  func.func @transform_4(%arg0: i32) -> (i32, i32) {
    %c0_i32 = arith.constant 0 : i32
    %c0_i32_0 = arith.constant 0 : i32
    %c0_i32_1 = arith.constant 0 : i32
    return %c0_i32, %c0_i32_0 : i32, i32
  }
  func.func @transform_5(%arg0: i32) -> (i32, i32) {
    %c0_i32 = arith.constant 0 : i32
    %c0_i32_0 = arith.constant 0 : i32
    %c0_i32_1 = arith.constant 0 : i32
    return %c0_i32, %c0_i32_0 : i32, i32
  }
  func.func @transform_6(%arg0: i32) -> (i32, i32, i32) {
    %c0_i32 = arith.constant 0 : i32
    %c0_i32_0 = arith.constant 0 : i32
    %c0_i32_1 = arith.constant 0 : i32
    return %c0_i32, %arg0, %c0_i32_0 : i32, i32, i32
  }
  func.func @transform_7(%arg0: i32) -> (i32, i32) {
    %c0_i32 = arith.constant 0 : i32
    %c0_i32_0 = arith.constant 0 : i32
    return %arg0, %c0_i32 : i32, i32
  }
  func.func @transform_8(%arg0: i32) -> (i32, i32, i32) {
    %c0_i32 = arith.constant 0 : i32
    %c0_i32_0 = arith.constant 0 : i32
    %c0_i32_1 = arith.constant 0 : i32
    return %c0_i32, %arg0, %c0_i32_0 : i32, i32, i32
  }
}

module attributes {stable_mosaic.version = 14 : i64} {
  func.func @_gru_g_body(%arg0: i32, %arg1: memref<4x1000x32xf32, #tpu.memory_space<vmem>>, %arg2: memref<4x1000x32xf32, #tpu.memory_space<vmem>>, %arg3: memref<2x1000x16xf32, #tpu.memory_space<vmem>>, %arg4: memref<1x128xf32, #tpu.memory_space<vmem>>, %arg5: memref<1000x128xf32, #tpu.memory_space<vmem>>, %arg6: memref<128x384xf32, #tpu.memory_space<vmem>>, %arg7: memref<128x384xf32, #tpu.memory_space<vmem>>, %arg8: memref<1x384xf32, #tpu.memory_space<vmem>>, %arg9: memref<1x384xf32, #tpu.memory_space<vmem>>, %arg10: memref<128x128xf32, #tpu.memory_space<vmem>>, %arg11: memref<1000x128xf32, #tpu.memory_space<vmem>>, %arg12: memref<4x1000x32xf32, #tpu.memory_space<vmem>>) attributes {dimension_semantics = [#tpu.dimension_semantics<arbitrary>], iteration_bounds = array<i64: 10>, scalar_prefetch = 0 : i64, scratch_operands = 0 : i64, tpu.core_type = #tpu.core_type<tc>, window_params = [{transform_indices = @transform_0, window_bounds = array<i64: 4, 1000, 32>}, {transform_indices = @transform_1, window_bounds = array<i64: 4, 1000, 32>}, {transform_indices = @transform_2, window_bounds = array<i64: 2, 1000, 16>}, {pipeline_mode = #tpu.pipeline_mode<synchronous>, transform_indices = @transform_3, window_bounds = array<i64: 1, 128>}, {transform_indices = @transform_4, window_bounds = array<i64: 1000, 128>}, {pipeline_mode = #tpu.pipeline_mode<synchronous>, transform_indices = @transform_5, window_bounds = array<i64: 128, 384>}, {pipeline_mode = #tpu.pipeline_mode<synchronous>, transform_indices = @transform_6, window_bounds = array<i64: 128, 384>}, {pipeline_mode = #tpu.pipeline_mode<synchronous>, transform_indices = @transform_7, window_bounds = array<i64: 1, 384>}, {pipeline_mode = #tpu.pipeline_mode<synchronous>, transform_indices = @transform_8, window_bounds = array<i64: 1, 384>}, {pipeline_mode = #tpu.pipeline_mode<synchronous>, transform_indices = @transform_9, window_bounds = array<i64: 128, 128>}, {transform_indices = @transform_10, window_bounds = array<i64: 1000, 128>}, {transform_indices = @transform_11, window_bounds = array<i64: 4, 1000, 32>}]} {
    %get3A = arith.constant 0 : index
    %get3A_0 = arith.constant 0 : index
    %get3A_1 = arith.constant 0 : index
    %get3A_2 = vector.load %arg3[%get3A, %get3A_0, %get3A_1] : memref<2x1000x16xf32, #tpu.memory_space<vmem>>, vector<1x1000x1xf32>
    %get3A_3 = vector.shape_cast %get3A_2 : vector<1x1000x1xf32> to vector<1000x1xf32>
    %get3A_4 = arith.constant 1 : index
    %get3A_5 = arith.constant 0 : index
    %get3A_6 = arith.constant 0 : index
    %get3A_7 = vector.load %arg3[%get3A_4, %get3A_5, %get3A_6] : memref<2x1000x16xf32, #tpu.memory_space<vmem>>, vector<1x1000x1xf32>
    %get3A_8 = vector.shape_cast %get3A_7 : vector<1x1000x1xf32> to vector<1000x1xf32>
    %add3A = arith.addf %get3A_3, %get3A_8 : vector<1000x1xf32>
    %add3A_9 = arith.constant 1.000000e+00 : f32
    %add3A_10 = vector.broadcast %add3A_9 : f32 to vector<1000x1xf32>
    %add3A_11 = arith.addf %add3A, %add3A_10 : vector<1000x1xf32>
    %rsqrt3A = math.rsqrt %add3A_11 : vector<1000x1xf32>
    %get3A_12 = arith.constant 0 : index
    %get3A_13 = arith.constant 0 : index
    %get3A_14 = arith.constant 0 : index
    %get3A_15 = vector.load %arg1[%get3A_12, %get3A_13, %get3A_14] : memref<4x1000x32xf32, #tpu.memory_space<vmem>>, vector<1x1000x32xf32>
    %get3A_16 = vector.shape_cast %get3A_15 : vector<1x1000x32xf32> to vector<1000x32xf32>
    %get3A_17 = arith.constant 0 : index
    %get3A_18 = arith.constant 0 : index
    %get3A_19 = arith.constant 0 : index
    %get3A_20 = vector.load %arg2[%get3A_17, %get3A_18, %get3A_19] : memref<4x1000x32xf32, #tpu.memory_space<vmem>>, vector<1x1000x32xf32>
    %get3A_21 = vector.shape_cast %get3A_20 : vector<1x1000x32xf32> to vector<1000x32xf32>
    %add3A_22 = arith.addf %get3A_16, %get3A_21 : vector<1000x32xf32>
    %get3A_23 = arith.constant 1 : index
    %get3A_24 = arith.constant 0 : index
    %get3A_25 = arith.constant 0 : index
    %get3A_26 = vector.load %arg1[%get3A_23, %get3A_24, %get3A_25] : memref<4x1000x32xf32, #tpu.memory_space<vmem>>, vector<1x1000x32xf32>
    %get3A_27 = vector.shape_cast %get3A_26 : vector<1x1000x32xf32> to vector<1000x32xf32>
    %get3A_28 = arith.constant 1 : index
    %get3A_29 = arith.constant 0 : index
    %get3A_30 = arith.constant 0 : index
    %get3A_31 = vector.load %arg2[%get3A_28, %get3A_29, %get3A_30] : memref<4x1000x32xf32, #tpu.memory_space<vmem>>, vector<1x1000x32xf32>
    %get3A_32 = vector.shape_cast %get3A_31 : vector<1x1000x32xf32> to vector<1000x32xf32>
    %add3A_33 = arith.addf %get3A_27, %get3A_32 : vector<1000x32xf32>
    %get3A_34 = arith.constant 2 : index
    %get3A_35 = arith.constant 0 : index
    %get3A_36 = arith.constant 0 : index
    %get3A_37 = vector.load %arg1[%get3A_34, %get3A_35, %get3A_36] : memref<4x1000x32xf32, #tpu.memory_space<vmem>>, vector<1x1000x32xf32>
    %get3A_38 = vector.shape_cast %get3A_37 : vector<1x1000x32xf32> to vector<1000x32xf32>
    %get3A_39 = arith.constant 2 : index
    %get3A_40 = arith.constant 0 : index
    %get3A_41 = arith.constant 0 : index
    %get3A_42 = vector.load %arg2[%get3A_39, %get3A_40, %get3A_41] : memref<4x1000x32xf32, #tpu.memory_space<vmem>>, vector<1x1000x32xf32>
    %get3A_43 = vector.shape_cast %get3A_42 : vector<1x1000x32xf32> to vector<1000x32xf32>
    %add3A_44 = arith.addf %get3A_38, %get3A_43 : vector<1000x32xf32>
    %get3A_45 = arith.constant 3 : index
    %get3A_46 = arith.constant 0 : index
    %get3A_47 = arith.constant 0 : index
    %get3A_48 = vector.load %arg1[%get3A_45, %get3A_46, %get3A_47] : memref<4x1000x32xf32, #tpu.memory_space<vmem>>, vector<1x1000x32xf32>
    %get3A_49 = vector.shape_cast %get3A_48 : vector<1x1000x32xf32> to vector<1000x32xf32>
    %get3A_50 = arith.constant 3 : index
    %get3A_51 = arith.constant 0 : index
    %get3A_52 = arith.constant 0 : index
    %get3A_53 = vector.load %arg2[%get3A_50, %get3A_51, %get3A_52] : memref<4x1000x32xf32, #tpu.memory_space<vmem>>, vector<1x1000x32xf32>
    %get3A_54 = vector.shape_cast %get3A_53 : vector<1x1000x32xf32> to vector<1000x32xf32>
    %add3A_55 = arith.addf %get3A_49, %get3A_54 : vector<1000x32xf32>
    %concatenate3A = tpu.concatenate %add3A_22, %add3A_33, %add3A_44, %add3A_55 in 1 : vector<1000x32xf32>, vector<1000x32xf32>, vector<1000x32xf32>, vector<1000x32xf32> -> vector<1000x128xf32>
    %mul3A = vector.broadcast %rsqrt3A : vector<1000x1xf32> to vector<1000x128xf32>
    %mul3A_56 = arith.mulf %mul3A, %concatenate3A : vector<1000x128xf32>
    %get3A_57 = arith.constant 0 : index
    %get3A_58 = arith.constant 0 : index
    %get3A_59 = vector.load %arg4[%get3A_57, %get3A_58] : memref<1x128xf32, #tpu.memory_space<vmem>>, vector<1x128xf32>
    %add3A_60 = vector.broadcast %get3A_59 : vector<1x128xf32> to vector<1000x128xf32>
    %add3A_61 = arith.addf %mul3A_56, %add3A_60 : vector<1000x128xf32>
    %ge3A = arith.constant 0.000000e+00 : f32
    %ge3A_62 = vector.broadcast %ge3A : f32 to vector<1000x128xf32>
    %ge3A_63 = arith.cmpf oge, %add3A_61, %ge3A_62 : vector<1000x128xf32>
    %mul3A_64 = arith.constant 0.00999999977 : f32
    %mul3A_65 = vector.broadcast %mul3A_64 : f32 to vector<1000x128xf32>
    %mul3A_66 = arith.mulf %add3A_61, %mul3A_65 : vector<1000x128xf32>
    %select_n3A = arith.select %ge3A_63, %add3A_61, %mul3A_66 : vector<1000x128xi1>, vector<1000x128xf32>
    %get3A_67 = arith.constant 0 : index
    %get3A_68 = arith.constant 0 : index
    %get3A_69 = vector.load %arg5[%get3A_67, %get3A_68] : memref<1000x128xf32, #tpu.memory_space<vmem>>, vector<1000x128xf32>
    %get3A_70 = arith.constant 0 : index
    %get3A_71 = arith.constant 0 : index
    %get3A_72 = vector.load %arg6[%get3A_70, %get3A_71] : memref<128x384xf32, #tpu.memory_space<vmem>>, vector<128x384xf32>
    %dot_general3A = arith.constant dense<0.000000e+00> : vector<1000x384xf32>
    %dot_general3A_73 = tpu.matmul %select_n3A, %get3A_72, %dot_general3A {dimension_numbers = #tpu.dot_dimension_numbers<[1], [0], [0], [1], [0, 0, 1, 1], [], []>, transpose_lhs_hint = false} : vector<1000x128xf32>, vector<128x384xf32>, vector<1000x384xf32> -> vector<1000x384xf32>
    %get3A_74 = arith.constant 0 : index
    %get3A_75 = arith.constant 0 : index
    %get3A_76 = vector.load %arg8[%get3A_74, %get3A_75] : memref<1x384xf32, #tpu.memory_space<vmem>>, vector<1x384xf32>
    %add3A_77 = vector.broadcast %get3A_76 : vector<1x384xf32> to vector<1000x384xf32>
    %add3A_78 = arith.addf %dot_general3A_73, %add3A_77 : vector<1000x384xf32>
    %get3A_79 = arith.constant 0 : index
    %get3A_80 = arith.constant 0 : index
    %get3A_81 = vector.load %arg7[%get3A_79, %get3A_80] : memref<128x384xf32, #tpu.memory_space<vmem>>, vector<128x384xf32>
    %dot_general3A_82 = arith.constant dense<0.000000e+00> : vector<1000x384xf32>
    %dot_general3A_83 = tpu.matmul %get3A_69, %get3A_81, %dot_general3A_82 {dimension_numbers = #tpu.dot_dimension_numbers<[1], [0], [0], [1], [0, 0, 1, 1], [], []>, transpose_lhs_hint = false} : vector<1000x128xf32>, vector<128x384xf32>, vector<1000x384xf32> -> vector<1000x384xf32>
    %get3A_84 = arith.constant 0 : index
    %get3A_85 = arith.constant 0 : index
    %get3A_86 = vector.load %arg9[%get3A_84, %get3A_85] : memref<1x384xf32, #tpu.memory_space<vmem>>, vector<1x384xf32>
    %add3A_87 = vector.broadcast %get3A_86 : vector<1x384xf32> to vector<1000x384xf32>
    %add3A_88 = arith.addf %dot_general3A_83, %add3A_87 : vector<1000x384xf32>
    %slice3A = vector.extract_strided_slice %add3A_78 {offsets = [0, 0], sizes = [1000, 128], strides = [1, 1]} : vector<1000x384xf32> to vector<1000x128xf32>
    %slice3A_89 = vector.extract_strided_slice %add3A_78 {offsets = [0, 128], sizes = [1000, 128], strides = [1, 1]} : vector<1000x384xf32> to vector<1000x128xf32>
    %slice3A_90 = vector.extract_strided_slice %add3A_78 {offsets = [0, 256], sizes = [1000, 128], strides = [1, 1]} : vector<1000x384xf32> to vector<1000x128xf32>
    %slice3A_91 = vector.extract_strided_slice %add3A_88 {offsets = [0, 0], sizes = [1000, 128], strides = [1, 1]} : vector<1000x384xf32> to vector<1000x128xf32>
    %slice3A_92 = vector.extract_strided_slice %add3A_88 {offsets = [0, 128], sizes = [1000, 128], strides = [1, 1]} : vector<1000x384xf32> to vector<1000x128xf32>
    %slice3A_93 = vector.extract_strided_slice %add3A_88 {offsets = [0, 256], sizes = [1000, 128], strides = [1, 1]} : vector<1000x384xf32> to vector<1000x128xf32>
    %add3A_94 = arith.addf %slice3A, %slice3A_91 : vector<1000x128xf32>
    %logistic3A = arith.negf %add3A_94 : vector<1000x128xf32>
    %logistic3A_95 = math.exp %logistic3A : vector<1000x128xf32>
    %logistic3A_96 = arith.constant 1.000000e+00 : f32
    %logistic3A_97 = vector.broadcast %logistic3A_96 : f32 to vector<1000x128xf32>
    %logistic3A_98 = arith.addf %logistic3A_97, %logistic3A_95 : vector<1000x128xf32>
    %logistic3A_99 = arith.divf %logistic3A_97, %logistic3A_98 : vector<1000x128xf32>
    %add3A_100 = arith.addf %slice3A_89, %slice3A_92 : vector<1000x128xf32>
    %logistic3A_101 = arith.negf %add3A_100 : vector<1000x128xf32>
    %logistic3A_102 = math.exp %logistic3A_101 : vector<1000x128xf32>
    %logistic3A_103 = arith.constant 1.000000e+00 : f32
    %logistic3A_104 = vector.broadcast %logistic3A_103 : f32 to vector<1000x128xf32>
    %logistic3A_105 = arith.addf %logistic3A_104, %logistic3A_102 : vector<1000x128xf32>
    %logistic3A_106 = arith.divf %logistic3A_104, %logistic3A_105 : vector<1000x128xf32>
    %mul3A_107 = arith.mulf %logistic3A_99, %slice3A_93 : vector<1000x128xf32>
    %add3A_108 = arith.addf %slice3A_90, %mul3A_107 : vector<1000x128xf32>
    %tanh3A = math.tanh %add3A_108 : vector<1000x128xf32>
    %sub3A = arith.constant 1.000000e+00 : f32
    %sub3A_109 = vector.broadcast %sub3A : f32 to vector<1000x128xf32>
    %sub3A_110 = arith.subf %sub3A_109, %logistic3A_106 : vector<1000x128xf32>
    %mul3A_111 = arith.mulf %sub3A_110, %tanh3A : vector<1000x128xf32>
    %mul3A_112 = arith.mulf %logistic3A_106, %get3A_69 : vector<1000x128xf32>
    %add3A_113 = arith.addf %mul3A_111, %mul3A_112 : vector<1000x128xf32>
    %swap3A = arith.constant 0 : index
    %swap3A_114 = arith.constant 0 : index
    %swap3A_115 = vector.load %arg11[%swap3A, %swap3A_114] : memref<1000x128xf32, #tpu.memory_space<vmem>>, vector<1000x128xf32>
    tpu.vector_store %arg11[%swap3A, %swap3A_114], %add3A_113 {strides = array<i32>} : memref<1000x128xf32, #tpu.memory_space<vmem>>, vector<1000x128xf32>,
    %get3A_116 = arith.constant 0 : index
    %get3A_117 = arith.constant 0 : index
    %get3A_118 = vector.load %arg10[%get3A_116, %get3A_117] : memref<128x128xf32, #tpu.memory_space<vmem>>, vector<128x128xf32>
    %dot_general3A_119 = arith.constant dense<0.000000e+00> : vector<1000x128xf32>
    %dot_general3A_120 = tpu.matmul %add3A_113, %get3A_118, %dot_general3A_119 {dimension_numbers = #tpu.dot_dimension_numbers<[1], [0], [0], [1], [0, 0, 1, 1], [], []>, transpose_lhs_hint = false} : vector<1000x128xf32>, vector<128x128xf32>, vector<1000x128xf32> -> vector<1000x128xf32>
    %mul3A_121 = vector.broadcast %rsqrt3A : vector<1000x1xf32> to vector<1000x128xf32>
    %mul3A_122 = arith.mulf %dot_general3A_120, %mul3A_121 : vector<1000x128xf32>
    %slice3A_123 = vector.extract_strided_slice %mul3A_122 {offsets = [0, 0], sizes = [1000, 32], strides = [1, 1]} : vector<1000x128xf32> to vector<1000x32xf32>
    %swap3A_124 = arith.constant 0 : index
    %swap3A_125 = arith.constant 0 : index
    %swap3A_126 = arith.constant 0 : index
    %swap3A_127 = vector.load %arg12[%swap3A_124, %swap3A_125, %swap3A_126] : memref<4x1000x32xf32, #tpu.memory_space<vmem>>, vector<1x1000x32xf32>
    %swap3A_128 = vector.shape_cast %swap3A_127 : vector<1x1000x32xf32> to vector<1000x32xf32>
    %swap3A_129 = vector.shape_cast %slice3A_123 : vector<1000x32xf32> to vector<1x1000x32xf32>
    tpu.vector_store %arg12[%swap3A_124, %swap3A_125, %swap3A_126], %swap3A_129 {strides = array<i32>} : memref<4x1000x32xf32, #tpu.memory_space<vmem>>, vector<1x1000x32xf32>,
    %slice3A_130 = vector.extract_strided_slice %mul3A_122 {offsets = [0, 32], sizes = [1000, 32], strides = [1, 1]} : vector<1000x128xf32> to vector<1000x32xf32>
    %swap3A_131 = arith.constant 1 : index
    %swap3A_132 = arith.constant 0 : index
    %swap3A_133 = arith.constant 0 : index
    %swap3A_134 = vector.load %arg12[%swap3A_131, %swap3A_132, %swap3A_133] : memref<4x1000x32xf32, #tpu.memory_space<vmem>>, vector<1x1000x32xf32>
    %swap3A_135 = vector.shape_cast %swap3A_134 : vector<1x1000x32xf32> to vector<1000x32xf32>
    %swap3A_136 = vector.shape_cast %slice3A_130 : vector<1000x32xf32> to vector<1x1000x32xf32>
    tpu.vector_store %arg12[%swap3A_131, %swap3A_132, %swap3A_133], %swap3A_136 {strides = array<i32>} : memref<4x1000x32xf32, #tpu.memory_space<vmem>>, vector<1x1000x32xf32>,
    %slice3A_137 = vector.extract_strided_slice %mul3A_122 {offsets = [0, 64], sizes = [1000, 32], strides = [1, 1]} : vector<1000x128xf32> to vector<1000x32xf32>
    %swap3A_138 = arith.constant 2 : index
    %swap3A_139 = arith.constant 0 : index
    %swap3A_140 = arith.constant 0 : index
    %swap3A_141 = vector.load %arg12[%swap3A_138, %swap3A_139, %swap3A_140] : memref<4x1000x32xf32, #tpu.memory_space<vmem>>, vector<1x1000x32xf32>
    %swap3A_142 = vector.shape_cast %swap3A_141 : vector<1x1000x32xf32> to vector<1000x32xf32>
    %swap3A_143 = vector.shape_cast %slice3A_137 : vector<1000x32xf32> to vector<1x1000x32xf32>
    tpu.vector_store %arg12[%swap3A_138, %swap3A_139, %swap3A_140], %swap3A_143 {strides = array<i32>} : memref<4x1000x32xf32, #tpu.memory_space<vmem>>, vector<1x1000x32xf32>,
    %slice3A_144 = vector.extract_strided_slice %mul3A_122 {offsets = [0, 96], sizes = [1000, 32], strides = [1, 1]} : vector<1000x128xf32> to vector<1000x32xf32>
    %swap3A_145 = arith.constant 3 : index
    %swap3A_146 = arith.constant 0 : index
    %swap3A_147 = arith.constant 0 : index
    %swap3A_148 = vector.load %arg12[%swap3A_145, %swap3A_146, %swap3A_147] : memref<4x1000x32xf32, #tpu.memory_space<vmem>>, vector<1x1000x32xf32>
    %swap3A_149 = vector.shape_cast %swap3A_148 : vector<1x1000x32xf32> to vector<1000x32xf32>
    %swap3A_150 = vector.shape_cast %slice3A_144 : vector<1000x32xf32> to vector<1x1000x32xf32>
    tpu.vector_store %arg12[%swap3A_145, %swap3A_146, %swap3A_147], %swap3A_150 {strides = array<i32>} : memref<4x1000x32xf32, #tpu.memory_space<vmem>>, vector<1x1000x32xf32>,
    return
  }
  func.func @transform_0(%arg0: i32) -> (i32, i32, i32) {
    %c0_i32 = arith.constant 0 : i32
    %c0_i32_0 = arith.constant 0 : i32
    %c0_i32_1 = arith.constant 0 : i32
    return %c0_i32, %arg0, %c0_i32_0 : i32, i32, i32
  }
  func.func @transform_1(%arg0: i32) -> (i32, i32, i32) {
    %c0_i32 = arith.constant 0 : i32
    %c0_i32_0 = arith.constant 0 : i32
    %c0_i32_1 = arith.constant 0 : i32
    return %c0_i32, %arg0, %c0_i32_0 : i32, i32, i32
  }
  func.func @transform_2(%arg0: i32) -> (i32, i32, i32) {
    %c0_i32 = arith.constant 0 : i32
    %c0_i32_0 = arith.constant 0 : i32
    %c0_i32_1 = arith.constant 0 : i32
    return %c0_i32, %arg0, %c0_i32_0 : i32, i32, i32
  }
  func.func @transform_3(%arg0: i32) -> (i32, i32) {
    %c0_i32 = arith.constant 0 : i32
    %c0_i32_0 = arith.constant 0 : i32
    %c0_i32_1 = arith.constant 0 : i32
    return %c0_i32, %c0_i32_0 : i32, i32
  }
  func.func @transform_4(%arg0: i32) -> (i32, i32) {
    %c0_i32 = arith.constant 0 : i32
    %c0_i32_0 = arith.constant 0 : i32
    return %arg0, %c0_i32 : i32, i32
  }
  func.func @transform_5(%arg0: i32) -> (i32, i32) {
    %c0_i32 = arith.constant 0 : i32
    %c0_i32_0 = arith.constant 0 : i32
    %c0_i32_1 = arith.constant 0 : i32
    return %c0_i32, %c0_i32_0 : i32, i32
  }
  func.func @transform_6(%arg0: i32) -> (i32, i32) {
    %c0_i32 = arith.constant 0 : i32
    %c0_i32_0 = arith.constant 0 : i32
    %c0_i32_1 = arith.constant 0 : i32
    return %c0_i32, %c0_i32_0 : i32, i32
  }
  func.func @transform_7(%arg0: i32) -> (i32, i32) {
    %c0_i32 = arith.constant 0 : i32
    %c0_i32_0 = arith.constant 0 : i32
    %c0_i32_1 = arith.constant 0 : i32
    return %c0_i32, %c0_i32_0 : i32, i32
  }
  func.func @transform_8(%arg0: i32) -> (i32, i32) {
    %c0_i32 = arith.constant 0 : i32
    %c0_i32_0 = arith.constant 0 : i32
    %c0_i32_1 = arith.constant 0 : i32
    return %c0_i32, %c0_i32_0 : i32, i32
  }
  func.func @transform_9(%arg0: i32) -> (i32, i32) {
    %c0_i32 = arith.constant 0 : i32
    %c0_i32_0 = arith.constant 0 : i32
    %c0_i32_1 = arith.constant 0 : i32
    return %c0_i32, %c0_i32_0 : i32, i32
  }
  func.func @transform_10(%arg0: i32) -> (i32, i32) {
    %c0_i32 = arith.constant 0 : i32
    %c0_i32_0 = arith.constant 0 : i32
    return %arg0, %c0_i32 : i32, i32
  }
  func.func @transform_11(%arg0: i32) -> (i32, i32, i32) {
    %c0_i32 = arith.constant 0 : i32
    %c0_i32_0 = arith.constant 0 : i32
    %c0_i32_1 = arith.constant 0 : i32
    return %c0_i32, %arg0, %c0_i32_0 : i32, i32, i32
  }
}

module attributes {stable_mosaic.version = 14 : i64} {
  func.func @_eap_body(%arg0: i32, %arg1: memref<8000x16xf32, #tpu.memory_space<vmem>>, %arg2: memref<16x8xf32, #tpu.memory_space<vmem>>, %arg3: memref<1x8xf32, #tpu.memory_space<vmem>>, %arg4: memref<8000x8xf32, #tpu.memory_space<vmem>>) attributes {dimension_semantics = [#tpu.dimension_semantics<arbitrary>], iteration_bounds = array<i64: 40>, scalar_prefetch = 0 : i64, scratch_operands = 0 : i64, tpu.core_type = #tpu.core_type<tc>, window_params = [{transform_indices = @transform_0, window_bounds = array<i64: 8000, 16>}, {pipeline_mode = #tpu.pipeline_mode<synchronous>, transform_indices = @transform_1, window_bounds = array<i64: 16, 8>}, {pipeline_mode = #tpu.pipeline_mode<synchronous>, transform_indices = @transform_2, window_bounds = array<i64: 1, 8>}, {transform_indices = @transform_3, window_bounds = array<i64: 8000, 8>}]} {
    %get3A = arith.constant 0 : index
    %get3A_0 = arith.constant 0 : index
    %get3A_1 = vector.load %arg1[%get3A, %get3A_0] : memref<8000x16xf32, #tpu.memory_space<vmem>>, vector<8000x16xf32>
    %get3A_2 = arith.constant 0 : index
    %get3A_3 = arith.constant 0 : index
    %get3A_4 = vector.load %arg2[%get3A_2, %get3A_3] : memref<16x8xf32, #tpu.memory_space<vmem>>, vector<16x8xf32>
    %dot_general3A = arith.constant dense<0.000000e+00> : vector<8000x8xf32>
    %dot_general3A_5 = tpu.matmul %get3A_1, %get3A_4, %dot_general3A {dimension_numbers = #tpu.dot_dimension_numbers<[1], [0], [0], [1], [0, 0, 1, 1], [], []>, transpose_lhs_hint = false} : vector<8000x16xf32>, vector<16x8xf32>, vector<8000x8xf32> -> vector<8000x8xf32>
    %get3A_6 = arith.constant 0 : index
    %get3A_7 = arith.constant 0 : index
    %get3A_8 = vector.load %arg3[%get3A_6, %get3A_7] : memref<1x8xf32, #tpu.memory_space<vmem>>, vector<1x8xf32>
    %add3A = vector.broadcast %get3A_8 : vector<1x8xf32> to vector<8000x8xf32>
    %add3A_9 = arith.addf %dot_general3A_5, %add3A : vector<8000x8xf32>
    %swap3A = arith.constant 0 : index
    %swap3A_10 = arith.constant 0 : index
    %swap3A_11 = vector.load %arg4[%swap3A, %swap3A_10] : memref<8000x8xf32, #tpu.memory_space<vmem>>, vector<8000x8xf32>
    tpu.vector_store %arg4[%swap3A, %swap3A_10], %add3A_9 {strides = array<i32>} : memref<8000x8xf32, #tpu.memory_space<vmem>>, vector<8000x8xf32>,
    return
  }
  func.func @transform_0(%arg0: i32) -> (i32, i32) {
    %c0_i32 = arith.constant 0 : i32
    %c0_i32_0 = arith.constant 0 : i32
    return %arg0, %c0_i32 : i32, i32
  }
  func.func @transform_1(%arg0: i32) -> (i32, i32) {
    %c0_i32 = arith.constant 0 : i32
    %c0_i32_0 = arith.constant 0 : i32
    %c0_i32_1 = arith.constant 0 : i32
    return %c0_i32, %c0_i32_0 : i32, i32
  }
  func.func @transform_2(%arg0: i32) -> (i32, i32) {
    %c0_i32 = arith.constant 0 : i32
    %c0_i32_0 = arith.constant 0 : i32
    %c0_i32_1 = arith.constant 0 : i32
    return %c0_i32, %c0_i32_0 : i32, i32
  }
  func.func @transform_3(%arg0: i32) -> (i32, i32) {
    %c0_i32 = arith.constant 0 : i32
    %c0_i32_0 = arith.constant 0 : i32
    return %arg0, %c0_i32 : i32, i32
  }
}

module attributes {stable_mosaic.version = 14 : i64} {
  func.func @_gru_proj_body(%arg0: i32, %arg1: memref<4x1000x32xf32, #tpu.memory_space<vmem>>, %arg2: memref<4x1000x32xf32, #tpu.memory_space<vmem>>, %arg3: memref<2x1000x16xf32, #tpu.memory_space<vmem>>, %arg4: memref<1x128xf32, #tpu.memory_space<vmem>>, %arg5: memref<1000x128xf32, #tpu.memory_space<vmem>>, %arg6: memref<128x384xf32, #tpu.memory_space<vmem>>, %arg7: memref<128x384xf32, #tpu.memory_space<vmem>>, %arg8: memref<1x384xf32, #tpu.memory_space<vmem>>, %arg9: memref<1x384xf32, #tpu.memory_space<vmem>>, %arg10: memref<128x8xf32, #tpu.memory_space<vmem>>, %arg11: memref<1000x128xf32, #tpu.memory_space<vmem>>, %arg12: memref<1000x8xf32, #tpu.memory_space<vmem>>) attributes {dimension_semantics = [#tpu.dimension_semantics<arbitrary>], iteration_bounds = array<i64: 10>, scalar_prefetch = 0 : i64, scratch_operands = 0 : i64, tpu.core_type = #tpu.core_type<tc>, window_params = [{transform_indices = @transform_0, window_bounds = array<i64: 4, 1000, 32>}, {transform_indices = @transform_1, window_bounds = array<i64: 4, 1000, 32>}, {transform_indices = @transform_2, window_bounds = array<i64: 2, 1000, 16>}, {pipeline_mode = #tpu.pipeline_mode<synchronous>, transform_indices = @transform_3, window_bounds = array<i64: 1, 128>}, {transform_indices = @transform_4, window_bounds = array<i64: 1000, 128>}, {pipeline_mode = #tpu.pipeline_mode<synchronous>, transform_indices = @transform_5, window_bounds = array<i64: 128, 384>}, {pipeline_mode = #tpu.pipeline_mode<synchronous>, transform_indices = @transform_6, window_bounds = array<i64: 128, 384>}, {pipeline_mode = #tpu.pipeline_mode<synchronous>, transform_indices = @transform_7, window_bounds = array<i64: 1, 384>}, {pipeline_mode = #tpu.pipeline_mode<synchronous>, transform_indices = @transform_8, window_bounds = array<i64: 1, 384>}, {pipeline_mode = #tpu.pipeline_mode<synchronous>, transform_indices = @transform_9, window_bounds = array<i64: 128, 8>}, {transform_indices = @transform_10, window_bounds = array<i64: 1000, 128>}, {transform_indices = @transform_11, window_bounds = array<i64: 1000, 8>}]} {
    %get3A = arith.constant 0 : index
    %get3A_0 = arith.constant 0 : index
    %get3A_1 = arith.constant 0 : index
    %get3A_2 = vector.load %arg3[%get3A, %get3A_0, %get3A_1] : memref<2x1000x16xf32, #tpu.memory_space<vmem>>, vector<1x1000x1xf32>
    %get3A_3 = vector.shape_cast %get3A_2 : vector<1x1000x1xf32> to vector<1000x1xf32>
    %get3A_4 = arith.constant 1 : index
    %get3A_5 = arith.constant 0 : index
    %get3A_6 = arith.constant 0 : index
    %get3A_7 = vector.load %arg3[%get3A_4, %get3A_5, %get3A_6] : memref<2x1000x16xf32, #tpu.memory_space<vmem>>, vector<1x1000x1xf32>
    %get3A_8 = vector.shape_cast %get3A_7 : vector<1x1000x1xf32> to vector<1000x1xf32>
    %add3A = arith.addf %get3A_3, %get3A_8 : vector<1000x1xf32>
    %add3A_9 = arith.constant 1.000000e+00 : f32
    %add3A_10 = vector.broadcast %add3A_9 : f32 to vector<1000x1xf32>
    %add3A_11 = arith.addf %add3A, %add3A_10 : vector<1000x1xf32>
    %rsqrt3A = math.rsqrt %add3A_11 : vector<1000x1xf32>
    %get3A_12 = arith.constant 0 : index
    %get3A_13 = arith.constant 0 : index
    %get3A_14 = arith.constant 0 : index
    %get3A_15 = vector.load %arg1[%get3A_12, %get3A_13, %get3A_14] : memref<4x1000x32xf32, #tpu.memory_space<vmem>>, vector<1x1000x32xf32>
    %get3A_16 = vector.shape_cast %get3A_15 : vector<1x1000x32xf32> to vector<1000x32xf32>
    %get3A_17 = arith.constant 0 : index
    %get3A_18 = arith.constant 0 : index
    %get3A_19 = arith.constant 0 : index
    %get3A_20 = vector.load %arg2[%get3A_17, %get3A_18, %get3A_19] : memref<4x1000x32xf32, #tpu.memory_space<vmem>>, vector<1x1000x32xf32>
    %get3A_21 = vector.shape_cast %get3A_20 : vector<1x1000x32xf32> to vector<1000x32xf32>
    %add3A_22 = arith.addf %get3A_16, %get3A_21 : vector<1000x32xf32>
    %get3A_23 = arith.constant 1 : index
    %get3A_24 = arith.constant 0 : index
    %get3A_25 = arith.constant 0 : index
    %get3A_26 = vector.load %arg1[%get3A_23, %get3A_24, %get3A_25] : memref<4x1000x32xf32, #tpu.memory_space<vmem>>, vector<1x1000x32xf32>
    %get3A_27 = vector.shape_cast %get3A_26 : vector<1x1000x32xf32> to vector<1000x32xf32>
    %get3A_28 = arith.constant 1 : index
    %get3A_29 = arith.constant 0 : index
    %get3A_30 = arith.constant 0 : index
    %get3A_31 = vector.load %arg2[%get3A_28, %get3A_29, %get3A_30] : memref<4x1000x32xf32, #tpu.memory_space<vmem>>, vector<1x1000x32xf32>
    %get3A_32 = vector.shape_cast %get3A_31 : vector<1x1000x32xf32> to vector<1000x32xf32>
    %add3A_33 = arith.addf %get3A_27, %get3A_32 : vector<1000x32xf32>
    %get3A_34 = arith.constant 2 : index
    %get3A_35 = arith.constant 0 : index
    %get3A_36 = arith.constant 0 : index
    %get3A_37 = vector.load %arg1[%get3A_34, %get3A_35, %get3A_36] : memref<4x1000x32xf32, #tpu.memory_space<vmem>>, vector<1x1000x32xf32>
    %get3A_38 = vector.shape_cast %get3A_37 : vector<1x1000x32xf32> to vector<1000x32xf32>
    %get3A_39 = arith.constant 2 : index
    %get3A_40 = arith.constant 0 : index
    %get3A_41 = arith.constant 0 : index
    %get3A_42 = vector.load %arg2[%get3A_39, %get3A_40, %get3A_41] : memref<4x1000x32xf32, #tpu.memory_space<vmem>>, vector<1x1000x32xf32>
    %get3A_43 = vector.shape_cast %get3A_42 : vector<1x1000x32xf32> to vector<1000x32xf32>
    %add3A_44 = arith.addf %get3A_38, %get3A_43 : vector<1000x32xf32>
    %get3A_45 = arith.constant 3 : index
    %get3A_46 = arith.constant 0 : index
    %get3A_47 = arith.constant 0 : index
    %get3A_48 = vector.load %arg1[%get3A_45, %get3A_46, %get3A_47] : memref<4x1000x32xf32, #tpu.memory_space<vmem>>, vector<1x1000x32xf32>
    %get3A_49 = vector.shape_cast %get3A_48 : vector<1x1000x32xf32> to vector<1000x32xf32>
    %get3A_50 = arith.constant 3 : index
    %get3A_51 = arith.constant 0 : index
    %get3A_52 = arith.constant 0 : index
    %get3A_53 = vector.load %arg2[%get3A_50, %get3A_51, %get3A_52] : memref<4x1000x32xf32, #tpu.memory_space<vmem>>, vector<1x1000x32xf32>
    %get3A_54 = vector.shape_cast %get3A_53 : vector<1x1000x32xf32> to vector<1000x32xf32>
    %add3A_55 = arith.addf %get3A_49, %get3A_54 : vector<1000x32xf32>
    %concatenate3A = tpu.concatenate %add3A_22, %add3A_33, %add3A_44, %add3A_55 in 1 : vector<1000x32xf32>, vector<1000x32xf32>, vector<1000x32xf32>, vector<1000x32xf32> -> vector<1000x128xf32>
    %mul3A = vector.broadcast %rsqrt3A : vector<1000x1xf32> to vector<1000x128xf32>
    %mul3A_56 = arith.mulf %mul3A, %concatenate3A : vector<1000x128xf32>
    %get3A_57 = arith.constant 0 : index
    %get3A_58 = arith.constant 0 : index
    %get3A_59 = vector.load %arg4[%get3A_57, %get3A_58] : memref<1x128xf32, #tpu.memory_space<vmem>>, vector<1x128xf32>
    %add3A_60 = vector.broadcast %get3A_59 : vector<1x128xf32> to vector<1000x128xf32>
    %add3A_61 = arith.addf %mul3A_56, %add3A_60 : vector<1000x128xf32>
    %ge3A = arith.constant 0.000000e+00 : f32
    %ge3A_62 = vector.broadcast %ge3A : f32 to vector<1000x128xf32>
    %ge3A_63 = arith.cmpf oge, %add3A_61, %ge3A_62 : vector<1000x128xf32>
    %mul3A_64 = arith.constant 0.00999999977 : f32
    %mul3A_65 = vector.broadcast %mul3A_64 : f32 to vector<1000x128xf32>
    %mul3A_66 = arith.mulf %add3A_61, %mul3A_65 : vector<1000x128xf32>
    %select_n3A = arith.select %ge3A_63, %add3A_61, %mul3A_66 : vector<1000x128xi1>, vector<1000x128xf32>
    %get3A_67 = arith.constant 0 : index
    %get3A_68 = arith.constant 0 : index
    %get3A_69 = vector.load %arg5[%get3A_67, %get3A_68] : memref<1000x128xf32, #tpu.memory_space<vmem>>, vector<1000x128xf32>
    %get3A_70 = arith.constant 0 : index
    %get3A_71 = arith.constant 0 : index
    %get3A_72 = vector.load %arg6[%get3A_70, %get3A_71] : memref<128x384xf32, #tpu.memory_space<vmem>>, vector<128x384xf32>
    %dot_general3A = arith.constant dense<0.000000e+00> : vector<1000x384xf32>
    %dot_general3A_73 = tpu.matmul %select_n3A, %get3A_72, %dot_general3A {dimension_numbers = #tpu.dot_dimension_numbers<[1], [0], [0], [1], [0, 0, 1, 1], [], []>, transpose_lhs_hint = false} : vector<1000x128xf32>, vector<128x384xf32>, vector<1000x384xf32> -> vector<1000x384xf32>
    %get3A_74 = arith.constant 0 : index
    %get3A_75 = arith.constant 0 : index
    %get3A_76 = vector.load %arg8[%get3A_74, %get3A_75] : memref<1x384xf32, #tpu.memory_space<vmem>>, vector<1x384xf32>
    %add3A_77 = vector.broadcast %get3A_76 : vector<1x384xf32> to vector<1000x384xf32>
    %add3A_78 = arith.addf %dot_general3A_73, %add3A_77 : vector<1000x384xf32>
    %get3A_79 = arith.constant 0 : index
    %get3A_80 = arith.constant 0 : index
    %get3A_81 = vector.load %arg7[%get3A_79, %get3A_80] : memref<128x384xf32, #tpu.memory_space<vmem>>, vector<128x384xf32>
    %dot_general3A_82 = arith.constant dense<0.000000e+00> : vector<1000x384xf32>
    %dot_general3A_83 = tpu.matmul %get3A_69, %get3A_81, %dot_general3A_82 {dimension_numbers = #tpu.dot_dimension_numbers<[1], [0], [0], [1], [0, 0, 1, 1], [], []>, transpose_lhs_hint = false} : vector<1000x128xf32>, vector<128x384xf32>, vector<1000x384xf32> -> vector<1000x384xf32>
    %get3A_84 = arith.constant 0 : index
    %get3A_85 = arith.constant 0 : index
    %get3A_86 = vector.load %arg9[%get3A_84, %get3A_85] : memref<1x384xf32, #tpu.memory_space<vmem>>, vector<1x384xf32>
    %add3A_87 = vector.broadcast %get3A_86 : vector<1x384xf32> to vector<1000x384xf32>
    %add3A_88 = arith.addf %dot_general3A_83, %add3A_87 : vector<1000x384xf32>
    %slice3A = vector.extract_strided_slice %add3A_78 {offsets = [0, 0], sizes = [1000, 128], strides = [1, 1]} : vector<1000x384xf32> to vector<1000x128xf32>
    %slice3A_89 = vector.extract_strided_slice %add3A_78 {offsets = [0, 128], sizes = [1000, 128], strides = [1, 1]} : vector<1000x384xf32> to vector<1000x128xf32>
    %slice3A_90 = vector.extract_strided_slice %add3A_78 {offsets = [0, 256], sizes = [1000, 128], strides = [1, 1]} : vector<1000x384xf32> to vector<1000x128xf32>
    %slice3A_91 = vector.extract_strided_slice %add3A_88 {offsets = [0, 0], sizes = [1000, 128], strides = [1, 1]} : vector<1000x384xf32> to vector<1000x128xf32>
    %slice3A_92 = vector.extract_strided_slice %add3A_88 {offsets = [0, 128], sizes = [1000, 128], strides = [1, 1]} : vector<1000x384xf32> to vector<1000x128xf32>
    %slice3A_93 = vector.extract_strided_slice %add3A_88 {offsets = [0, 256], sizes = [1000, 128], strides = [1, 1]} : vector<1000x384xf32> to vector<1000x128xf32>
    %add3A_94 = arith.addf %slice3A, %slice3A_91 : vector<1000x128xf32>
    %logistic3A = arith.negf %add3A_94 : vector<1000x128xf32>
    %logistic3A_95 = math.exp %logistic3A : vector<1000x128xf32>
    %logistic3A_96 = arith.constant 1.000000e+00 : f32
    %logistic3A_97 = vector.broadcast %logistic3A_96 : f32 to vector<1000x128xf32>
    %logistic3A_98 = arith.addf %logistic3A_97, %logistic3A_95 : vector<1000x128xf32>
    %logistic3A_99 = arith.divf %logistic3A_97, %logistic3A_98 : vector<1000x128xf32>
    %add3A_100 = arith.addf %slice3A_89, %slice3A_92 : vector<1000x128xf32>
    %logistic3A_101 = arith.negf %add3A_100 : vector<1000x128xf32>
    %logistic3A_102 = math.exp %logistic3A_101 : vector<1000x128xf32>
    %logistic3A_103 = arith.constant 1.000000e+00 : f32
    %logistic3A_104 = vector.broadcast %logistic3A_103 : f32 to vector<1000x128xf32>
    %logistic3A_105 = arith.addf %logistic3A_104, %logistic3A_102 : vector<1000x128xf32>
    %logistic3A_106 = arith.divf %logistic3A_104, %logistic3A_105 : vector<1000x128xf32>
    %mul3A_107 = arith.mulf %logistic3A_99, %slice3A_93 : vector<1000x128xf32>
    %add3A_108 = arith.addf %slice3A_90, %mul3A_107 : vector<1000x128xf32>
    %tanh3A = math.tanh %add3A_108 : vector<1000x128xf32>
    %sub3A = arith.constant 1.000000e+00 : f32
    %sub3A_109 = vector.broadcast %sub3A : f32 to vector<1000x128xf32>
    %sub3A_110 = arith.subf %sub3A_109, %logistic3A_106 : vector<1000x128xf32>
    %mul3A_111 = arith.mulf %sub3A_110, %tanh3A : vector<1000x128xf32>
    %mul3A_112 = arith.mulf %logistic3A_106, %get3A_69 : vector<1000x128xf32>
    %add3A_113 = arith.addf %mul3A_111, %mul3A_112 : vector<1000x128xf32>
    %swap3A = arith.constant 0 : index
    %swap3A_114 = arith.constant 0 : index
    %swap3A_115 = vector.load %arg11[%swap3A, %swap3A_114] : memref<1000x128xf32, #tpu.memory_space<vmem>>, vector<1000x128xf32>
    tpu.vector_store %arg11[%swap3A, %swap3A_114], %add3A_113 {strides = array<i32>} : memref<1000x128xf32, #tpu.memory_space<vmem>>, vector<1000x128xf32>,
    %get3A_116 = arith.constant 0 : index
    %get3A_117 = arith.constant 0 : index
    %get3A_118 = vector.load %arg10[%get3A_116, %get3A_117] : memref<128x8xf32, #tpu.memory_space<vmem>>, vector<128x8xf32>
    %dot_general3A_119 = arith.constant dense<0.000000e+00> : vector<1000x8xf32>
    %dot_general3A_120 = tpu.matmul %add3A_113, %get3A_118, %dot_general3A_119 {dimension_numbers = #tpu.dot_dimension_numbers<[1], [0], [0], [1], [0, 0, 1, 1], [], []>, transpose_lhs_hint = false} : vector<1000x128xf32>, vector<128x8xf32>, vector<1000x8xf32> -> vector<1000x8xf32>
    %swap3A_121 = arith.constant 0 : index
    %swap3A_122 = arith.constant 0 : index
    %swap3A_123 = vector.load %arg12[%swap3A_121, %swap3A_122] : memref<1000x8xf32, #tpu.memory_space<vmem>>, vector<1000x8xf32>
    tpu.vector_store %arg12[%swap3A_121, %swap3A_122], %dot_general3A_120 {strides = array<i32>} : memref<1000x8xf32, #tpu.memory_space<vmem>>, vector<1000x8xf32>,
    return
  }
  func.func @transform_0(%arg0: i32) -> (i32, i32, i32) {
    %c0_i32 = arith.constant 0 : i32
    %c0_i32_0 = arith.constant 0 : i32
    %c0_i32_1 = arith.constant 0 : i32
    return %c0_i32, %arg0, %c0_i32_0 : i32, i32, i32
  }
  func.func @transform_1(%arg0: i32) -> (i32, i32, i32) {
    %c0_i32 = arith.constant 0 : i32
    %c0_i32_0 = arith.constant 0 : i32
    %c0_i32_1 = arith.constant 0 : i32
    return %c0_i32, %arg0, %c0_i32_0 : i32, i32, i32
  }
  func.func @transform_2(%arg0: i32) -> (i32, i32, i32) {
    %c0_i32 = arith.constant 0 : i32
    %c0_i32_0 = arith.constant 0 : i32
    %c0_i32_1 = arith.constant 0 : i32
    return %c0_i32, %arg0, %c0_i32_0 : i32, i32, i32
  }
  func.func @transform_3(%arg0: i32) -> (i32, i32) {
    %c0_i32 = arith.constant 0 : i32
    %c0_i32_0 = arith.constant 0 : i32
    %c0_i32_1 = arith.constant 0 : i32
    return %c0_i32, %c0_i32_0 : i32, i32
  }
  func.func @transform_4(%arg0: i32) -> (i32, i32) {
    %c0_i32 = arith.constant 0 : i32
    %c0_i32_0 = arith.constant 0 : i32
    return %arg0, %c0_i32 : i32, i32
  }
  func.func @transform_5(%arg0: i32) -> (i32, i32) {
    %c0_i32 = arith.constant 0 : i32
    %c0_i32_0 = arith.constant 0 : i32
    %c0_i32_1 = arith.constant 0 : i32
    return %c0_i32, %c0_i32_0 : i32, i32
  }
  func.func @transform_6(%arg0: i32) -> (i32, i32) {
    %c0_i32 = arith.constant 0 : i32
    %c0_i32_0 = arith.constant 0 : i32
    %c0_i32_1 = arith.constant 0 : i32
    return %c0_i32, %c0_i32_0 : i32, i32
  }
  func.func @transform_7(%arg0: i32) -> (i32, i32) {
    %c0_i32 = arith.constant 0 : i32
    %c0_i32_0 = arith.constant 0 : i32
    %c0_i32_1 = arith.constant 0 : i32
    return %c0_i32, %c0_i32_0 : i32, i32
  }
  func.func @transform_8(%arg0: i32) -> (i32, i32) {
    %c0_i32 = arith.constant 0 : i32
    %c0_i32_0 = arith.constant 0 : i32
    %c0_i32_1 = arith.constant 0 : i32
    return %c0_i32, %c0_i32_0 : i32, i32
  }
  func.func @transform_9(%arg0: i32) -> (i32, i32) {
    %c0_i32 = arith.constant 0 : i32
    %c0_i32_0 = arith.constant 0 : i32
    %c0_i32_1 = arith.constant 0 : i32
    return %c0_i32, %c0_i32_0 : i32, i32
  }
  func.func @transform_10(%arg0: i32) -> (i32, i32) {
    %c0_i32 = arith.constant 0 : i32
    %c0_i32_0 = arith.constant 0 : i32
    return %arg0, %c0_i32 : i32, i32
  }
  func.func @transform_11(%arg0: i32) -> (i32, i32) {
    %c0_i32 = arith.constant 0 : i32
    %c0_i32_0 = arith.constant 0 : i32
    return %arg0, %c0_i32 : i32, i32
  }
}

</mosaic_0001>

<sc_bundles>
// kernel: kernel.10.cloned.1.call-start
scs
__scs_entry_jumppad:
0x0: {  	(pc) =	sbr.rel $0x88, $3  }
0x1: {  	(tag) =	ssettag $0x0;
	lr =	simm.s32 $0x1  }
0x2: {  	[smem:$0x3F89] =	sst lr;
	_ =	strace $0xD0000000  }
0x3: {  	_ = 	snop  }
0x4: {  	_ = 	snop  }
0x5: {  	_ = 	snop  }
0x6: {  	_ = 	snop  }
0x7: {  	_ = 	snop  }
__scs_overlays_trampoline_lowered:
0x8: {  	[smem:$0x3F98] =	sst s0  }
0x9: {  	[smem:$0x3F99] =	sst s1  }
0xa: {  	[smem:$0x3F9A] =	sst s2  }
0xb: {  	[smem:$0x3F9B] =	sst s3  }
0xc: {  	[smem:$0x3F9C] =	sst s4  }
0xd: {  	[smem:$0x3F9D] =	sst s5  }
0xe: {  	[smem:$0x3F9E] =	sst s6  }
0xf: {  	[smem:$0x3F9F] =	sst s7  }
0x10: {  	[smem:$0x3FA0] =	sst s8  }
0x11: {  	[smem:$0x3FA1] =	sst s9;
	s0 =	simm.s32 @!p0 $0x0  }
0x12: {  	s1 =	sld [smem:$0x3F87];
	s0 =	simm.s32 @p0 $0x1  }
0x13: {  	[smem:$0x3FA2] =	sst s0;
	s0 =	simm.s32 @!p1 $0x0  }
0x14: {  	s2 =	sld [smem:$0x3F86];
	s0 =	simm.s32 @p1 $0x1  }
0x15: {  	[smem:$0x3FA3] =	sst s0;
	s0 =	simm.s32 @!p2 $0x0  }
0x16: {  	s3 =	sld [smem:$0x3FDB];
	s0 =	simm.s32 @p2 $0x1  }
0x17: {  	s4 =	simm.s32 $0x1BF5;
	[smem:$0x3FA5] =	sst s0  }
0x18: {  	s0 =	sld [smem:$0x3F88];
	_ =	swait.ge [sflag:s4], $0x0  }
0x19: {  	s7 =	sld [smem:$0x3F89]  }
0x1a: {  	s8 =	sadd.s32 $0xFFFFE003, lr  }
0x1b: {  	s9 =	sadd.s32 $0xFFFFFEF7, lr;
	s5 =	simm.s32 $0xFFFFFFFF;
	p2 =	slt.u32 s8, $0xFFFFF086  }
0x1c: {  	p1 =	slt.u32 s9, $0xF7A;
	s5 =	simm.s32 @!p2 $0x0  }
0x1d: {  	s5 =	simm.s32 @p1 $0x1;
	p0 =	seq.s32 s7, s2  }
0x1e: {  	s7 =	smul.u32 @!p0 $0xF7A, s2;
	p2 =	seq.s32 @!p0 s5, $0x0  }
0x1f: {  	s9 =	smul.u32 $0xF7A, s1;
	s8 =	simm.s32 @!p0 $0x1BF5;
	p2 =	por !p2, p0  }
0x20: {  	[sflag:s8] =	ssyncset.s32 @!p0 $0xFFFFF086;
	s6 =	sadd.s32 @!p0 s3, s7;
	s7 =	simm.s32 @!p0 $0x108  }
0x21: {  	s3 =	sadd.s32 s3, s9;
	s6 =	sadd.s32 @!p0 $0x88, s6;
	s7 =	simm.s32 @p2 $0x1082  }
0x22: {  	[simem:s7], [sflag:s8] =	dma.local @!p0 [hbm:s6], $0xF7A  }
0x23: {  	s9 =	sor.u32 $0xD0000000, s2;
	s6 =	simm.s32 $0x108;
	_ =	swait.ge @!p0 [sflag:s8], $0x0  }
0x24: {  	s3 =	sadd.s32 $0x88, s3;
	s6 =	simm.s32 @!p1 $0x1082;
	[sflag:s4] =	ssyncset.s32 $0xFFFFF086  }
0x25: {  	[simem:s6], [sflag:s4] =	dma.local [hbm:s3], $0xF7A  }
0x26: {  	[smem:$0x3F89] =	sst s1;
	(tag) =	ssettag s2;
	_ =	strace s9  }
0x27: {  	s1 =	sld [smem:$0x3F99]  }
0x28: {  	s2 =	sld [smem:$0x3F9A]  }
0x29: {  	s4 =	sld [smem:$0x3F9C]  }
0x2a: {  	p0 =	seq.s32 s5, $0x0;
	s5 =	sld [smem:$0x3F9D]  }
0x2b: {  	s6 =	sld [smem:$0x3F9E]  }
0x2c: {  	s7 =	sld [smem:$0x3F9F]  }
0x2d: {  	s3 =	simm.s32 $0x108;
	s8 =	sld [smem:$0x3FA0]  }
0x2e: {  	s3 =	simm.s32 @!p0 $0x1082;
	s9 =	sld [smem:$0x3FA1]  }
0x2f: {  	lr =	sadd.s32 s0, s3;
	s0 =	sld [smem:$0x3F98]  }
0x30: {  	s3 =	sld [smem:$0x3F9B]  }
0x31: {  	[smem:$0x3FA4] =	sst s10  }
0x32: {  	s10 =	sld [smem:$0x3FA2];
	_ =	sdelay $0x3  }
0x33: {  	p0 =	seq.s32 s10, $0x1;
	s10 =	sld [smem:$0x3FA4];
	_ =	sdelay $0x3  }
0x34: {  	[smem:$0x3FA4] =	sst s10  }
0x35: {  	s10 =	sld [smem:$0x3FA3];
	_ =	sdelay $0x3  }
0x36: {  	p1 =	seq.s32 s10, $0x1;
	s10 =	sld [smem:$0x3FA4];
	_ =	sdelay $0x3  }
0x37: {  	[smem:$0x3FA4] =	sst s10  }
0x38: {  	s10 =	sld [smem:$0x3FA5]  }
0x39: {  	_ = 	snop;
	(pc) =	sbr.ind lr, $3  }
0x3a: {  	_ = 	snop  }
0x3b: {  	_ = 	snop  }
0x3c: {  	p2 =	seq.s32 s10, $0x1;
	s10 =	sld [smem:$0x3FA4]  }
0x3d: {  	_ =	shalt  }
0x3e: {  	_ =	shalt  }
0x3f: {  	_ =	shalt  }
0x40: {  	_ =	shalt  }
0x41: {  	_ =	shalt  }
0x42: {  	_ =	shalt  }
0x43: {  	_ =	shalt  }
0x44: {  	_ =	shalt  }
0x45: {  	_ =	shalt  }
0x46: {  	_ =	shalt  }
0x47: {  	_ =	shalt  }
0x48: {  	_ =	shalt  }
0x49: {  	_ =	shalt  }
0x4a: {  	_ =	shalt  }
0x4b: {  	_ =	shalt  }
0x4c: {  	_ =	shalt  }
0x4d: {  	_ =	shalt  }
0x4e: {  	_ =	shalt  }
0x4f: {  	_ =	shalt  }
0x50: {  	_ =	shalt  }
0x51: {  	_ =	shalt  }
0x52: {  	_ =	shalt  }
0x53: {  	_ =	shalt  }
0x54: {  	_ =	shalt  }
0x55: {  	_ =	shalt  }
0x56: {  	_ =	shalt  }
0x57: {  	_ =	shalt  }
0x58: {  	_ =	shalt  }
0x59: {  	_ =	shalt  }
0x5a: {  	_ =	shalt  }
0x5b: {  	_ =	shalt  }
0x5c: {  	_ =	shalt  }
0x5d: {  	_ =	shalt  }
0x5e: {  	_ =	shalt  }
0x5f: {  	_ =	shalt  }
0x60: {  	_ =	shalt  }
0x61: {  	_ =	shalt  }
0x62: {  	_ =	shalt  }
0x63: {  	_ =	shalt  }
0x64: {  	_ =	shalt  }
0x65: {  	_ =	shalt  }
0x66: {  	_ =	shalt  }
0x67: {  	_ =	shalt  }
0x68: {  	_ =	shalt  }
0x69: {  	_ =	shalt  }
0x6a: {  	_ =	shalt  }
0x6b: {  	_ =	shalt  }
0x6c: {  	_ =	shalt  }
0x6d: {  	_ =	shalt  }
0x6e: {  	_ =	shalt  }
0x6f: {  	_ =	shalt  }
0x70: {  	_ =	shalt  }
0x71: {  	_ =	shalt  }
0x72: {  	_ =	shalt  }
0x73: {  	_ =	shalt  }
0x74: {  	_ =	shalt  }
0x75: {  	_ =	shalt  }
0x76: {  	_ =	shalt  }
0x77: {  	_ =	shalt  }
0x78: {  	_ =	shalt  }
0x79: {  	_ =	shalt  }
0x7a: {  	_ =	shalt  }
0x7b: {  	_ =	shalt  }
0x7c: {  	_ =	shalt  }
0x7d: {  	_ =	shalt  }
0x7e: {  	_ =	shalt  }
0x7f: {  	_ =	shalt  }
0x80: {  	_ =	shalt  }
0x81: {  	_ =	shalt  }
0x82: {  	_ =	shalt  }
0x83: {  	_ =	shalt  }
0x84: {  	_ =	shalt  }
0x85: {  	_ =	shalt  }
0x86: {  	_ =	shalt  }
0x87: {  	_ =	shalt  }
.Lfunc_end0:
.L_simem_size_0:
called_computation_lowered:
.L_overlay_start_0:
0x88: {  	s2 =	sld [smem:$0x3FD9]  }
0x89: {  	s3 =	sld [smem:$0x3FFE];
	_ =	sdelay $0x1  }
0x8a: {  	s1 =	srdreg.scid  }
0x8b: {  	s0 =	sand.u32 $0x1, s1  }
0x8c: {  	s14 =	sshll.u32 s0, $0xA;
	s2 =	sadd.s32 s3, s2  }
0x8d: {  	s2 =	sadd.s32 s2, s14  }
0x8e: {  	[smem:$0x3FB0] =	sst s2  }
0x8f: {  	_ = 	snop  }
0x90: {  	s2 =	sld [smem:$0x3FD0];
	_ =	sdelay $0x2  }
0x91: {  	s15 =	simm.s32 $0xA;
	s4 =	simm.s32 $0x10  }
0x92: {  	[smem:s4], [sflag:s15] =	dma.local [hbm:s2], $0x1  }
0x93: {  	_ =	swait.eq [sflag:s15], $0x1  }
0x94: {  	[sflag:s15] =	ssyncset.done $0x0  }
0x95: {  	[sflag:s15] =	ssyncadd.s32 $0xFFFFFFFF  }
0x96: {  	s16 =	sld [smem:$0x12];
	(tm) =	ssettm $0x1  }
0x97: {  	s17 =	sld [smem:$0x3FFB];
	_ =	sdelay $0x3  }
0x98: {  	_ =	strace s17  }
0x99: {  	s3 =	sld [smem:$0x3FFC];
	_ =	sdelay $0x3  }
0x9a: {  	_ =	strace s3  }
0x9b: {  	s3 =	sld [smem:$0x3FFD];
	_ =	sdelay $0x3  }
0x9c: {  	_ =	strace s3  }
0x9d: {  	_ =	strace $0x8FFFFFFF  }
0x9e: {  	s18 =	sld [smem:$0x3FDB];
	_ =	sdelay $0x1  }
0x9f: {  	s19 =	simm.s32 $_scs_section_size  }
0xa0: {  	s5 =	simm.s32 $_size__tile_overlayer_lowered;
	s6 =	simm.s32 $_tile_overlayer_lowered  }
0xa1: {  	s22 =	simm.s32 $0x1BFF;
	s21 =	sshll.u32 s6, $0x1;
	s3 =	sadd.s32 s19, s18  }
0xa2: {  	s7 =	simm.s32 $0x0;
	s20 =	sshll.u32 s5, $0x1;
	s5 =	sadd.s32 s21, s3  }
0xa3: {  	[timem:s7], [sflag:s22] =	dma.local [hbm:s5], s20  }
0xa4: {  	_ =	swait.ge [sflag:s22], s20  }
0xa5: {  	s4 =	ssub.s32 $0x0, s20;
	[sflag:s22] =	ssyncset.done $0x0  }
0xa6: {  	[sflag:s22] =	ssyncadd.s32 s4;
	_ =	sdelay $0x1  }
0xa7: {  	s23 =	simm.s32 $0x1B8B  }
0xa8: {  	_ =	swait.ge [sflag:s23], $0x1  }
0xa9: {  	[sflag:s23] =	ssyncset.done $0x0  }
0xaa: {  	s25 =	simm.s32 $0x1B8E;
	s24 =	sld [smem:$0x3FFE];
	[sflag:s23] =	ssyncadd.s32 $0xFFFFFFFF  }
0xab: {  	s26 =	simm.s32 $execute0_lowered;
	[smem:$0x3FD2] =	sst s25  }
0xac: {  	s5 =	sshll.u32 s26, $0x1;
	_ =	strace $0x80000046;
	[dreg:$0x1] =	wrdreg $0xFFFFFFFF  }
0xad: {  	s28 =	simm.s32 $_size_execute0_lowered;
	s3 =	sadd.s32 s3, s5;
	[dreg:$0x0] =	wrdreg $0x0  }
0xae: {  	s5 =	sshll.u32 s28, $0x1;
	[dreg:$0x2] =	wrdreg s3  }
0xaf: {  	[dreg:$0x3] =	wrdreg s5  }
0xb0: {  	[dreg:$0x4] =	wrdreg $0xC0  }
0xb1: {  	_ =	task [dreg:s7], $0x5FFFF  }
0xb2: {  	[dreg:$0x1] =	wrdreg $0xFFFFFFFF  }
0xb3: {  	[dreg:$0x0] =	wrdreg $0x60  }
0xb4: {  	[dreg:$0x2] =	wrdreg s24  }
0xb5: {  	[dreg:$0x3] =	wrdreg s16  }
0xb6: {  	[dreg:$0x4] =	wrdreg $0x38000  }
0xb7: {  	[dreg:$0x5] =	wrdreg $0x9  }
0xb8: {  	_ =	task.clear_ibuf [dreg:s7], $0x6FFFF;
	_ =	strace $0x90000046  }
0xb9: {  	s29 =	simm.s32 $0x9;
	_ =	strace $0x80000048  }
0xba: {  	_ =	swait.ge [sflag:s29], $0x1  }
0xbb: {  	[sflag:s29] =	ssyncadd.s32 $0xFFFFFFFF  }
0xbc: {  	_ =	strace $0x90000048  }
0xbd: {  	_ =	sfence  }
0xbe: {  	s30 =	sld [smem:$0x0];
	_ =	sdelay $0x2  }
0xbf: {  	s31 =	sshll.u32 s1, $0xD;
	s1 =	sshrl.u32 s1, $0x2  }
0xc0: {  	s3 =	sand.u32 $0x4000, s31;
	s1 =	sadd.s32 s1, s30  }
0xc1: {  	s0 =	sor.u32 s3, s0;
	s1 =	sshll.u32 s1, $0x11  }
0xc2: {  	s0 =	sor.u32 s1, s0  }
0xc3: {  	s0 =	sadd.s32 $0x8F2B, s0  }
0xc4: {  	[sflag:s0] =	ssyncadd.remote.s32 $0x1  }
0xc5: {  	_ =	sfence.sel $0xFFFF  }
0xc6: {  	[dreg:$0x0] =	wrdreg $0xFFFFFFFF;
	(pc) =	sbr.abs _section_cstart, $3  }
0xc7: {  	[dreg:$0x1] =	wrdreg $0xFFFFFFFF  }
0xc8: {  	_ =	task.clear_ibuf [dreg:s7], $0x2FFFF;
	_ =	strace $0x9FFFFFFF  }
0xc9: {  	(tm) =	ssettm $0x7FFFFFFF  }
tec
execute0_lowered:
.L_overlay_start_1:
0x0: {  	(tag) =	ssettag $0x1  }
0x1: {  	s4 =	rddreg [dreg:$0x0]  }
0x2: {  	s0 =	srdreg.scid;
	s10 =	rddreg [dreg:$0x1]  }
0x3: {  	s2 =	rddreg [dreg:$0x2];
	s5 =	sand.u32 $0x1, s0;
	s0 =	stileid.u32  }
0x4: {  	s3 =	simm.s32 $0x0;
	s14 =	simm.s32 $0x80;
	s7 =	smul.u32 $0x9E00, s0  }
0x5: {  	s15 =	simm.s32 $0x2800;
	[smem:$0x7FF] =	sst s3;
	s8 =	smul.u32 $0x2780, s0  }
0x6: {  	s1 =	sshll.u32 s5, $0x4;
	s28 =	ssub.s32 $0x2, s5;
	s12 =	smul.u32 $0x27800, s5  }
0x7: {  	s6 =	sor.u32 s0, s1;
	s1 =	rddreg [dreg:$0x3];
	_ =	strace $0x80000047  }
0x8: {  	s30 =	sshrl.u32 s28, $0x1;
	s6 =	smul.u32 $0x500, s6;
	s29 =	sshrl.u32 s7, $0x2  }
0x9: {  	s13 =	ssub.s32 s28, s30;
	s12 =	sadd.s32 s8, s12;
	s11 =	sadd.s32 s29, s2  }
0xa: {  	s31 =	sshrl.u32 s12, $0x3;
	s12 =	simm.s32 $0x3000;
	s9 =	sadd.s32 s6, s4  }
0xb: {  	s4 =	sadd.s32 s8, s2;
	s5 =	sadd.s32 $0x800, s11;
	s6 =	sadd.s32 $0x1000, s11  }
0xc: {  	s7 =	sadd.s32 $0x1800, s11;
	s8 =	sadd.s32 $0x2000, s11;
	s10 =	sadd.s32 s10, s31  }
0xd: {  	v0 =	vimm.f32 $0.0e+00;
	v1 =	vimm.f32 $1.000000000e+00;
	s11 =	smax.u32 s13, $0x1;
	s13 =	simm.s32 $0x1;
	s9 =	sadd.s32 $0x5E00, s9  }
.LBB2_1:
0xe: {  	s17 =	simm.s32 $0x3010  }
0xf: {  	s18 =	simm.s32 $0x0;
	[tilespmem:s17+$0xFFFFFFF0] =	vst v0  }
.LBB2_2:
0x10: {  	s18 =	sadd.s32 $0x2, s18  }
0x11: {  	p0 =	slt.u32 s18, $0x7E  }
.Ltmp0:
0x12: {  	_ = 	snop;
	(pc) =	sbr.rel @p0 .LBB2_2-.Ltmp0, $3  }
0x13: {  	_ =	sdelay $0x1  }
0x14: {  	[tilespmem:s17+$0x0] =	vst v0;
	s17 =	sadd.s32 $0x20, s17;
	s16 =	simm.s32 $0x2810  }
0x15: {  	[tilespmem:s17+$0xFFFFFFF0] =	vst v0  }
0x16: {  	[tilespmem:s17+$0x0] =	vst v0  }
0x17: {  	s17 =	simm.s32 $0x0;
	[tilespmem:s16+$0xFFFFFFF0] =	vst v1  }
.LBB2_4:
0x18: {  	s17 =	sadd.s32 $0x2, s17  }
0x19: {  	p0 =	slt.u32 s17, $0x7E  }
.Ltmp1:
0x1a: {  	_ = 	snop;
	(pc) =	sbr.rel @p0 .LBB2_4-.Ltmp1, $3  }
0x1b: {  	_ =	sdelay $0x1  }
0x1c: {  	[tilespmem:s16+$0x0] =	vst v1;
	s16 =	sadd.s32 $0x20, s16  }
0x1d: {  	[tilespmem:s16+$0xFFFFFFF0] =	vst v1  }
0x1e: {  	[tilespmem:s16+$0x0] =	vst v1  }
0x1f: {  	[spmem:s4] =	stream.linear.scatter [tilespmem:s12], [sflag:$0x1], $0x800, $0x38;
	[tilespmem:$0x5F80] =	vst v63  }
0x20: {  	_ =	swait.ge [sflag:s13], $0x800  }
0x21: {  	[sflag:s13] =	ssyncset.done $0x0  }
0x22: {  	[sflag:s13] =	ssyncadd.s32 $0xFFFFF800  }
0x23: {  	[spmem:s5] =	stream.linear.scatter [tilespmem:s12], [sflag:$0x1], $0x800, $0x38;
	[tilespmem:$0x5F80] =	vst v63  }
0x24: {  	_ =	swait.ge [sflag:s13], $0x800  }
0x25: {  	[sflag:s13] =	ssyncset.done $0x0  }
0x26: {  	[sflag:s13] =	ssyncadd.s32 $0xFFFFF800  }
0x27: {  	[spmem:s6] =	stream.linear.scatter [tilespmem:s12], [sflag:$0x1], $0x800, $0x38;
	[tilespmem:$0x5F80] =	vst v63  }
0x28: {  	_ =	swait.ge [sflag:s13], $0x800  }
0x29: {  	[sflag:s13] =	ssyncset.done $0x0  }
0x2a: {  	[sflag:s13] =	ssyncadd.s32 $0xFFFFF800  }
0x2b: {  	[spmem:s7] =	stream.linear.scatter [tilespmem:s12], [sflag:$0x1], $0x800, $0x38;
	[tilespmem:$0x5F80] =	vst v63  }
0x2c: {  	_ =	swait.ge [sflag:s13], $0x800  }
0x2d: {  	[sflag:s13] =	ssyncset.done $0x0  }
0x2e: {  	[sflag:s13] =	ssyncadd.s32 $0xFFFFF800  }
0x2f: {  	[spmem:s8] =	stream.linear.scatter [tilespmem:s12], [sflag:$0x1], $0x780, $0x38;
	[tilespmem:$0x5F80] =	vst v63  }
0x30: {  	_ =	swait.ge [sflag:s13], $0x780  }
0x31: {  	[sflag:s13] =	ssyncset.done $0x0  }
0x32: {  	s30 =	simm.s32 $0x0;
	[sflag:s13] =	ssyncadd.s32 $0xFFFFF880  }
0x33: {  	[tilespmem:s30], [sflag:$0x1] =	stream.linear.gather [hbm4b:s9+s30], $0x2800, $0x38;
	[tilespmem:$0x5F80] =	vst v63  }
0x34: {  	_ =	swait.ge [sflag:s13], $0x2800  }
0x35: {  	[sflag:s13] =	ssyncset.done $0x0  }
0x36: {  	[sflag:s13] =	ssyncadd.s32 $0xFFFFD800  }
0x37: {  	s31 =	simm.s32 $0x0;
	[bflag:$0x0] =	sbarrier.arrive $0xFFFF  }
0x38: {  	[spmem:s2] =	stream.indirect.scatter.add.f32 [tilespmem:s15], [sflag:$0x1], $0x10, s31, s14, $0xb8;
	[tilespmem:$0x5F80] =	vst v63  }
0x39: {  	_ =	swait.ge [sflag:s13], $0x800  }
0x3a: {  	s16 =	simm.s32 $0x200;
	[sflag:s13] =	ssyncset.done $0x0  }
.LBB2_6:
0x3b: {  	s17 =	sshra.s32 s16, $0x2;
	[sflag:s13] =	ssyncadd.s32 $0xFFFFF800;
	p0 =	sne.s32 s16, $0x9E00  }
0x3c: {  	[spmem:s2] =	stream.indirect.scatter.add.f32 [tilespmem:s15], [sflag:$0x1], $0x10, s17, s14, $0xb8;
	[tilespmem:$0x5F80] =	vst v63  }
.Ltmp2:
0x3d: {  	_ = 	snop;
	(pc) =	sbr.rel @p0 .LBB2_6-.Ltmp2, $4  }
0x3e: {  	_ = 	snop  }
0x3f: {  	s16 =	sadd.s32 $0x200, s16  }
0x40: {  	_ =	swait.ge [sflag:s13], $0x800  }
0x41: {  	[sflag:s13] =	ssyncset.done $0x0  }
0x42: {  	[sflag:s13] =	ssyncadd.s32 $0xFFFFF800;
	s3 =	sadd.s32 $0x1, s3  }
0x43: {  	s16 =	sshll.u32 s0, $0x6;
	s17 =	sshrl.u32 s4, $0x3;
	p0 =	sne.s32 s3, s11  }
.Ltmp3:
0x44: {  	[bflag:$0x0] =	sbarrier.arrive $0xFFFF;
	s16 =	sor.u32 $0x1C01, s16;
	(pc) =	sbr.rel @p0 .LBB2_1-.Ltmp3, $4  }
0x45: {  	[hbm:s10], [sflag:s16] =	dma.local [spmem:s17], $0x4F0  }
0x46: {  	_ =	swait.ge [sflag:s13], $0x4F0  }
0x47: {  	[sflag:s13] =	ssyncset.done $0x0  }
0x48: {  	[sflag:s13] =	ssyncadd.s32 $0xFFFFFB10  }
0x49: {  	_ =	sfence.sel $0x180000  }
0x4a: {  	[bflag:$0x0] =	sbarrier.arrive $0xFFFF  }
0x4b: {  	p0 =	sne.s32 s0, $0x0;
	_ =	strace $0x90000047  }
0x4c: {  	s0 =	sadd.s32 @!p0 $0x100000, s1;
	[bflag:$0x2] =	sbarrier.arrive $0xFFFF  }
0x4d: {  	[sflag:s0] =	ssyncadd.tile.s32 @!p0 $0x1;
	_ =	shalt  }
.Lfunc_end2:
_tile_overlayer_lowered:
.L_overlay_start_2:
0x4e: {  	(tag) =	ssettag $0x2  }
0x4f: {  	s0 =	rddreg [dreg:$0x0];
	s2 =	stileid.u32  }
0x50: {  	s1 =	rddreg [dreg:$0x1];
	p0 =	sne.s32 s2, $0x0  }
0x51: {  	s3 =	rddreg [dreg:$0x2];
	[bflag:$0x3] =	sbarrier.arrive $0xFFFF;
	s2 =	simm.s32 @!p0 $0x1C01  }
0x52: {  	[timem:s3], [sflag:s2] =	dma.local @!p0 [hbm:s0], s1  }
0x53: {  	s0 =	simm.s32 @!p0 $0x1  }
0x54: {  	_ =	swait.ge @!p0 [sflag:s0], s1  }
0x55: {  	s1 =	ssub.s32 @!p0 $0x0, s1;
	[sflag:s0] =	ssyncset.done @!p0 $0x0  }
0x56: {  	[sflag:s0] =	ssyncadd.s32 @!p0 s1  }
0x57: {  	[bflag:$0x3] =	sbarrier.arrive $0xFFFF  }
0x58: {  	_ =	shalt  }

// kernel: kernel.13.cloned.1.call-start
scs
__scs_entry_jumppad:
0x0: {  	(pc) =	sbr.rel $0x88, $3  }
0x1: {  	(tag) =	ssettag $0x0;
	lr =	simm.s32 $0x1  }
0x2: {  	[smem:$0x3F89] =	sst lr;
	_ =	strace $0xD0000000  }
0x3: {  	_ = 	snop  }
0x4: {  	_ = 	snop  }
0x5: {  	_ = 	snop  }
0x6: {  	_ = 	snop  }
0x7: {  	_ = 	snop  }
__scs_overlays_trampoline_lowered:
0x8: {  	[smem:$0x3F98] =	sst s0  }
0x9: {  	[smem:$0x3F99] =	sst s1  }
0xa: {  	[smem:$0x3F9A] =	sst s2  }
0xb: {  	[smem:$0x3F9B] =	sst s3  }
0xc: {  	[smem:$0x3F9C] =	sst s4  }
0xd: {  	[smem:$0x3F9D] =	sst s5  }
0xe: {  	[smem:$0x3F9E] =	sst s6  }
0xf: {  	[smem:$0x3F9F] =	sst s7  }
0x10: {  	[smem:$0x3FA0] =	sst s8  }
0x11: {  	[smem:$0x3FA1] =	sst s9;
	s0 =	simm.s32 @!p0 $0x0  }
0x12: {  	s1 =	sld [smem:$0x3F87];
	s0 =	simm.s32 @p0 $0x1  }
0x13: {  	[smem:$0x3FA2] =	sst s0;
	s0 =	simm.s32 @!p1 $0x0  }
0x14: {  	s2 =	sld [smem:$0x3F86];
	s0 =	simm.s32 @p1 $0x1  }
0x15: {  	[smem:$0x3FA3] =	sst s0;
	s0 =	simm.s32 @!p2 $0x0  }
0x16: {  	s3 =	sld [smem:$0x3FDB];
	s0 =	simm.s32 @p2 $0x1  }
0x17: {  	s4 =	simm.s32 $0x1BF5;
	[smem:$0x3FA5] =	sst s0  }
0x18: {  	s0 =	sld [smem:$0x3F88];
	_ =	swait.ge [sflag:s4], $0x0  }
0x19: {  	s7 =	sld [smem:$0x3F89]  }
0x1a: {  	s8 =	sadd.s32 $0xFFFFE003, lr  }
0x1b: {  	s9 =	sadd.s32 $0xFFFFFEF7, lr;
	s5 =	simm.s32 $0xFFFFFFFF;
	p2 =	slt.u32 s8, $0xFFFFF086  }
0x1c: {  	p1 =	slt.u32 s9, $0xF7A;
	s5 =	simm.s32 @!p2 $0x0  }
0x1d: {  	s5 =	simm.s32 @p1 $0x1;
	p0 =	seq.s32 s7, s2  }
0x1e: {  	s7 =	smul.u32 @!p0 $0xF7A, s2;
	p2 =	seq.s32 @!p0 s5, $0x0  }
0x1f: {  	s9 =	smul.u32 $0xF7A, s1;
	s8 =	simm.s32 @!p0 $0x1BF5;
	p2 =	por !p2, p0  }
0x20: {  	[sflag:s8] =	ssyncset.s32 @!p0 $0xFFFFF086;
	s6 =	sadd.s32 @!p0 s3, s7;
	s7 =	simm.s32 @!p0 $0x108  }
0x21: {  	s3 =	sadd.s32 s3, s9;
	s6 =	sadd.s32 @!p0 $0x88, s6;
	s7 =	simm.s32 @p2 $0x1082  }
0x22: {  	[simem:s7], [sflag:s8] =	dma.local @!p0 [hbm:s6], $0xF7A  }
0x23: {  	s9 =	sor.u32 $0xD0000000, s2;
	s6 =	simm.s32 $0x108;
	_ =	swait.ge @!p0 [sflag:s8], $0x0  }
0x24: {  	s3 =	sadd.s32 $0x88, s3;
	s6 =	simm.s32 @!p1 $0x1082;
	[sflag:s4] =	ssyncset.s32 $0xFFFFF086  }
0x25: {  	[simem:s6], [sflag:s4] =	dma.local [hbm:s3], $0xF7A  }
0x26: {  	[smem:$0x3F89] =	sst s1;
	(tag) =	ssettag s2;
	_ =	strace s9  }
0x27: {  	s1 =	sld [smem:$0x3F99]  }
0x28: {  	s2 =	sld [smem:$0x3F9A]  }
0x29: {  	s4 =	sld [smem:$0x3F9C]  }
0x2a: {  	p0 =	seq.s32 s5, $0x0;
	s5 =	sld [smem:$0x3F9D]  }
0x2b: {  	s6 =	sld [smem:$0x3F9E]  }
0x2c: {  	s7 =	sld [smem:$0x3F9F]  }
0x2d: {  	s3 =	simm.s32 $0x108;
	s8 =	sld [smem:$0x3FA0]  }
0x2e: {  	s3 =	simm.s32 @!p0 $0x1082;
	s9 =	sld [smem:$0x3FA1]  }
0x2f: {  	lr =	sadd.s32 s0, s3;
	s0 =	sld [smem:$0x3F98]  }
0x30: {  	s3 =	sld [smem:$0x3F9B]  }
0x31: {  	[smem:$0x3FA4] =	sst s10  }
0x32: {  	s10 =	sld [smem:$0x3FA2];
	_ =	sdelay $0x3  }
0x33: {  	p0 =	seq.s32 s10, $0x1;
	s10 =	sld [smem:$0x3FA4];
	_ =	sdelay $0x3  }
0x34: {  	[smem:$0x3FA4] =	sst s10  }
0x35: {  	s10 =	sld [smem:$0x3FA3];
	_ =	sdelay $0x3  }
0x36: {  	p1 =	seq.s32 s10, $0x1;
	s10 =	sld [smem:$0x3FA4];
	_ =	sdelay $0x3  }
0x37: {  	[smem:$0x3FA4] =	sst s10  }
0x38: {  	s10 =	sld [smem:$0x3FA5]  }
0x39: {  	_ = 	snop;
	(pc) =	sbr.ind lr, $3  }
0x3a: {  	_ = 	snop  }
0x3b: {  	_ = 	snop  }
0x3c: {  	p2 =	seq.s32 s10, $0x1;
	s10 =	sld [smem:$0x3FA4]  }
0x3d: {  	_ =	shalt  }
0x3e: {  	_ =	shalt  }
0x3f: {  	_ =	shalt  }
0x40: {  	_ =	shalt  }
0x41: {  	_ =	shalt  }
0x42: {  	_ =	shalt  }
0x43: {  	_ =	shalt  }
0x44: {  	_ =	shalt  }
0x45: {  	_ =	shalt  }
0x46: {  	_ =	shalt  }
0x47: {  	_ =	shalt  }
0x48: {  	_ =	shalt  }
0x49: {  	_ =	shalt  }
0x4a: {  	_ =	shalt  }
0x4b: {  	_ =	shalt  }
0x4c: {  	_ =	shalt  }
0x4d: {  	_ =	shalt  }
0x4e: {  	_ =	shalt  }
0x4f: {  	_ =	shalt  }
0x50: {  	_ =	shalt  }
0x51: {  	_ =	shalt  }
0x52: {  	_ =	shalt  }
0x53: {  	_ =	shalt  }
0x54: {  	_ =	shalt  }
0x55: {  	_ =	shalt  }
0x56: {  	_ =	shalt  }
0x57: {  	_ =	shalt  }
0x58: {  	_ =	shalt  }
0x59: {  	_ =	shalt  }
0x5a: {  	_ =	shalt  }
0x5b: {  	_ =	shalt  }
0x5c: {  	_ =	shalt  }
0x5d: {  	_ =	shalt  }
0x5e: {  	_ =	shalt  }
0x5f: {  	_ =	shalt  }
0x60: {  	_ =	shalt  }
0x61: {  	_ =	shalt  }
0x62: {  	_ =	shalt  }
0x63: {  	_ =	shalt  }
0x64: {  	_ =	shalt  }
0x65: {  	_ =	shalt  }
0x66: {  	_ =	shalt  }
0x67: {  	_ =	shalt  }
0x68: {  	_ =	shalt  }
0x69: {  	_ =	shalt  }
0x6a: {  	_ =	shalt  }
0x6b: {  	_ =	shalt  }
0x6c: {  	_ =	shalt  }
0x6d: {  	_ =	shalt  }
0x6e: {  	_ =	shalt  }
0x6f: {  	_ =	shalt  }
0x70: {  	_ =	shalt  }
0x71: {  	_ =	shalt  }
0x72: {  	_ =	shalt  }
0x73: {  	_ =	shalt  }
0x74: {  	_ =	shalt  }
0x75: {  	_ =	shalt  }
0x76: {  	_ =	shalt  }
0x77: {  	_ =	shalt  }
0x78: {  	_ =	shalt  }
0x79: {  	_ =	shalt  }
0x7a: {  	_ =	shalt  }
0x7b: {  	_ =	shalt  }
0x7c: {  	_ =	shalt  }
0x7d: {  	_ =	shalt  }
0x7e: {  	_ =	shalt  }
0x7f: {  	_ =	shalt  }
0x80: {  	_ =	shalt  }
0x81: {  	_ =	shalt  }
0x82: {  	_ =	shalt  }
0x83: {  	_ =	shalt  }
0x84: {  	_ =	shalt  }
0x85: {  	_ =	shalt  }
0x86: {  	_ =	shalt  }
0x87: {  	_ =	shalt  }
.Lfunc_end0:
.L_simem_size_0:
called_computation.1_lowered:
.L_overlay_start_0:
0x88: {  	s2 =	sld [smem:$0x3FD9]  }
0x89: {  	s3 =	sld [smem:$0x3FFE];
	_ =	sdelay $0x1  }
0x8a: {  	s1 =	srdreg.scid  }
0x8b: {  	s0 =	sand.u32 $0x1, s1  }
0x8c: {  	s14 =	sshll.u32 s0, $0xA;
	s2 =	sadd.s32 s3, s2  }
0x8d: {  	s2 =	sadd.s32 s2, s14  }
0x8e: {  	[smem:$0x3FB0] =	sst s2  }
0x8f: {  	_ = 	snop  }
0x90: {  	s2 =	sld [smem:$0x3FD0];
	_ =	sdelay $0x2  }
0x91: {  	s15 =	simm.s32 $0xA;
	s4 =	simm.s32 $0x10  }
0x92: {  	[smem:s4], [sflag:s15] =	dma.local [hbm:s2], $0x1  }
0x93: {  	_ =	swait.eq [sflag:s15], $0x1  }
0x94: {  	[sflag:s15] =	ssyncset.done $0x0  }
0x95: {  	[sflag:s15] =	ssyncadd.s32 $0xFFFFFFFF  }
0x96: {  	s16 =	sld [smem:$0x12];
	(tm) =	ssettm $0x1  }
0x97: {  	s17 =	sld [smem:$0x3FFB];
	_ =	sdelay $0x3  }
0x98: {  	_ =	strace s17  }
0x99: {  	s3 =	sld [smem:$0x3FFC];
	_ =	sdelay $0x3  }
0x9a: {  	_ =	strace s3  }
0x9b: {  	s3 =	sld [smem:$0x3FFD];
	_ =	sdelay $0x3  }
0x9c: {  	_ =	strace s3  }
0x9d: {  	_ =	strace $0x8FFFFFFF  }
0x9e: {  	s18 =	sld [smem:$0x3FDB];
	_ =	sdelay $0x1  }
0x9f: {  	s19 =	simm.s32 $_scs_section_size  }
0xa0: {  	s5 =	simm.s32 $_size__tile_overlayer_lowered;
	s6 =	simm.s32 $_tile_overlayer_lowered  }
0xa1: {  	s22 =	simm.s32 $0x1BFF;
	s21 =	sshll.u32 s6, $0x1;
	s3 =	sadd.s32 s19, s18  }
0xa2: {  	s7 =	simm.s32 $0x0;
	s20 =	sshll.u32 s5, $0x1;
	s5 =	sadd.s32 s21, s3  }
0xa3: {  	[timem:s7], [sflag:s22] =	dma.local [hbm:s5], s20  }
0xa4: {  	_ =	swait.ge [sflag:s22], s20  }
0xa5: {  	s4 =	ssub.s32 $0x0, s20;
	[sflag:s22] =	ssyncset.done $0x0  }
0xa6: {  	[sflag:s22] =	ssyncadd.s32 s4;
	_ =	sdelay $0x1  }
0xa7: {  	s23 =	simm.s32 $0x1B8B  }
0xa8: {  	_ =	swait.ge [sflag:s23], $0x1  }
0xa9: {  	[sflag:s23] =	ssyncset.done $0x0  }
0xaa: {  	s25 =	simm.s32 $0x1B8E;
	s24 =	sld [smem:$0x3FFE];
	[sflag:s23] =	ssyncadd.s32 $0xFFFFFFFF  }
0xab: {  	s26 =	simm.s32 $execute0_lowered;
	[smem:$0x3FD2] =	sst s25  }
0xac: {  	s5 =	sshll.u32 s26, $0x1;
	_ =	strace $0x80000049;
	[dreg:$0x1] =	wrdreg $0xFFFFFFFF  }
0xad: {  	s28 =	simm.s32 $_size_execute0_lowered;
	s3 =	sadd.s32 s3, s5;
	[dreg:$0x0] =	wrdreg $0x0  }
0xae: {  	s5 =	sshll.u32 s28, $0x1;
	[dreg:$0x2] =	wrdreg s3  }
0xaf: {  	[dreg:$0x3] =	wrdreg s5  }
0xb0: {  	[dreg:$0x4] =	wrdreg $0xC0  }
0xb1: {  	_ =	task [dreg:s7], $0x5FFFF  }
0xb2: {  	[dreg:$0x1] =	wrdreg $0xFFFFFFFF  }
0xb3: {  	[dreg:$0x0] =	wrdreg $0x60  }
0xb4: {  	[dreg:$0x2] =	wrdreg s16  }
0xb5: {  	[dreg:$0x3] =	wrdreg s24  }
0xb6: {  	[dreg:$0x4] =	wrdreg $0x17F000  }
0xb7: {  	[dreg:$0x5] =	wrdreg $0x130000  }
0xb8: {  	[dreg:$0x6] =	wrdreg $0x9  }
0xb9: {  	_ =	task.clear_ibuf [dreg:s7], $0x7FFFF;
	_ =	strace $0x90000049  }
0xba: {  	s29 =	simm.s32 $0x9;
	_ =	strace $0x8000004B  }
0xbb: {  	_ =	swait.ge [sflag:s29], $0x1  }
0xbc: {  	[sflag:s29] =	ssyncadd.s32 $0xFFFFFFFF  }
0xbd: {  	_ =	strace $0x9000004B  }
0xbe: {  	_ =	sfence  }
0xbf: {  	s30 =	sld [smem:$0x0];
	_ =	sdelay $0x2  }
0xc0: {  	s31 =	sshll.u32 s1, $0xD;
	s1 =	sshrl.u32 s1, $0x2  }
0xc1: {  	s3 =	sand.u32 $0x4000, s31;
	s1 =	sadd.s32 s1, s30  }
0xc2: {  	s0 =	sor.u32 s3, s0;
	s1 =	sshll.u32 s1, $0x11  }
0xc3: {  	s0 =	sor.u32 s1, s0  }
0xc4: {  	s0 =	sadd.s32 $0x8F2B, s0  }
0xc5: {  	[sflag:s0] =	ssyncadd.remote.s32 $0x1  }
0xc6: {  	_ =	sfence.sel $0xFFFF  }
0xc7: {  	[dreg:$0x0] =	wrdreg $0xFFFFFFFF;
	(pc) =	sbr.abs _section_cstart, $3  }
0xc8: {  	[dreg:$0x1] =	wrdreg $0xFFFFFFFF  }
0xc9: {  	_ =	task.clear_ibuf [dreg:s7], $0x2FFFF;
	_ =	strace $0x9FFFFFFF  }
0xca: {  	(tm) =	ssettm $0x7FFFFFFF  }
0xcb: {  	_ =	shalt  }
tec
execute0_lowered:
.L_overlay_start_1:
0x0: {  	(tag) =	ssettag $0x1  }
0x1: {  	s0 =	rddreg [dreg:$0x0]  }
0x2: {  	s1 =	rddreg [dreg:$0x1]  }
0x3: {  	s2 =	rddreg [dreg:$0x2]  }
0x4: {  	s3 =	rddreg [dreg:$0x3];
	s10 =	stileid.u32  }
0x5: {  	s4 =	srdreg.scid;
	s5 =	smul.u32 $0xA00, s10  }
0x6: {  	s18 =	simm.s32 $0x0;
	s28 =	simm.s32 $0xF000;
	s7 =	smul.u32 $0x4E20, s10  }
0x7: {  	s29 =	simm.s32 $0x10000;
	s30 =	simm.s32 $0x11000;
	s13 =	smul.u32 $0x13C00, s10  }
0x8: {  	s31 =	simm.s32 $0x1;
	s4 =	sand.u32 $0x1, s4;
	s16 =	smul.u32 $0x4F00, s10  }
0x9: {  	[smem:$0x7FF] =	sst s18;
	s6 =	ssub.s32 $0x2, s4;
	s9 =	smul.u32 $0x9C400, s4  }
0xa: {  	_ =	strace $0x8000004A;
	s19 =	smul.u32 $0x9E000, s4;
	s4 =	sshllo.u32 s4, $0x1  }
0xb: {  	s8 =	sshrl.u32 s6, $0x1;
	s5 =	sadd.s32 s5, s1;
	s1 =	sadd.s32 $0x105200, s1  }
0xc: {  	s14 =	sadd.s32 s7, s2;
	s17 =	sshrl.u32 s13, $0x2;
	s21 =	smul.u32 $0x4E200, s4  }
0xd: {  	s10 =	sadd.s32 s16, s3;
	s4 =	smul.u32 $0x4F000, s4;
	s13 =	simm.s32 $0x10  }
0xe: {  	s6 =	ssub.s32 s6, s8;
	s11 =	sadd.s32 $0xFE00, s5;
	s12 =	sadd.s32 s7, s9  }
0xf: {  	s5 =	sadd.s32 $0x5E00, s5;
	[dreg:$0x8] =	wrdreg s14;
	s8 =	sadd.s32 s17, s3  }
0x10: {  	[dreg:$0xa] =	wrdreg s10;
	s23 =	sadd.s32 s16, s19;
	s19 =	simm.s32 $0x3  }
0x11: {  	s14 =	simm.s32 $0x9;
	s17 =	simm.s32 $0xC;
	[dreg:$0x6] =	wrdreg s11  }
0x12: {  	s10 =	simm.s32 $0xD;
	[dreg:$0x7] =	wrdreg s5;
	s15 =	sshrl.u32 s12, $0x3  }
0x13: {  	s20 =	sadd.s32 $0x1000, s8;
	s11 =	sadd.s32 $0x2000, s8;
	s22 =	sadd.s32 $0x3000, s8  }
0x14: {  	s8 =	sadd.s32 $0x4000, s8;
	s7 =	sadd.s32 s7, s21;
	s4 =	sadd.s32 s16, s4  }
0x15: {  	s26 =	smax.u32 s6, $0x1;
	s21 =	simm.s32 $0x80;
	[dreg:$0xb] =	wrdreg s20  }
0x16: {  	s6 =	simm.s32 $0x6;
	s16 =	simm.s32 $0xB;
	[dreg:$0xc] =	wrdreg s11  }
0x17: {  	s12 =	simm.s32 $0xF;
	s5 =	sadd.s32 s0, s15;
	[dreg:$0xd] =	wrdreg s22  }
0x18: {  	[dreg:$0xe] =	wrdreg s8;
	s8 =	sshrl.u32 s23, $0x3;
	s7 =	sshrl.u32 s7, $0x3  }
0x19: {  	s25 =	sshrl.u32 s4, $0x3;
	[dreg:$0x12] =	wrdreg s26;
	s22 =	simm.s32 $0xA000  }
0x1a: {  	s23 =	simm.s32 $0xB000;
	s26 =	simm.s32 $0xE000;
	s15 =	simm.s32 $0xA  }
0x1b: {  	s11 =	simm.s32 $0xE;
	[dreg:$0x9] =	wrdreg s5;
	s24 =	sadd.s32 s1, s8  }
0x1c: {  	s0 =	sadd.s32 s0, s7;
	s5 =	simm.s32 $0x5;
	[dreg:$0xf] =	wrdreg s24  }
0x1d: {  	s7 =	simm.s32 $0x7;
	s8 =	simm.s32 $0x8;
	[dreg:$0x10] =	wrdreg s0  }
0x1e: {  	s0 =	sadd.s32 s1, s25;
	s24 =	simm.s32 $0xC000;
	s25 =	simm.s32 $0xD000  }
0x1f: {  	v0 =	vimm.f32 $0.0e+00;
	s1 =	simm.s32 $0x4;
	[dreg:$0x11] =	wrdreg s0;
	s0 =	simm.s32 $0x2  }
.LBB2_1:
0x20: {  	s4 =	simm.s32 $0x12020  }
0x21: {  	[tilespmem:s4+$0xFFFFFFE0] =	vst v0  }
0x22: {  	[tilespmem:s4+$0x10] =	vst v0  }
0x23: {  	s9 =	simm.s32 $0x0;
	[tilespmem:s4+$0x0] =	vst v0  }
.LBB2_2:
0x24: {  	s9 =	sadd.s32 $0x2, s9  }
0x25: {  	[tilespmem:s4+$0xFFFFFFF0] =	vst v0;
	s4 =	sadd.s32 $0x40, s4;
	p0 =	slt.u32 s9, $0x7E  }
.Ltmp0:
0x26: {  	[tilespmem:s4+$0xFFFFFFE0] =	vst v0;
	(pc) =	sbr.rel @p0 .LBB2_2-.Ltmp0, $3  }
0x27: {  	_ =	sdelay $0x1  }
0x28: {  	[tilespmem:s4+$0x10] =	vst v0  }
0x29: {  	[tilespmem:s4+$0x0] =	vst v0  }
0x2a: {  	[dreg:$0x5] =	wrdreg s18  }
0x2b: {  	[tilespmem:s4+$0xFFFFFFF0] =	vst v0;
	s4 =	simm.s32 $0x0;
	s9 =	rddreg [dreg:$0x6];
	s18 =	simm.s32 $0x11  }
0x2c: {  	[tilespmem:s4], [sflag:$0x11] =	stream.linear.gather [hbm4b:s9+s4], $0x5000, $0x38;
	[tilespmem:$0x1CD20] =	vst v63  }
0x2d: {  	_ =	swait.ge [sflag:s18], $0x5000  }
0x2e: {  	[sflag:s18] =	ssyncset.done $0x0  }
0x2f: {  	s20 =	simm.s32 $0x5000;
	s9 =	rddreg [dreg:$0x7];
	[sflag:s18] =	ssyncadd.s32 $0xFFFFB000  }
0x30: {  	[tilespmem:s20], [sflag:$0x11] =	stream.linear.gather [hbm4b:s9+s4], $0x5000, $0x38;
	[tilespmem:$0x1CD20] =	vst v63  }
0x31: {  	s9 =	stileid.u32;
	_ =	swait.ge [sflag:s18], $0x5000  }
0x32: {  	s4 =	sshll.u32 s9, $0x6;
	s20 =	rddreg [dreg:$0x8]  }
0x33: {  	s9 =	sor.u32 $0x1C11, s4;
	s4 =	rddreg [dreg:$0x9]  }
0x34: {  	[sflag:s18] =	ssyncset.done $0x0;
	s20 =	sshrl.u32 s20, $0x3;
	[dreg:$0x13] =	wrdreg s9  }
0x35: {  	[sflag:s18] =	ssyncadd.s32 $0xFFFFB000;
	[dreg:$0x14] =	wrdreg s20  }
0x36: {  	[spmem:s20], [sflag:s9] =	dma.local [hbm:s4], $0x9C4  }
0x37: {  	_ =	swait.ge [sflag:s18], $0x9C4  }
0x38: {  	[sflag:s18] =	ssyncset.done $0x0  }
0x39: {  	s9 =	simm.s32 $0x12000;
	s20 =	rddreg [dreg:$0xa];
	[sflag:s18] =	ssyncadd.s32 $0xFFFFF63C  }
0x3a: {  	[spmem:s20] =	stream.linear.scatter [tilespmem:s9], [sflag:$0x11], $0x1000, $0x38;
	[tilespmem:$0x1CD20] =	vst v63  }
0x3b: {  	_ =	swait.ge [sflag:s18], $0x1000  }
0x3c: {  	[sflag:s18] =	ssyncset.done $0x0  }
0x3d: {  	s20 =	rddreg [dreg:$0xb];
	[sflag:s18] =	ssyncadd.s32 $0xFFFFF000  }
0x3e: {  	[spmem:s20] =	stream.linear.scatter [tilespmem:s9], [sflag:$0x11], $0x1000, $0x38;
	[tilespmem:$0x1CD20] =	vst v63  }
0x3f: {  	_ =	swait.ge [sflag:s18], $0x1000  }
0x40: {  	[sflag:s18] =	ssyncset.done $0x0  }
0x41: {  	s20 =	rddreg [dreg:$0xc];
	[sflag:s18] =	ssyncadd.s32 $0xFFFFF000  }
0x42: {  	[spmem:s20] =	stream.linear.scatter [tilespmem:s9], [sflag:$0x11], $0x1000, $0x38;
	[tilespmem:$0x1CD20] =	vst v63  }
0x43: {  	_ =	swait.ge [sflag:s18], $0x1000  }
0x44: {  	[sflag:s18] =	ssyncset.done $0x0  }
0x45: {  	s20 =	rddreg [dreg:$0xd];
	[sflag:s18] =	ssyncadd.s32 $0xFFFFF000  }
0x46: {  	[spmem:s20] =	stream.linear.scatter [tilespmem:s9], [sflag:$0x11], $0x1000, $0x38;
	[tilespmem:$0x1CD20] =	vst v63  }
0x47: {  	_ =	swait.ge [sflag:s18], $0x1000  }
0x48: {  	[sflag:s18] =	ssyncset.done $0x0  }
0x49: {  	s20 =	rddreg [dreg:$0xe];
	[sflag:s18] =	ssyncadd.s32 $0xFFFFF000  }
0x4a: {  	[spmem:s20] =	stream.linear.scatter [tilespmem:s9], [sflag:$0x11], $0xF00, $0x38;
	[tilespmem:$0x1CD20] =	vst v63  }
0x4b: {  	_ =	swait.ge [sflag:s18], $0xF00  }
0x4c: {  	[sflag:s18] =	ssyncset.done $0x0  }
0x4d: {  	[sflag:s18] =	ssyncadd.s32 $0xFFFFF100  }
0x4e: {  	s20 =	simm.s32 $0x0;
	[bflag:$0x0] =	sbarrier.arrive $0xFFFF  }
0x4f: {  	[tilespmem:s22], [sflag:$0x1] =	stream.indirect.gather [spmem:s2], $0x20, s20, s21, $0xb8;
	[tilespmem:$0x1CD20] =	vst v63  }
0x50: {  	s9 =	simm.s32 $0x80  }
0x51: {  	[tilespmem:s23], [sflag:$0x2] =	stream.indirect.gather [spmem:s2], $0x20, s9, s21, $0xb8;
	[tilespmem:$0x1CD20] =	vst v63  }
0x52: {  	s18 =	simm.s32 $0x100  }
0x53: {  	[tilespmem:s24], [sflag:$0x3] =	stream.indirect.gather [spmem:s2], $0x20, s18, s21, $0xb8;
	[tilespmem:$0x1CD20] =	vst v63  }
0x54: {  	s20 =	simm.s32 $0x180  }
0x55: {  	[tilespmem:s25], [sflag:$0x4] =	stream.indirect.gather [spmem:s2], $0x20, s20, s21, $0xb8;
	[tilespmem:$0x1CD20] =	vst v63  }
0x56: {  	s9 =	simm.s32 $0x200  }
0x57: {  	[tilespmem:s26], [sflag:$0x5] =	stream.indirect.gather [spmem:s2], $0x20, s9, s21, $0xb8;
	[tilespmem:$0x1CD20] =	vst v63  }
0x58: {  	s18 =	simm.s32 $0x280  }
0x59: {  	[tilespmem:s28], [sflag:$0x6] =	stream.indirect.gather [spmem:s2], $0x20, s18, s21, $0xb8;
	[tilespmem:$0x1CD20] =	vst v63  }
0x5a: {  	s20 =	simm.s32 $0x300  }
0x5b: {  	[tilespmem:s29], [sflag:$0x7] =	stream.indirect.gather [spmem:s2], $0x20, s20, s21, $0xb8;
	[tilespmem:$0x1CD20] =	vst v63  }
0x5c: {  	s9 =	simm.s32 $0x380  }
0x5d: {  	[tilespmem:s30], [sflag:$0x8] =	stream.indirect.gather [spmem:s2], $0x20, s9, s21, $0xb8;
	[tilespmem:$0x1CD20] =	vst v63  }
0x5e: {  	_ =	swait.ge [sflag:s31], $0x1000  }
0x5f: {  	[sflag:s31] =	ssyncset.done $0x0  }
0x60: {  	s18 =	simm.s32 $0x5000;
	[sflag:s31] =	ssyncadd.s32 $0xFFFFF000  }
0x61: {  	[spmem:s3] =	stream.indirect.scatter.add.f32 [tilespmem:s22], [sflag:$0x9], $0x20, s18, s21, $0xb8;
	[tilespmem:$0x1CD20] =	vst v63  }
0x62: {  	_ =	swait.ge [sflag:s0], $0x1000  }
0x63: {  	[sflag:s0] =	ssyncset.done $0x0  }
0x64: {  	s20 =	simm.s32 $0x5080;
	[sflag:s0] =	ssyncadd.s32 $0xFFFFF000  }
0x65: {  	[spmem:s3] =	stream.indirect.scatter.add.f32 [tilespmem:s23], [sflag:$0xA], $0x20, s20, s21, $0xb8;
	[tilespmem:$0x1CD20] =	vst v63  }
0x66: {  	_ =	swait.ge [sflag:s19], $0x1000  }
0x67: {  	[sflag:s19] =	ssyncset.done $0x0  }
0x68: {  	s9 =	simm.s32 $0x5100;
	[sflag:s19] =	ssyncadd.s32 $0xFFFFF000  }
0x69: {  	[spmem:s3] =	stream.indirect.scatter.add.f32 [tilespmem:s24], [sflag:$0xB], $0x20, s9, s21, $0xb8;
	[tilespmem:$0x1CD20] =	vst v63  }
0x6a: {  	_ =	swait.ge [sflag:s1], $0x1000  }
0x6b: {  	[sflag:s1] =	ssyncset.done $0x0  }
0x6c: {  	s18 =	simm.s32 $0x5180;
	[sflag:s1] =	ssyncadd.s32 $0xFFFFF000  }
0x6d: {  	[spmem:s3] =	stream.indirect.scatter.add.f32 [tilespmem:s25], [sflag:$0xC], $0x20, s18, s21, $0xb8;
	[tilespmem:$0x1CD20] =	vst v63  }
0x6e: {  	_ =	swait.ge [sflag:s5], $0x1000  }
0x6f: {  	[sflag:s5] =	ssyncset.done $0x0  }
0x70: {  	s20 =	simm.s32 $0x5200;
	[sflag:s5] =	ssyncadd.s32 $0xFFFFF000  }
0x71: {  	[spmem:s3] =	stream.indirect.scatter.add.f32 [tilespmem:s26], [sflag:$0xD], $0x20, s20, s21, $0xb8;
	[tilespmem:$0x1CD20] =	vst v63  }
0x72: {  	_ =	swait.ge [sflag:s6], $0x1000  }
0x73: {  	[sflag:s6] =	ssyncset.done $0x0  }
0x74: {  	s9 =	simm.s32 $0x5280;
	[sflag:s6] =	ssyncadd.s32 $0xFFFFF000  }
0x75: {  	[spmem:s3] =	stream.indirect.scatter.add.f32 [tilespmem:s28], [sflag:$0xE], $0x20, s9, s21, $0xb8;
	[tilespmem:$0x1CD20] =	vst v63  }
0x76: {  	_ =	swait.ge [sflag:s7], $0x1000  }
0x77: {  	[sflag:s7] =	ssyncset.done $0x0  }
0x78: {  	s18 =	simm.s32 $0x5300;
	[sflag:s7] =	ssyncadd.s32 $0xFFFFF000  }
0x79: {  	[spmem:s3] =	stream.indirect.scatter.add.f32 [tilespmem:s29], [sflag:$0xF], $0x20, s18, s21, $0xb8;
	[tilespmem:$0x1CD20] =	vst v63  }
0x7a: {  	_ =	swait.ge [sflag:s8], $0x1000  }
0x7b: {  	[sflag:s8] =	ssyncset.done $0x0  }
0x7c: {  	s20 =	simm.s32 $0x5380;
	[sflag:s8] =	ssyncadd.s32 $0xFFFFF000  }
0x7d: {  	[spmem:s3] =	stream.indirect.scatter.add.f32 [tilespmem:s30], [sflag:$0x10], $0x20, s20, s21, $0xb8;
	[tilespmem:$0x1CD20] =	vst v63  }
0x7e: {  	_ =	swait.ge [sflag:s14], $0x1000  }
0x7f: {  	[sflag:s14] =	ssyncset.done $0x0  }
0x80: {  	[sflag:s14] =	ssyncadd.s32 $0xFFFFF000  }
0x81: {  	_ =	swait.ge [sflag:s15], $0x1000  }
0x82: {  	[sflag:s15] =	ssyncset.done $0x0  }
0x83: {  	[sflag:s15] =	ssyncadd.s32 $0xFFFFF000  }
0x84: {  	_ =	swait.ge [sflag:s16], $0x1000  }
0x85: {  	[sflag:s16] =	ssyncset.done $0x0  }
0x86: {  	[sflag:s16] =	ssyncadd.s32 $0xFFFFF000  }
0x87: {  	_ =	swait.ge [sflag:s17], $0x1000  }
0x88: {  	[sflag:s17] =	ssyncset.done $0x0  }
0x89: {  	[sflag:s17] =	ssyncadd.s32 $0xFFFFF000  }
0x8a: {  	_ =	swait.ge [sflag:s10], $0x1000  }
0x8b: {  	[sflag:s10] =	ssyncset.done $0x0  }
0x8c: {  	[sflag:s10] =	ssyncadd.s32 $0xFFFFF000  }
0x8d: {  	_ =	swait.ge [sflag:s11], $0x1000  }
0x8e: {  	[sflag:s11] =	ssyncset.done $0x0  }
0x8f: {  	[sflag:s11] =	ssyncadd.s32 $0xFFFFF000  }
0x90: {  	_ =	swait.ge [sflag:s12], $0x1000  }
0x91: {  	[sflag:s12] =	ssyncset.done $0x0  }
0x92: {  	[sflag:s12] =	ssyncadd.s32 $0xFFFFF000  }
0x93: {  	_ =	swait.ge [sflag:s13], $0x1000  }
0x94: {  	s9 =	simm.s32 $0x1000;
	s20 =	simm.s32 $0x2000;
	[sflag:s13] =	ssyncset.done $0x0  }
.LBB2_4:
0x95: {  	s4 =	sshra.s32 s9, $0x2  }
0x96: {  	[sflag:s13] =	ssyncadd.s32 $0xFFFFF000;
	s9 =	smov.u32 s20;
	s18 =	sadd.s32 $0x1000, s20  }
0x97: {  	[tilespmem:s22], [sflag:$0x1] =	stream.indirect.gather [spmem:s2], $0x20, s4, s21, $0xb8;
	[tilespmem:$0x1CD20] =	vst v63  }
0x98: {  	p0 =	sne.s32 s20, $0x13000;
	s20 =	sadd.s32 $0x80, s4  }
0x99: {  	[tilespmem:s23], [sflag:$0x2] =	stream.indirect.gather [spmem:s2], $0x20, s20, s21, $0xb8;
	[tilespmem:$0x1CD20] =	vst v63  }
0x9a: {  	s20 =	sadd.s32 $0x100, s4  }
0x9b: {  	[tilespmem:s24], [sflag:$0x3] =	stream.indirect.gather [spmem:s2], $0x20, s20, s21, $0xb8;
	[tilespmem:$0x1CD20] =	vst v63  }
0x9c: {  	s20 =	sadd.s32 $0x180, s4  }
0x9d: {  	[tilespmem:s25], [sflag:$0x4] =	stream.indirect.gather [spmem:s2], $0x20, s20, s21, $0xb8;
	[tilespmem:$0x1CD20] =	vst v63  }
0x9e: {  	s20 =	sadd.s32 $0x200, s4  }
0x9f: {  	[tilespmem:s26], [sflag:$0x5] =	stream.indirect.gather [spmem:s2], $0x20, s20, s21, $0xb8;
	[tilespmem:$0x1CD20] =	vst v63  }
0xa0: {  	s20 =	sadd.s32 $0x280, s4  }
0xa1: {  	[tilespmem:s28], [sflag:$0x6] =	stream.indirect.gather [spmem:s2], $0x20, s20, s21, $0xb8;
	[tilespmem:$0x1CD20] =	vst v63  }
0xa2: {  	s20 =	sadd.s32 $0x300, s4  }
0xa3: {  	[tilespmem:s29], [sflag:$0x7] =	stream.indirect.gather [spmem:s2], $0x20, s20, s21, $0xb8;
	[tilespmem:$0x1CD20] =	vst v63  }
0xa4: {  	s20 =	sadd.s32 $0x380, s4  }
0xa5: {  	[tilespmem:s30], [sflag:$0x8] =	stream.indirect.gather [spmem:s2], $0x20, s20, s21, $0xb8;
	[tilespmem:$0x1CD20] =	vst v63  }
0xa6: {  	_ =	swait.ge [sflag:s31], $0x1000  }
0xa7: {  	[sflag:s31] =	ssyncset.done $0x0  }
0xa8: {  	s20 =	sadd.s32 $0x5000, s4;
	[sflag:s31] =	ssyncadd.s32 $0xFFFFF000  }
0xa9: {  	[spmem:s3] =	stream.indirect.scatter.add.f32 [tilespmem:s22], [sflag:$0x9], $0x20, s20, s21, $0xb8;
	[tilespmem:$0x1CD20] =	vst v63  }
0xaa: {  	_ =	swait.ge [sflag:s0], $0x1000  }
0xab: {  	[sflag:s0] =	ssyncset.done $0x0  }
0xac: {  	s20 =	sadd.s32 $0x5080, s4;
	[sflag:s0] =	ssyncadd.s32 $0xFFFFF000  }
0xad: {  	[spmem:s3] =	stream.indirect.scatter.add.f32 [tilespmem:s23], [sflag:$0xA], $0x20, s20, s21, $0xb8;
	[tilespmem:$0x1CD20] =	vst v63  }
0xae: {  	_ =	swait.ge [sflag:s19], $0x1000  }
0xaf: {  	[sflag:s19] =	ssyncset.done $0x0  }
0xb0: {  	s20 =	sadd.s32 $0x5100, s4;
	[sflag:s19] =	ssyncadd.s32 $0xFFFFF000  }
0xb1: {  	[spmem:s3] =	stream.indirect.scatter.add.f32 [tilespmem:s24], [sflag:$0xB], $0x20, s20, s21, $0xb8;
	[tilespmem:$0x1CD20] =	vst v63  }
0xb2: {  	_ =	swait.ge [sflag:s1], $0x1000  }
0xb3: {  	[sflag:s1] =	ssyncset.done $0x0  }
0xb4: {  	s20 =	sadd.s32 $0x5180, s4;
	[sflag:s1] =	ssyncadd.s32 $0xFFFFF000  }
0xb5: {  	[spmem:s3] =	stream.indirect.scatter.add.f32 [tilespmem:s25], [sflag:$0xC], $0x20, s20, s21, $0xb8;
	[tilespmem:$0x1CD20] =	vst v63  }
0xb6: {  	_ =	swait.ge [sflag:s5], $0x1000  }
0xb7: {  	[sflag:s5] =	ssyncset.done $0x0  }
0xb8: {  	s20 =	sadd.s32 $0x5200, s4;
	[sflag:s5] =	ssyncadd.s32 $0xFFFFF000  }
0xb9: {  	[spmem:s3] =	stream.indirect.scatter.add.f32 [tilespmem:s26], [sflag:$0xD], $0x20, s20, s21, $0xb8;
	[tilespmem:$0x1CD20] =	vst v63  }
0xba: {  	_ =	swait.ge [sflag:s6], $0x1000  }
0xbb: {  	[sflag:s6] =	ssyncset.done $0x0  }
0xbc: {  	s20 =	sadd.s32 $0x5280, s4;
	[sflag:s6] =	ssyncadd.s32 $0xFFFFF000  }
0xbd: {  	[spmem:s3] =	stream.indirect.scatter.add.f32 [tilespmem:s28], [sflag:$0xE], $0x20, s20, s21, $0xb8;
	[tilespmem:$0x1CD20] =	vst v63  }
0xbe: {  	_ =	swait.ge [sflag:s7], $0x1000  }
0xbf: {  	[sflag:s7] =	ssyncset.done $0x0  }
0xc0: {  	s20 =	sadd.s32 $0x5300, s4;
	[sflag:s7] =	ssyncadd.s32 $0xFFFFF000  }
0xc1: {  	[spmem:s3] =	stream.indirect.scatter.add.f32 [tilespmem:s29], [sflag:$0xF], $0x20, s20, s21, $0xb8;
	[tilespmem:$0x1CD20] =	vst v63  }
0xc2: {  	_ =	swait.ge [sflag:s8], $0x1000  }
0xc3: {  	[sflag:s8] =	ssyncset.done $0x0  }
0xc4: {  	s4 =	sadd.s32 $0x5380, s4;
	[sflag:s8] =	ssyncadd.s32 $0xFFFFF000  }
0xc5: {  	[spmem:s3] =	stream.indirect.scatter.add.f32 [tilespmem:s30], [sflag:$0x10], $0x20, s4, s21, $0xb8;
	[tilespmem:$0x1CD20] =	vst v63  }
0xc6: {  	_ =	swait.ge [sflag:s14], $0x1000  }
0xc7: {  	[sflag:s14] =	ssyncset.done $0x0  }
0xc8: {  	[sflag:s14] =	ssyncadd.s32 $0xFFFFF000  }
0xc9: {  	_ =	swait.ge [sflag:s15], $0x1000  }
0xca: {  	[sflag:s15] =	ssyncset.done $0x0  }
0xcb: {  	[sflag:s15] =	ssyncadd.s32 $0xFFFFF000  }
0xcc: {  	_ =	swait.ge [sflag:s16], $0x1000  }
0xcd: {  	[sflag:s16] =	ssyncset.done $0x0  }
0xce: {  	[sflag:s16] =	ssyncadd.s32 $0xFFFFF000  }
0xcf: {  	_ =	swait.ge [sflag:s17], $0x1000  }
0xd0: {  	[sflag:s17] =	ssyncset.done $0x0  }
0xd1: {  	[sflag:s17] =	ssyncadd.s32 $0xFFFFF000  }
0xd2: {  	_ =	swait.ge [sflag:s10], $0x1000  }
0xd3: {  	[sflag:s10] =	ssyncset.done $0x0  }
0xd4: {  	[sflag:s10] =	ssyncadd.s32 $0xFFFFF000  }
0xd5: {  	_ =	swait.ge [sflag:s11], $0x1000  }
0xd6: {  	[sflag:s11] =	ssyncset.done $0x0  }
0xd7: {  	[sflag:s11] =	ssyncadd.s32 $0xFFFFF000  }
.Ltmp1:
0xd8: {  	_ =	swait.ge [sflag:s12], $0x1000;
	(pc) =	sbr.rel @p0 .LBB2_4-.Ltmp1, $4  }
0xd9: {  	[sflag:s12] =	ssyncset.done $0x0  }
0xda: {  	[sflag:s12] =	ssyncadd.s32 $0xFFFFF000  }
0xdb: {  	_ =	swait.ge [sflag:s13], $0x1000  }
0xdc: {  	s20 =	smov.u32 s18;
	[sflag:s13] =	ssyncset.done $0x0  }
0xdd: {  	s4 =	sshra.s32 s9, $0x2;
	[sflag:s13] =	ssyncadd.s32 $0xFFFFF000  }
0xde: {  	[tilespmem:s22], [sflag:$0x1] =	stream.indirect.gather [spmem:s2], $0x20, s4, s21, $0xb8;
	[tilespmem:$0x1CD20] =	vst v63  }
0xdf: {  	s9 =	sadd.s32 $0x80, s4  }
0xe0: {  	[tilespmem:s23], [sflag:$0x2] =	stream.indirect.gather [spmem:s2], $0x20, s9, s21, $0xb8;
	[tilespmem:$0x1CD20] =	vst v63  }
0xe1: {  	s20 =	sadd.s32 $0x100, s4  }
0xe2: {  	[tilespmem:s24], [sflag:$0x3] =	stream.indirect.gather [spmem:s2], $0x20, s20, s21, $0xb8;
	[tilespmem:$0x1CD20] =	vst v63  }
0xe3: {  	s18 =	sadd.s32 $0x180, s4  }
0xe4: {  	[tilespmem:s25], [sflag:$0x4] =	stream.indirect.gather [spmem:s2], $0x20, s18, s21, $0xb8;
	[tilespmem:$0x1CD20] =	vst v63  }
0xe5: {  	s20 =	sadd.s32 $0x200, s4  }
0xe6: {  	[tilespmem:s26], [sflag:$0x5] =	stream.indirect.gather [spmem:s2], $0x20, s20, s21, $0xb8;
	[tilespmem:$0x1CD20] =	vst v63  }
0xe7: {  	s18 =	sadd.s32 $0x280, s4  }
0xe8: {  	[tilespmem:s28], [sflag:$0x6] =	stream.indirect.gather [spmem:s2], $0x20, s18, s21, $0xb8;
	[tilespmem:$0x1CD20] =	vst v63  }
0xe9: {  	s20 =	sadd.s32 $0x300, s4  }
0xea: {  	[tilespmem:s29], [sflag:$0x7] =	stream.indirect.gather [spmem:s2], $0x20, s20, s21, $0xb8;
	[tilespmem:$0x1CD20] =	vst v63  }
0xeb: {  	s18 =	sadd.s32 $0x380, s4  }
0xec: {  	[tilespmem:s30], [sflag:$0x8] =	stream.indirect.gather [spmem:s2], $0x20, s18, s21, $0xb8;
	[tilespmem:$0x1CD20] =	vst v63  }
0xed: {  	_ =	swait.ge [sflag:s31], $0x1000  }
0xee: {  	[sflag:s31] =	ssyncset.done $0x0  }
0xef: {  	s20 =	sadd.s32 $0x5000, s4;
	[sflag:s31] =	ssyncadd.s32 $0xFFFFF000  }
0xf0: {  	[spmem:s3] =	stream.indirect.scatter.add.f32 [tilespmem:s22], [sflag:$0x9], $0x20, s20, s21, $0xb8;
	[tilespmem:$0x1CD20] =	vst v63  }
0xf1: {  	_ =	swait.ge [sflag:s0], $0x1000  }
0xf2: {  	[sflag:s0] =	ssyncset.done $0x0  }
0xf3: {  	s18 =	sadd.s32 $0x5080, s4;
	[sflag:s0] =	ssyncadd.s32 $0xFFFFF000  }
0xf4: {  	[spmem:s3] =	stream.indirect.scatter.add.f32 [tilespmem:s23], [sflag:$0xA], $0x20, s18, s21, $0xb8;
	[tilespmem:$0x1CD20] =	vst v63  }
0xf5: {  	_ =	swait.ge [sflag:s19], $0x1000  }
0xf6: {  	[sflag:s19] =	ssyncset.done $0x0  }
0xf7: {  	s20 =	sadd.s32 $0x5100, s4;
	[sflag:s19] =	ssyncadd.s32 $0xFFFFF000  }
0xf8: {  	[spmem:s3] =	stream.indirect.scatter.add.f32 [tilespmem:s24], [sflag:$0xB], $0x20, s20, s21, $0xb8;
	[tilespmem:$0x1CD20] =	vst v63  }
0xf9: {  	_ =	swait.ge [sflag:s1], $0x1000  }
0xfa: {  	[sflag:s1] =	ssyncset.done $0x0  }
0xfb: {  	s18 =	sadd.s32 $0x5180, s4;
	[sflag:s1] =	ssyncadd.s32 $0xFFFFF000  }
0xfc: {  	[spmem:s3] =	stream.indirect.scatter.add.f32 [tilespmem:s25], [sflag:$0xC], $0x20, s18, s21, $0xb8;
	[tilespmem:$0x1CD20] =	vst v63  }
0xfd: {  	_ =	swait.ge [sflag:s5], $0x1000  }
0xfe: {  	[sflag:s5] =	ssyncset.done $0x0  }
0xff: {  	s20 =	sadd.s32 $0x5200, s4;
	[sflag:s5] =	ssyncadd.s32 $0xFFFFF000  }
0x100: {  	[spmem:s3] =	stream.indirect.scatter.add.f32 [tilespmem:s26], [sflag:$0xD], $0x20, s20, s21, $0xb8;
	[tilespmem:$0x1CD20] =	vst v63  }
0x101: {  	_ =	swait.ge [sflag:s6], $0x1000  }
0x102: {  	[sflag:s6] =	ssyncset.done $0x0  }
0x103: {  	s18 =	sadd.s32 $0x5280, s4;
	[sflag:s6] =	ssyncadd.s32 $0xFFFFF000  }
0x104: {  	[spmem:s3] =	stream.indirect.scatter.add.f32 [tilespmem:s28], [sflag:$0xE], $0x20, s18, s21, $0xb8;
	[tilespmem:$0x1CD20] =	vst v63  }
0x105: {  	_ =	swait.ge [sflag:s7], $0x1000  }
0x106: {  	[sflag:s7] =	ssyncset.done $0x0  }
0x107: {  	s20 =	sadd.s32 $0x5300, s4;
	[sflag:s7] =	ssyncadd.s32 $0xFFFFF000  }
0x108: {  	[spmem:s3] =	stream.indirect.scatter.add.f32 [tilespmem:s29], [sflag:$0xF], $0x20, s20, s21, $0xb8;
	[tilespmem:$0x1CD20] =	vst v63  }
0x109: {  	_ =	swait.ge [sflag:s8], $0x1000  }
0x10a: {  	[sflag:s8] =	ssyncset.done $0x0  }
0x10b: {  	s4 =	sadd.s32 $0x5380, s4;
	[sflag:s8] =	ssyncadd.s32 $0xFFFFF000  }
0x10c: {  	[spmem:s3] =	stream.indirect.scatter.add.f32 [tilespmem:s30], [sflag:$0x10], $0x20, s4, s21, $0xb8;
	[tilespmem:$0x1CD20] =	vst v63  }
0x10d: {  	_ =	swait.ge [sflag:s14], $0x1000  }
0x10e: {  	[sflag:s14] =	ssyncset.done $0x0  }
0x10f: {  	[sflag:s14] =	ssyncadd.s32 $0xFFFFF000  }
0x110: {  	_ =	swait.ge [sflag:s15], $0x1000  }
0x111: {  	[sflag:s15] =	ssyncset.done $0x0  }
0x112: {  	[sflag:s15] =	ssyncadd.s32 $0xFFFFF000  }
0x113: {  	_ =	swait.ge [sflag:s16], $0x1000  }
0x114: {  	[sflag:s16] =	ssyncset.done $0x0  }
0x115: {  	[sflag:s16] =	ssyncadd.s32 $0xFFFFF000  }
0x116: {  	_ =	swait.ge [sflag:s17], $0x1000  }
0x117: {  	[sflag:s17] =	ssyncset.done $0x0  }
0x118: {  	[sflag:s17] =	ssyncadd.s32 $0xFFFFF000  }
0x119: {  	_ =	swait.ge [sflag:s10], $0x1000  }
0x11a: {  	[sflag:s10] =	ssyncset.done $0x0  }
0x11b: {  	[sflag:s10] =	ssyncadd.s32 $0xFFFFF000  }
0x11c: {  	_ =	swait.ge [sflag:s11], $0x1000  }
0x11d: {  	[sflag:s11] =	ssyncset.done $0x0  }
0x11e: {  	[sflag:s11] =	ssyncadd.s32 $0xFFFFF000  }
0x11f: {  	_ =	swait.ge [sflag:s12], $0x1000  }
0x120: {  	[sflag:s12] =	ssyncset.done $0x0  }
0x121: {  	[sflag:s12] =	ssyncadd.s32 $0xFFFFF000  }
0x122: {  	_ =	swait.ge [sflag:s13], $0x1000  }
0x123: {  	[sflag:s13] =	ssyncset.done $0x0  }
0x124: {  	[sflag:s13] =	ssyncadd.s32 $0xFFFFF000  }
0x125: {  	[bflag:$0x0] =	sbarrier.arrive $0xFFFF  }
0x126: {  	s9 =	rddreg [dreg:$0xa]  }
0x127: {  	s18 =	rddreg [dreg:$0xf]  }
0x128: {  	s20 =	rddreg [dreg:$0x13];
	s4 =	sshrl.u32 s9, $0x3  }
0x129: {  	[dreg:$0x15] =	wrdreg s4  }
0x12a: {  	[hbm:s18], [sflag:s20] =	dma.local [spmem:s4], $0x9E0  }
0x12b: {  	s18 =	simm.s32 $0x11  }
0x12c: {  	_ =	swait.ge [sflag:s18], $0x9E0  }
0x12d: {  	[sflag:s18] =	ssyncset.done $0x0  }
0x12e: {  	[sflag:s18] =	ssyncadd.s32 $0xFFFFF620  }
0x12f: {  	[bflag:$0x0] =	sbarrier.arrive $0xFFFF  }
0x130: {  	s9 =	rddreg [dreg:$0x10]  }
0x131: {  	s4 =	rddreg [dreg:$0x14]  }
0x132: {  	[spmem:s4], [sflag:s20] =	dma.local [hbm:s9], $0x9C4  }
0x133: {  	_ =	swait.ge [sflag:s18], $0x9C4  }
0x134: {  	[sflag:s18] =	ssyncset.done $0x0  }
0x135: {  	s9 =	simm.s32 $0x12000;
	s20 =	rddreg [dreg:$0xa];
	[sflag:s18] =	ssyncadd.s32 $0xFFFFF63C  }
0x136: {  	[spmem:s20] =	stream.linear.scatter [tilespmem:s9], [sflag:$0x11], $0x1000, $0x38;
	[tilespmem:$0x1CD20] =	vst v63  }
0x137: {  	_ =	swait.ge [sflag:s18], $0x1000  }
0x138: {  	[sflag:s18] =	ssyncset.done $0x0  }
0x139: {  	s20 =	rddreg [dreg:$0xb];
	[sflag:s18] =	ssyncadd.s32 $0xFFFFF000  }
0x13a: {  	[spmem:s20] =	stream.linear.scatter [tilespmem:s9], [sflag:$0x11], $0x1000, $0x38;
	[tilespmem:$0x1CD20] =	vst v63  }
0x13b: {  	_ =	swait.ge [sflag:s18], $0x1000  }
0x13c: {  	[sflag:s18] =	ssyncset.done $0x0  }
0x13d: {  	s20 =	rddreg [dreg:$0xc];
	[sflag:s18] =	ssyncadd.s32 $0xFFFFF000  }
0x13e: {  	[spmem:s20] =	stream.linear.scatter [tilespmem:s9], [sflag:$0x11], $0x1000, $0x38;
	[tilespmem:$0x1CD20] =	vst v63  }
0x13f: {  	_ =	swait.ge [sflag:s18], $0x1000  }
0x140: {  	[sflag:s18] =	ssyncset.done $0x0  }
0x141: {  	s20 =	rddreg [dreg:$0xd];
	[sflag:s18] =	ssyncadd.s32 $0xFFFFF000  }
0x142: {  	[spmem:s20] =	stream.linear.scatter [tilespmem:s9], [sflag:$0x11], $0x1000, $0x38;
	[tilespmem:$0x1CD20] =	vst v63  }
0x143: {  	_ =	swait.ge [sflag:s18], $0x1000  }
0x144: {  	[sflag:s18] =	ssyncset.done $0x0  }
0x145: {  	s20 =	rddreg [dreg:$0xe];
	[sflag:s18] =	ssyncadd.s32 $0xFFFFF000  }
0x146: {  	[spmem:s20] =	stream.linear.scatter [tilespmem:s9], [sflag:$0x11], $0xF00, $0x38;
	[tilespmem:$0x1CD20] =	vst v63  }
0x147: {  	_ =	swait.ge [sflag:s18], $0xF00  }
0x148: {  	[sflag:s18] =	ssyncset.done $0x0  }
0x149: {  	[sflag:s18] =	ssyncadd.s32 $0xFFFFF100  }
0x14a: {  	s20 =	simm.s32 $0x0;
	[bflag:$0x0] =	sbarrier.arrive $0xFFFF  }
0x14b: {  	[tilespmem:s22], [sflag:$0x1] =	stream.indirect.gather [spmem:s2], $0x20, s20, s21, $0xb8;
	[tilespmem:$0x1CD20] =	vst v63  }
0x14c: {  	s9 =	simm.s32 $0x80  }
0x14d: {  	[tilespmem:s23], [sflag:$0x2] =	stream.indirect.gather [spmem:s2], $0x20, s9, s21, $0xb8;
	[tilespmem:$0x1CD20] =	vst v63  }
0x14e: {  	s18 =	simm.s32 $0x100  }
0x14f: {  	[tilespmem:s24], [sflag:$0x3] =	stream.indirect.gather [spmem:s2], $0x20, s18, s21, $0xb8;
	[tilespmem:$0x1CD20] =	vst v63  }
0x150: {  	s20 =	simm.s32 $0x180  }
0x151: {  	[tilespmem:s25], [sflag:$0x4] =	stream.indirect.gather [spmem:s2], $0x20, s20, s21, $0xb8;
	[tilespmem:$0x1CD20] =	vst v63  }
0x152: {  	s9 =	simm.s32 $0x200  }
0x153: {  	[tilespmem:s26], [sflag:$0x5] =	stream.indirect.gather [spmem:s2], $0x20, s9, s21, $0xb8;
	[tilespmem:$0x1CD20] =	vst v63  }
0x154: {  	s18 =	simm.s32 $0x280  }
0x155: {  	[tilespmem:s28], [sflag:$0x6] =	stream.indirect.gather [spmem:s2], $0x20, s18, s21, $0xb8;
	[tilespmem:$0x1CD20] =	vst v63  }
0x156: {  	s20 =	simm.s32 $0x300  }
0x157: {  	[tilespmem:s29], [sflag:$0x7] =	stream.indirect.gather [spmem:s2], $0x20, s20, s21, $0xb8;
	[tilespmem:$0x1CD20] =	vst v63  }
0x158: {  	s9 =	simm.s32 $0x380  }
0x159: {  	[tilespmem:s30], [sflag:$0x8] =	stream.indirect.gather [spmem:s2], $0x20, s9, s21, $0xb8;
	[tilespmem:$0x1CD20] =	vst v63  }
0x15a: {  	_ =	swait.ge [sflag:s31], $0x1000  }
0x15b: {  	[sflag:s31] =	ssyncset.done $0x0  }
0x15c: {  	s18 =	simm.s32 $0x5000;
	[sflag:s31] =	ssyncadd.s32 $0xFFFFF000  }
0x15d: {  	[spmem:s3] =	stream.indirect.scatter.add.f32 [tilespmem:s22], [sflag:$0x9], $0x20, s18, s21, $0xb8;
	[tilespmem:$0x1CD20] =	vst v63  }
0x15e: {  	_ =	swait.ge [sflag:s0], $0x1000  }
0x15f: {  	[sflag:s0] =	ssyncset.done $0x0  }
0x160: {  	s20 =	simm.s32 $0x5080;
	[sflag:s0] =	ssyncadd.s32 $0xFFFFF000  }
0x161: {  	[spmem:s3] =	stream.indirect.scatter.add.f32 [tilespmem:s23], [sflag:$0xA], $0x20, s20, s21, $0xb8;
	[tilespmem:$0x1CD20] =	vst v63  }
0x162: {  	_ =	swait.ge [sflag:s19], $0x1000  }
0x163: {  	[sflag:s19] =	ssyncset.done $0x0  }
0x164: {  	s9 =	simm.s32 $0x5100;
	[sflag:s19] =	ssyncadd.s32 $0xFFFFF000  }
0x165: {  	[spmem:s3] =	stream.indirect.scatter.add.f32 [tilespmem:s24], [sflag:$0xB], $0x20, s9, s21, $0xb8;
	[tilespmem:$0x1CD20] =	vst v63  }
0x166: {  	_ =	swait.ge [sflag:s1], $0x1000  }
0x167: {  	[sflag:s1] =	ssyncset.done $0x0  }
0x168: {  	s18 =	simm.s32 $0x5180;
	[sflag:s1] =	ssyncadd.s32 $0xFFFFF000  }
0x169: {  	[spmem:s3] =	stream.indirect.scatter.add.f32 [tilespmem:s25], [sflag:$0xC], $0x20, s18, s21, $0xb8;
	[tilespmem:$0x1CD20] =	vst v63  }
0x16a: {  	_ =	swait.ge [sflag:s5], $0x1000  }
0x16b: {  	[sflag:s5] =	ssyncset.done $0x0  }
0x16c: {  	s20 =	simm.s32 $0x5200;
	[sflag:s5] =	ssyncadd.s32 $0xFFFFF000  }
0x16d: {  	[spmem:s3] =	stream.indirect.scatter.add.f32 [tilespmem:s26], [sflag:$0xD], $0x20, s20, s21, $0xb8;
	[tilespmem:$0x1CD20] =	vst v63  }
0x16e: {  	_ =	swait.ge [sflag:s6], $0x1000  }
0x16f: {  	[sflag:s6] =	ssyncset.done $0x0  }
0x170: {  	s9 =	simm.s32 $0x5280;
	[sflag:s6] =	ssyncadd.s32 $0xFFFFF000  }
0x171: {  	[spmem:s3] =	stream.indirect.scatter.add.f32 [tilespmem:s28], [sflag:$0xE], $0x20, s9, s21, $0xb8;
	[tilespmem:$0x1CD20] =	vst v63  }
0x172: {  	_ =	swait.ge [sflag:s7], $0x1000  }
0x173: {  	[sflag:s7] =	ssyncset.done $0x0  }
0x174: {  	s18 =	simm.s32 $0x5300;
	[sflag:s7] =	ssyncadd.s32 $0xFFFFF000  }
0x175: {  	[spmem:s3] =	stream.indirect.scatter.add.f32 [tilespmem:s29], [sflag:$0xF], $0x20, s18, s21, $0xb8;
	[tilespmem:$0x1CD20] =	vst v63  }
0x176: {  	_ =	swait.ge [sflag:s8], $0x1000  }
0x177: {  	[sflag:s8] =	ssyncset.done $0x0  }
0x178: {  	s20 =	simm.s32 $0x5380;
	[sflag:s8] =	ssyncadd.s32 $0xFFFFF000  }
0x179: {  	[spmem:s3] =	stream.indirect.scatter.add.f32 [tilespmem:s30], [sflag:$0x10], $0x20, s20, s21, $0xb8;
	[tilespmem:$0x1CD20] =	vst v63  }
0x17a: {  	_ =	swait.ge [sflag:s14], $0x1000  }
0x17b: {  	[sflag:s14] =	ssyncset.done $0x0  }
0x17c: {  	[sflag:s14] =	ssyncadd.s32 $0xFFFFF000  }
0x17d: {  	_ =	swait.ge [sflag:s15], $0x1000  }
0x17e: {  	[sflag:s15] =	ssyncset.done $0x0  }
0x17f: {  	[sflag:s15] =	ssyncadd.s32 $0xFFFFF000  }
0x180: {  	_ =	swait.ge [sflag:s16], $0x1000  }
0x181: {  	[sflag:s16] =	ssyncset.done $0x0  }
0x182: {  	[sflag:s16] =	ssyncadd.s32 $0xFFFFF000  }
0x183: {  	_ =	swait.ge [sflag:s17], $0x1000  }
0x184: {  	[sflag:s17] =	ssyncset.done $0x0  }
0x185: {  	[sflag:s17] =	ssyncadd.s32 $0xFFFFF000  }
0x186: {  	_ =	swait.ge [sflag:s10], $0x1000  }
0x187: {  	[sflag:s10] =	ssyncset.done $0x0  }
0x188: {  	[sflag:s10] =	ssyncadd.s32 $0xFFFFF000  }
0x189: {  	_ =	swait.ge [sflag:s11], $0x1000  }
0x18a: {  	[sflag:s11] =	ssyncset.done $0x0  }
0x18b: {  	[sflag:s11] =	ssyncadd.s32 $0xFFFFF000  }
0x18c: {  	_ =	swait.ge [sflag:s12], $0x1000  }
0x18d: {  	[sflag:s12] =	ssyncset.done $0x0  }
0x18e: {  	[sflag:s12] =	ssyncadd.s32 $0xFFFFF000  }
0x18f: {  	_ =	swait.ge [sflag:s13], $0x1000  }
0x190: {  	s18 =	simm.s32 $0x2000;
	s20 =	simm.s32 $0x1000;
	[sflag:s13] =	ssyncset.done $0x0  }
.LBB2_6:
0x191: {  	s4 =	sshra.s32 s20, $0x2  }
0x192: {  	[sflag:s13] =	ssyncadd.s32 $0xFFFFF000;
	s20 =	smov.u32 s18;
	s9 =	sadd.s32 $0x1000, s18  }
0x193: {  	[tilespmem:s22], [sflag:$0x1] =	stream.indirect.gather [spmem:s2], $0x20, s4, s21, $0xb8;
	[tilespmem:$0x1CD20] =	vst v63  }
0x194: {  	p0 =	sne.s32 s18, $0x13000;
	s18 =	sadd.s32 $0x80, s4  }
0x195: {  	[tilespmem:s23], [sflag:$0x2] =	stream.indirect.gather [spmem:s2], $0x20, s18, s21, $0xb8;
	[tilespmem:$0x1CD20] =	vst v63  }
0x196: {  	s18 =	sadd.s32 $0x100, s4  }
0x197: {  	[tilespmem:s24], [sflag:$0x3] =	stream.indirect.gather [spmem:s2], $0x20, s18, s21, $0xb8;
	[tilespmem:$0x1CD20] =	vst v63  }
0x198: {  	s18 =	sadd.s32 $0x180, s4  }
0x199: {  	[tilespmem:s25], [sflag:$0x4] =	stream.indirect.gather [spmem:s2], $0x20, s18, s21, $0xb8;
	[tilespmem:$0x1CD20] =	vst v63  }
0x19a: {  	s18 =	sadd.s32 $0x200, s4  }
0x19b: {  	[tilespmem:s26], [sflag:$0x5] =	stream.indirect.gather [spmem:s2], $0x20, s18, s21, $0xb8;
	[tilespmem:$0x1CD20] =	vst v63  }
0x19c: {  	s18 =	sadd.s32 $0x280, s4  }
0x19d: {  	[tilespmem:s28], [sflag:$0x6] =	stream.indirect.gather [spmem:s2], $0x20, s18, s21, $0xb8;
	[tilespmem:$0x1CD20] =	vst v63  }
0x19e: {  	s18 =	sadd.s32 $0x300, s4  }
0x19f: {  	[tilespmem:s29], [sflag:$0x7] =	stream.indirect.gather [spmem:s2], $0x20, s18, s21, $0xb8;
	[tilespmem:$0x1CD20] =	vst v63  }
0x1a0: {  	s18 =	sadd.s32 $0x380, s4  }
0x1a1: {  	[tilespmem:s30], [sflag:$0x8] =	stream.indirect.gather [spmem:s2], $0x20, s18, s21, $0xb8;
	[tilespmem:$0x1CD20] =	vst v63  }
0x1a2: {  	_ =	swait.ge [sflag:s31], $0x1000  }
0x1a3: {  	[sflag:s31] =	ssyncset.done $0x0  }
0x1a4: {  	s18 =	sadd.s32 $0x5000, s4;
	[sflag:s31] =	ssyncadd.s32 $0xFFFFF000  }
0x1a5: {  	[spmem:s3] =	stream.indirect.scatter.add.f32 [tilespmem:s22], [sflag:$0x9], $0x20, s18, s21, $0xb8;
	[tilespmem:$0x1CD20] =	vst v63  }
0x1a6: {  	_ =	swait.ge [sflag:s0], $0x1000  }
0x1a7: {  	[sflag:s0] =	ssyncset.done $0x0  }
0x1a8: {  	s18 =	sadd.s32 $0x5080, s4;
	[sflag:s0] =	ssyncadd.s32 $0xFFFFF000  }
0x1a9: {  	[spmem:s3] =	stream.indirect.scatter.add.f32 [tilespmem:s23], [sflag:$0xA], $0x20, s18, s21, $0xb8;
	[tilespmem:$0x1CD20] =	vst v63  }
0x1aa: {  	_ =	swait.ge [sflag:s19], $0x1000  }
0x1ab: {  	[sflag:s19] =	ssyncset.done $0x0  }
0x1ac: {  	s18 =	sadd.s32 $0x5100, s4;
	[sflag:s19] =	ssyncadd.s32 $0xFFFFF000  }
0x1ad: {  	[spmem:s3] =	stream.indirect.scatter.add.f32 [tilespmem:s24], [sflag:$0xB], $0x20, s18, s21, $0xb8;
	[tilespmem:$0x1CD20] =	vst v63  }
0x1ae: {  	_ =	swait.ge [sflag:s1], $0x1000  }
0x1af: {  	[sflag:s1] =	ssyncset.done $0x0  }
0x1b0: {  	s18 =	sadd.s32 $0x5180, s4;
	[sflag:s1] =	ssyncadd.s32 $0xFFFFF000  }
0x1b1: {  	[spmem:s3] =	stream.indirect.scatter.add.f32 [tilespmem:s25], [sflag:$0xC], $0x20, s18, s21, $0xb8;
	[tilespmem:$0x1CD20] =	vst v63  }
0x1b2: {  	_ =	swait.ge [sflag:s5], $0x1000  }
0x1b3: {  	[sflag:s5] =	ssyncset.done $0x0  }
0x1b4: {  	s18 =	sadd.s32 $0x5200, s4;
	[sflag:s5] =	ssyncadd.s32 $0xFFFFF000  }
0x1b5: {  	[spmem:s3] =	stream.indirect.scatter.add.f32 [tilespmem:s26], [sflag:$0xD], $0x20, s18, s21, $0xb8;
	[tilespmem:$0x1CD20] =	vst v63  }
0x1b6: {  	_ =	swait.ge [sflag:s6], $0x1000  }
0x1b7: {  	[sflag:s6] =	ssyncset.done $0x0  }
0x1b8: {  	s18 =	sadd.s32 $0x5280, s4;
	[sflag:s6] =	ssyncadd.s32 $0xFFFFF000  }
0x1b9: {  	[spmem:s3] =	stream.indirect.scatter.add.f32 [tilespmem:s28], [sflag:$0xE], $0x20, s18, s21, $0xb8;
	[tilespmem:$0x1CD20] =	vst v63  }
0x1ba: {  	_ =	swait.ge [sflag:s7], $0x1000  }
0x1bb: {  	[sflag:s7] =	ssyncset.done $0x0  }
0x1bc: {  	s18 =	sadd.s32 $0x5300, s4;
	[sflag:s7] =	ssyncadd.s32 $0xFFFFF000  }
0x1bd: {  	[spmem:s3] =	stream.indirect.scatter.add.f32 [tilespmem:s29], [sflag:$0xF], $0x20, s18, s21, $0xb8;
	[tilespmem:$0x1CD20] =	vst v63  }
0x1be: {  	_ =	swait.ge [sflag:s8], $0x1000  }
0x1bf: {  	[sflag:s8] =	ssyncset.done $0x0  }
0x1c0: {  	s4 =	sadd.s32 $0x5380, s4;
	[sflag:s8] =	ssyncadd.s32 $0xFFFFF000  }
0x1c1: {  	[spmem:s3] =	stream.indirect.scatter.add.f32 [tilespmem:s30], [sflag:$0x10], $0x20, s4, s21, $0xb8;
	[tilespmem:$0x1CD20] =	vst v63  }
0x1c2: {  	_ =	swait.ge [sflag:s14], $0x1000  }
0x1c3: {  	[sflag:s14] =	ssyncset.done $0x0  }
0x1c4: {  	[sflag:s14] =	ssyncadd.s32 $0xFFFFF000  }
0x1c5: {  	_ =	swait.ge [sflag:s15], $0x1000  }
0x1c6: {  	[sflag:s15] =	ssyncset.done $0x0  }
0x1c7: {  	[sflag:s15] =	ssyncadd.s32 $0xFFFFF000  }
0x1c8: {  	_ =	swait.ge [sflag:s16], $0x1000  }
0x1c9: {  	[sflag:s16] =	ssyncset.done $0x0  }
0x1ca: {  	[sflag:s16] =	ssyncadd.s32 $0xFFFFF000  }
0x1cb: {  	_ =	swait.ge [sflag:s17], $0x1000  }
0x1cc: {  	[sflag:s17] =	ssyncset.done $0x0  }
0x1cd: {  	[sflag:s17] =	ssyncadd.s32 $0xFFFFF000  }
0x1ce: {  	_ =	swait.ge [sflag:s10], $0x1000  }
0x1cf: {  	[sflag:s10] =	ssyncset.done $0x0  }
0x1d0: {  	[sflag:s10] =	ssyncadd.s32 $0xFFFFF000  }
0x1d1: {  	_ =	swait.ge [sflag:s11], $0x1000  }
0x1d2: {  	[sflag:s11] =	ssyncset.done $0x0  }
0x1d3: {  	[sflag:s11] =	ssyncadd.s32 $0xFFFFF000  }
.Ltmp2:
0x1d4: {  	_ =	swait.ge [sflag:s12], $0x1000;
	(pc) =	sbr.rel @p0 .LBB2_6-.Ltmp2, $4  }
0x1d5: {  	[sflag:s12] =	ssyncset.done $0x0  }
0x1d6: {  	[sflag:s12] =	ssyncadd.s32 $0xFFFFF000  }
0x1d7: {  	_ =	swait.ge [sflag:s13], $0x1000  }
0x1d8: {  	s18 =	smov.u32 s9;
	[sflag:s13] =	ssyncset.done $0x0  }
0x1d9: {  	s4 =	sshra.s32 s20, $0x2;
	[sflag:s13] =	ssyncadd.s32 $0xFFFFF000  }
0x1da: {  	[tilespmem:s22], [sflag:$0x1] =	stream.indirect.gather [spmem:s2], $0x20, s4, s21, $0xb8;
	[tilespmem:$0x1CD20] =	vst v63  }
0x1db: {  	s9 =	sadd.s32 $0x80, s4  }
0x1dc: {  	[tilespmem:s23], [sflag:$0x2] =	stream.indirect.gather [spmem:s2], $0x20, s9, s21, $0xb8;
	[tilespmem:$0x1CD20] =	vst v63  }
0x1dd: {  	s20 =	sadd.s32 $0x100, s4  }
0x1de: {  	[tilespmem:s24], [sflag:$0x3] =	stream.indirect.gather [spmem:s2], $0x20, s20, s21, $0xb8;
	[tilespmem:$0x1CD20] =	vst v63  }
0x1df: {  	s18 =	sadd.s32 $0x180, s4  }
0x1e0: {  	[tilespmem:s25], [sflag:$0x4] =	stream.indirect.gather [spmem:s2], $0x20, s18, s21, $0xb8;
	[tilespmem:$0x1CD20] =	vst v63  }
0x1e1: {  	s20 =	sadd.s32 $0x200, s4  }
0x1e2: {  	[tilespmem:s26], [sflag:$0x5] =	stream.indirect.gather [spmem:s2], $0x20, s20, s21, $0xb8;
	[tilespmem:$0x1CD20] =	vst v63  }
0x1e3: {  	s18 =	sadd.s32 $0x280, s4  }
0x1e4: {  	[tilespmem:s28], [sflag:$0x6] =	stream.indirect.gather [spmem:s2], $0x20, s18, s21, $0xb8;
	[tilespmem:$0x1CD20] =	vst v63  }
0x1e5: {  	s20 =	sadd.s32 $0x300, s4  }
0x1e6: {  	[tilespmem:s29], [sflag:$0x7] =	stream.indirect.gather [spmem:s2], $0x20, s20, s21, $0xb8;
	[tilespmem:$0x1CD20] =	vst v63  }
0x1e7: {  	s18 =	sadd.s32 $0x380, s4  }
0x1e8: {  	[tilespmem:s30], [sflag:$0x8] =	stream.indirect.gather [spmem:s2], $0x20, s18, s21, $0xb8;
	[tilespmem:$0x1CD20] =	vst v63  }
0x1e9: {  	_ =	swait.ge [sflag:s31], $0x1000  }
0x1ea: {  	[sflag:s31] =	ssyncset.done $0x0  }
0x1eb: {  	s20 =	sadd.s32 $0x5000, s4;
	[sflag:s31] =	ssyncadd.s32 $0xFFFFF000  }
0x1ec: {  	[spmem:s3] =	stream.indirect.scatter.add.f32 [tilespmem:s22], [sflag:$0x9], $0x20, s20, s21, $0xb8;
	[tilespmem:$0x1CD20] =	vst v63  }
0x1ed: {  	_ =	swait.ge [sflag:s0], $0x1000  }
0x1ee: {  	[sflag:s0] =	ssyncset.done $0x0  }
0x1ef: {  	s18 =	sadd.s32 $0x5080, s4;
	[sflag:s0] =	ssyncadd.s32 $0xFFFFF000  }
0x1f0: {  	[spmem:s3] =	stream.indirect.scatter.add.f32 [tilespmem:s23], [sflag:$0xA], $0x20, s18, s21, $0xb8;
	[tilespmem:$0x1CD20] =	vst v63  }
0x1f1: {  	_ =	swait.ge [sflag:s19], $0x1000  }
0x1f2: {  	[sflag:s19] =	ssyncset.done $0x0  }
0x1f3: {  	s20 =	sadd.s32 $0x5100, s4;
	[sflag:s19] =	ssyncadd.s32 $0xFFFFF000  }
0x1f4: {  	[spmem:s3] =	stream.indirect.scatter.add.f32 [tilespmem:s24], [sflag:$0xB], $0x20, s20, s21, $0xb8;
	[tilespmem:$0x1CD20] =	vst v63  }
0x1f5: {  	_ =	swait.ge [sflag:s1], $0x1000  }
0x1f6: {  	[sflag:s1] =	ssyncset.done $0x0  }
0x1f7: {  	s18 =	sadd.s32 $0x5180, s4;
	[sflag:s1] =	ssyncadd.s32 $0xFFFFF000  }
0x1f8: {  	[spmem:s3] =	stream.indirect.scatter.add.f32 [tilespmem:s25], [sflag:$0xC], $0x20, s18, s21, $0xb8;
	[tilespmem:$0x1CD20] =	vst v63  }
0x1f9: {  	_ =	swait.ge [sflag:s5], $0x1000  }
0x1fa: {  	[sflag:s5] =	ssyncset.done $0x0  }
0x1fb: {  	s20 =	sadd.s32 $0x5200, s4;
	[sflag:s5] =	ssyncadd.s32 $0xFFFFF000  }
0x1fc: {  	[spmem:s3] =	stream.indirect.scatter.add.f32 [tilespmem:s26], [sflag:$0xD], $0x20, s20, s21, $0xb8;
	[tilespmem:$0x1CD20] =	vst v63  }
0x1fd: {  	_ =	swait.ge [sflag:s6], $0x1000  }
0x1fe: {  	[sflag:s6] =	ssyncset.done $0x0  }
0x1ff: {  	s18 =	sadd.s32 $0x5280, s4;
	[sflag:s6] =	ssyncadd.s32 $0xFFFFF000  }
0x200: {  	[spmem:s3] =	stream.indirect.scatter.add.f32 [tilespmem:s28], [sflag:$0xE], $0x20, s18, s21, $0xb8;
	[tilespmem:$0x1CD20] =	vst v63  }
0x201: {  	_ =	swait.ge [sflag:s7], $0x1000  }
0x202: {  	[sflag:s7] =	ssyncset.done $0x0  }
0x203: {  	s20 =	sadd.s32 $0x5300, s4;
	[sflag:s7] =	ssyncadd.s32 $0xFFFFF000  }
0x204: {  	[spmem:s3] =	stream.indirect.scatter.add.f32 [tilespmem:s29], [sflag:$0xF], $0x20, s20, s21, $0xb8;
	[tilespmem:$0x1CD20] =	vst v63  }
0x205: {  	_ =	swait.ge [sflag:s8], $0x1000  }
0x206: {  	[sflag:s8] =	ssyncset.done $0x0  }
0x207: {  	s4 =	sadd.s32 $0x5380, s4;
	[sflag:s8] =	ssyncadd.s32 $0xFFFFF000  }
0x208: {  	[spmem:s3] =	stream.indirect.scatter.add.f32 [tilespmem:s30], [sflag:$0x10], $0x20, s4, s21, $0xb8;
	[tilespmem:$0x1CD20] =	vst v63  }
0x209: {  	_ =	swait.ge [sflag:s14], $0x1000  }
0x20a: {  	[sflag:s14] =	ssyncset.done $0x0  }
0x20b: {  	[sflag:s14] =	ssyncadd.s32 $0xFFFFF000  }
0x20c: {  	_ =	swait.ge [sflag:s15], $0x1000  }
0x20d: {  	[sflag:s15] =	ssyncset.done $0x0  }
0x20e: {  	[sflag:s15] =	ssyncadd.s32 $0xFFFFF000  }
0x20f: {  	_ =	swait.ge [sflag:s16], $0x1000  }
0x210: {  	[sflag:s16] =	ssyncset.done $0x0  }
0x211: {  	[sflag:s16] =	ssyncadd.s32 $0xFFFFF000  }
0x212: {  	_ =	swait.ge [sflag:s17], $0x1000  }
0x213: {  	[sflag:s17] =	ssyncset.done $0x0  }
0x214: {  	[sflag:s17] =	ssyncadd.s32 $0xFFFFF000  }
0x215: {  	_ =	swait.ge [sflag:s10], $0x1000  }
0x216: {  	[sflag:s10] =	ssyncset.done $0x0  }
0x217: {  	[sflag:s10] =	ssyncadd.s32 $0xFFFFF000  }
0x218: {  	_ =	swait.ge [sflag:s11], $0x1000  }
0x219: {  	[sflag:s11] =	ssyncset.done $0x0  }
0x21a: {  	[sflag:s11] =	ssyncadd.s32 $0xFFFFF000  }
0x21b: {  	_ =	swait.ge [sflag:s12], $0x1000  }
0x21c: {  	[sflag:s12] =	ssyncset.done $0x0  }
0x21d: {  	[sflag:s12] =	ssyncadd.s32 $0xFFFFF000  }
0x21e: {  	_ =	swait.ge [sflag:s13], $0x1000  }
0x21f: {  	[sflag:s13] =	ssyncset.done $0x0  }
0x220: {  	[sflag:s13] =	ssyncadd.s32 $0xFFFFF000  }
0x221: {  	[bflag:$0x0] =	sbarrier.arrive $0xFFFF  }
0x222: {  	s9 =	rddreg [dreg:$0x11]  }
0x223: {  	s20 =	rddreg [dreg:$0x13]  }
0x224: {  	s18 =	rddreg [dreg:$0x15]  }
0x225: {  	[hbm:s9], [sflag:s20] =	dma.local [spmem:s18], $0x9E0  }
0x226: {  	s20 =	simm.s32 $0x11  }
0x227: {  	_ =	swait.ge [sflag:s20], $0x9E0  }
0x228: {  	[sflag:s20] =	ssyncset.done $0x0;
	s9 =	rddreg [dreg:$0x5]  }
0x229: {  	s18 =	sadd.s32 $0x1, s9;
	[sflag:s20] =	ssyncadd.s32 $0xFFFFF620;
	s20 =	rddreg [dreg:$0x12]  }
0x22a: {  	p0 =	sne.s32 s18, s20  }
.Ltmp3:
0x22b: {  	_ = 	snop;
	(pc) =	sbr.rel @p0 .LBB2_1-.Ltmp3, $2  }
0x22c: {  	_ =	sdelay $0x1  }
0x22d: {  	[bflag:$0x0] =	sbarrier.arrive $0xFFFF;
	_ =	sdelay $0x1  }
0x22e: {  	_ =	sfence.sel $0x180000  }
0x22f: {  	[bflag:$0x0] =	sbarrier.arrive $0xFFFF  }
0x230: {  	_ =	strace $0x9000004A  }
0x231: {  	s0 =	stileid.u32;
	[bflag:$0x2] =	sbarrier.arrive $0xFFFF  }
0x232: {  	p0 =	sne.s32 s0, $0x0;
	s0 =	rddreg [dreg:$0x4]  }
0x233: {  	s0 =	sadd.s32 @!p0 $0x100000, s0  }
0x234: {  	[sflag:s0] =	ssyncadd.tile.s32 @!p0 $0x1;
	_ =	shalt  }
.Lfunc_end2:
_tile_overlayer_lowered:
.L_overlay_start_2:
0x235: {  	(tag) =	ssettag $0x2  }
0x236: {  	s0 =	rddreg [dreg:$0x0];
	s2 =	stileid.u32  }
0x237: {  	s1 =	rddreg [dreg:$0x1];
	p0 =	sne.s32 s2, $0x0  }
0x238: {  	s3 =	rddreg [dreg:$0x2];
	[bflag:$0x3] =	sbarrier.arrive $0xFFFF;
	s2 =	simm.s32 @!p0 $0x1C11  }
0x239: {  	[timem:s3], [sflag:s2] =	dma.local @!p0 [hbm:s0], s1  }
0x23a: {  	s0 =	simm.s32 @!p0 $0x11  }
0x23b: {  	_ =	swait.ge @!p0 [sflag:s0], s1  }
0x23c: {  	s1 =	ssub.s32 @!p0 $0x0, s1;
	[sflag:s0] =	ssyncset.done @!p0 $0x0  }
0x23d: {  	[sflag:s0] =	ssyncadd.s32 @!p0 s1  }
0x23e: {  	[bflag:$0x3] =	sbarrier.arrive $0xFFFF  }
0x23f: {  	_ =	shalt  }

// kernel: kernel.16.cloned.1.call-start
scs
__scs_entry_jumppad:
0x0: {  	(pc) =	sbr.rel $0x88, $3  }
0x1: {  	(tag) =	ssettag $0x0;
	lr =	simm.s32 $0x1  }
0x2: {  	[smem:$0x3F89] =	sst lr;
	_ =	strace $0xD0000000  }
0x3: {  	_ = 	snop  }
0x4: {  	_ = 	snop  }
0x5: {  	_ = 	snop  }
0x6: {  	_ = 	snop  }
0x7: {  	_ = 	snop  }
__scs_overlays_trampoline_lowered:
0x8: {  	[smem:$0x3F98] =	sst s0  }
0x9: {  	[smem:$0x3F99] =	sst s1  }
0xa: {  	[smem:$0x3F9A] =	sst s2  }
0xb: {  	[smem:$0x3F9B] =	sst s3  }
0xc: {  	[smem:$0x3F9C] =	sst s4  }
0xd: {  	[smem:$0x3F9D] =	sst s5  }
0xe: {  	[smem:$0x3F9E] =	sst s6  }
0xf: {  	[smem:$0x3F9F] =	sst s7  }
0x10: {  	[smem:$0x3FA0] =	sst s8  }
0x11: {  	[smem:$0x3FA1] =	sst s9;
	s0 =	simm.s32 @!p0 $0x0  }
0x12: {  	s1 =	sld [smem:$0x3F87];
	s0 =	simm.s32 @p0 $0x1  }
0x13: {  	[smem:$0x3FA2] =	sst s0;
	s0 =	simm.s32 @!p1 $0x0  }
0x14: {  	s2 =	sld [smem:$0x3F86];
	s0 =	simm.s32 @p1 $0x1  }
0x15: {  	[smem:$0x3FA3] =	sst s0;
	s0 =	simm.s32 @!p2 $0x0  }
0x16: {  	s3 =	sld [smem:$0x3FDB];
	s0 =	simm.s32 @p2 $0x1  }
0x17: {  	s4 =	simm.s32 $0x1BF5;
	[smem:$0x3FA5] =	sst s0  }
0x18: {  	s0 =	sld [smem:$0x3F88];
	_ =	swait.ge [sflag:s4], $0x0  }
0x19: {  	s7 =	sld [smem:$0x3F89]  }
0x1a: {  	s8 =	sadd.s32 $0xFFFFE003, lr  }
0x1b: {  	s9 =	sadd.s32 $0xFFFFFEF7, lr;
	s5 =	simm.s32 $0xFFFFFFFF;
	p2 =	slt.u32 s8, $0xFFFFF086  }
0x1c: {  	p1 =	slt.u32 s9, $0xF7A;
	s5 =	simm.s32 @!p2 $0x0  }
0x1d: {  	s5 =	simm.s32 @p1 $0x1;
	p0 =	seq.s32 s7, s2  }
0x1e: {  	s7 =	smul.u32 @!p0 $0xF7A, s2;
	p2 =	seq.s32 @!p0 s5, $0x0  }
0x1f: {  	s9 =	smul.u32 $0xF7A, s1;
	s8 =	simm.s32 @!p0 $0x1BF5;
	p2 =	por !p2, p0  }
0x20: {  	[sflag:s8] =	ssyncset.s32 @!p0 $0xFFFFF086;
	s6 =	sadd.s32 @!p0 s3, s7;
	s7 =	simm.s32 @!p0 $0x108  }
0x21: {  	s3 =	sadd.s32 s3, s9;
	s6 =	sadd.s32 @!p0 $0x88, s6;
	s7 =	simm.s32 @p2 $0x1082  }
0x22: {  	[simem:s7], [sflag:s8] =	dma.local @!p0 [hbm:s6], $0xF7A  }
0x23: {  	s9 =	sor.u32 $0xD0000000, s2;
	s6 =	simm.s32 $0x108;
	_ =	swait.ge @!p0 [sflag:s8], $0x0  }
0x24: {  	s3 =	sadd.s32 $0x88, s3;
	s6 =	simm.s32 @!p1 $0x1082;
	[sflag:s4] =	ssyncset.s32 $0xFFFFF086  }
0x25: {  	[simem:s6], [sflag:s4] =	dma.local [hbm:s3], $0xF7A  }
0x26: {  	[smem:$0x3F89] =	sst s1;
	(tag) =	ssettag s2;
	_ =	strace s9  }
0x27: {  	s1 =	sld [smem:$0x3F99]  }
0x28: {  	s2 =	sld [smem:$0x3F9A]  }
0x29: {  	s4 =	sld [smem:$0x3F9C]  }
0x2a: {  	p0 =	seq.s32 s5, $0x0;
	s5 =	sld [smem:$0x3F9D]  }
0x2b: {  	s6 =	sld [smem:$0x3F9E]  }
0x2c: {  	s7 =	sld [smem:$0x3F9F]  }
0x2d: {  	s3 =	simm.s32 $0x108;
	s8 =	sld [smem:$0x3FA0]  }
0x2e: {  	s3 =	simm.s32 @!p0 $0x1082;
	s9 =	sld [smem:$0x3FA1]  }
0x2f: {  	lr =	sadd.s32 s0, s3;
	s0 =	sld [smem:$0x3F98]  }
0x30: {  	s3 =	sld [smem:$0x3F9B]  }
0x31: {  	[smem:$0x3FA4] =	sst s10  }
0x32: {  	s10 =	sld [smem:$0x3FA2];
	_ =	sdelay $0x3  }
0x33: {  	p0 =	seq.s32 s10, $0x1;
	s10 =	sld [smem:$0x3FA4];
	_ =	sdelay $0x3  }
0x34: {  	[smem:$0x3FA4] =	sst s10  }
0x35: {  	s10 =	sld [smem:$0x3FA3];
	_ =	sdelay $0x3  }
0x36: {  	p1 =	seq.s32 s10, $0x1;
	s10 =	sld [smem:$0x3FA4];
	_ =	sdelay $0x3  }
0x37: {  	[smem:$0x3FA4] =	sst s10  }
0x38: {  	s10 =	sld [smem:$0x3FA5]  }
0x39: {  	_ = 	snop;
	(pc) =	sbr.ind lr, $3  }
0x3a: {  	_ = 	snop  }
0x3b: {  	_ = 	snop  }
0x3c: {  	p2 =	seq.s32 s10, $0x1;
	s10 =	sld [smem:$0x3FA4]  }
0x3d: {  	_ =	shalt  }
0x3e: {  	_ =	shalt  }
0x3f: {  	_ =	shalt  }
0x40: {  	_ =	shalt  }
0x41: {  	_ =	shalt  }
0x42: {  	_ =	shalt  }
0x43: {  	_ =	shalt  }
0x44: {  	_ =	shalt  }
0x45: {  	_ =	shalt  }
0x46: {  	_ =	shalt  }
0x47: {  	_ =	shalt  }
0x48: {  	_ =	shalt  }
0x49: {  	_ =	shalt  }
0x4a: {  	_ =	shalt  }
0x4b: {  	_ =	shalt  }
0x4c: {  	_ =	shalt  }
0x4d: {  	_ =	shalt  }
0x4e: {  	_ =	shalt  }
0x4f: {  	_ =	shalt  }
0x50: {  	_ =	shalt  }
0x51: {  	_ =	shalt  }
0x52: {  	_ =	shalt  }
0x53: {  	_ =	shalt  }
0x54: {  	_ =	shalt  }
0x55: {  	_ =	shalt  }
0x56: {  	_ =	shalt  }
0x57: {  	_ =	shalt  }
0x58: {  	_ =	shalt  }
0x59: {  	_ =	shalt  }
0x5a: {  	_ =	shalt  }
0x5b: {  	_ =	shalt  }
0x5c: {  	_ =	shalt  }
0x5d: {  	_ =	shalt  }
0x5e: {  	_ =	shalt  }
0x5f: {  	_ =	shalt  }
0x60: {  	_ =	shalt  }
0x61: {  	_ =	shalt  }
0x62: {  	_ =	shalt  }
0x63: {  	_ =	shalt  }
0x64: {  	_ =	shalt  }
0x65: {  	_ =	shalt  }
0x66: {  	_ =	shalt  }
0x67: {  	_ =	shalt  }
0x68: {  	_ =	shalt  }
0x69: {  	_ =	shalt  }
0x6a: {  	_ =	shalt  }
0x6b: {  	_ =	shalt  }
0x6c: {  	_ =	shalt  }
0x6d: {  	_ =	shalt  }
0x6e: {  	_ =	shalt  }
0x6f: {  	_ =	shalt  }
0x70: {  	_ =	shalt  }
0x71: {  	_ =	shalt  }
0x72: {  	_ =	shalt  }
0x73: {  	_ =	shalt  }
0x74: {  	_ =	shalt  }
0x75: {  	_ =	shalt  }
0x76: {  	_ =	shalt  }
0x77: {  	_ =	shalt  }
0x78: {  	_ =	shalt  }
0x79: {  	_ =	shalt  }
0x7a: {  	_ =	shalt  }
0x7b: {  	_ =	shalt  }
0x7c: {  	_ =	shalt  }
0x7d: {  	_ =	shalt  }
0x7e: {  	_ =	shalt  }
0x7f: {  	_ =	shalt  }
0x80: {  	_ =	shalt  }
0x81: {  	_ =	shalt  }
0x82: {  	_ =	shalt  }
0x83: {  	_ =	shalt  }
0x84: {  	_ =	shalt  }
0x85: {  	_ =	shalt  }
0x86: {  	_ =	shalt  }
0x87: {  	_ =	shalt  }
.Lfunc_end0:
.L_simem_size_0:
called_computation.2_lowered:
.L_overlay_start_0:
0x88: {  	s2 =	sld [smem:$0x3FD9]  }
0x89: {  	s3 =	sld [smem:$0x3FFE];
	_ =	sdelay $0x1  }
0x8a: {  	s1 =	srdreg.scid  }
0x8b: {  	s0 =	sand.u32 $0x1, s1  }
0x8c: {  	s14 =	sshll.u32 s0, $0xA;
	s2 =	sadd.s32 s3, s2  }
0x8d: {  	s2 =	sadd.s32 s2, s14  }
0x8e: {  	[smem:$0x3FB0] =	sst s2  }
0x8f: {  	_ = 	snop  }
0x90: {  	s2 =	sld [smem:$0x3FD0];
	_ =	sdelay $0x2  }
0x91: {  	s15 =	simm.s32 $0xA;
	s4 =	simm.s32 $0x10  }
0x92: {  	[smem:s4], [sflag:s15] =	dma.local [hbm:s2], $0x1  }
0x93: {  	_ =	swait.eq [sflag:s15], $0x1  }
0x94: {  	[sflag:s15] =	ssyncset.done $0x0  }
0x95: {  	[sflag:s15] =	ssyncadd.s32 $0xFFFFFFFF  }
0x96: {  	s16 =	sld [smem:$0x12];
	(tm) =	ssettm $0x1  }
0x97: {  	s17 =	sld [smem:$0x3FFB];
	_ =	sdelay $0x3  }
0x98: {  	_ =	strace s17  }
0x99: {  	s3 =	sld [smem:$0x3FFC];
	_ =	sdelay $0x3  }
0x9a: {  	_ =	strace s3  }
0x9b: {  	s3 =	sld [smem:$0x3FFD];
	_ =	sdelay $0x3  }
0x9c: {  	_ =	strace s3  }
0x9d: {  	_ =	strace $0x8FFFFFFF  }
0x9e: {  	s18 =	sld [smem:$0x3FDB];
	_ =	sdelay $0x1  }
0x9f: {  	s19 =	simm.s32 $_scs_section_size  }
0xa0: {  	s5 =	simm.s32 $_size__tile_overlayer_lowered;
	s6 =	simm.s32 $_tile_overlayer_lowered  }
0xa1: {  	s22 =	simm.s32 $0x1BFF;
	s21 =	sshll.u32 s6, $0x1;
	s3 =	sadd.s32 s19, s18  }
0xa2: {  	s7 =	simm.s32 $0x0;
	s20 =	sshll.u32 s5, $0x1;
	s5 =	sadd.s32 s21, s3  }
0xa3: {  	[timem:s7], [sflag:s22] =	dma.local [hbm:s5], s20  }
0xa4: {  	_ =	swait.ge [sflag:s22], s20  }
0xa5: {  	s4 =	ssub.s32 $0x0, s20;
	[sflag:s22] =	ssyncset.done $0x0  }
0xa6: {  	[sflag:s22] =	ssyncadd.s32 s4;
	_ =	sdelay $0x1  }
0xa7: {  	s23 =	simm.s32 $0x1B8B  }
0xa8: {  	_ =	swait.ge [sflag:s23], $0x1  }
0xa9: {  	[sflag:s23] =	ssyncset.done $0x0  }
0xaa: {  	s25 =	simm.s32 $0x1B8E;
	s24 =	sld [smem:$0x3FFE];
	[sflag:s23] =	ssyncadd.s32 $0xFFFFFFFF  }
0xab: {  	s26 =	simm.s32 $execute0_lowered;
	[smem:$0x3FD2] =	sst s25  }
0xac: {  	s5 =	sshll.u32 s26, $0x1;
	_ =	strace $0x8000004C;
	[dreg:$0x1] =	wrdreg $0xFFFFFFFF  }
0xad: {  	s28 =	simm.s32 $_size_execute0_lowered;
	s3 =	sadd.s32 s3, s5;
	[dreg:$0x0] =	wrdreg $0x0  }
0xae: {  	s5 =	sshll.u32 s28, $0x1;
	[dreg:$0x2] =	wrdreg s3  }
0xaf: {  	[dreg:$0x3] =	wrdreg s5  }
0xb0: {  	[dreg:$0x4] =	wrdreg $0xC0  }
0xb1: {  	_ =	task [dreg:s7], $0x5FFFF  }
0xb2: {  	[dreg:$0x1] =	wrdreg $0xFFFFFFFF  }
0xb3: {  	[dreg:$0x0] =	wrdreg $0x60  }
0xb4: {  	[dreg:$0x2] =	wrdreg s16  }
0xb5: {  	[dreg:$0x3] =	wrdreg s24  }
0xb6: {  	[dreg:$0x4] =	wrdreg $0x17F000  }
0xb7: {  	[dreg:$0x5] =	wrdreg $0x130000  }
0xb8: {  	[dreg:$0x6] =	wrdreg $0x9  }
0xb9: {  	_ =	task.clear_ibuf [dreg:s7], $0x7FFFF;
	_ =	strace $0x9000004C  }
0xba: {  	s29 =	simm.s32 $0x9;
	_ =	strace $0x8000004E  }
0xbb: {  	_ =	swait.ge [sflag:s29], $0x1  }
0xbc: {  	[sflag:s29] =	ssyncadd.s32 $0xFFFFFFFF  }
0xbd: {  	_ =	strace $0x9000004E  }
0xbe: {  	_ =	sfence  }
0xbf: {  	s30 =	sld [smem:$0x0];
	_ =	sdelay $0x2  }
0xc0: {  	s31 =	sshll.u32 s1, $0xD;
	s1 =	sshrl.u32 s1, $0x2  }
0xc1: {  	s3 =	sand.u32 $0x4000, s31;
	s1 =	sadd.s32 s1, s30  }
0xc2: {  	s0 =	sor.u32 s3, s0;
	s1 =	sshll.u32 s1, $0x11  }
0xc3: {  	s0 =	sor.u32 s1, s0  }
0xc4: {  	s0 =	sadd.s32 $0x8F2B, s0  }
0xc5: {  	[sflag:s0] =	ssyncadd.remote.s32 $0x1  }
0xc6: {  	_ =	sfence.sel $0xFFFF  }
0xc7: {  	[dreg:$0x0] =	wrdreg $0xFFFFFFFF;
	(pc) =	sbr.abs _section_cstart, $3  }
0xc8: {  	[dreg:$0x1] =	wrdreg $0xFFFFFFFF  }
0xc9: {  	_ =	task.clear_ibuf [dreg:s7], $0x2FFFF;
	_ =	strace $0x9FFFFFFF  }
0xca: {  	(tm) =	ssettm $0x7FFFFFFF  }
0xcb: {  	_ =	shalt  }
tec
execute0_lowered:
.L_overlay_start_1:
0x0: {  	(tag) =	ssettag $0x1  }
0x1: {  	s0 =	rddreg [dreg:$0x0]  }
0x2: {  	s1 =	rddreg [dreg:$0x1]  }
0x3: {  	s2 =	rddreg [dreg:$0x2]  }
0x4: {  	s3 =	rddreg [dreg:$0x3];
	s10 =	stileid.u32  }
0x5: {  	s4 =	srdreg.scid;
	s5 =	smul.u32 $0xA00, s10  }
0x6: {  	s18 =	simm.s32 $0x0;
	s28 =	simm.s32 $0xF000;
	s7 =	smul.u32 $0x4E20, s10  }
0x7: {  	s29 =	simm.s32 $0x10000;
	s30 =	simm.s32 $0x11000;
	s13 =	smul.u32 $0x13C00, s10  }
0x8: {  	s31 =	simm.s32 $0x1;
	s4 =	sand.u32 $0x1, s4;
	s16 =	smul.u32 $0x4F00, s10  }
0x9: {  	[smem:$0x7FF] =	sst s18;
	s6 =	ssub.s32 $0x2, s4;
	s9 =	smul.u32 $0x9C400, s4  }
0xa: {  	_ =	strace $0x8000004D;
	s19 =	smul.u32 $0x9E000, s4;
	s4 =	sshllo.u32 s4, $0x1  }
0xb: {  	s8 =	sshrl.u32 s6, $0x1;
	s5 =	sadd.s32 s5, s1;
	s1 =	sadd.s32 $0x68E00, s1  }
0xc: {  	s14 =	sadd.s32 s7, s2;
	s17 =	sshrl.u32 s13, $0x2;
	s21 =	smul.u32 $0x4E200, s4  }
0xd: {  	s10 =	sadd.s32 s16, s3;
	s4 =	smul.u32 $0x4F000, s4;
	s13 =	simm.s32 $0x10  }
0xe: {  	s6 =	ssub.s32 s6, s8;
	s11 =	sadd.s32 $0xFE00, s5;
	s12 =	sadd.s32 s7, s9  }
0xf: {  	s5 =	sadd.s32 $0x5E00, s5;
	[dreg:$0x8] =	wrdreg s14;
	s8 =	sadd.s32 s17, s3  }
0x10: {  	[dreg:$0xa] =	wrdreg s10;
	s23 =	sadd.s32 s16, s19;
	s19 =	simm.s32 $0x3  }
0x11: {  	s14 =	simm.s32 $0x9;
	s17 =	simm.s32 $0xC;
	[dreg:$0x6] =	wrdreg s11  }
0x12: {  	s10 =	simm.s32 $0xD;
	[dreg:$0x7] =	wrdreg s5;
	s15 =	sshrl.u32 s12, $0x3  }
0x13: {  	s20 =	sadd.s32 $0x1000, s8;
	s11 =	sadd.s32 $0x2000, s8;
	s22 =	sadd.s32 $0x3000, s8  }
0x14: {  	s8 =	sadd.s32 $0x4000, s8;
	s7 =	sadd.s32 s7, s21;
	s4 =	sadd.s32 s16, s4  }
0x15: {  	s26 =	smax.u32 s6, $0x1;
	s21 =	simm.s32 $0x80;
	[dreg:$0xb] =	wrdreg s20  }
0x16: {  	s6 =	simm.s32 $0x6;
	s16 =	simm.s32 $0xB;
	[dreg:$0xc] =	wrdreg s11  }
0x17: {  	s12 =	simm.s32 $0xF;
	s5 =	sadd.s32 s0, s15;
	[dreg:$0xd] =	wrdreg s22  }
0x18: {  	[dreg:$0xe] =	wrdreg s8;
	s8 =	sshrl.u32 s23, $0x3;
	s7 =	sshrl.u32 s7, $0x3  }
0x19: {  	s25 =	sshrl.u32 s4, $0x3;
	[dreg:$0x12] =	wrdreg s26;
	s22 =	simm.s32 $0xA000  }
0x1a: {  	s23 =	simm.s32 $0xB000;
	s26 =	simm.s32 $0xE000;
	s15 =	simm.s32 $0xA  }
0x1b: {  	s11 =	simm.s32 $0xE;
	[dreg:$0x9] =	wrdreg s5;
	s24 =	sadd.s32 s1, s8  }
0x1c: {  	s0 =	sadd.s32 s0, s7;
	s5 =	simm.s32 $0x5;
	[dreg:$0xf] =	wrdreg s24  }
0x1d: {  	s7 =	simm.s32 $0x7;
	s8 =	simm.s32 $0x8;
	[dreg:$0x10] =	wrdreg s0  }
0x1e: {  	s0 =	sadd.s32 s1, s25;
	s24 =	simm.s32 $0xC000;
	s25 =	simm.s32 $0xD000  }
0x1f: {  	v0 =	vimm.f32 $0.0e+00;
	s1 =	simm.s32 $0x4;
	[dreg:$0x11] =	wrdreg s0;
	s0 =	simm.s32 $0x2  }
.LBB2_1:
0x20: {  	s4 =	simm.s32 $0x12020  }
0x21: {  	[tilespmem:s4+$0xFFFFFFE0] =	vst v0  }
0x22: {  	[tilespmem:s4+$0x10] =	vst v0  }
0x23: {  	s9 =	simm.s32 $0x0;
	[tilespmem:s4+$0x0] =	vst v0  }
.LBB2_2:
0x24: {  	s9 =	sadd.s32 $0x2, s9  }
0x25: {  	[tilespmem:s4+$0xFFFFFFF0] =	vst v0;
	s4 =	sadd.s32 $0x40, s4;
	p0 =	slt.u32 s9, $0x7E  }
.Ltmp0:
0x26: {  	[tilespmem:s4+$0xFFFFFFE0] =	vst v0;
	(pc) =	sbr.rel @p0 .LBB2_2-.Ltmp0, $3  }
0x27: {  	_ =	sdelay $0x1  }
0x28: {  	[tilespmem:s4+$0x10] =	vst v0  }
0x29: {  	[tilespmem:s4+$0x0] =	vst v0  }
0x2a: {  	[dreg:$0x5] =	wrdreg s18  }
0x2b: {  	[tilespmem:s4+$0xFFFFFFF0] =	vst v0;
	s4 =	simm.s32 $0x0;
	s9 =	rddreg [dreg:$0x6];
	s18 =	simm.s32 $0x11  }
0x2c: {  	[tilespmem:s4], [sflag:$0x11] =	stream.linear.gather [hbm4b:s9+s4], $0x5000, $0x38;
	[tilespmem:$0x1CD20] =	vst v63  }
0x2d: {  	_ =	swait.ge [sflag:s18], $0x5000  }
0x2e: {  	[sflag:s18] =	ssyncset.done $0x0  }
0x2f: {  	s20 =	simm.s32 $0x5000;
	s9 =	rddreg [dreg:$0x7];
	[sflag:s18] =	ssyncadd.s32 $0xFFFFB000  }
0x30: {  	[tilespmem:s20], [sflag:$0x11] =	stream.linear.gather [hbm4b:s9+s4], $0x5000, $0x38;
	[tilespmem:$0x1CD20] =	vst v63  }
0x31: {  	s9 =	stileid.u32;
	_ =	swait.ge [sflag:s18], $0x5000  }
0x32: {  	s4 =	sshll.u32 s9, $0x6;
	s20 =	rddreg [dreg:$0x8]  }
0x33: {  	s9 =	sor.u32 $0x1C11, s4;
	s4 =	rddreg [dreg:$0x9]  }
0x34: {  	[sflag:s18] =	ssyncset.done $0x0;
	s20 =	sshrl.u32 s20, $0x3;
	[dreg:$0x13] =	wrdreg s9  }
0x35: {  	[sflag:s18] =	ssyncadd.s32 $0xFFFFB000;
	[dreg:$0x14] =	wrdreg s20  }
0x36: {  	[spmem:s20], [sflag:s9] =	dma.local [hbm:s4], $0x9C4  }
0x37: {  	_ =	swait.ge [sflag:s18], $0x9C4  }
0x38: {  	[sflag:s18] =	ssyncset.done $0x0  }
0x39: {  	s9 =	simm.s32 $0x12000;
	s20 =	rddreg [dreg:$0xa];
	[sflag:s18] =	ssyncadd.s32 $0xFFFFF63C  }
0x3a: {  	[spmem:s20] =	stream.linear.scatter [tilespmem:s9], [sflag:$0x11], $0x1000, $0x38;
	[tilespmem:$0x1CD20] =	vst v63  }
0x3b: {  	_ =	swait.ge [sflag:s18], $0x1000  }
0x3c: {  	[sflag:s18] =	ssyncset.done $0x0  }
0x3d: {  	s20 =	rddreg [dreg:$0xb];
	[sflag:s18] =	ssyncadd.s32 $0xFFFFF000  }
0x3e: {  	[spmem:s20] =	stream.linear.scatter [tilespmem:s9], [sflag:$0x11], $0x1000, $0x38;
	[tilespmem:$0x1CD20] =	vst v63  }
0x3f: {  	_ =	swait.ge [sflag:s18], $0x1000  }
0x40: {  	[sflag:s18] =	ssyncset.done $0x0  }
0x41: {  	s20 =	rddreg [dreg:$0xc];
	[sflag:s18] =	ssyncadd.s32 $0xFFFFF000  }
0x42: {  	[spmem:s20] =	stream.linear.scatter [tilespmem:s9], [sflag:$0x11], $0x1000, $0x38;
	[tilespmem:$0x1CD20] =	vst v63  }
0x43: {  	_ =	swait.ge [sflag:s18], $0x1000  }
0x44: {  	[sflag:s18] =	ssyncset.done $0x0  }
0x45: {  	s20 =	rddreg [dreg:$0xd];
	[sflag:s18] =	ssyncadd.s32 $0xFFFFF000  }
0x46: {  	[spmem:s20] =	stream.linear.scatter [tilespmem:s9], [sflag:$0x11], $0x1000, $0x38;
	[tilespmem:$0x1CD20] =	vst v63  }
0x47: {  	_ =	swait.ge [sflag:s18], $0x1000  }
0x48: {  	[sflag:s18] =	ssyncset.done $0x0  }
0x49: {  	s20 =	rddreg [dreg:$0xe];
	[sflag:s18] =	ssyncadd.s32 $0xFFFFF000  }
0x4a: {  	[spmem:s20] =	stream.linear.scatter [tilespmem:s9], [sflag:$0x11], $0xF00, $0x38;
	[tilespmem:$0x1CD20] =	vst v63  }
0x4b: {  	_ =	swait.ge [sflag:s18], $0xF00  }
0x4c: {  	[sflag:s18] =	ssyncset.done $0x0  }
0x4d: {  	[sflag:s18] =	ssyncadd.s32 $0xFFFFF100  }
0x4e: {  	s20 =	simm.s32 $0x0;
	[bflag:$0x0] =	sbarrier.arrive $0xFFFF  }
0x4f: {  	[tilespmem:s22], [sflag:$0x1] =	stream.indirect.gather [spmem:s2], $0x20, s20, s21, $0xb8;
	[tilespmem:$0x1CD20] =	vst v63  }
0x50: {  	s9 =	simm.s32 $0x80  }
0x51: {  	[tilespmem:s23], [sflag:$0x2] =	stream.indirect.gather [spmem:s2], $0x20, s9, s21, $0xb8;
	[tilespmem:$0x1CD20] =	vst v63  }
0x52: {  	s18 =	simm.s32 $0x100  }
0x53: {  	[tilespmem:s24], [sflag:$0x3] =	stream.indirect.gather [spmem:s2], $0x20, s18, s21, $0xb8;
	[tilespmem:$0x1CD20] =	vst v63  }
0x54: {  	s20 =	simm.s32 $0x180  }
0x55: {  	[tilespmem:s25], [sflag:$0x4] =	stream.indirect.gather [spmem:s2], $0x20, s20, s21, $0xb8;
	[tilespmem:$0x1CD20] =	vst v63  }
0x56: {  	s9 =	simm.s32 $0x200  }
0x57: {  	[tilespmem:s26], [sflag:$0x5] =	stream.indirect.gather [spmem:s2], $0x20, s9, s21, $0xb8;
	[tilespmem:$0x1CD20] =	vst v63  }
0x58: {  	s18 =	simm.s32 $0x280  }
0x59: {  	[tilespmem:s28], [sflag:$0x6] =	stream.indirect.gather [spmem:s2], $0x20, s18, s21, $0xb8;
	[tilespmem:$0x1CD20] =	vst v63  }
0x5a: {  	s20 =	simm.s32 $0x300  }
0x5b: {  	[tilespmem:s29], [sflag:$0x7] =	stream.indirect.gather [spmem:s2], $0x20, s20, s21, $0xb8;
	[tilespmem:$0x1CD20] =	vst v63  }
0x5c: {  	s9 =	simm.s32 $0x380  }
0x5d: {  	[tilespmem:s30], [sflag:$0x8] =	stream.indirect.gather [spmem:s2], $0x20, s9, s21, $0xb8;
	[tilespmem:$0x1CD20] =	vst v63  }
0x5e: {  	_ =	swait.ge [sflag:s31], $0x1000  }
0x5f: {  	[sflag:s31] =	ssyncset.done $0x0  }
0x60: {  	s18 =	simm.s32 $0x5000;
	[sflag:s31] =	ssyncadd.s32 $0xFFFFF000  }
0x61: {  	[spmem:s3] =	stream.indirect.scatter.add.f32 [tilespmem:s22], [sflag:$0x9], $0x20, s18, s21, $0xb8;
	[tilespmem:$0x1CD20] =	vst v63  }
0x62: {  	_ =	swait.ge [sflag:s0], $0x1000  }
0x63: {  	[sflag:s0] =	ssyncset.done $0x0  }
0x64: {  	s20 =	simm.s32 $0x5080;
	[sflag:s0] =	ssyncadd.s32 $0xFFFFF000  }
0x65: {  	[spmem:s3] =	stream.indirect.scatter.add.f32 [tilespmem:s23], [sflag:$0xA], $0x20, s20, s21, $0xb8;
	[tilespmem:$0x1CD20] =	vst v63  }
0x66: {  	_ =	swait.ge [sflag:s19], $0x1000  }
0x67: {  	[sflag:s19] =	ssyncset.done $0x0  }
0x68: {  	s9 =	simm.s32 $0x5100;
	[sflag:s19] =	ssyncadd.s32 $0xFFFFF000  }
0x69: {  	[spmem:s3] =	stream.indirect.scatter.add.f32 [tilespmem:s24], [sflag:$0xB], $0x20, s9, s21, $0xb8;
	[tilespmem:$0x1CD20] =	vst v63  }
0x6a: {  	_ =	swait.ge [sflag:s1], $0x1000  }
0x6b: {  	[sflag:s1] =	ssyncset.done $0x0  }
0x6c: {  	s18 =	simm.s32 $0x5180;
	[sflag:s1] =	ssyncadd.s32 $0xFFFFF000  }
0x6d: {  	[spmem:s3] =	stream.indirect.scatter.add.f32 [tilespmem:s25], [sflag:$0xC], $0x20, s18, s21, $0xb8;
	[tilespmem:$0x1CD20] =	vst v63  }
0x6e: {  	_ =	swait.ge [sflag:s5], $0x1000  }
0x6f: {  	[sflag:s5] =	ssyncset.done $0x0  }
0x70: {  	s20 =	simm.s32 $0x5200;
	[sflag:s5] =	ssyncadd.s32 $0xFFFFF000  }
0x71: {  	[spmem:s3] =	stream.indirect.scatter.add.f32 [tilespmem:s26], [sflag:$0xD], $0x20, s20, s21, $0xb8;
	[tilespmem:$0x1CD20] =	vst v63  }
0x72: {  	_ =	swait.ge [sflag:s6], $0x1000  }
0x73: {  	[sflag:s6] =	ssyncset.done $0x0  }
0x74: {  	s9 =	simm.s32 $0x5280;
	[sflag:s6] =	ssyncadd.s32 $0xFFFFF000  }
0x75: {  	[spmem:s3] =	stream.indirect.scatter.add.f32 [tilespmem:s28], [sflag:$0xE], $0x20, s9, s21, $0xb8;
	[tilespmem:$0x1CD20] =	vst v63  }
0x76: {  	_ =	swait.ge [sflag:s7], $0x1000  }
0x77: {  	[sflag:s7] =	ssyncset.done $0x0  }
0x78: {  	s18 =	simm.s32 $0x5300;
	[sflag:s7] =	ssyncadd.s32 $0xFFFFF000  }
0x79: {  	[spmem:s3] =	stream.indirect.scatter.add.f32 [tilespmem:s29], [sflag:$0xF], $0x20, s18, s21, $0xb8;
	[tilespmem:$0x1CD20] =	vst v63  }
0x7a: {  	_ =	swait.ge [sflag:s8], $0x1000  }
0x7b: {  	[sflag:s8] =	ssyncset.done $0x0  }
0x7c: {  	s20 =	simm.s32 $0x5380;
	[sflag:s8] =	ssyncadd.s32 $0xFFFFF000  }
0x7d: {  	[spmem:s3] =	stream.indirect.scatter.add.f32 [tilespmem:s30], [sflag:$0x10], $0x20, s20, s21, $0xb8;
	[tilespmem:$0x1CD20] =	vst v63  }
0x7e: {  	_ =	swait.ge [sflag:s14], $0x1000  }
0x7f: {  	[sflag:s14] =	ssyncset.done $0x0  }
0x80: {  	[sflag:s14] =	ssyncadd.s32 $0xFFFFF000  }
0x81: {  	_ =	swait.ge [sflag:s15], $0x1000  }
0x82: {  	[sflag:s15] =	ssyncset.done $0x0  }
0x83: {  	[sflag:s15] =	ssyncadd.s32 $0xFFFFF000  }
0x84: {  	_ =	swait.ge [sflag:s16], $0x1000  }
0x85: {  	[sflag:s16] =	ssyncset.done $0x0  }
0x86: {  	[sflag:s16] =	ssyncadd.s32 $0xFFFFF000  }
0x87: {  	_ =	swait.ge [sflag:s17], $0x1000  }
0x88: {  	[sflag:s17] =	ssyncset.done $0x0  }
0x89: {  	[sflag:s17] =	ssyncadd.s32 $0xFFFFF000  }
0x8a: {  	_ =	swait.ge [sflag:s10], $0x1000  }
0x8b: {  	[sflag:s10] =	ssyncset.done $0x0  }
0x8c: {  	[sflag:s10] =	ssyncadd.s32 $0xFFFFF000  }
0x8d: {  	_ =	swait.ge [sflag:s11], $0x1000  }
0x8e: {  	[sflag:s11] =	ssyncset.done $0x0  }
0x8f: {  	[sflag:s11] =	ssyncadd.s32 $0xFFFFF000  }
0x90: {  	_ =	swait.ge [sflag:s12], $0x1000  }
0x91: {  	[sflag:s12] =	ssyncset.done $0x0  }
0x92: {  	[sflag:s12] =	ssyncadd.s32 $0xFFFFF000  }
0x93: {  	_ =	swait.ge [sflag:s13], $0x1000  }
0x94: {  	s9 =	simm.s32 $0x1000;
	s20 =	simm.s32 $0x2000;
	[sflag:s13] =	ssyncset.done $0x0  }
.LBB2_4:
0x95: {  	s4 =	sshra.s32 s9, $0x2  }
0x96: {  	[sflag:s13] =	ssyncadd.s32 $0xFFFFF000;
	s9 =	smov.u32 s20;
	s18 =	sadd.s32 $0x1000, s20  }
0x97: {  	[tilespmem:s22], [sflag:$0x1] =	stream.indirect.gather [spmem:s2], $0x20, s4, s21, $0xb8;
	[tilespmem:$0x1CD20] =	vst v63  }
0x98: {  	p0 =	sne.s32 s20, $0x13000;
	s20 =	sadd.s32 $0x80, s4  }
0x99: {  	[tilespmem:s23], [sflag:$0x2] =	stream.indirect.gather [spmem:s2], $0x20, s20, s21, $0xb8;
	[tilespmem:$0x1CD20] =	vst v63  }
0x9a: {  	s20 =	sadd.s32 $0x100, s4  }
0x9b: {  	[tilespmem:s24], [sflag:$0x3] =	stream.indirect.gather [spmem:s2], $0x20, s20, s21, $0xb8;
	[tilespmem:$0x1CD20] =	vst v63  }
0x9c: {  	s20 =	sadd.s32 $0x180, s4  }
0x9d: {  	[tilespmem:s25], [sflag:$0x4] =	stream.indirect.gather [spmem:s2], $0x20, s20, s21, $0xb8;
	[tilespmem:$0x1CD20] =	vst v63  }
0x9e: {  	s20 =	sadd.s32 $0x200, s4  }
0x9f: {  	[tilespmem:s26], [sflag:$0x5] =	stream.indirect.gather [spmem:s2], $0x20, s20, s21, $0xb8;
	[tilespmem:$0x1CD20] =	vst v63  }
0xa0: {  	s20 =	sadd.s32 $0x280, s4  }
0xa1: {  	[tilespmem:s28], [sflag:$0x6] =	stream.indirect.gather [spmem:s2], $0x20, s20, s21, $0xb8;
	[tilespmem:$0x1CD20] =	vst v63  }
0xa2: {  	s20 =	sadd.s32 $0x300, s4  }
0xa3: {  	[tilespmem:s29], [sflag:$0x7] =	stream.indirect.gather [spmem:s2], $0x20, s20, s21, $0xb8;
	[tilespmem:$0x1CD20] =	vst v63  }
0xa4: {  	s20 =	sadd.s32 $0x380, s4  }
0xa5: {  	[tilespmem:s30], [sflag:$0x8] =	stream.indirect.gather [spmem:s2], $0x20, s20, s21, $0xb8;
	[tilespmem:$0x1CD20] =	vst v63  }
0xa6: {  	_ =	swait.ge [sflag:s31], $0x1000  }
0xa7: {  	[sflag:s31] =	ssyncset.done $0x0  }
0xa8: {  	s20 =	sadd.s32 $0x5000, s4;
	[sflag:s31] =	ssyncadd.s32 $0xFFFFF000  }
0xa9: {  	[spmem:s3] =	stream.indirect.scatter.add.f32 [tilespmem:s22], [sflag:$0x9], $0x20, s20, s21, $0xb8;
	[tilespmem:$0x1CD20] =	vst v63  }
0xaa: {  	_ =	swait.ge [sflag:s0], $0x1000  }
0xab: {  	[sflag:s0] =	ssyncset.done $0x0  }
0xac: {  	s20 =	sadd.s32 $0x5080, s4;
	[sflag:s0] =	ssyncadd.s32 $0xFFFFF000  }
0xad: {  	[spmem:s3] =	stream.indirect.scatter.add.f32 [tilespmem:s23], [sflag:$0xA], $0x20, s20, s21, $0xb8;
	[tilespmem:$0x1CD20] =	vst v63  }
0xae: {  	_ =	swait.ge [sflag:s19], $0x1000  }
0xaf: {  	[sflag:s19] =	ssyncset.done $0x0  }
0xb0: {  	s20 =	sadd.s32 $0x5100, s4;
	[sflag:s19] =	ssyncadd.s32 $0xFFFFF000  }
0xb1: {  	[spmem:s3] =	stream.indirect.scatter.add.f32 [tilespmem:s24], [sflag:$0xB], $0x20, s20, s21, $0xb8;
	[tilespmem:$0x1CD20] =	vst v63  }
0xb2: {  	_ =	swait.ge [sflag:s1], $0x1000  }
0xb3: {  	[sflag:s1] =	ssyncset.done $0x0  }
0xb4: {  	s20 =	sadd.s32 $0x5180, s4;
	[sflag:s1] =	ssyncadd.s32 $0xFFFFF000  }
0xb5: {  	[spmem:s3] =	stream.indirect.scatter.add.f32 [tilespmem:s25], [sflag:$0xC], $0x20, s20, s21, $0xb8;
	[tilespmem:$0x1CD20] =	vst v63  }
0xb6: {  	_ =	swait.ge [sflag:s5], $0x1000  }
0xb7: {  	[sflag:s5] =	ssyncset.done $0x0  }
0xb8: {  	s20 =	sadd.s32 $0x5200, s4;
	[sflag:s5] =	ssyncadd.s32 $0xFFFFF000  }
0xb9: {  	[spmem:s3] =	stream.indirect.scatter.add.f32 [tilespmem:s26], [sflag:$0xD], $0x20, s20, s21, $0xb8;
	[tilespmem:$0x1CD20] =	vst v63  }
0xba: {  	_ =	swait.ge [sflag:s6], $0x1000  }
0xbb: {  	[sflag:s6] =	ssyncset.done $0x0  }
0xbc: {  	s20 =	sadd.s32 $0x5280, s4;
	[sflag:s6] =	ssyncadd.s32 $0xFFFFF000  }
0xbd: {  	[spmem:s3] =	stream.indirect.scatter.add.f32 [tilespmem:s28], [sflag:$0xE], $0x20, s20, s21, $0xb8;
	[tilespmem:$0x1CD20] =	vst v63  }
0xbe: {  	_ =	swait.ge [sflag:s7], $0x1000  }
0xbf: {  	[sflag:s7] =	ssyncset.done $0x0  }
0xc0: {  	s20 =	sadd.s32 $0x5300, s4;
	[sflag:s7] =	ssyncadd.s32 $0xFFFFF000  }
0xc1: {  	[spmem:s3] =	stream.indirect.scatter.add.f32 [tilespmem:s29], [sflag:$0xF], $0x20, s20, s21, $0xb8;
	[tilespmem:$0x1CD20] =	vst v63  }
0xc2: {  	_ =	swait.ge [sflag:s8], $0x1000  }
0xc3: {  	[sflag:s8] =	ssyncset.done $0x0  }
0xc4: {  	s4 =	sadd.s32 $0x5380, s4;
	[sflag:s8] =	ssyncadd.s32 $0xFFFFF000  }
0xc5: {  	[spmem:s3] =	stream.indirect.scatter.add.f32 [tilespmem:s30], [sflag:$0x10], $0x20, s4, s21, $0xb8;
	[tilespmem:$0x1CD20] =	vst v63  }
0xc6: {  	_ =	swait.ge [sflag:s14], $0x1000  }
0xc7: {  	[sflag:s14] =	ssyncset.done $0x0  }
0xc8: {  	[sflag:s14] =	ssyncadd.s32 $0xFFFFF000  }
0xc9: {  	_ =	swait.ge [sflag:s15], $0x1000  }
0xca: {  	[sflag:s15] =	ssyncset.done $0x0  }
0xcb: {  	[sflag:s15] =	ssyncadd.s32 $0xFFFFF000  }
0xcc: {  	_ =	swait.ge [sflag:s16], $0x1000  }
0xcd: {  	[sflag:s16] =	ssyncset.done $0x0  }
0xce: {  	[sflag:s16] =	ssyncadd.s32 $0xFFFFF000  }
0xcf: {  	_ =	swait.ge [sflag:s17], $0x1000  }
0xd0: {  	[sflag:s17] =	ssyncset.done $0x0  }
0xd1: {  	[sflag:s17] =	ssyncadd.s32 $0xFFFFF000  }
0xd2: {  	_ =	swait.ge [sflag:s10], $0x1000  }
0xd3: {  	[sflag:s10] =	ssyncset.done $0x0  }
0xd4: {  	[sflag:s10] =	ssyncadd.s32 $0xFFFFF000  }
0xd5: {  	_ =	swait.ge [sflag:s11], $0x1000  }
0xd6: {  	[sflag:s11] =	ssyncset.done $0x0  }
0xd7: {  	[sflag:s11] =	ssyncadd.s32 $0xFFFFF000  }
.Ltmp1:
0xd8: {  	_ =	swait.ge [sflag:s12], $0x1000;
	(pc) =	sbr.rel @p0 .LBB2_4-.Ltmp1, $4  }
0xd9: {  	[sflag:s12] =	ssyncset.done $0x0  }
0xda: {  	[sflag:s12] =	ssyncadd.s32 $0xFFFFF000  }
0xdb: {  	_ =	swait.ge [sflag:s13], $0x1000  }
0xdc: {  	s20 =	smov.u32 s18;
	[sflag:s13] =	ssyncset.done $0x0  }
0xdd: {  	s4 =	sshra.s32 s9, $0x2;
	[sflag:s13] =	ssyncadd.s32 $0xFFFFF000  }
0xde: {  	[tilespmem:s22], [sflag:$0x1] =	stream.indirect.gather [spmem:s2], $0x20, s4, s21, $0xb8;
	[tilespmem:$0x1CD20] =	vst v63  }
0xdf: {  	s9 =	sadd.s32 $0x80, s4  }
0xe0: {  	[tilespmem:s23], [sflag:$0x2] =	stream.indirect.gather [spmem:s2], $0x20, s9, s21, $0xb8;
	[tilespmem:$0x1CD20] =	vst v63  }
0xe1: {  	s20 =	sadd.s32 $0x100, s4  }
0xe2: {  	[tilespmem:s24], [sflag:$0x3] =	stream.indirect.gather [spmem:s2], $0x20, s20, s21, $0xb8;
	[tilespmem:$0x1CD20] =	vst v63  }
0xe3: {  	s18 =	sadd.s32 $0x180, s4  }
0xe4: {  	[tilespmem:s25], [sflag:$0x4] =	stream.indirect.gather [spmem:s2], $0x20, s18, s21, $0xb8;
	[tilespmem:$0x1CD20] =	vst v63  }
0xe5: {  	s20 =	sadd.s32 $0x200, s4  }
0xe6: {  	[tilespmem:s26], [sflag:$0x5] =	stream.indirect.gather [spmem:s2], $0x20, s20, s21, $0xb8;
	[tilespmem:$0x1CD20] =	vst v63  }
0xe7: {  	s18 =	sadd.s32 $0x280, s4  }
0xe8: {  	[tilespmem:s28], [sflag:$0x6] =	stream.indirect.gather [spmem:s2], $0x20, s18, s21, $0xb8;
	[tilespmem:$0x1CD20] =	vst v63  }
0xe9: {  	s20 =	sadd.s32 $0x300, s4  }
0xea: {  	[tilespmem:s29], [sflag:$0x7] =	stream.indirect.gather [spmem:s2], $0x20, s20, s21, $0xb8;
	[tilespmem:$0x1CD20] =	vst v63  }
0xeb: {  	s18 =	sadd.s32 $0x380, s4  }
0xec: {  	[tilespmem:s30], [sflag:$0x8] =	stream.indirect.gather [spmem:s2], $0x20, s18, s21, $0xb8;
	[tilespmem:$0x1CD20] =	vst v63  }
0xed: {  	_ =	swait.ge [sflag:s31], $0x1000  }
0xee: {  	[sflag:s31] =	ssyncset.done $0x0  }
0xef: {  	s20 =	sadd.s32 $0x5000, s4;
	[sflag:s31] =	ssyncadd.s32 $0xFFFFF000  }
0xf0: {  	[spmem:s3] =	stream.indirect.scatter.add.f32 [tilespmem:s22], [sflag:$0x9], $0x20, s20, s21, $0xb8;
	[tilespmem:$0x1CD20] =	vst v63  }
0xf1: {  	_ =	swait.ge [sflag:s0], $0x1000  }
0xf2: {  	[sflag:s0] =	ssyncset.done $0x0  }
0xf3: {  	s18 =	sadd.s32 $0x5080, s4;
	[sflag:s0] =	ssyncadd.s32 $0xFFFFF000  }
0xf4: {  	[spmem:s3] =	stream.indirect.scatter.add.f32 [tilespmem:s23], [sflag:$0xA], $0x20, s18, s21, $0xb8;
	[tilespmem:$0x1CD20] =	vst v63  }
0xf5: {  	_ =	swait.ge [sflag:s19], $0x1000  }
0xf6: {  	[sflag:s19] =	ssyncset.done $0x0  }
0xf7: {  	s20 =	sadd.s32 $0x5100, s4;
	[sflag:s19] =	ssyncadd.s32 $0xFFFFF000  }
0xf8: {  	[spmem:s3] =	stream.indirect.scatter.add.f32 [tilespmem:s24], [sflag:$0xB], $0x20, s20, s21, $0xb8;
	[tilespmem:$0x1CD20] =	vst v63  }
0xf9: {  	_ =	swait.ge [sflag:s1], $0x1000  }
0xfa: {  	[sflag:s1] =	ssyncset.done $0x0  }
0xfb: {  	s18 =	sadd.s32 $0x5180, s4;
	[sflag:s1] =	ssyncadd.s32 $0xFFFFF000  }
0xfc: {  	[spmem:s3] =	stream.indirect.scatter.add.f32 [tilespmem:s25], [sflag:$0xC], $0x20, s18, s21, $0xb8;
	[tilespmem:$0x1CD20] =	vst v63  }
0xfd: {  	_ =	swait.ge [sflag:s5], $0x1000  }
0xfe: {  	[sflag:s5] =	ssyncset.done $0x0  }
0xff: {  	s20 =	sadd.s32 $0x5200, s4;
	[sflag:s5] =	ssyncadd.s32 $0xFFFFF000  }
0x100: {  	[spmem:s3] =	stream.indirect.scatter.add.f32 [tilespmem:s26], [sflag:$0xD], $0x20, s20, s21, $0xb8;
	[tilespmem:$0x1CD20] =	vst v63  }
0x101: {  	_ =	swait.ge [sflag:s6], $0x1000  }
0x102: {  	[sflag:s6] =	ssyncset.done $0x0  }
0x103: {  	s18 =	sadd.s32 $0x5280, s4;
	[sflag:s6] =	ssyncadd.s32 $0xFFFFF000  }
0x104: {  	[spmem:s3] =	stream.indirect.scatter.add.f32 [tilespmem:s28], [sflag:$0xE], $0x20, s18, s21, $0xb8;
	[tilespmem:$0x1CD20] =	vst v63  }
0x105: {  	_ =	swait.ge [sflag:s7], $0x1000  }
0x106: {  	[sflag:s7] =	ssyncset.done $0x0  }
0x107: {  	s20 =	sadd.s32 $0x5300, s4;
	[sflag:s7] =	ssyncadd.s32 $0xFFFFF000  }
0x108: {  	[spmem:s3] =	stream.indirect.scatter.add.f32 [tilespmem:s29], [sflag:$0xF], $0x20, s20, s21, $0xb8;
	[tilespmem:$0x1CD20] =	vst v63  }
0x109: {  	_ =	swait.ge [sflag:s8], $0x1000  }
0x10a: {  	[sflag:s8] =	ssyncset.done $0x0  }
0x10b: {  	s4 =	sadd.s32 $0x5380, s4;
	[sflag:s8] =	ssyncadd.s32 $0xFFFFF000  }
0x10c: {  	[spmem:s3] =	stream.indirect.scatter.add.f32 [tilespmem:s30], [sflag:$0x10], $0x20, s4, s21, $0xb8;
	[tilespmem:$0x1CD20] =	vst v63  }
0x10d: {  	_ =	swait.ge [sflag:s14], $0x1000  }
0x10e: {  	[sflag:s14] =	ssyncset.done $0x0  }
0x10f: {  	[sflag:s14] =	ssyncadd.s32 $0xFFFFF000  }
0x110: {  	_ =	swait.ge [sflag:s15], $0x1000  }
0x111: {  	[sflag:s15] =	ssyncset.done $0x0  }
0x112: {  	[sflag:s15] =	ssyncadd.s32 $0xFFFFF000  }
0x113: {  	_ =	swait.ge [sflag:s16], $0x1000  }
0x114: {  	[sflag:s16] =	ssyncset.done $0x0  }
0x115: {  	[sflag:s16] =	ssyncadd.s32 $0xFFFFF000  }
0x116: {  	_ =	swait.ge [sflag:s17], $0x1000  }
0x117: {  	[sflag:s17] =	ssyncset.done $0x0  }
0x118: {  	[sflag:s17] =	ssyncadd.s32 $0xFFFFF000  }
0x119: {  	_ =	swait.ge [sflag:s10], $0x1000  }
0x11a: {  	[sflag:s10] =	ssyncset.done $0x0  }
0x11b: {  	[sflag:s10] =	ssyncadd.s32 $0xFFFFF000  }
0x11c: {  	_ =	swait.ge [sflag:s11], $0x1000  }
0x11d: {  	[sflag:s11] =	ssyncset.done $0x0  }
0x11e: {  	[sflag:s11] =	ssyncadd.s32 $0xFFFFF000  }
0x11f: {  	_ =	swait.ge [sflag:s12], $0x1000  }
0x120: {  	[sflag:s12] =	ssyncset.done $0x0  }
0x121: {  	[sflag:s12] =	ssyncadd.s32 $0xFFFFF000  }
0x122: {  	_ =	swait.ge [sflag:s13], $0x1000  }
0x123: {  	[sflag:s13] =	ssyncset.done $0x0  }
0x124: {  	[sflag:s13] =	ssyncadd.s32 $0xFFFFF000  }
0x125: {  	[bflag:$0x0] =	sbarrier.arrive $0xFFFF  }
0x126: {  	s9 =	rddreg [dreg:$0xa]  }
0x127: {  	s18 =	rddreg [dreg:$0xf]  }
0x128: {  	s20 =	rddreg [dreg:$0x13];
	s4 =	sshrl.u32 s9, $0x3  }
0x129: {  	[dreg:$0x15] =	wrdreg s4  }
0x12a: {  	[hbm:s18], [sflag:s20] =	dma.local [spmem:s4], $0x9E0  }
0x12b: {  	s18 =	simm.s32 $0x11  }
0x12c: {  	_ =	swait.ge [sflag:s18], $0x9E0  }
0x12d: {  	[sflag:s18] =	ssyncset.done $0x0  }
0x12e: {  	[sflag:s18] =	ssyncadd.s32 $0xFFFFF620  }
0x12f: {  	[bflag:$0x0] =	sbarrier.arrive $0xFFFF  }
0x130: {  	s9 =	rddreg [dreg:$0x10]  }
0x131: {  	s4 =	rddreg [dreg:$0x14]  }
0x132: {  	[spmem:s4], [sflag:s20] =	dma.local [hbm:s9], $0x9C4  }
0x133: {  	_ =	swait.ge [sflag:s18], $0x9C4  }
0x134: {  	[sflag:s18] =	ssyncset.done $0x0  }
0x135: {  	s9 =	simm.s32 $0x12000;
	s20 =	rddreg [dreg:$0xa];
	[sflag:s18] =	ssyncadd.s32 $0xFFFFF63C  }
0x136: {  	[spmem:s20] =	stream.linear.scatter [tilespmem:s9], [sflag:$0x11], $0x1000, $0x38;
	[tilespmem:$0x1CD20] =	vst v63  }
0x137: {  	_ =	swait.ge [sflag:s18], $0x1000  }
0x138: {  	[sflag:s18] =	ssyncset.done $0x0  }
0x139: {  	s20 =	rddreg [dreg:$0xb];
	[sflag:s18] =	ssyncadd.s32 $0xFFFFF000  }
0x13a: {  	[spmem:s20] =	stream.linear.scatter [tilespmem:s9], [sflag:$0x11], $0x1000, $0x38;
	[tilespmem:$0x1CD20] =	vst v63  }
0x13b: {  	_ =	swait.ge [sflag:s18], $0x1000  }
0x13c: {  	[sflag:s18] =	ssyncset.done $0x0  }
0x13d: {  	s20 =	rddreg [dreg:$0xc];
	[sflag:s18] =	ssyncadd.s32 $0xFFFFF000  }
0x13e: {  	[spmem:s20] =	stream.linear.scatter [tilespmem:s9], [sflag:$0x11], $0x1000, $0x38;
	[tilespmem:$0x1CD20] =	vst v63  }
0x13f: {  	_ =	swait.ge [sflag:s18], $0x1000  }
0x140: {  	[sflag:s18] =	ssyncset.done $0x0  }
0x141: {  	s20 =	rddreg [dreg:$0xd];
	[sflag:s18] =	ssyncadd.s32 $0xFFFFF000  }
0x142: {  	[spmem:s20] =	stream.linear.scatter [tilespmem:s9], [sflag:$0x11], $0x1000, $0x38;
	[tilespmem:$0x1CD20] =	vst v63  }
0x143: {  	_ =	swait.ge [sflag:s18], $0x1000  }
0x144: {  	[sflag:s18] =	ssyncset.done $0x0  }
0x145: {  	s20 =	rddreg [dreg:$0xe];
	[sflag:s18] =	ssyncadd.s32 $0xFFFFF000  }
0x146: {  	[spmem:s20] =	stream.linear.scatter [tilespmem:s9], [sflag:$0x11], $0xF00, $0x38;
	[tilespmem:$0x1CD20] =	vst v63  }
0x147: {  	_ =	swait.ge [sflag:s18], $0xF00  }
0x148: {  	[sflag:s18] =	ssyncset.done $0x0  }
0x149: {  	[sflag:s18] =	ssyncadd.s32 $0xFFFFF100  }
0x14a: {  	s20 =	simm.s32 $0x0;
	[bflag:$0x0] =	sbarrier.arrive $0xFFFF  }
0x14b: {  	[tilespmem:s22], [sflag:$0x1] =	stream.indirect.gather [spmem:s2], $0x20, s20, s21, $0xb8;
	[tilespmem:$0x1CD20] =	vst v63  }
0x14c: {  	s9 =	simm.s32 $0x80  }
0x14d: {  	[tilespmem:s23], [sflag:$0x2] =	stream.indirect.gather [spmem:s2], $0x20, s9, s21, $0xb8;
	[tilespmem:$0x1CD20] =	vst v63  }
0x14e: {  	s18 =	simm.s32 $0x100  }
0x14f: {  	[tilespmem:s24], [sflag:$0x3] =	stream.indirect.gather [spmem:s2], $0x20, s18, s21, $0xb8;
	[tilespmem:$0x1CD20] =	vst v63  }
0x150: {  	s20 =	simm.s32 $0x180  }
0x151: {  	[tilespmem:s25], [sflag:$0x4] =	stream.indirect.gather [spmem:s2], $0x20, s20, s21, $0xb8;
	[tilespmem:$0x1CD20] =	vst v63  }
0x152: {  	s9 =	simm.s32 $0x200  }
0x153: {  	[tilespmem:s26], [sflag:$0x5] =	stream.indirect.gather [spmem:s2], $0x20, s9, s21, $0xb8;
	[tilespmem:$0x1CD20] =	vst v63  }
0x154: {  	s18 =	simm.s32 $0x280  }
0x155: {  	[tilespmem:s28], [sflag:$0x6] =	stream.indirect.gather [spmem:s2], $0x20, s18, s21, $0xb8;
	[tilespmem:$0x1CD20] =	vst v63  }
0x156: {  	s20 =	simm.s32 $0x300  }
0x157: {  	[tilespmem:s29], [sflag:$0x7] =	stream.indirect.gather [spmem:s2], $0x20, s20, s21, $0xb8;
	[tilespmem:$0x1CD20] =	vst v63  }
0x158: {  	s9 =	simm.s32 $0x380  }
0x159: {  	[tilespmem:s30], [sflag:$0x8] =	stream.indirect.gather [spmem:s2], $0x20, s9, s21, $0xb8;
	[tilespmem:$0x1CD20] =	vst v63  }
0x15a: {  	_ =	swait.ge [sflag:s31], $0x1000  }
0x15b: {  	[sflag:s31] =	ssyncset.done $0x0  }
0x15c: {  	s18 =	simm.s32 $0x5000;
	[sflag:s31] =	ssyncadd.s32 $0xFFFFF000  }
0x15d: {  	[spmem:s3] =	stream.indirect.scatter.add.f32 [tilespmem:s22], [sflag:$0x9], $0x20, s18, s21, $0xb8;
	[tilespmem:$0x1CD20] =	vst v63  }
0x15e: {  	_ =	swait.ge [sflag:s0], $0x1000  }
0x15f: {  	[sflag:s0] =	ssyncset.done $0x0  }
0x160: {  	s20 =	simm.s32 $0x5080;
	[sflag:s0] =	ssyncadd.s32 $0xFFFFF000  }
0x161: {  	[spmem:s3] =	stream.indirect.scatter.add.f32 [tilespmem:s23], [sflag:$0xA], $0x20, s20, s21, $0xb8;
	[tilespmem:$0x1CD20] =	vst v63  }
0x162: {  	_ =	swait.ge [sflag:s19], $0x1000  }
0x163: {  	[sflag:s19] =	ssyncset.done $0x0  }
0x164: {  	s9 =	simm.s32 $0x5100;
	[sflag:s19] =	ssyncadd.s32 $0xFFFFF000  }
0x165: {  	[spmem:s3] =	stream.indirect.scatter.add.f32 [tilespmem:s24], [sflag:$0xB], $0x20, s9, s21, $0xb8;
	[tilespmem:$0x1CD20] =	vst v63  }
0x166: {  	_ =	swait.ge [sflag:s1], $0x1000  }
0x167: {  	[sflag:s1] =	ssyncset.done $0x0  }
0x168: {  	s18 =	simm.s32 $0x5180;
	[sflag:s1] =	ssyncadd.s32 $0xFFFFF000  }
0x169: {  	[spmem:s3] =	stream.indirect.scatter.add.f32 [tilespmem:s25], [sflag:$0xC], $0x20, s18, s21, $0xb8;
	[tilespmem:$0x1CD20] =	vst v63  }
0x16a: {  	_ =	swait.ge [sflag:s5], $0x1000  }
0x16b: {  	[sflag:s5] =	ssyncset.done $0x0  }
0x16c: {  	s20 =	simm.s32 $0x5200;
	[sflag:s5] =	ssyncadd.s32 $0xFFFFF000  }
0x16d: {  	[spmem:s3] =	stream.indirect.scatter.add.f32 [tilespmem:s26], [sflag:$0xD], $0x20, s20, s21, $0xb8;
	[tilespmem:$0x1CD20] =	vst v63  }
0x16e: {  	_ =	swait.ge [sflag:s6], $0x1000  }
0x16f: {  	[sflag:s6] =	ssyncset.done $0x0  }
0x170: {  	s9 =	simm.s32 $0x5280;
	[sflag:s6] =	ssyncadd.s32 $0xFFFFF000  }
0x171: {  	[spmem:s3] =	stream.indirect.scatter.add.f32 [tilespmem:s28], [sflag:$0xE], $0x20, s9, s21, $0xb8;
	[tilespmem:$0x1CD20] =	vst v63  }
0x172: {  	_ =	swait.ge [sflag:s7], $0x1000  }
0x173: {  	[sflag:s7] =	ssyncset.done $0x0  }
0x174: {  	s18 =	simm.s32 $0x5300;
	[sflag:s7] =	ssyncadd.s32 $0xFFFFF000  }
0x175: {  	[spmem:s3] =	stream.indirect.scatter.add.f32 [tilespmem:s29], [sflag:$0xF], $0x20, s18, s21, $0xb8;
	[tilespmem:$0x1CD20] =	vst v63  }
0x176: {  	_ =	swait.ge [sflag:s8], $0x1000  }
0x177: {  	[sflag:s8] =	ssyncset.done $0x0  }
0x178: {  	s20 =	simm.s32 $0x5380;
	[sflag:s8] =	ssyncadd.s32 $0xFFFFF000  }
0x179: {  	[spmem:s3] =	stream.indirect.scatter.add.f32 [tilespmem:s30], [sflag:$0x10], $0x20, s20, s21, $0xb8;
	[tilespmem:$0x1CD20] =	vst v63  }
0x17a: {  	_ =	swait.ge [sflag:s14], $0x1000  }
0x17b: {  	[sflag:s14] =	ssyncset.done $0x0  }
0x17c: {  	[sflag:s14] =	ssyncadd.s32 $0xFFFFF000  }
0x17d: {  	_ =	swait.ge [sflag:s15], $0x1000  }
0x17e: {  	[sflag:s15] =	ssyncset.done $0x0  }
0x17f: {  	[sflag:s15] =	ssyncadd.s32 $0xFFFFF000  }
0x180: {  	_ =	swait.ge [sflag:s16], $0x1000  }
0x181: {  	[sflag:s16] =	ssyncset.done $0x0  }
0x182: {  	[sflag:s16] =	ssyncadd.s32 $0xFFFFF000  }
0x183: {  	_ =	swait.ge [sflag:s17], $0x1000  }
0x184: {  	[sflag:s17] =	ssyncset.done $0x0  }
0x185: {  	[sflag:s17] =	ssyncadd.s32 $0xFFFFF000  }
0x186: {  	_ =	swait.ge [sflag:s10], $0x1000  }
0x187: {  	[sflag:s10] =	ssyncset.done $0x0  }
0x188: {  	[sflag:s10] =	ssyncadd.s32 $0xFFFFF000  }
0x189: {  	_ =	swait.ge [sflag:s11], $0x1000  }
0x18a: {  	[sflag:s11] =	ssyncset.done $0x0  }
0x18b: {  	[sflag:s11] =	ssyncadd.s32 $0xFFFFF000  }
0x18c: {  	_ =	swait.ge [sflag:s12], $0x1000  }
0x18d: {  	[sflag:s12] =	ssyncset.done $0x0  }
0x18e: {  	[sflag:s12] =	ssyncadd.s32 $0xFFFFF000  }
0x18f: {  	_ =	swait.ge [sflag:s13], $0x1000  }
0x190: {  	s18 =	simm.s32 $0x2000;
	s20 =	simm.s32 $0x1000;
	[sflag:s13] =	ssyncset.done $0x0  }
.LBB2_6:
0x191: {  	s4 =	sshra.s32 s20, $0x2  }
0x192: {  	[sflag:s13] =	ssyncadd.s32 $0xFFFFF000;
	s20 =	smov.u32 s18;
	s9 =	sadd.s32 $0x1000, s18  }
0x193: {  	[tilespmem:s22], [sflag:$0x1] =	stream.indirect.gather [spmem:s2], $0x20, s4, s21, $0xb8;
	[tilespmem:$0x1CD20] =	vst v63  }
0x194: {  	p0 =	sne.s32 s18, $0x13000;
	s18 =	sadd.s32 $0x80, s4  }
0x195: {  	[tilespmem:s23], [sflag:$0x2] =	stream.indirect.gather [spmem:s2], $0x20, s18, s21, $0xb8;
	[tilespmem:$0x1CD20] =	vst v63  }
0x196: {  	s18 =	sadd.s32 $0x100, s4  }
0x197: {  	[tilespmem:s24], [sflag:$0x3] =	stream.indirect.gather [spmem:s2], $0x20, s18, s21, $0xb8;
	[tilespmem:$0x1CD20] =	vst v63  }
0x198: {  	s18 =	sadd.s32 $0x180, s4  }
0x199: {  	[tilespmem:s25], [sflag:$0x4] =	stream.indirect.gather [spmem:s2], $0x20, s18, s21, $0xb8;
	[tilespmem:$0x1CD20] =	vst v63  }
0x19a: {  	s18 =	sadd.s32 $0x200, s4  }
0x19b: {  	[tilespmem:s26], [sflag:$0x5] =	stream.indirect.gather [spmem:s2], $0x20, s18, s21, $0xb8;
	[tilespmem:$0x1CD20] =	vst v63  }
0x19c: {  	s18 =	sadd.s32 $0x280, s4  }
0x19d: {  	[tilespmem:s28], [sflag:$0x6] =	stream.indirect.gather [spmem:s2], $0x20, s18, s21, $0xb8;
	[tilespmem:$0x1CD20] =	vst v63  }
0x19e: {  	s18 =	sadd.s32 $0x300, s4  }
0x19f: {  	[tilespmem:s29], [sflag:$0x7] =	stream.indirect.gather [spmem:s2], $0x20, s18, s21, $0xb8;
	[tilespmem:$0x1CD20] =	vst v63  }
0x1a0: {  	s18 =	sadd.s32 $0x380, s4  }
0x1a1: {  	[tilespmem:s30], [sflag:$0x8] =	stream.indirect.gather [spmem:s2], $0x20, s18, s21, $0xb8;
	[tilespmem:$0x1CD20] =	vst v63  }
0x1a2: {  	_ =	swait.ge [sflag:s31], $0x1000  }
0x1a3: {  	[sflag:s31] =	ssyncset.done $0x0  }
0x1a4: {  	s18 =	sadd.s32 $0x5000, s4;
	[sflag:s31] =	ssyncadd.s32 $0xFFFFF000  }
0x1a5: {  	[spmem:s3] =	stream.indirect.scatter.add.f32 [tilespmem:s22], [sflag:$0x9], $0x20, s18, s21, $0xb8;
	[tilespmem:$0x1CD20] =	vst v63  }
0x1a6: {  	_ =	swait.ge [sflag:s0], $0x1000  }
0x1a7: {  	[sflag:s0] =	ssyncset.done $0x0  }
0x1a8: {  	s18 =	sadd.s32 $0x5080, s4;
	[sflag:s0] =	ssyncadd.s32 $0xFFFFF000  }
0x1a9: {  	[spmem:s3] =	stream.indirect.scatter.add.f32 [tilespmem:s23], [sflag:$0xA], $0x20, s18, s21, $0xb8;
	[tilespmem:$0x1CD20] =	vst v63  }
0x1aa: {  	_ =	swait.ge [sflag:s19], $0x1000  }
0x1ab: {  	[sflag:s19] =	ssyncset.done $0x0  }
0x1ac: {  	s18 =	sadd.s32 $0x5100, s4;
	[sflag:s19] =	ssyncadd.s32 $0xFFFFF000  }
0x1ad: {  	[spmem:s3] =	stream.indirect.scatter.add.f32 [tilespmem:s24], [sflag:$0xB], $0x20, s18, s21, $0xb8;
	[tilespmem:$0x1CD20] =	vst v63  }
0x1ae: {  	_ =	swait.ge [sflag:s1], $0x1000  }
0x1af: {  	[sflag:s1] =	ssyncset.done $0x0  }
0x1b0: {  	s18 =	sadd.s32 $0x5180, s4;
	[sflag:s1] =	ssyncadd.s32 $0xFFFFF000  }
0x1b1: {  	[spmem:s3] =	stream.indirect.scatter.add.f32 [tilespmem:s25], [sflag:$0xC], $0x20, s18, s21, $0xb8;
	[tilespmem:$0x1CD20] =	vst v63  }
0x1b2: {  	_ =	swait.ge [sflag:s5], $0x1000  }
0x1b3: {  	[sflag:s5] =	ssyncset.done $0x0  }
0x1b4: {  	s18 =	sadd.s32 $0x5200, s4;
	[sflag:s5] =	ssyncadd.s32 $0xFFFFF000  }
0x1b5: {  	[spmem:s3] =	stream.indirect.scatter.add.f32 [tilespmem:s26], [sflag:$0xD], $0x20, s18, s21, $0xb8;
	[tilespmem:$0x1CD20] =	vst v63  }
0x1b6: {  	_ =	swait.ge [sflag:s6], $0x1000  }
0x1b7: {  	[sflag:s6] =	ssyncset.done $0x0  }
0x1b8: {  	s18 =	sadd.s32 $0x5280, s4;
	[sflag:s6] =	ssyncadd.s32 $0xFFFFF000  }
0x1b9: {  	[spmem:s3] =	stream.indirect.scatter.add.f32 [tilespmem:s28], [sflag:$0xE], $0x20, s18, s21, $0xb8;
	[tilespmem:$0x1CD20] =	vst v63  }
0x1ba: {  	_ =	swait.ge [sflag:s7], $0x1000  }
0x1bb: {  	[sflag:s7] =	ssyncset.done $0x0  }
0x1bc: {  	s18 =	sadd.s32 $0x5300, s4;
	[sflag:s7] =	ssyncadd.s32 $0xFFFFF000  }
0x1bd: {  	[spmem:s3] =	stream.indirect.scatter.add.f32 [tilespmem:s29], [sflag:$0xF], $0x20, s18, s21, $0xb8;
	[tilespmem:$0x1CD20] =	vst v63  }
0x1be: {  	_ =	swait.ge [sflag:s8], $0x1000  }
0x1bf: {  	[sflag:s8] =	ssyncset.done $0x0  }
0x1c0: {  	s4 =	sadd.s32 $0x5380, s4;
	[sflag:s8] =	ssyncadd.s32 $0xFFFFF000  }
0x1c1: {  	[spmem:s3] =	stream.indirect.scatter.add.f32 [tilespmem:s30], [sflag:$0x10], $0x20, s4, s21, $0xb8;
	[tilespmem:$0x1CD20] =	vst v63  }
0x1c2: {  	_ =	swait.ge [sflag:s14], $0x1000  }
0x1c3: {  	[sflag:s14] =	ssyncset.done $0x0  }
0x1c4: {  	[sflag:s14] =	ssyncadd.s32 $0xFFFFF000  }
0x1c5: {  	_ =	swait.ge [sflag:s15], $0x1000  }
0x1c6: {  	[sflag:s15] =	ssyncset.done $0x0  }
0x1c7: {  	[sflag:s15] =	ssyncadd.s32 $0xFFFFF000  }
0x1c8: {  	_ =	swait.ge [sflag:s16], $0x1000  }
0x1c9: {  	[sflag:s16] =	ssyncset.done $0x0  }
0x1ca: {  	[sflag:s16] =	ssyncadd.s32 $0xFFFFF000  }
0x1cb: {  	_ =	swait.ge [sflag:s17], $0x1000  }
0x1cc: {  	[sflag:s17] =	ssyncset.done $0x0  }
0x1cd: {  	[sflag:s17] =	ssyncadd.s32 $0xFFFFF000  }
0x1ce: {  	_ =	swait.ge [sflag:s10], $0x1000  }
0x1cf: {  	[sflag:s10] =	ssyncset.done $0x0  }
0x1d0: {  	[sflag:s10] =	ssyncadd.s32 $0xFFFFF000  }
0x1d1: {  	_ =	swait.ge [sflag:s11], $0x1000  }
0x1d2: {  	[sflag:s11] =	ssyncset.done $0x0  }
0x1d3: {  	[sflag:s11] =	ssyncadd.s32 $0xFFFFF000  }
.Ltmp2:
0x1d4: {  	_ =	swait.ge [sflag:s12], $0x1000;
	(pc) =	sbr.rel @p0 .LBB2_6-.Ltmp2, $4  }
0x1d5: {  	[sflag:s12] =	ssyncset.done $0x0  }
0x1d6: {  	[sflag:s12] =	ssyncadd.s32 $0xFFFFF000  }
0x1d7: {  	_ =	swait.ge [sflag:s13], $0x1000  }
0x1d8: {  	s18 =	smov.u32 s9;
	[sflag:s13] =	ssyncset.done $0x0  }
0x1d9: {  	s4 =	sshra.s32 s20, $0x2;
	[sflag:s13] =	ssyncadd.s32 $0xFFFFF000  }
0x1da: {  	[tilespmem:s22], [sflag:$0x1] =	stream.indirect.gather [spmem:s2], $0x20, s4, s21, $0xb8;
	[tilespmem:$0x1CD20] =	vst v63  }
0x1db: {  	s9 =	sadd.s32 $0x80, s4  }
0x1dc: {  	[tilespmem:s23], [sflag:$0x2] =	stream.indirect.gather [spmem:s2], $0x20, s9, s21, $0xb8;
	[tilespmem:$0x1CD20] =	vst v63  }
0x1dd: {  	s20 =	sadd.s32 $0x100, s4  }
0x1de: {  	[tilespmem:s24], [sflag:$0x3] =	stream.indirect.gather [spmem:s2], $0x20, s20, s21, $0xb8;
	[tilespmem:$0x1CD20] =	vst v63  }
0x1df: {  	s18 =	sadd.s32 $0x180, s4  }
0x1e0: {  	[tilespmem:s25], [sflag:$0x4] =	stream.indirect.gather [spmem:s2], $0x20, s18, s21, $0xb8;
	[tilespmem:$0x1CD20] =	vst v63  }
0x1e1: {  	s20 =	sadd.s32 $0x200, s4  }
0x1e2: {  	[tilespmem:s26], [sflag:$0x5] =	stream.indirect.gather [spmem:s2], $0x20, s20, s21, $0xb8;
	[tilespmem:$0x1CD20] =	vst v63  }
0x1e3: {  	s18 =	sadd.s32 $0x280, s4  }
0x1e4: {  	[tilespmem:s28], [sflag:$0x6] =	stream.indirect.gather [spmem:s2], $0x20, s18, s21, $0xb8;
	[tilespmem:$0x1CD20] =	vst v63  }
0x1e5: {  	s20 =	sadd.s32 $0x300, s4  }
0x1e6: {  	[tilespmem:s29], [sflag:$0x7] =	stream.indirect.gather [spmem:s2], $0x20, s20, s21, $0xb8;
	[tilespmem:$0x1CD20] =	vst v63  }
0x1e7: {  	s18 =	sadd.s32 $0x380, s4  }
0x1e8: {  	[tilespmem:s30], [sflag:$0x8] =	stream.indirect.gather [spmem:s2], $0x20, s18, s21, $0xb8;
	[tilespmem:$0x1CD20] =	vst v63  }
0x1e9: {  	_ =	swait.ge [sflag:s31], $0x1000  }
0x1ea: {  	[sflag:s31] =	ssyncset.done $0x0  }
0x1eb: {  	s20 =	sadd.s32 $0x5000, s4;
	[sflag:s31] =	ssyncadd.s32 $0xFFFFF000  }
0x1ec: {  	[spmem:s3] =	stream.indirect.scatter.add.f32 [tilespmem:s22], [sflag:$0x9], $0x20, s20, s21, $0xb8;
	[tilespmem:$0x1CD20] =	vst v63  }
0x1ed: {  	_ =	swait.ge [sflag:s0], $0x1000  }
0x1ee: {  	[sflag:s0] =	ssyncset.done $0x0  }
0x1ef: {  	s18 =	sadd.s32 $0x5080, s4;
	[sflag:s0] =	ssyncadd.s32 $0xFFFFF000  }
0x1f0: {  	[spmem:s3] =	stream.indirect.scatter.add.f32 [tilespmem:s23], [sflag:$0xA], $0x20, s18, s21, $0xb8;
	[tilespmem:$0x1CD20] =	vst v63  }
0x1f1: {  	_ =	swait.ge [sflag:s19], $0x1000  }
0x1f2: {  	[sflag:s19] =	ssyncset.done $0x0  }
0x1f3: {  	s20 =	sadd.s32 $0x5100, s4;
	[sflag:s19] =	ssyncadd.s32 $0xFFFFF000  }
0x1f4: {  	[spmem:s3] =	stream.indirect.scatter.add.f32 [tilespmem:s24], [sflag:$0xB], $0x20, s20, s21, $0xb8;
	[tilespmem:$0x1CD20] =	vst v63  }
0x1f5: {  	_ =	swait.ge [sflag:s1], $0x1000  }
0x1f6: {  	[sflag:s1] =	ssyncset.done $0x0  }
0x1f7: {  	s18 =	sadd.s32 $0x5180, s4;
	[sflag:s1] =	ssyncadd.s32 $0xFFFFF000  }
0x1f8: {  	[spmem:s3] =	stream.indirect.scatter.add.f32 [tilespmem:s25], [sflag:$0xC], $0x20, s18, s21, $0xb8;
	[tilespmem:$0x1CD20] =	vst v63  }
0x1f9: {  	_ =	swait.ge [sflag:s5], $0x1000  }
0x1fa: {  	[sflag:s5] =	ssyncset.done $0x0  }
0x1fb: {  	s20 =	sadd.s32 $0x5200, s4;
	[sflag:s5] =	ssyncadd.s32 $0xFFFFF000  }
0x1fc: {  	[spmem:s3] =	stream.indirect.scatter.add.f32 [tilespmem:s26], [sflag:$0xD], $0x20, s20, s21, $0xb8;
	[tilespmem:$0x1CD20] =	vst v63  }
0x1fd: {  	_ =	swait.ge [sflag:s6], $0x1000  }
0x1fe: {  	[sflag:s6] =	ssyncset.done $0x0  }
0x1ff: {  	s18 =	sadd.s32 $0x5280, s4;
	[sflag:s6] =	ssyncadd.s32 $0xFFFFF000  }
0x200: {  	[spmem:s3] =	stream.indirect.scatter.add.f32 [tilespmem:s28], [sflag:$0xE], $0x20, s18, s21, $0xb8;
	[tilespmem:$0x1CD20] =	vst v63  }
0x201: {  	_ =	swait.ge [sflag:s7], $0x1000  }
0x202: {  	[sflag:s7] =	ssyncset.done $0x0  }
0x203: {  	s20 =	sadd.s32 $0x5300, s4;
	[sflag:s7] =	ssyncadd.s32 $0xFFFFF000  }
0x204: {  	[spmem:s3] =	stream.indirect.scatter.add.f32 [tilespmem:s29], [sflag:$0xF], $0x20, s20, s21, $0xb8;
	[tilespmem:$0x1CD20] =	vst v63  }
0x205: {  	_ =	swait.ge [sflag:s8], $0x1000  }
0x206: {  	[sflag:s8] =	ssyncset.done $0x0  }
0x207: {  	s4 =	sadd.s32 $0x5380, s4;
	[sflag:s8] =	ssyncadd.s32 $0xFFFFF000  }
0x208: {  	[spmem:s3] =	stream.indirect.scatter.add.f32 [tilespmem:s30], [sflag:$0x10], $0x20, s4, s21, $0xb8;
	[tilespmem:$0x1CD20] =	vst v63  }
0x209: {  	_ =	swait.ge [sflag:s14], $0x1000  }
0x20a: {  	[sflag:s14] =	ssyncset.done $0x0  }
0x20b: {  	[sflag:s14] =	ssyncadd.s32 $0xFFFFF000  }
0x20c: {  	_ =	swait.ge [sflag:s15], $0x1000  }
0x20d: {  	[sflag:s15] =	ssyncset.done $0x0  }
0x20e: {  	[sflag:s15] =	ssyncadd.s32 $0xFFFFF000  }
0x20f: {  	_ =	swait.ge [sflag:s16], $0x1000  }
0x210: {  	[sflag:s16] =	ssyncset.done $0x0  }
0x211: {  	[sflag:s16] =	ssyncadd.s32 $0xFFFFF000  }
0x212: {  	_ =	swait.ge [sflag:s17], $0x1000  }
0x213: {  	[sflag:s17] =	ssyncset.done $0x0  }
0x214: {  	[sflag:s17] =	ssyncadd.s32 $0xFFFFF000  }
0x215: {  	_ =	swait.ge [sflag:s10], $0x1000  }
0x216: {  	[sflag:s10] =	ssyncset.done $0x0  }
0x217: {  	[sflag:s10] =	ssyncadd.s32 $0xFFFFF000  }
0x218: {  	_ =	swait.ge [sflag:s11], $0x1000  }
0x219: {  	[sflag:s11] =	ssyncset.done $0x0  }
0x21a: {  	[sflag:s11] =	ssyncadd.s32 $0xFFFFF000  }
0x21b: {  	_ =	swait.ge [sflag:s12], $0x1000  }
0x21c: {  	[sflag:s12] =	ssyncset.done $0x0  }
0x21d: {  	[sflag:s12] =	ssyncadd.s32 $0xFFFFF000  }
0x21e: {  	_ =	swait.ge [sflag:s13], $0x1000  }
0x21f: {  	[sflag:s13] =	ssyncset.done $0x0  }
0x220: {  	[sflag:s13] =	ssyncadd.s32 $0xFFFFF000  }
0x221: {  	[bflag:$0x0] =	sbarrier.arrive $0xFFFF  }
0x222: {  	s9 =	rddreg [dreg:$0x11]  }
0x223: {  	s20 =	rddreg [dreg:$0x13]  }
0x224: {  	s18 =	rddreg [dreg:$0x15]  }
0x225: {  	[hbm:s9], [sflag:s20] =	dma.local [spmem:s18], $0x9E0  }
0x226: {  	s20 =	simm.s32 $0x11  }
0x227: {  	_ =	swait.ge [sflag:s20], $0x9E0  }
0x228: {  	[sflag:s20] =	ssyncset.done $0x0;
	s9 =	rddreg [dreg:$0x5]  }
0x229: {  	s18 =	sadd.s32 $0x1, s9;
	[sflag:s20] =	ssyncadd.s32 $0xFFFFF620;
	s20 =	rddreg [dreg:$0x12]  }
0x22a: {  	p0 =	sne.s32 s18, s20  }
.Ltmp3:
0x22b: {  	_ = 	snop;
	(pc) =	sbr.rel @p0 .LBB2_1-.Ltmp3, $2  }
0x22c: {  	_ =	sdelay $0x1  }
0x22d: {  	[bflag:$0x0] =	sbarrier.arrive $0xFFFF;
	_ =	sdelay $0x1  }
0x22e: {  	_ =	sfence.sel $0x180000  }
0x22f: {  	[bflag:$0x0] =	sbarrier.arrive $0xFFFF  }
0x230: {  	_ =	strace $0x9000004D  }
0x231: {  	s0 =	stileid.u32;
	[bflag:$0x2] =	sbarrier.arrive $0xFFFF  }
0x232: {  	p0 =	sne.s32 s0, $0x0;
	s0 =	rddreg [dreg:$0x4]  }
0x233: {  	s0 =	sadd.s32 @!p0 $0x100000, s0  }
0x234: {  	[sflag:s0] =	ssyncadd.tile.s32 @!p0 $0x1;
	_ =	shalt  }
.Lfunc_end2:
_tile_overlayer_lowered:
.L_overlay_start_2:
0x235: {  	(tag) =	ssettag $0x2  }
0x236: {  	s0 =	rddreg [dreg:$0x0];
	s2 =	stileid.u32  }
0x237: {  	s1 =	rddreg [dreg:$0x1];
	p0 =	sne.s32 s2, $0x0  }
0x238: {  	s3 =	rddreg [dreg:$0x2];
	[bflag:$0x3] =	sbarrier.arrive $0xFFFF;
	s2 =	simm.s32 @!p0 $0x1C11  }
0x239: {  	[timem:s3], [sflag:s2] =	dma.local @!p0 [hbm:s0], s1  }
0x23a: {  	s0 =	simm.s32 @!p0 $0x11  }
0x23b: {  	_ =	swait.ge @!p0 [sflag:s0], s1  }
0x23c: {  	s1 =	ssub.s32 @!p0 $0x0, s1;
	[sflag:s0] =	ssyncset.done @!p0 $0x0  }
0x23d: {  	[sflag:s0] =	ssyncadd.s32 @!p0 s1  }
0x23e: {  	[bflag:$0x3] =	sbarrier.arrive $0xFFFF  }
0x23f: {  	_ =	shalt  }

// kernel: kernel.19.cloned.1.call-start
scs
__scs_entry_jumppad:
0x0: {  	(pc) =	sbr.rel $0x88, $3  }
0x1: {  	(tag) =	ssettag $0x0;
	lr =	simm.s32 $0x1  }
0x2: {  	[smem:$0x3F89] =	sst lr;
	_ =	strace $0xD0000000  }
0x3: {  	_ = 	snop  }
0x4: {  	_ = 	snop  }
0x5: {  	_ = 	snop  }
0x6: {  	_ = 	snop  }
0x7: {  	_ = 	snop  }
__scs_overlays_trampoline_lowered:
0x8: {  	[smem:$0x3F98] =	sst s0  }
0x9: {  	[smem:$0x3F99] =	sst s1  }
0xa: {  	[smem:$0x3F9A] =	sst s2  }
0xb: {  	[smem:$0x3F9B] =	sst s3  }
0xc: {  	[smem:$0x3F9C] =	sst s4  }
0xd: {  	[smem:$0x3F9D] =	sst s5  }
0xe: {  	[smem:$0x3F9E] =	sst s6  }
0xf: {  	[smem:$0x3F9F] =	sst s7  }
0x10: {  	[smem:$0x3FA0] =	sst s8  }
0x11: {  	[smem:$0x3FA1] =	sst s9;
	s0 =	simm.s32 @!p0 $0x0  }
0x12: {  	s1 =	sld [smem:$0x3F87];
	s0 =	simm.s32 @p0 $0x1  }
0x13: {  	[smem:$0x3FA2] =	sst s0;
	s0 =	simm.s32 @!p1 $0x0  }
0x14: {  	s2 =	sld [smem:$0x3F86];
	s0 =	simm.s32 @p1 $0x1  }
0x15: {  	[smem:$0x3FA3] =	sst s0;
	s0 =	simm.s32 @!p2 $0x0  }
0x16: {  	s3 =	sld [smem:$0x3FDB];
	s0 =	simm.s32 @p2 $0x1  }
0x17: {  	s4 =	simm.s32 $0x1BF5;
	[smem:$0x3FA5] =	sst s0  }
0x18: {  	s0 =	sld [smem:$0x3F88];
	_ =	swait.ge [sflag:s4], $0x0  }
0x19: {  	s7 =	sld [smem:$0x3F89]  }
0x1a: {  	s8 =	sadd.s32 $0xFFFFE003, lr  }
0x1b: {  	s9 =	sadd.s32 $0xFFFFFEF7, lr;
	s5 =	simm.s32 $0xFFFFFFFF;
	p2 =	slt.u32 s8, $0xFFFFF086  }
0x1c: {  	p1 =	slt.u32 s9, $0xF7A;
	s5 =	simm.s32 @!p2 $0x0  }
0x1d: {  	s5 =	simm.s32 @p1 $0x1;
	p0 =	seq.s32 s7, s2  }
0x1e: {  	s7 =	smul.u32 @!p0 $0xF7A, s2;
	p2 =	seq.s32 @!p0 s5, $0x0  }
0x1f: {  	s9 =	smul.u32 $0xF7A, s1;
	s8 =	simm.s32 @!p0 $0x1BF5;
	p2 =	por !p2, p0  }
0x20: {  	[sflag:s8] =	ssyncset.s32 @!p0 $0xFFFFF086;
	s6 =	sadd.s32 @!p0 s3, s7;
	s7 =	simm.s32 @!p0 $0x108  }
0x21: {  	s3 =	sadd.s32 s3, s9;
	s6 =	sadd.s32 @!p0 $0x88, s6;
	s7 =	simm.s32 @p2 $0x1082  }
0x22: {  	[simem:s7], [sflag:s8] =	dma.local @!p0 [hbm:s6], $0xF7A  }
0x23: {  	s9 =	sor.u32 $0xD0000000, s2;
	s6 =	simm.s32 $0x108;
	_ =	swait.ge @!p0 [sflag:s8], $0x0  }
0x24: {  	s3 =	sadd.s32 $0x88, s3;
	s6 =	simm.s32 @!p1 $0x1082;
	[sflag:s4] =	ssyncset.s32 $0xFFFFF086  }
0x25: {  	[simem:s6], [sflag:s4] =	dma.local [hbm:s3], $0xF7A  }
0x26: {  	[smem:$0x3F89] =	sst s1;
	(tag) =	ssettag s2;
	_ =	strace s9  }
0x27: {  	s1 =	sld [smem:$0x3F99]  }
0x28: {  	s2 =	sld [smem:$0x3F9A]  }
0x29: {  	s4 =	sld [smem:$0x3F9C]  }
0x2a: {  	p0 =	seq.s32 s5, $0x0;
	s5 =	sld [smem:$0x3F9D]  }
0x2b: {  	s6 =	sld [smem:$0x3F9E]  }
0x2c: {  	s7 =	sld [smem:$0x3F9F]  }
0x2d: {  	s3 =	simm.s32 $0x108;
	s8 =	sld [smem:$0x3FA0]  }
0x2e: {  	s3 =	simm.s32 @!p0 $0x1082;
	s9 =	sld [smem:$0x3FA1]  }
0x2f: {  	lr =	sadd.s32 s0, s3;
	s0 =	sld [smem:$0x3F98]  }
0x30: {  	s3 =	sld [smem:$0x3F9B]  }
0x31: {  	[smem:$0x3FA4] =	sst s10  }
0x32: {  	s10 =	sld [smem:$0x3FA2];
	_ =	sdelay $0x3  }
0x33: {  	p0 =	seq.s32 s10, $0x1;
	s10 =	sld [smem:$0x3FA4];
	_ =	sdelay $0x3  }
0x34: {  	[smem:$0x3FA4] =	sst s10  }
0x35: {  	s10 =	sld [smem:$0x3FA3];
	_ =	sdelay $0x3  }
0x36: {  	p1 =	seq.s32 s10, $0x1;
	s10 =	sld [smem:$0x3FA4];
	_ =	sdelay $0x3  }
0x37: {  	[smem:$0x3FA4] =	sst s10  }
0x38: {  	s10 =	sld [smem:$0x3FA5]  }
0x39: {  	_ = 	snop;
	(pc) =	sbr.ind lr, $3  }
0x3a: {  	_ = 	snop  }
0x3b: {  	_ = 	snop  }
0x3c: {  	p2 =	seq.s32 s10, $0x1;
	s10 =	sld [smem:$0x3FA4]  }
0x3d: {  	_ =	shalt  }
0x3e: {  	_ =	shalt  }
0x3f: {  	_ =	shalt  }
0x40: {  	_ =	shalt  }
0x41: {  	_ =	shalt  }
0x42: {  	_ =	shalt  }
0x43: {  	_ =	shalt  }
0x44: {  	_ =	shalt  }
0x45: {  	_ =	shalt  }
0x46: {  	_ =	shalt  }
0x47: {  	_ =	shalt  }
0x48: {  	_ =	shalt  }
0x49: {  	_ =	shalt  }
0x4a: {  	_ =	shalt  }
0x4b: {  	_ =	shalt  }
0x4c: {  	_ =	shalt  }
0x4d: {  	_ =	shalt  }
0x4e: {  	_ =	shalt  }
0x4f: {  	_ =	shalt  }
0x50: {  	_ =	shalt  }
0x51: {  	_ =	shalt  }
0x52: {  	_ =	shalt  }
0x53: {  	_ =	shalt  }
0x54: {  	_ =	shalt  }
0x55: {  	_ =	shalt  }
0x56: {  	_ =	shalt  }
0x57: {  	_ =	shalt  }
0x58: {  	_ =	shalt  }
0x59: {  	_ =	shalt  }
0x5a: {  	_ =	shalt  }
0x5b: {  	_ =	shalt  }
0x5c: {  	_ =	shalt  }
0x5d: {  	_ =	shalt  }
0x5e: {  	_ =	shalt  }
0x5f: {  	_ =	shalt  }
0x60: {  	_ =	shalt  }
0x61: {  	_ =	shalt  }
0x62: {  	_ =	shalt  }
0x63: {  	_ =	shalt  }
0x64: {  	_ =	shalt  }
0x65: {  	_ =	shalt  }
0x66: {  	_ =	shalt  }
0x67: {  	_ =	shalt  }
0x68: {  	_ =	shalt  }
0x69: {  	_ =	shalt  }
0x6a: {  	_ =	shalt  }
0x6b: {  	_ =	shalt  }
0x6c: {  	_ =	shalt  }
0x6d: {  	_ =	shalt  }
0x6e: {  	_ =	shalt  }
0x6f: {  	_ =	shalt  }
0x70: {  	_ =	shalt  }
0x71: {  	_ =	shalt  }
0x72: {  	_ =	shalt  }
0x73: {  	_ =	shalt  }
0x74: {  	_ =	shalt  }
0x75: {  	_ =	shalt  }
0x76: {  	_ =	shalt  }
0x77: {  	_ =	shalt  }
0x78: {  	_ =	shalt  }
0x79: {  	_ =	shalt  }
0x7a: {  	_ =	shalt  }
0x7b: {  	_ =	shalt  }
0x7c: {  	_ =	shalt  }
0x7d: {  	_ =	shalt  }
0x7e: {  	_ =	shalt  }
0x7f: {  	_ =	shalt  }
0x80: {  	_ =	shalt  }
0x81: {  	_ =	shalt  }
0x82: {  	_ =	shalt  }
0x83: {  	_ =	shalt  }
0x84: {  	_ =	shalt  }
0x85: {  	_ =	shalt  }
0x86: {  	_ =	shalt  }
0x87: {  	_ =	shalt  }
.Lfunc_end0:
.L_simem_size_0:
called_computation.3_lowered:
.L_overlay_start_0:
0x88: {  	s2 =	sld [smem:$0x3FD9]  }
0x89: {  	s3 =	sld [smem:$0x3FFE];
	_ =	sdelay $0x1  }
0x8a: {  	s1 =	srdreg.scid  }
0x8b: {  	s0 =	sand.u32 $0x1, s1  }
0x8c: {  	s14 =	sshll.u32 s0, $0xA;
	s2 =	sadd.s32 s3, s2  }
0x8d: {  	s2 =	sadd.s32 s2, s14  }
0x8e: {  	[smem:$0x3FB0] =	sst s2  }
0x8f: {  	_ = 	snop  }
0x90: {  	s2 =	sld [smem:$0x3FD0];
	_ =	sdelay $0x2  }
0x91: {  	s15 =	simm.s32 $0xA;
	s4 =	simm.s32 $0x10  }
0x92: {  	[smem:s4], [sflag:s15] =	dma.local [hbm:s2], $0x1  }
0x93: {  	_ =	swait.eq [sflag:s15], $0x1  }
0x94: {  	[sflag:s15] =	ssyncset.done $0x0  }
0x95: {  	[sflag:s15] =	ssyncadd.s32 $0xFFFFFFFF  }
0x96: {  	s16 =	sld [smem:$0x10];
	(tm) =	ssettm $0x1  }
0x97: {  	s17 =	sld [smem:$0x3FFB];
	_ =	sdelay $0x3  }
0x98: {  	_ =	strace s17  }
0x99: {  	s3 =	sld [smem:$0x3FFC];
	_ =	sdelay $0x3  }
0x9a: {  	_ =	strace s3  }
0x9b: {  	s3 =	sld [smem:$0x3FFD];
	_ =	sdelay $0x3  }
0x9c: {  	_ =	strace s3  }
0x9d: {  	_ =	strace $0x8FFFFFFF  }
0x9e: {  	s18 =	sld [smem:$0x3FDB];
	_ =	sdelay $0x1  }
0x9f: {  	s19 =	simm.s32 $_scs_section_size  }
0xa0: {  	s5 =	simm.s32 $_size__tile_overlayer_lowered;
	s6 =	simm.s32 $_tile_overlayer_lowered  }
0xa1: {  	s22 =	simm.s32 $0x1BFF;
	s21 =	sshll.u32 s6, $0x1;
	s3 =	sadd.s32 s19, s18  }
0xa2: {  	s7 =	simm.s32 $0x0;
	s20 =	sshll.u32 s5, $0x1;
	s5 =	sadd.s32 s21, s3  }
0xa3: {  	[timem:s7], [sflag:s22] =	dma.local [hbm:s5], s20  }
0xa4: {  	_ =	swait.ge [sflag:s22], s20  }
0xa5: {  	s4 =	ssub.s32 $0x0, s20;
	[sflag:s22] =	ssyncset.done $0x0  }
0xa6: {  	[sflag:s22] =	ssyncadd.s32 s4;
	_ =	sdelay $0x1  }
0xa7: {  	s23 =	simm.s32 $0x1B8B  }
0xa8: {  	_ =	swait.ge [sflag:s23], $0x1  }
0xa9: {  	[sflag:s23] =	ssyncset.done $0x0  }
0xaa: {  	s25 =	simm.s32 $0x1B8E;
	s24 =	sld [smem:$0x3FFE];
	[sflag:s23] =	ssyncadd.s32 $0xFFFFFFFF  }
0xab: {  	s26 =	simm.s32 $execute0_lowered;
	[smem:$0x3FD2] =	sst s25  }
0xac: {  	s5 =	sshll.u32 s26, $0x1;
	_ =	strace $0x8000004F;
	[dreg:$0x1] =	wrdreg $0xFFFFFFFF  }
0xad: {  	s28 =	simm.s32 $_size_execute0_lowered;
	s3 =	sadd.s32 s3, s5;
	[dreg:$0x0] =	wrdreg $0x0  }
0xae: {  	s5 =	sshll.u32 s28, $0x1;
	[dreg:$0x2] =	wrdreg s3  }
0xaf: {  	[dreg:$0x3] =	wrdreg s5  }
0xb0: {  	[dreg:$0x4] =	wrdreg $0xC0  }
0xb1: {  	_ =	task [dreg:s7], $0x5FFFF  }
0xb2: {  	[dreg:$0x1] =	wrdreg $0xFFFFFFFF  }
0xb3: {  	[dreg:$0x0] =	wrdreg $0x60  }
0xb4: {  	[dreg:$0x2] =	wrdreg s24  }
0xb5: {  	[dreg:$0x3] =	wrdreg s16  }
0xb6: {  	[dreg:$0x4] =	wrdreg $0x9  }
0xb7: {  	_ =	task.clear_ibuf [dreg:s7], $0x5FFFF;
	_ =	strace $0x9000004F  }
0xb8: {  	s29 =	simm.s32 $0x9;
	_ =	strace $0x80000051  }
0xb9: {  	_ =	swait.ge [sflag:s29], $0x1  }
0xba: {  	[sflag:s29] =	ssyncadd.s32 $0xFFFFFFFF  }
0xbb: {  	_ =	strace $0x90000051  }
0xbc: {  	_ =	sfence  }
0xbd: {  	s30 =	sld [smem:$0x0];
	_ =	sdelay $0x2  }
0xbe: {  	s31 =	sshll.u32 s1, $0xD;
	s1 =	sshrl.u32 s1, $0x2  }
0xbf: {  	s3 =	sand.u32 $0x4000, s31;
	s1 =	sadd.s32 s1, s30  }
0xc0: {  	s0 =	sor.u32 s3, s0;
	s1 =	sshll.u32 s1, $0x11  }
0xc1: {  	s0 =	sor.u32 s1, s0  }
0xc2: {  	s0 =	sadd.s32 $0x8F2B, s0  }
0xc3: {  	[sflag:s0] =	ssyncadd.remote.s32 $0x1  }
0xc4: {  	_ =	sfence.sel $0xFFFF  }
0xc5: {  	[dreg:$0x0] =	wrdreg $0xFFFFFFFF;
	(pc) =	sbr.abs _section_cstart, $3  }
0xc6: {  	[dreg:$0x1] =	wrdreg $0xFFFFFFFF  }
0xc7: {  	_ =	task.clear_ibuf [dreg:s7], $0x2FFFF;
	_ =	strace $0x9FFFFFFF  }
0xc8: {  	(tm) =	ssettm $0x7FFFFFFF  }
0xc9: {  	_ =	shalt  }
tec
execute0_lowered:
.L_overlay_start_1:
0x0: {  	(tag) =	ssettag $0x1  }
0x1: {  	s5 =	rddreg [dreg:$0x0]  }
0x2: {  	s0 =	srdreg.scid;
	s2 =	rddreg [dreg:$0x1]  }
0x3: {  	s3 =	simm.s32 $0x0;
	s10 =	simm.s32 $0x1;
	s4 =	sand.u32 $0x1, s0  }
0x4: {  	s11 =	simm.s32 $0x2780;
	s0 =	stileid.u32;
	s1 =	sshll.u32 s4, $0x4  }
0x5: {  	s12 =	simm.s32 $0x80;
	s13 =	simm.s32 $0x400;
	s1 =	sor.u32 s0, s1  }
0x6: {  	s14 =	simm.s32 $0x4F00;
	s15 =	simm.s32 $0x7680;
	s1 =	sshrl.u32 s1, $0x3  }
0x7: {  	s16 =	simm.s32 $0x9E00;
	s7 =	sshll.u32 s0, $0x7;
	s6 =	smul.u32 $0x13C00, s1  }
0x8: {  	s17 =	simm.s32 $0xC580;
	s18 =	simm.s32 $0x0;
	s7 =	sand.u32 $0x380, s7  }
0x9: {  	[smem:$0x7FF] =	sst s3;
	s30 =	ssub.s32 $0x2, s4;
	s6 =	sor.u32 s7, s6  }
0xa: {  	s4 =	sadd.s32 $0x5E00, s5;
	s31 =	sshrl.u32 s30, $0x1;
	s6 =	sshrl.u32 s6, $0x3  }
0xb: {  	s9 =	ssub.s32 s30, s31;
	s1 =	rddreg [dreg:$0x2];
	s8 =	sadd.s32 s6, s5  }
0xc: {  	_ =	strace $0x80000050;
	s9 =	smax.u32 s9, $0x1;
	s5 =	sadd.s32 $0x9C800, s8  }
0xd: {  	s6 =	sadd.s32 $0x92A00, s8;
	s7 =	sadd.s32 $0xA6600, s8;
	s8 =	sadd.s32 $0x6400, s8  }
.LBB2_1:
0xe: {  	[tilespmem:s3], [sflag:$0x1] =	stream.linear.gather [hbm4b:s4+s3], $0x2780, $0x38;
	[tilespmem:$0xED00] =	vst v63  }
0xf: {  	_ =	swait.ge [sflag:s10], $0x2780  }
0x10: {  	[sflag:s10] =	ssyncset.done $0x0  }
0x11: {  	[sflag:s10] =	ssyncadd.s32 $0xFFFFD880  }
0x12: {  	[tilespmem:s11], [sflag:$0x1] =	stream.linear.gather [hbm4b:s2+s3], $0x2780, $0x38;
	[tilespmem:$0xED00] =	vst v63  }
0x13: {  	_ =	swait.ge [sflag:s10], $0x2780  }
0x14: {  	[sflag:s10] =	ssyncset.done $0x0  }
0x15: {  	[sflag:s10] =	ssyncadd.s32 $0xFFFFD880  }
0x16: {  	[tilespmem:s14], [sflag:$0x1] =	stream.strided.gather [hbm4b:s5+s12], $0x2780, s13, s12, $0x38;
	[tilespmem:$0xED00] =	vst v63  }
0x17: {  	_ =	swait.ge [sflag:s10], $0x2780  }
0x18: {  	[sflag:s10] =	ssyncset.done $0x0  }
0x19: {  	[sflag:s10] =	ssyncadd.s32 $0xFFFFD880  }
0x1a: {  	[tilespmem:s15], [sflag:$0x1] =	stream.strided.gather [hbm4b:s6+s12], $0x2780, s13, s12, $0x38;
	[tilespmem:$0xED00] =	vst v63  }
0x1b: {  	_ =	swait.ge [sflag:s10], $0x2780  }
0x1c: {  	[sflag:s10] =	ssyncset.done $0x0  }
0x1d: {  	[sflag:s10] =	ssyncadd.s32 $0xFFFFD880  }
0x1e: {  	[tilespmem:s16], [sflag:$0x1] =	stream.strided.gather [hbm4b:s7+s12], $0x2780, s13, s12, $0x38;
	[tilespmem:$0xED00] =	vst v63  }
0x1f: {  	s19 =	simm.s32 $0xFFFFFFFC;
	_ =	swait.ge [sflag:s10], $0x2780  }
0x20: {  	s20 =	simm.s32 $0xC5A0;
	s21 =	simm.s32 $0x9E20;
	[sflag:s10] =	ssyncset.done $0x0  }
0x21: {  	s22 =	simm.s32 $0x76A0;
	s23 =	simm.s32 $0x4F20;
	[sflag:s10] =	ssyncadd.s32 $0xFFFFD880  }
.LBB2_2:
0x22: {  	v0 =	vld [tilespmem:s23+$0xFFFFFFE0]  }
0x23: {  	v1 =	vld [tilespmem:s22+$0xFFFFFFE0];
	_ =	sdelay $0x6  }
0x24: {  	v0 =	vld.idx.msk [tilespmem:v0+s3+$0x0], $0xffff  }
0x25: {  	v1 =	vld.idx.msk [tilespmem:v1+s11+$0x0], $0xffff;
	_ =	sdelay $0x1  }
0x26: {  	v2 =	vld [tilespmem:s21+$0xFFFFFFE0];
	_ =	sdelay $0x2  }
0x27: {  	v0 =	vadd.f32 v1, v0;
	_ =	sdelay $0x1  }
0x28: {  	v0 =	vadd.f32 v2, v0;
	_ =	sdelay $0x1  }
0x29: {  	[tilespmem:s20+$0xFFFFFFE0] =	vst v0  }
0x2a: {  	v0 =	vld [tilespmem:s23+$0xFFFFFFF0]  }
0x2b: {  	v58 =	vld [tilespmem:s22+$0xFFFFFFF0];
	_ =	sdelay $0x6  }
0x2c: {  	v0 =	vld.idx.msk [tilespmem:v0+s3+$0x0], $0xffff  }
0x2d: {  	v1 =	vld.idx.msk [tilespmem:v58+s11+$0x0], $0xffff;
	_ =	sdelay $0x1  }
0x2e: {  	v59 =	vld [tilespmem:s21+$0xFFFFFFF0];
	_ =	sdelay $0x2  }
0x2f: {  	v0 =	vadd.f32 v1, v0;
	_ =	sdelay $0x1  }
0x30: {  	v0 =	vadd.f32 v59, v0;
	_ =	sdelay $0x1  }
0x31: {  	[tilespmem:s20+$0xFFFFFFF0] =	vst v0  }
0x32: {  	v0 =	vld [tilespmem:s23+$0x0]  }
0x33: {  	v60 =	vld [tilespmem:s22+$0x0];
	_ =	sdelay $0x6  }
0x34: {  	v0 =	vld.idx.msk [tilespmem:v0+s3+$0x0], $0xffff  }
0x35: {  	v1 =	vld.idx.msk [tilespmem:v60+s11+$0x0], $0xffff;
	_ =	sdelay $0x1  }
0x36: {  	v61 =	vld [tilespmem:s21+$0x0];
	_ =	sdelay $0x2  }
0x37: {  	v0 =	vadd.f32 v1, v0;
	_ =	sdelay $0x1  }
0x38: {  	v0 =	vadd.f32 v61, v0;
	_ =	sdelay $0x1  }
0x39: {  	[tilespmem:s20+$0x0] =	vst v0  }
0x3a: {  	v0 =	vld [tilespmem:s23+$0x10]  }
0x3b: {  	v62 =	vld [tilespmem:s22+$0x10];
	_ =	sdelay $0x6  }
0x3c: {  	v0 =	vld.idx.msk [tilespmem:v0+s3+$0x0], $0xffff  }
0x3d: {  	v1 =	vld.idx.msk [tilespmem:v62+s11+$0x0], $0xffff;
	_ =	sdelay $0x1  }
0x3e: {  	v63 =	vld [tilespmem:s21+$0x10]  }
0x3f: {  	s19 =	sadd.s32 $0x4, s19  }
0x40: {  	p0 =	slt.u32 s19, $0x26C  }
.Ltmp0:
0x41: {  	v0 =	vadd.f32 v1, v0;
	(pc) =	sbr.rel @p0 .LBB2_2-.Ltmp0, $4  }
0x42: {  	_ = 	snop  }
0x43: {  	v0 =	vadd.f32 v63, v0  }
0x44: {  	s21 =	sadd.s32 $0x40, s21  }
0x45: {  	s22 =	sadd.s32 $0x40, s22;
	s23 =	sadd.s32 $0x40, s23;
	[tilespmem:s20+$0x10] =	vst v0;
	s20 =	sadd.s32 $0x40, s20  }
0x46: {  	v0 =	vld [tilespmem:$0x7600]  }
0x47: {  	v1 =	vld [tilespmem:$0x9D80];
	_ =	sdelay $0x6  }
0x48: {  	v0 =	vld.idx.msk [tilespmem:v0+s3+$0x0], $0xffff  }
0x49: {  	v1 =	vld.idx.msk [tilespmem:v1+s11+$0x0], $0xffff;
	_ =	sdelay $0x1  }
0x4a: {  	v2 =	vld [tilespmem:$0xC500];
	_ =	sdelay $0x2  }
0x4b: {  	v0 =	vadd.f32 v1, v0;
	_ =	sdelay $0x1  }
0x4c: {  	s18 =	sadd.s32 $0x1, s18;
	v0 =	vadd.f32 v2, v0  }
0x4d: {  	p0 =	sne.s32 s18, s9  }
.Ltmp1:
0x4e: {  	[tilespmem:$0xEC80] =	vst v0;
	(pc) =	sbr.rel @p0 .LBB2_1-.Ltmp1, $4  }
0x4f: {  	[hbm4b:s8+s12] =	stream.strided.scatter [tilespmem:s17], [sflag:$0x1], $0x2780, s13, s12, $0x38;
	[tilespmem:$0xED00] =	vst v63  }
0x50: {  	_ =	swait.ge [sflag:s10], $0x2780  }
0x51: {  	[sflag:s10] =	ssyncset.done $0x0  }
0x52: {  	[sflag:s10] =	ssyncadd.s32 $0xFFFFD880  }
0x53: {  	_ =	sfence.sel $0x180000  }
0x54: {  	[bflag:$0x0] =	sbarrier.arrive $0xFFFF  }
0x55: {  	p0 =	sne.s32 s0, $0x0;
	_ =	strace $0x90000050  }
0x56: {  	s0 =	sadd.s32 @!p0 $0x100000, s1;
	[bflag:$0x2] =	sbarrier.arrive $0xFFFF  }
0x57: {  	[sflag:s0] =	ssyncadd.tile.s32 @!p0 $0x1;
	_ =	shalt  }
.Lfunc_end2:
_tile_overlayer_lowered:
.L_overlay_start_2:
0x58: {  	(tag) =	ssettag $0x2  }
0x59: {  	s0 =	rddreg [dreg:$0x0];
	s2 =	stileid.u32  }
0x5a: {  	s1 =	rddreg [dreg:$0x1];
	p0 =	sne.s32 s2, $0x0  }
0x5b: {  	s3 =	rddreg [dreg:$0x2];
	[bflag:$0x3] =	sbarrier.arrive $0xFFFF;
	s2 =	simm.s32 @!p0 $0x1C01  }
0x5c: {  	[timem:s3], [sflag:s2] =	dma.local @!p0 [hbm:s0], s1  }
0x5d: {  	s0 =	simm.s32 @!p0 $0x1  }
0x5e: {  	_ =	swait.ge @!p0 [sflag:s0], s1  }
0x5f: {  	s1 =	ssub.s32 @!p0 $0x0, s1;
	[sflag:s0] =	ssyncset.done @!p0 $0x0  }
0x60: {  	[sflag:s0] =	ssyncadd.s32 @!p0 s1  }
0x61: {  	[bflag:$0x3] =	sbarrier.arrive $0xFFFF  }
0x62: {  	_ =	shalt  }

</sc_bundles>
